<compile_context>
chip_gen: v7x
topology: tpu7x:2x2x1
jax: 0.10.2.dev20260603
libtpu: 0.0.44.dev20260713+nightly
codegen_flags: <defaults>
</compile_context>

<pallas_src>
import functools

import jax
import jax.numpy as jnp
from jax import lax
from jax.experimental import pallas as pl
from jax.experimental.pallas import tpu as pltpu
from jax.experimental.pallas import tpu_sc as plsc

B, S, D, E, H, TOPK = 2, 2048, 768, 8, 768, 2
AUX_COEF = 0.01
N = B * S
TB = 2048
NTB = N // TB
CH = 512
R = 512
NBLK = 24
NR = NBLK * R
NW = 32
TPW = N // NW
ENC = 16384


def _router_body(x_ref, wg_ref, waf_ref, wbf_ref, pa_ref, pb_ref, offs_ref,
                 gmap_ref, aux_ref, run_ref, accf_ref, accp_ref, lt_ref):
    t = pl.program_id(0)

    @pl.when(t == 0)
    def _init():
        run_ref[...] = jnp.zeros_like(run_ref)
        accf_ref[...] = jnp.zeros_like(accf_ref)
        accp_ref[...] = jnp.zeros_like(accp_ref)
        ii = lax.broadcasted_iota(jnp.int32, (CH, CH), 0)
        jj = lax.broadcasted_iota(jnp.int32, (CH, CH), 1)
        lt_ref[...] = (jj < ii).astype(jnp.float32)

    xb = x_ref[...]
    logits = lax.dot_general(xb, wg_ref[...], (((1,), (1,)), ((), ())),
                             preferred_element_type=jnp.float32)
    m = jnp.max(logits, axis=-1, keepdims=True)
    ex = jnp.exp(logits - m)
    probs = ex / jnp.sum(ex, axis=-1, keepdims=True)
    ids = lax.broadcasted_iota(jnp.int32, (TB, E), 1)
    m1 = jnp.max(probs, axis=-1, keepdims=True)
    i1 = jnp.min(jnp.where(probs == m1, ids, E), axis=-1, keepdims=True)
    oh1 = (ids == i1)
    probs2 = jnp.where(oh1, -jnp.inf, probs)
    m2 = jnp.max(probs2, axis=-1, keepdims=True)
    i2 = jnp.min(jnp.where(probs2 == m2, ids, E), axis=-1, keepdims=True)
    oh2 = (ids == i2)
    oh1f = oh1.astype(jnp.float32)
    oh2f = oh2.astype(jnp.float32)
    p1 = jnp.sum(probs * oh1f, axis=-1, keepdims=True)
    p2 = jnp.sum(probs * oh2f, axis=-1, keepdims=True)
    denom = p1 + p2
    wts_a = p1 / denom
    wts_b = p2 / denom

    accf_ref[...] += jnp.sum(oh1f, axis=0, keepdims=True)
    accp_ref[...] += jnp.sum(probs, axis=0, keepdims=True)

    pairs = oh1f + oh2f
    lt = lt_ref[...]
    chunks = []
    for c in range(TB // CH):
        seg = pairs[c * CH:(c + 1) * CH, :]
        cum = lax.dot_general(lt, seg, (((1,), (0,)), ((), ())),
                              preferred_element_type=jnp.float32)
        chunks.append(cum + run_ref[...])
        run_ref[...] += jnp.sum(seg, axis=0, keepdims=True)
    cum = jnp.concatenate(chunks, axis=0)

    idsf = ids.astype(jnp.float32)
    enc_a = (idsf * ENC + cum) * oh1f
    enc_b = (idsf * ENC + cum) * oh2f
    pa = jnp.sum(enc_a.T, axis=0)
    pb = jnp.sum(enc_b.T, axis=0)
    pa_ref[...] = pa.astype(jnp.int32)
    pb_ref[...] = pb.astype(jnp.int32)
    waf_ref[...] = jnp.sum((wts_a * oh1f).T, axis=0)
    wbf_ref[...] = jnp.sum((wts_b * oh2f).T, axis=0)

    @pl.when(t == NTB - 1)
    def _final():
        cnt = run_ref[...]
        pad = jnp.ceil(cnt / R) * R
        jj = lax.broadcasted_iota(jnp.int32, (E, E), 1)
        ii = lax.broadcasted_iota(jnp.int32, (E, E), 0)
        ut = (ii < jj).astype(jnp.float32)
        offs = lax.dot_general(pad, ut, (((1,), (0,)), ((), ())),
                               preferred_element_type=jnp.float32)
        offs16 = jnp.concatenate(
            [offs, jnp.zeros((1, 8), jnp.float32)], axis=1)
        offs_ref[...] = offs16.astype(jnp.int32).reshape(16)

        startblk = offs / R
        biota = lax.broadcasted_iota(jnp.int32, (1, 64), 1).astype(jnp.float32)
        acc = jnp.zeros((1, 64), jnp.float32)
        for e in range(E):
            acc += (biota >= startblk[:, e:e + 1]).astype(jnp.float32)
        gmap_ref[...] = (acc - 1.0).astype(jnp.int32).reshape(64)

        f = accf_ref[0] / N
        P = accp_ref[0] / N
        aux_ref[...] = (AUX_COEF * E * jnp.sum(f * P)).reshape(1, 1)


def _router(x_flat, Wg):
    return pl.pallas_call(
        _router_body,
        grid=(NTB,),
        in_specs=[
            pl.BlockSpec((TB, D), lambda t: (t, 0)),
            pl.BlockSpec((E, D), lambda t: (0, 0)),
        ],
        out_specs=[
            pl.BlockSpec((TB,), lambda t: (t,)),
            pl.BlockSpec((TB,), lambda t: (t,)),
            pl.BlockSpec((TB,), lambda t: (t,)),
            pl.BlockSpec((TB,), lambda t: (t,)),
            pl.BlockSpec((16,), lambda t: (0,)),
            pl.BlockSpec((64,), lambda t: (0,)),
            pl.BlockSpec((1, 1), lambda t: (0, 0)),
        ],
        out_shape=[
            jax.ShapeDtypeStruct((N,), jnp.float32),
            jax.ShapeDtypeStruct((N,), jnp.float32),
            jax.ShapeDtypeStruct((N,), jnp.int32),
            jax.ShapeDtypeStruct((N,), jnp.int32),
            jax.ShapeDtypeStruct((16,), jnp.int32),
            jax.ShapeDtypeStruct((64,), jnp.int32),
            jax.ShapeDtypeStruct((1, 1), jnp.float32),
        ],
        scratch_shapes=[
            pltpu.VMEM((1, E), jnp.float32),
            pltpu.VMEM((1, E), jnp.float32),
            pltpu.VMEM((1, E), jnp.float32),
            pltpu.VMEM((CH, CH), jnp.float32),
        ],
        compiler_params=pltpu.CompilerParams(
            dimension_semantics=("arbitrary",)),
    )(x_flat, Wg)


def _sc_dispatch(x_flat, pa, pb, offs):
    mesh = plsc.VectorSubcoreMesh(core_axis_name="c", subcore_axis_name="s")

    @functools.partial(
        pl.kernel, mesh=mesh,
        compiler_params=pltpu.CompilerParams(needs_layout_passes=False),
        out_type=[
            jax.ShapeDtypeStruct((NR, D), jnp.float32),
            jax.ShapeDtypeStruct((N,), jnp.int32),
            jax.ShapeDtypeStruct((N,), jnp.int32),
        ],
        scratch_types=[
            pltpu.VMEM((TPW, D), jnp.float32),
            pltpu.VMEM((TPW,), jnp.int32),
            pltpu.VMEM((TPW,), jnp.int32),
            pltpu.VMEM((TPW,), jnp.int32),
            pltpu.VMEM((TPW,), jnp.int32),
            pltpu.VMEM((16,), jnp.int32),
            pltpu.SemaphoreType.DMA,
            pltpu.SemaphoreType.DMA,
        ],
    )
    def k(x_hbm, pa_hbm, pb_hbm, offs_hbm, gx_hbm, posa_hbm, posb_hbm,
          rows_v, pa_v, pb_v, posa_v, posb_v, offs_v, sem, semb):
        wid = lax.axis_index("s") * 2 + lax.axis_index("c")
        base = wid * TPW
        pltpu.sync_copy(offs_hbm, offs_v)
        pltpu.sync_copy(pa_hbm.at[pl.ds(base, TPW)], pa_v)
        pltpu.sync_copy(pb_hbm.at[pl.ds(base, TPW)], pb_v)
        pltpu.sync_copy(x_hbm.at[pl.ds(base, TPW)], rows_v)
        for j in range(TPW // 16):
            sl = pl.ds(j * 16, 16)
            va = pa_v[sl]
            ea = lax.shift_right_logical(va, 14)
            ra = jnp.bitwise_and(va, ENC - 1)
            posa_v[sl] = plsc.load_gather(offs_v, [ea]) + ra
            vb = pb_v[sl]
            eb = lax.shift_right_logical(vb, 14)
            rb = jnp.bitwise_and(vb, ENC - 1)
            posb_v[sl] = plsc.load_gather(offs_v, [eb]) + rb
        pltpu.sync_copy(posa_v, posa_hbm.at[pl.ds(base, TPW)])
        pltpu.sync_copy(posb_v, posb_hbm.at[pl.ds(base, TPW)])
        ca = pltpu.async_copy(rows_v, gx_hbm.at[posa_v], sem)
        cb = pltpu.async_copy(rows_v, gx_hbm.at[posb_v], semb)
        ca.wait()
        cb.wait()

    return k(x_flat, pa, pb, offs)


def _ffn_body(gmap_ref, gx_ref, w1_ref, w2_ref, go_ref):
    xb = gx_ref[...].astype(jnp.bfloat16)
    h = jnp.maximum(
        lax.dot_general(xb, w1_ref[0].astype(jnp.bfloat16),
                        (((1,), (0,)), ((), ())),
                        preferred_element_type=jnp.float32), 0.0)
    go_ref[...] = lax.dot_general(
        h.astype(jnp.bfloat16), w2_ref[0].astype(jnp.bfloat16),
        (((1,), (0,)), ((), ())), preferred_element_type=jnp.float32)


def _ffn(gmap, gx, w1, w2):
    grid_spec = pltpu.PrefetchScalarGridSpec(
        num_scalar_prefetch=1,
        grid=(NBLK,),
        in_specs=[
            pl.BlockSpec((R, D), lambda i, gm: (i, 0)),
            pl.BlockSpec((1, D, H), lambda i, gm: (gm[i], 0, 0)),
            pl.BlockSpec((1, H, D), lambda i, gm: (gm[i], 0, 0)),
        ],
        out_specs=pl.BlockSpec((R, D), lambda i, gm: (i, 0)),
    )
    return pl.pallas_call(
        _ffn_body,
        grid_spec=grid_spec,
        out_shape=jax.ShapeDtypeStruct((NR, D), jnp.float32),
        compiler_params=pltpu.CompilerParams(
            dimension_semantics=("arbitrary",)),
    )(gmap, gx, w1, w2)


HT = TPW // 2


def _sc_combine(gout, posa, posb, waf, wbf):
    mesh = plsc.VectorSubcoreMesh(core_axis_name="c", subcore_axis_name="s")

    @functools.partial(
        pl.kernel, mesh=mesh,
        compiler_params=pltpu.CompilerParams(needs_layout_passes=False),
        out_type=jax.ShapeDtypeStruct((N, D), jnp.float32),
        scratch_types=[
            pltpu.VMEM((HT, D), jnp.float32),
            pltpu.VMEM((HT, D), jnp.float32),
            pltpu.VMEM((HT,), jnp.int32),
            pltpu.VMEM((HT,), jnp.int32),
            pltpu.VMEM((TPW,), jnp.float32),
            pltpu.VMEM((TPW,), jnp.float32),
            pltpu.SemaphoreType.DMA,
            pltpu.SemaphoreType.DMA,
        ],
    )
    def k(go_hbm, posa_hbm, posb_hbm, wa_hbm, wb_hbm, out_hbm,
          rowsa_v, rowsb_v, pa_v, pb_v, wa_v, wb_v, sem, semb):
        wid = lax.axis_index("s") * 2 + lax.axis_index("c")
        base = wid * TPW
        pltpu.sync_copy(wa_hbm.at[pl.ds(base, TPW)], wa_v)
        pltpu.sync_copy(wb_hbm.at[pl.ds(base, TPW)], wb_v)
        for h in range(2):
            hbase = base + h * HT
            pltpu.sync_copy(posa_hbm.at[pl.ds(hbase, HT)], pa_v)
            pltpu.sync_copy(posb_hbm.at[pl.ds(hbase, HT)], pb_v)
            ca = pltpu.async_copy(go_hbm.at[pa_v], rowsa_v, sem)
            cb = pltpu.async_copy(go_hbm.at[pb_v], rowsb_v, semb)
            ca.wait()
            cb.wait()

            def body(j, _):
                wa16 = plsc.load_gather(wa_v, [jnp.full((16,), h * HT, jnp.int32) + j])
                wb16 = plsc.load_gather(wb_v, [jnp.full((16,), h * HT, jnp.int32) + j])
                for kk in range(D // 16):
                    sl = pl.ds(kk * 16, 16)
                    va = rowsa_v[j, sl]
                    vb = rowsb_v[j, sl]
                    rowsa_v[j, sl] = wa16 * va + wb16 * vb
                return 0

            lax.fori_loop(0, HT, body, 0)
            pltpu.sync_copy(rowsa_v, out_hbm.at[pl.ds(hbase, HT)])

    return k(gout, posa, posb, waf, wbf)


def kernel(x, Wg, w1, w2):
    x_flat = x.reshape(N, D)
    waf, wbf, pa, pb, offs, gmap, aux = _router(x_flat, Wg)
    gx, posa, posb = _sc_dispatch(x_flat, pa, pb, offs)
    gout = _ffn(gmap, gx, w1, w2)
    out = _sc_combine(gout, posa, posb, waf, wbf)
    return out.reshape(B, S, D), aux[0, 0]

# --- scband reference (transcript-rebuilt; emitter-appended) ---
"""Pipeline reference for scband-mo-elayer-20023137534915 (READ-ONLY COPY).

The authoritative reference and input builder live on the scoring server;
editing this copy changes nothing except your own understanding.
"""

import jax, jax.numpy as jnp
import numpy as np

B, S, D, E, H, TOPK = 2, 2048, 768, 8, 768, 2
AUX_COEF = 0.01

def setup_inputs(seed: int = 0) -> dict:
    key = jax.random.key(seed)
    ks = jax.random.split(key, 4)
    x = jax.random.normal(ks[0], (B, S, D), dtype=jnp.float32)
    bound_g = 1.0 / np.sqrt(D)
    Wg = jax.random.uniform(ks[1], (E, D), minval=-bound_g, maxval=bound_g, dtype=jnp.float32)
    bound1 = 1.0 / np.sqrt(D)
    w1 = jax.random.uniform(ks[2], (E, D, H), minval=-bound1, maxval=bound1, dtype=jnp.float32)
    bound2 = 1.0 / np.sqrt(H)
    w2 = jax.random.uniform(ks[3], (E, H, D), minval=-bound2, maxval=bound2, dtype=jnp.float32)
    return {"x": x, "Wg": Wg, "w1": w1, "w2": w2}

def reference(x, Wg, w1, w2):
    b, s, d = x.shape
    num_experts = Wg.shape[0]
    # Router: nn.Linear(n_embd, num_experts, bias=False) -> x @ Wg.T
    router_logits = jnp.einsum('bsd,ed->bse', x, Wg)
    router_probs = jax.nn.softmax(router_logits, axis=-1)
    # eval mode, router_noise disabled: topk directly on router_probs
    top_k_probs, top_k_indices = jax.lax.top_k(router_probs, TOPK)
    top_k_probs = top_k_probs / jnp.sum(top_k_probs, axis=-1, keepdims=True)
    # Batched dense expert computation (all experts for all tokens)
    x_flat = x.reshape(-1, d)
    all_hidden = jnp.einsum('be,teh->bth', x_flat, w1)
    all_hidden = jax.nn.relu(all_hidden)
    all_expert_out = jnp.einsum('bth,the->bte', all_hidden, w2)
    all_expert_out = all_expert_out.reshape(b, s, num_experts, d)
    # Gather selected experts per token
    idx_e = jnp.broadcast_to(top_k_indices[..., None], (b, s, TOPK, d))
    selected_out = jnp.take_along_axis(all_expert_out, idx_e, axis=2)
    output = jnp.sum(selected_out * top_k_probs[..., None], axis=2)
    # Load-balancing aux loss (Switch Transformer style)
    probs_flat = router_probs.reshape(-1, num_experts)
    top_expert = jnp.argmax(probs_flat, axis=-1)
    expert_counts = jnp.bincount(top_expert, length=num_experts).astype(jnp.float32)
    f = expert_counts / top_expert.shape[0]
    P = jnp.mean(probs_flat, axis=0)
    aux_loss = AUX_COEF * num_experts * jnp.sum(f * P)
    return (output, aux_loss)

if __name__ == "__main__":
    import jax
    _d = setup_inputs()
    print(jax.jit(kernel)(*tuple(_d.values())))

</pallas_src>

<mosaic_0001>
#map = affine_map<(d0, d1) -> (0, 0)>
#map1 = affine_map<(d0, d1) -> (0)>
module attributes {stable_mosaic.version = 14 : i64} {
  func.func @k(%arg0: i32, %arg1: i32, %arg2: memref<12288x768xf32, #tpu.memory_space<hbm>>, %arg3: memref<4096xi32, #tpu.memory_space<hbm>>, %arg4: memref<4096xi32, #tpu.memory_space<hbm>>, %arg5: memref<4096xf32, #tpu.memory_space<hbm>>, %arg6: memref<4096xf32, #tpu.memory_space<hbm>>, %arg7: memref<4096x768xf32, #tpu.memory_space<hbm>>, %arg8: memref<64x768xf32, #tpu.memory_space<vmem>>, %arg9: memref<64x768xf32, #tpu.memory_space<vmem>>, %arg10: memref<64xi32, #tpu.memory_space<vmem>>, %arg11: memref<64xi32, #tpu.memory_space<vmem>>, %arg12: memref<128xf32, #tpu.memory_space<vmem>>, %arg13: memref<128xf32, #tpu.memory_space<vmem>>, %arg14: memref<!tpu.dma_semaphore, #tpu.memory_space<semaphore_mem>>, %arg15: memref<!tpu.dma_semaphore, #tpu.memory_space<semaphore_mem>>) attributes {dimension_semantics = [#tpu.dimension_semantics<core_parallel>, #tpu.dimension_semantics<subcore_parallel>], iteration_bounds = array<i64: 2, 16>, scalar_prefetch = 0 : i64, scratch_operands = 8 : i64, tpu.core_type = #tpu.core_type<sc_vector_subcore>, window_params = [{transform_indices = #map}, {transform_indices = #map1}, {transform_indices = #map1}, {transform_indices = #map1}, {transform_indices = #map1}, {transform_indices = #map}]} {
    %mul3A = arith.constant 2 : i32
    %mul3A_0 = arith.muli %arg1, %mul3A : i32
    %add3A = arith.addi %mul3A_0, %arg0 : i32
    %mul3A_1 = arith.constant 128 : i32
    %mul3A_2 = arith.muli %add3A, %mul3A_1 : i32
    "tpu.region"() ({
      %run_scoped3A = tpu.sem_alloc : memref<!tpu.dma_semaphore, #tpu.memory_space<semaphore_mem>>
      %dma_start3A_42 = tpu.memref_slice %arg5[%mul3A_2] : memref<4096xf32, #tpu.memory_space<hbm>> -> memref<128xf32, #tpu.memory_space<hbm>>
      %dma_start3A_43 = tpu.memref_slice %arg5[%mul3A_2] : memref<4096xf32, #tpu.memory_space<hbm>> -> memref<128xf32, #tpu.memory_space<hbm>>
      tpu.enqueue_dma source(%dma_start3A_43 : memref<128xf32, #tpu.memory_space<hbm>>) target(%arg12 : memref<128xf32, #tpu.memory_space<vmem>>) target_semaphore(%run_scoped3A : memref<!tpu.dma_semaphore, #tpu.memory_space<semaphore_mem>>)
      %dma_wait3A_44 = tpu.memref_slice %arg5[%mul3A_2] : memref<4096xf32, #tpu.memory_space<hbm>> -> memref<128xf32, #tpu.memory_space<hbm>>
      %dma_wait3A_45 = tpu.memref_slice %arg5[%mul3A_2] : memref<4096xf32, #tpu.memory_space<hbm>> -> memref<128xf32, #tpu.memory_space<hbm>>
      tpu.wait_dma2 semaphore(%run_scoped3A : memref<!tpu.dma_semaphore, #tpu.memory_space<semaphore_mem>>) src(%dma_wait3A_45 : memref<128xf32, #tpu.memory_space<hbm>>) dst(%arg12 : memref<128xf32, #tpu.memory_space<vmem>>)
      tpu.yield
    }) : () -> ()
    "tpu.region"() ({
      %run_scoped3A = tpu.sem_alloc : memref<!tpu.dma_semaphore, #tpu.memory_space<semaphore_mem>>
      %dma_start3A_42 = tpu.memref_slice %arg6[%mul3A_2] : memref<4096xf32, #tpu.memory_space<hbm>> -> memref<128xf32, #tpu.memory_space<hbm>>
      %dma_start3A_43 = tpu.memref_slice %arg6[%mul3A_2] : memref<4096xf32, #tpu.memory_space<hbm>> -> memref<128xf32, #tpu.memory_space<hbm>>
      tpu.enqueue_dma source(%dma_start3A_43 : memref<128xf32, #tpu.memory_space<hbm>>) target(%arg13 : memref<128xf32, #tpu.memory_space<vmem>>) target_semaphore(%run_scoped3A : memref<!tpu.dma_semaphore, #tpu.memory_space<semaphore_mem>>)
      %dma_wait3A_44 = tpu.memref_slice %arg6[%mul3A_2] : memref<4096xf32, #tpu.memory_space<hbm>> -> memref<128xf32, #tpu.memory_space<hbm>>
      %dma_wait3A_45 = tpu.memref_slice %arg6[%mul3A_2] : memref<4096xf32, #tpu.memory_space<hbm>> -> memref<128xf32, #tpu.memory_space<hbm>>
      tpu.wait_dma2 semaphore(%run_scoped3A : memref<!tpu.dma_semaphore, #tpu.memory_space<semaphore_mem>>) src(%dma_wait3A_45 : memref<128xf32, #tpu.memory_space<hbm>>) dst(%arg13 : memref<128xf32, #tpu.memory_space<vmem>>)
      tpu.yield
    }) : () -> ()
    %add3A_3 = arith.constant 0 : i32
    %add3A_4 = arith.addi %mul3A_2, %add3A_3 : i32
    "tpu.region"() ({
      %run_scoped3A = tpu.sem_alloc : memref<!tpu.dma_semaphore, #tpu.memory_space<semaphore_mem>>
      %dma_start3A_42 = tpu.memref_slice %arg3[%add3A_4] : memref<4096xi32, #tpu.memory_space<hbm>> -> memref<64xi32, #tpu.memory_space<hbm>>
      %dma_start3A_43 = tpu.memref_slice %arg3[%add3A_4] : memref<4096xi32, #tpu.memory_space<hbm>> -> memref<64xi32, #tpu.memory_space<hbm>>
      tpu.enqueue_dma source(%dma_start3A_43 : memref<64xi32, #tpu.memory_space<hbm>>) target(%arg10 : memref<64xi32, #tpu.memory_space<vmem>>) target_semaphore(%run_scoped3A : memref<!tpu.dma_semaphore, #tpu.memory_space<semaphore_mem>>)
      %dma_wait3A_44 = tpu.memref_slice %arg3[%add3A_4] : memref<4096xi32, #tpu.memory_space<hbm>> -> memref<64xi32, #tpu.memory_space<hbm>>
      %dma_wait3A_45 = tpu.memref_slice %arg3[%add3A_4] : memref<4096xi32, #tpu.memory_space<hbm>> -> memref<64xi32, #tpu.memory_space<hbm>>
      tpu.wait_dma2 semaphore(%run_scoped3A : memref<!tpu.dma_semaphore, #tpu.memory_space<semaphore_mem>>) src(%dma_wait3A_45 : memref<64xi32, #tpu.memory_space<hbm>>) dst(%arg10 : memref<64xi32, #tpu.memory_space<vmem>>)
      tpu.yield
    }) : () -> ()
    "tpu.region"() ({
      %run_scoped3A = tpu.sem_alloc : memref<!tpu.dma_semaphore, #tpu.memory_space<semaphore_mem>>
      %dma_start3A_42 = tpu.memref_slice %arg4[%add3A_4] : memref<4096xi32, #tpu.memory_space<hbm>> -> memref<64xi32, #tpu.memory_space<hbm>>
      %dma_start3A_43 = tpu.memref_slice %arg4[%add3A_4] : memref<4096xi32, #tpu.memory_space<hbm>> -> memref<64xi32, #tpu.memory_space<hbm>>
      tpu.enqueue_dma source(%dma_start3A_43 : memref<64xi32, #tpu.memory_space<hbm>>) target(%arg11 : memref<64xi32, #tpu.memory_space<vmem>>) target_semaphore(%run_scoped3A : memref<!tpu.dma_semaphore, #tpu.memory_space<semaphore_mem>>)
      %dma_wait3A_44 = tpu.memref_slice %arg4[%add3A_4] : memref<4096xi32, #tpu.memory_space<hbm>> -> memref<64xi32, #tpu.memory_space<hbm>>
      %dma_wait3A_45 = tpu.memref_slice %arg4[%add3A_4] : memref<4096xi32, #tpu.memory_space<hbm>> -> memref<64xi32, #tpu.memory_space<hbm>>
      tpu.wait_dma2 semaphore(%run_scoped3A : memref<!tpu.dma_semaphore, #tpu.memory_space<semaphore_mem>>) src(%dma_wait3A_45 : memref<64xi32, #tpu.memory_space<hbm>>) dst(%arg11 : memref<64xi32, #tpu.memory_space<vmem>>)
      tpu.yield
    }) : () -> ()
    %dma_start3A = arith.constant 0 : i32
    %dma_start3A_5 = arith.constant 0 : i32
    %dma_start3A_6 = tpu.memref_slice %arg2[%dma_start3A, %dma_start3A_5] : memref<12288x768xf32, #tpu.memory_space<hbm>> -> memref<12288x768xf32, #tpu.memory_space<hbm>>
    tpu.enqueue_indirect_dma source(%dma_start3A_6 : memref<12288x768xf32, #tpu.memory_space<hbm>>) target(%arg8 : memref<64x768xf32, #tpu.memory_space<vmem>>) offsets(%arg10 : memref<64xi32, #tpu.memory_space<vmem>>) semaphore(%arg14 : memref<!tpu.dma_semaphore, #tpu.memory_space<semaphore_mem>>)
    %dma_start3A_7 = arith.constant 0 : i32
    %dma_start3A_8 = arith.constant 0 : i32
    %dma_start3A_9 = tpu.memref_slice %arg2[%dma_start3A_7, %dma_start3A_8] : memref<12288x768xf32, #tpu.memory_space<hbm>> -> memref<12288x768xf32, #tpu.memory_space<hbm>>
    tpu.enqueue_indirect_dma source(%dma_start3A_9 : memref<12288x768xf32, #tpu.memory_space<hbm>>) target(%arg9 : memref<64x768xf32, #tpu.memory_space<vmem>>) offsets(%arg11 : memref<64xi32, #tpu.memory_space<vmem>>) semaphore(%arg15 : memref<!tpu.dma_semaphore, #tpu.memory_space<semaphore_mem>>)
    %dma_wait3A = arith.constant 0 : i32
    %dma_wait3A_10 = arith.constant 0 : i32
    %dma_wait3A_11 = tpu.memref_slice %arg2[%dma_wait3A, %dma_wait3A_10] : memref<12288x768xf32, #tpu.memory_space<hbm>> -> memref<12288x768xf32, #tpu.memory_space<hbm>>
    tpu.wait_indirect_dma semaphore(%arg14 : memref<!tpu.dma_semaphore, #tpu.memory_space<semaphore_mem>>) src(%dma_wait3A_11 : memref<12288x768xf32, #tpu.memory_space<hbm>>) dst(%arg8 : memref<64x768xf32, #tpu.memory_space<vmem>>)
    %dma_wait3A_12 = arith.constant 0 : i32
    %dma_wait3A_13 = arith.constant 0 : i32
    %dma_wait3A_14 = tpu.memref_slice %arg2[%dma_wait3A_12, %dma_wait3A_13] : memref<12288x768xf32, #tpu.memory_space<hbm>> -> memref<12288x768xf32, #tpu.memory_space<hbm>>
    tpu.wait_indirect_dma semaphore(%arg15 : memref<!tpu.dma_semaphore, #tpu.memory_space<semaphore_mem>>) src(%dma_wait3A_14 : memref<12288x768xf32, #tpu.memory_space<hbm>>) dst(%arg9 : memref<64x768xf32, #tpu.memory_space<vmem>>)
    %scan3A = arith.constant 0 : i32
    %scan3A_15 = arith.constant 0 : i32
    %scan3A_16 = arith.constant 64 : i32
    %scan3A_17 = arith.addi %scan3A_15, %scan3A_16 : i32
    %scan3A_18 = arith.constant 1 : i32
    %scan3A_19 = scf.for %scan3A_42 = %scan3A_15 to %scan3A_17 step %scan3A_18 iter_args(%scan3A_43 = %scan3A) -> (i32)  : i32 {
      %broadcast_in_dim3A = arith.constant 0 : i32
      %broadcast_in_dim3A_44 = vector.broadcast %broadcast_in_dim3A : i32 to vector<16xi32>
      %add3A_45 = vector.broadcast %scan3A_42 : i32 to vector<16xi32>
      %add3A_46 = arith.addi %broadcast_in_dim3A_44, %add3A_45 : vector<16xi32>
      %gather3A = tpu.vector_load_idx %arg12[%add3A_46] : memref<128xf32, #tpu.memory_space<vmem>>[vector<16xi32>], vector<16xf32>,
      %broadcast_in_dim3A_47 = arith.constant 0 : i32
      %broadcast_in_dim3A_48 = vector.broadcast %broadcast_in_dim3A_47 : i32 to vector<16xi32>
      %add3A_49 = vector.broadcast %scan3A_42 : i32 to vector<16xi32>
      %add3A_50 = arith.addi %broadcast_in_dim3A_48, %add3A_49 : vector<16xi32>
      %gather3A_51 = tpu.vector_load_idx %arg13[%add3A_50] : memref<128xf32, #tpu.memory_space<vmem>>[vector<16xi32>], vector<16xf32>,
      %get3A = arith.index_cast %scan3A_42 : i32 to index
      %get3A_52 = arith.constant 0 : index
      %get3A_53 = tpu.vector_load %arg8[%get3A, %get3A_52] {strides = array<i32>} : memref<64x768xf32, #tpu.memory_space<vmem>>, vector<16xf32>,
      %get3A_54 = arith.index_cast %scan3A_42 : i32 to index
      %get3A_55 = arith.constant 0 : index
      %get3A_56 = tpu.vector_load %arg9[%get3A_54, %get3A_55] {strides = array<i32>} : memref<64x768xf32, #tpu.memory_space<vmem>>, vector<16xf32>,
      %mul3A_57 = arith.mulf %gather3A, %get3A_53 : vector<16xf32>
      %mul3A_58 = arith.mulf %gather3A_51, %get3A_56 : vector<16xf32>
      %add3A_59 = arith.addf %mul3A_57, %mul3A_58 : vector<16xf32>
      %swap3A = arith.index_cast %scan3A_42 : i32 to index
      %swap3A_60 = arith.constant 0 : index
      %swap3A_61 = tpu.vector_load %arg8[%swap3A, %swap3A_60] {strides = array<i32>} : memref<64x768xf32, #tpu.memory_space<vmem>>, vector<16xf32>,
      tpu.vector_store %arg8[%swap3A, %swap3A_60], %add3A_59 {strides = array<i32>} : memref<64x768xf32, #tpu.memory_space<vmem>>, vector<16xf32>,
      %get3A_62 = arith.index_cast %scan3A_42 : i32 to index
      %get3A_63 = arith.constant 16 : index
      %get3A_64 = tpu.vector_load %arg8[%get3A_62, %get3A_63] {strides = array<i32>} : memref<64x768xf32, #tpu.memory_space<vmem>>, vector<16xf32>,
      %get3A_65 = arith.index_cast %scan3A_42 : i32 to index
      %get3A_66 = arith.constant 16 : index
      %get3A_67 = tpu.vector_load %arg9[%get3A_65, %get3A_66] {strides = array<i32>} : memref<64x768xf32, #tpu.memory_space<vmem>>, vector<16xf32>,
      %mul3A_68 = arith.mulf %gather3A, %get3A_64 : vector<16xf32>
      %mul3A_69 = arith.mulf %gather3A_51, %get3A_67 : vector<16xf32>
      %add3A_70 = arith.addf %mul3A_68, %mul3A_69 : vector<16xf32>
      %swap3A_71 = arith.index_cast %scan3A_42 : i32 to index
      %swap3A_72 = arith.constant 16 : index
      %swap3A_73 = tpu.vector_load %arg8[%swap3A_71, %swap3A_72] {strides = array<i32>} : memref<64x768xf32, #tpu.memory_space<vmem>>, vector<16xf32>,
      tpu.vector_store %arg8[%swap3A_71, %swap3A_72], %add3A_70 {strides = array<i32>} : memref<64x768xf32, #tpu.memory_space<vmem>>, vector<16xf32>,
      %get3A_74 = arith.index_cast %scan3A_42 : i32 to index
      %get3A_75 = arith.constant 32 : index
      %get3A_76 = tpu.vector_load %arg8[%get3A_74, %get3A_75] {strides = array<i32>} : memref<64x768xf32, #tpu.memory_space<vmem>>, vector<16xf32>,
      %get3A_77 = arith.index_cast %scan3A_42 : i32 to index
      %get3A_78 = arith.constant 32 : index
      %get3A_79 = tpu.vector_load %arg9[%get3A_77, %get3A_78] {strides = array<i32>} : memref<64x768xf32, #tpu.memory_space<vmem>>, vector<16xf32>,
      %mul3A_80 = arith.mulf %gather3A, %get3A_76 : vector<16xf32>
      %mul3A_81 = arith.mulf %gather3A_51, %get3A_79 : vector<16xf32>
      %add3A_82 = arith.addf %mul3A_80, %mul3A_81 : vector<16xf32>
      %swap3A_83 = arith.index_cast %scan3A_42 : i32 to index
      %swap3A_84 = arith.constant 32 : index
      %swap3A_85 = tpu.vector_load %arg8[%swap3A_83, %swap3A_84] {strides = array<i32>} : memref<64x768xf32, #tpu.memory_space<vmem>>, vector<16xf32>,
      tpu.vector_store %arg8[%swap3A_83, %swap3A_84], %add3A_82 {strides = array<i32>} : memref<64x768xf32, #tpu.memory_space<vmem>>, vector<16xf32>,
      %get3A_86 = arith.index_cast %scan3A_42 : i32 to index
      %get3A_87 = arith.constant 48 : index
      %get3A_88 = tpu.vector_load %arg8[%get3A_86, %get3A_87] {strides = array<i32>} : memref<64x768xf32, #tpu.memory_space<vmem>>, vector<16xf32>,
      %get3A_89 = arith.index_cast %scan3A_42 : i32 to index
      %get3A_90 = arith.constant 48 : index
      %get3A_91 = tpu.vector_load %arg9[%get3A_89, %get3A_90] {strides = array<i32>} : memref<64x768xf32, #tpu.memory_space<vmem>>, vector<16xf32>,
      %mul3A_92 = arith.mulf %gather3A, %get3A_88 : vector<16xf32>
      %mul3A_93 = arith.mulf %gather3A_51, %get3A_91 : vector<16xf32>
      %add3A_94 = arith.addf %mul3A_92, %mul3A_93 : vector<16xf32>
      %swap3A_95 = arith.index_cast %scan3A_42 : i32 to index
      %swap3A_96 = arith.constant 48 : index
      %swap3A_97 = tpu.vector_load %arg8[%swap3A_95, %swap3A_96] {strides = array<i32>} : memref<64x768xf32, #tpu.memory_space<vmem>>, vector<16xf32>,
      tpu.vector_store %arg8[%swap3A_95, %swap3A_96], %add3A_94 {strides = array<i32>} : memref<64x768xf32, #tpu.memory_space<vmem>>, vector<16xf32>,
      %get3A_98 = arith.index_cast %scan3A_42 : i32 to index
      %get3A_99 = arith.constant 64 : index
      %get3A_100 = tpu.vector_load %arg8[%get3A_98, %get3A_99] {strides = array<i32>} : memref<64x768xf32, #tpu.memory_space<vmem>>, vector<16xf32>,
      %get3A_101 = arith.index_cast %scan3A_42 : i32 to index
      %get3A_102 = arith.constant 64 : index
      %get3A_103 = tpu.vector_load %arg9[%get3A_101, %get3A_102] {strides = array<i32>} : memref<64x768xf32, #tpu.memory_space<vmem>>, vector<16xf32>,
      %mul3A_104 = arith.mulf %gather3A, %get3A_100 : vector<16xf32>
      %mul3A_105 = arith.mulf %gather3A_51, %get3A_103 : vector<16xf32>
      %add3A_106 = arith.addf %mul3A_104, %mul3A_105 : vector<16xf32>
      %swap3A_107 = arith.index_cast %scan3A_42 : i32 to index
      %swap3A_108 = arith.constant 64 : index
      %swap3A_109 = tpu.vector_load %arg8[%swap3A_107, %swap3A_108] {strides = array<i32>} : memref<64x768xf32, #tpu.memory_space<vmem>>, vector<16xf32>,
      tpu.vector_store %arg8[%swap3A_107, %swap3A_108], %add3A_106 {strides = array<i32>} : memref<64x768xf32, #tpu.memory_space<vmem>>, vector<16xf32>,
      %get3A_110 = arith.index_cast %scan3A_42 : i32 to index
      %get3A_111 = arith.constant 80 : index
      %get3A_112 = tpu.vector_load %arg8[%get3A_110, %get3A_111] {strides = array<i32>} : memref<64x768xf32, #tpu.memory_space<vmem>>, vector<16xf32>,
      %get3A_113 = arith.index_cast %scan3A_42 : i32 to index
      %get3A_114 = arith.constant 80 : index
      %get3A_115 = tpu.vector_load %arg9[%get3A_113, %get3A_114] {strides = array<i32>} : memref<64x768xf32, #tpu.memory_space<vmem>>, vector<16xf32>,
      %mul3A_116 = arith.mulf %gather3A, %get3A_112 : vector<16xf32>
      %mul3A_117 = arith.mulf %gather3A_51, %get3A_115 : vector<16xf32>
      %add3A_118 = arith.addf %mul3A_116, %mul3A_117 : vector<16xf32>
      %swap3A_119 = arith.index_cast %scan3A_42 : i32 to index
      %swap3A_120 = arith.constant 80 : index
      %swap3A_121 = tpu.vector_load %arg8[%swap3A_119, %swap3A_120] {strides = array<i32>} : memref<64x768xf32, #tpu.memory_space<vmem>>, vector<16xf32>,
      tpu.vector_store %arg8[%swap3A_119, %swap3A_120], %add3A_118 {strides = array<i32>} : memref<64x768xf32, #tpu.memory_space<vmem>>, vector<16xf32>,
      %get3A_122 = arith.index_cast %scan3A_42 : i32 to index
      %get3A_123 = arith.constant 96 : index
      %get3A_124 = tpu.vector_load %arg8[%get3A_122, %get3A_123] {strides = array<i32>} : memref<64x768xf32, #tpu.memory_space<vmem>>, vector<16xf32>,
      %get3A_125 = arith.index_cast %scan3A_42 : i32 to index
      %get3A_126 = arith.constant 96 : index
      %get3A_127 = tpu.vector_load %arg9[%get3A_125, %get3A_126] {strides = array<i32>} : memref<64x768xf32, #tpu.memory_space<vmem>>, vector<16xf32>,
      %mul3A_128 = arith.mulf %gather3A, %get3A_124 : vector<16xf32>
      %mul3A_129 = arith.mulf %gather3A_51, %get3A_127 : vector<16xf32>
      %add3A_130 = arith.addf %mul3A_128, %mul3A_129 : vector<16xf32>
      %swap3A_131 = arith.index_cast %scan3A_42 : i32 to index
      %swap3A_132 = arith.constant 96 : index
      %swap3A_133 = tpu.vector_load %arg8[%swap3A_131, %swap3A_132] {strides = array<i32>} : memref<64x768xf32, #tpu.memory_space<vmem>>, vector<16xf32>,
      tpu.vector_store %arg8[%swap3A_131, %swap3A_132], %add3A_130 {strides = array<i32>} : memref<64x768xf32, #tpu.memory_space<vmem>>, vector<16xf32>,
      %get3A_134 = arith.index_cast %scan3A_42 : i32 to index
      %get3A_135 = arith.constant 112 : index
      %get3A_136 = tpu.vector_load %arg8[%get3A_134, %get3A_135] {strides = array<i32>} : memref<64x768xf32, #tpu.memory_space<vmem>>, vector<16xf32>,
      %get3A_137 = arith.index_cast %scan3A_42 : i32 to index
      %get3A_138 = arith.constant 112 : index
      %get3A_139 = tpu.vector_load %arg9[%get3A_137, %get3A_138] {strides = array<i32>} : memref<64x768xf32, #tpu.memory_space<vmem>>, vector<16xf32>,
      %mul3A_140 = arith.mulf %gather3A, %get3A_136 : vector<16xf32>
      %mul3A_141 = arith.mulf %gather3A_51, %get3A_139 : vector<16xf32>
      %add3A_142 = arith.addf %mul3A_140, %mul3A_141 : vector<16xf32>
      %swap3A_143 = arith.index_cast %scan3A_42 : i32 to index
      %swap3A_144 = arith.constant 112 : index
      %swap3A_145 = tpu.vector_load %arg8[%swap3A_143, %swap3A_144] {strides = array<i32>} : memref<64x768xf32, #tpu.memory_space<vmem>>, vector<16xf32>,
      tpu.vector_store %arg8[%swap3A_143, %swap3A_144], %add3A_142 {strides = array<i32>} : memref<64x768xf32, #tpu.memory_space<vmem>>, vector<16xf32>,
      %get3A_146 = arith.index_cast %scan3A_42 : i32 to index
      %get3A_147 = arith.constant 128 : index
      %get3A_148 = tpu.vector_load %arg8[%get3A_146, %get3A_147] {strides = array<i32>} : memref<64x768xf32, #tpu.memory_space<vmem>>, vector<16xf32>,
      %get3A_149 = arith.index_cast %scan3A_42 : i32 to index
      %get3A_150 = arith.constant 128 : index
      %get3A_151 = tpu.vector_load %arg9[%get3A_149, %get3A_150] {strides = array<i32>} : memref<64x768xf32, #tpu.memory_space<vmem>>, vector<16xf32>,
      %mul3A_152 = arith.mulf %gather3A, %get3A_148 : vector<16xf32>
      %mul3A_153 = arith.mulf %gather3A_51, %get3A_151 : vector<16xf32>
      %add3A_154 = arith.addf %mul3A_152, %mul3A_153 : vector<16xf32>
      %swap3A_155 = arith.index_cast %scan3A_42 : i32 to index
      %swap3A_156 = arith.constant 128 : index
      %swap3A_157 = tpu.vector_load %arg8[%swap3A_155, %swap3A_156] {strides = array<i32>} : memref<64x768xf32, #tpu.memory_space<vmem>>, vector<16xf32>,
      tpu.vector_store %arg8[%swap3A_155, %swap3A_156], %add3A_154 {strides = array<i32>} : memref<64x768xf32, #tpu.memory_space<vmem>>, vector<16xf32>,
      %get3A_158 = arith.index_cast %scan3A_42 : i32 to index
      %get3A_159 = arith.constant 144 : index
      %get3A_160 = tpu.vector_load %arg8[%get3A_158, %get3A_159] {strides = array<i32>} : memref<64x768xf32, #tpu.memory_space<vmem>>, vector<16xf32>,
      %get3A_161 = arith.index_cast %scan3A_42 : i32 to index
      %get3A_162 = arith.constant 144 : index
      %get3A_163 = tpu.vector_load %arg9[%get3A_161, %get3A_162] {strides = array<i32>} : memref<64x768xf32, #tpu.memory_space<vmem>>, vector<16xf32>,
      %mul3A_164 = arith.mulf %gather3A, %get3A_160 : vector<16xf32>
      %mul3A_165 = arith.mulf %gather3A_51, %get3A_163 : vector<16xf32>
      %add3A_166 = arith.addf %mul3A_164, %mul3A_165 : vector<16xf32>
      %swap3A_167 = arith.index_cast %scan3A_42 : i32 to index
      %swap3A_168 = arith.constant 144 : index
      %swap3A_169 = tpu.vector_load %arg8[%swap3A_167, %swap3A_168] {strides = array<i32>} : memref<64x768xf32, #tpu.memory_space<vmem>>, vector<16xf32>,
      tpu.vector_store %arg8[%swap3A_167, %swap3A_168], %add3A_166 {strides = array<i32>} : memref<64x768xf32, #tpu.memory_space<vmem>>, vector<16xf32>,
      %get3A_170 = arith.index_cast %scan3A_42 : i32 to index
      %get3A_171 = arith.constant 160 : index
      %get3A_172 = tpu.vector_load %arg8[%get3A_170, %get3A_171] {strides = array<i32>} : memref<64x768xf32, #tpu.memory_space<vmem>>, vector<16xf32>,
      %get3A_173 = arith.index_cast %scan3A_42 : i32 to index
      %get3A_174 = arith.constant 160 : index
      %get3A_175 = tpu.vector_load %arg9[%get3A_173, %get3A_174] {strides = array<i32>} : memref<64x768xf32, #tpu.memory_space<vmem>>, vector<16xf32>,
      %mul3A_176 = arith.mulf %gather3A, %get3A_172 : vector<16xf32>
      %mul3A_177 = arith.mulf %gather3A_51, %get3A_175 : vector<16xf32>
      %add3A_178 = arith.addf %mul3A_176, %mul3A_177 : vector<16xf32>
      %swap3A_179 = arith.index_cast %scan3A_42 : i32 to index
      %swap3A_180 = arith.constant 160 : index
      %swap3A_181 = tpu.vector_load %arg8[%swap3A_179, %swap3A_180] {strides = array<i32>} : memref<64x768xf32, #tpu.memory_space<vmem>>, vector<16xf32>,
      tpu.vector_store %arg8[%swap3A_179, %swap3A_180], %add3A_178 {strides = array<i32>} : memref<64x768xf32, #tpu.memory_space<vmem>>, vector<16xf32>,
      %get3A_182 = arith.index_cast %scan3A_42 : i32 to index
      %get3A_183 = arith.constant 176 : index
      %get3A_184 = tpu.vector_load %arg8[%get3A_182, %get3A_183] {strides = array<i32>} : memref<64x768xf32, #tpu.memory_space<vmem>>, vector<16xf32>,
      %get3A_185 = arith.index_cast %scan3A_42 : i32 to index
      %get3A_186 = arith.constant 176 : index
      %get3A_187 = tpu.vector_load %arg9[%get3A_185, %get3A_186] {strides = array<i32>} : memref<64x768xf32, #tpu.memory_space<vmem>>, vector<16xf32>,
      %mul3A_188 = arith.mulf %gather3A, %get3A_184 : vector<16xf32>
      %mul3A_189 = arith.mulf %gather3A_51, %get3A_187 : vector<16xf32>
      %add3A_190 = arith.addf %mul3A_188, %mul3A_189 : vector<16xf32>
      %swap3A_191 = arith.index_cast %scan3A_42 : i32 to index
      %swap3A_192 = arith.constant 176 : index
      %swap3A_193 = tpu.vector_load %arg8[%swap3A_191, %swap3A_192] {strides = array<i32>} : memref<64x768xf32, #tpu.memory_space<vmem>>, vector<16xf32>,
      tpu.vector_store %arg8[%swap3A_191, %swap3A_192], %add3A_190 {strides = array<i32>} : memref<64x768xf32, #tpu.memory_space<vmem>>, vector<16xf32>,
      %get3A_194 = arith.index_cast %scan3A_42 : i32 to index
      %get3A_195 = arith.constant 192 : index
      %get3A_196 = tpu.vector_load %arg8[%get3A_194, %get3A_195] {strides = array<i32>} : memref<64x768xf32, #tpu.memory_space<vmem>>, vector<16xf32>,
      %get3A_197 = arith.index_cast %scan3A_42 : i32 to index
      %get3A_198 = arith.constant 192 : index
      %get3A_199 = tpu.vector_load %arg9[%get3A_197, %get3A_198] {strides = array<i32>} : memref<64x768xf32, #tpu.memory_space<vmem>>, vector<16xf32>,
      %mul3A_200 = arith.mulf %gather3A, %get3A_196 : vector<16xf32>
      %mul3A_201 = arith.mulf %gather3A_51, %get3A_199 : vector<16xf32>
      %add3A_202 = arith.addf %mul3A_200, %mul3A_201 : vector<16xf32>
      %swap3A_203 = arith.index_cast %scan3A_42 : i32 to index
      %swap3A_204 = arith.constant 192 : index
      %swap3A_205 = tpu.vector_load %arg8[%swap3A_203, %swap3A_204] {strides = array<i32>} : memref<64x768xf32, #tpu.memory_space<vmem>>, vector<16xf32>,
      tpu.vector_store %arg8[%swap3A_203, %swap3A_204], %add3A_202 {strides = array<i32>} : memref<64x768xf32, #tpu.memory_space<vmem>>, vector<16xf32>,
      %get3A_206 = arith.index_cast %scan3A_42 : i32 to index
      %get3A_207 = arith.constant 208 : index
      %get3A_208 = tpu.vector_load %arg8[%get3A_206, %get3A_207] {strides = array<i32>} : memref<64x768xf32, #tpu.memory_space<vmem>>, vector<16xf32>,
      %get3A_209 = arith.index_cast %scan3A_42 : i32 to index
      %get3A_210 = arith.constant 208 : index
      %get3A_211 = tpu.vector_load %arg9[%get3A_209, %get3A_210] {strides = array<i32>} : memref<64x768xf32, #tpu.memory_space<vmem>>, vector<16xf32>,
      %mul3A_212 = arith.mulf %gather3A, %get3A_208 : vector<16xf32>
      %mul3A_213 = arith.mulf %gather3A_51, %get3A_211 : vector<16xf32>
      %add3A_214 = arith.addf %mul3A_212, %mul3A_213 : vector<16xf32>
      %swap3A_215 = arith.index_cast %scan3A_42 : i32 to index
      %swap3A_216 = arith.constant 208 : index
      %swap3A_217 = tpu.vector_load %arg8[%swap3A_215, %swap3A_216] {strides = array<i32>} : memref<64x768xf32, #tpu.memory_space<vmem>>, vector<16xf32>,
      tpu.vector_store %arg8[%swap3A_215, %swap3A_216], %add3A_214 {strides = array<i32>} : memref<64x768xf32, #tpu.memory_space<vmem>>, vector<16xf32>,
      %get3A_218 = arith.index_cast %scan3A_42 : i32 to index
      %get3A_219 = arith.constant 224 : index
      %get3A_220 = tpu.vector_load %arg8[%get3A_218, %get3A_219] {strides = array<i32>} : memref<64x768xf32, #tpu.memory_space<vmem>>, vector<16xf32>,
      %get3A_221 = arith.index_cast %scan3A_42 : i32 to index
      %get3A_222 = arith.constant 224 : index
      %get3A_223 = tpu.vector_load %arg9[%get3A_221, %get3A_222] {strides = array<i32>} : memref<64x768xf32, #tpu.memory_space<vmem>>, vector<16xf32>,
      %mul3A_224 = arith.mulf %gather3A, %get3A_220 : vector<16xf32>
      %mul3A_225 = arith.mulf %gather3A_51, %get3A_223 : vector<16xf32>
      %add3A_226 = arith.addf %mul3A_224, %mul3A_225 : vector<16xf32>
      %swap3A_227 = arith.index_cast %scan3A_42 : i32 to index
      %swap3A_228 = arith.constant 224 : index
      %swap3A_229 = tpu.vector_load %arg8[%swap3A_227, %swap3A_228] {strides = array<i32>} : memref<64x768xf32, #tpu.memory_space<vmem>>, vector<16xf32>,
      tpu.vector_store %arg8[%swap3A_227, %swap3A_228], %add3A_226 {strides = array<i32>} : memref<64x768xf32, #tpu.memory_space<vmem>>, vector<16xf32>,
      %get3A_230 = arith.index_cast %scan3A_42 : i32 to index
      %get3A_231 = arith.constant 240 : index
      %get3A_232 = tpu.vector_load %arg8[%get3A_230, %get3A_231] {strides = array<i32>} : memref<64x768xf32, #tpu.memory_space<vmem>>, vector<16xf32>,
      %get3A_233 = arith.index_cast %scan3A_42 : i32 to index
      %get3A_234 = arith.constant 240 : index
      %get3A_235 = tpu.vector_load %arg9[%get3A_233, %get3A_234] {strides = array<i32>} : memref<64x768xf32, #tpu.memory_space<vmem>>, vector<16xf32>,
      %mul3A_236 = arith.mulf %gather3A, %get3A_232 : vector<16xf32>
      %mul3A_237 = arith.mulf %gather3A_51, %get3A_235 : vector<16xf32>
      %add3A_238 = arith.addf %mul3A_236, %mul3A_237 : vector<16xf32>
      %swap3A_239 = arith.index_cast %scan3A_42 : i32 to index
      %swap3A_240 = arith.constant 240 : index
      %swap3A_241 = tpu.vector_load %arg8[%swap3A_239, %swap3A_240] {strides = array<i32>} : memref<64x768xf32, #tpu.memory_space<vmem>>, vector<16xf32>,
      tpu.vector_store %arg8[%swap3A_239, %swap3A_240], %add3A_238 {strides = array<i32>} : memref<64x768xf32, #tpu.memory_space<vmem>>, vector<16xf32>,
      %get3A_242 = arith.index_cast %scan3A_42 : i32 to index
      %get3A_243 = arith.constant 256 : index
      %get3A_244 = tpu.vector_load %arg8[%get3A_242, %get3A_243] {strides = array<i32>} : memref<64x768xf32, #tpu.memory_space<vmem>>, vector<16xf32>,
      %get3A_245 = arith.index_cast %scan3A_42 : i32 to index
      %get3A_246 = arith.constant 256 : index
      %get3A_247 = tpu.vector_load %arg9[%get3A_245, %get3A_246] {strides = array<i32>} : memref<64x768xf32, #tpu.memory_space<vmem>>, vector<16xf32>,
      %mul3A_248 = arith.mulf %gather3A, %get3A_244 : vector<16xf32>
      %mul3A_249 = arith.mulf %gather3A_51, %get3A_247 : vector<16xf32>
      %add3A_250 = arith.addf %mul3A_248, %mul3A_249 : vector<16xf32>
      %swap3A_251 = arith.index_cast %scan3A_42 : i32 to index
      %swap3A_252 = arith.constant 256 : index
      %swap3A_253 = tpu.vector_load %arg8[%swap3A_251, %swap3A_252] {strides = array<i32>} : memref<64x768xf32, #tpu.memory_space<vmem>>, vector<16xf32>,
      tpu.vector_store %arg8[%swap3A_251, %swap3A_252], %add3A_250 {strides = array<i32>} : memref<64x768xf32, #tpu.memory_space<vmem>>, vector<16xf32>,
      %get3A_254 = arith.index_cast %scan3A_42 : i32 to index
      %get3A_255 = arith.constant 272 : index
      %get3A_256 = tpu.vector_load %arg8[%get3A_254, %get3A_255] {strides = array<i32>} : memref<64x768xf32, #tpu.memory_space<vmem>>, vector<16xf32>,
      %get3A_257 = arith.index_cast %scan3A_42 : i32 to index
      %get3A_258 = arith.constant 272 : index
      %get3A_259 = tpu.vector_load %arg9[%get3A_257, %get3A_258] {strides = array<i32>} : memref<64x768xf32, #tpu.memory_space<vmem>>, vector<16xf32>,
      %mul3A_260 = arith.mulf %gather3A, %get3A_256 : vector<16xf32>
      %mul3A_261 = arith.mulf %gather3A_51, %get3A_259 : vector<16xf32>
      %add3A_262 = arith.addf %mul3A_260, %mul3A_261 : vector<16xf32>
      %swap3A_263 = arith.index_cast %scan3A_42 : i32 to index
      %swap3A_264 = arith.constant 272 : index
      %swap3A_265 = tpu.vector_load %arg8[%swap3A_263, %swap3A_264] {strides = array<i32>} : memref<64x768xf32, #tpu.memory_space<vmem>>, vector<16xf32>,
      tpu.vector_store %arg8[%swap3A_263, %swap3A_264], %add3A_262 {strides = array<i32>} : memref<64x768xf32, #tpu.memory_space<vmem>>, vector<16xf32>,
      %get3A_266 = arith.index_cast %scan3A_42 : i32 to index
      %get3A_267 = arith.constant 288 : index
      %get3A_268 = tpu.vector_load %arg8[%get3A_266, %get3A_267] {strides = array<i32>} : memref<64x768xf32, #tpu.memory_space<vmem>>, vector<16xf32>,
      %get3A_269 = arith.index_cast %scan3A_42 : i32 to index
      %get3A_270 = arith.constant 288 : index
      %get3A_271 = tpu.vector_load %arg9[%get3A_269, %get3A_270] {strides = array<i32>} : memref<64x768xf32, #tpu.memory_space<vmem>>, vector<16xf32>,
      %mul3A_272 = arith.mulf %gather3A, %get3A_268 : vector<16xf32>
      %mul3A_273 = arith.mulf %gather3A_51, %get3A_271 : vector<16xf32>
      %add3A_274 = arith.addf %mul3A_272, %mul3A_273 : vector<16xf32>
      %swap3A_275 = arith.index_cast %scan3A_42 : i32 to index
      %swap3A_276 = arith.constant 288 : index
      %swap3A_277 = tpu.vector_load %arg8[%swap3A_275, %swap3A_276] {strides = array<i32>} : memref<64x768xf32, #tpu.memory_space<vmem>>, vector<16xf32>,
      tpu.vector_store %arg8[%swap3A_275, %swap3A_276], %add3A_274 {strides = array<i32>} : memref<64x768xf32, #tpu.memory_space<vmem>>, vector<16xf32>,
      %get3A_278 = arith.index_cast %scan3A_42 : i32 to index
      %get3A_279 = arith.constant 304 : index
      %get3A_280 = tpu.vector_load %arg8[%get3A_278, %get3A_279] {strides = array<i32>} : memref<64x768xf32, #tpu.memory_space<vmem>>, vector<16xf32>,
      %get3A_281 = arith.index_cast %scan3A_42 : i32 to index
      %get3A_282 = arith.constant 304 : index
      %get3A_283 = tpu.vector_load %arg9[%get3A_281, %get3A_282] {strides = array<i32>} : memref<64x768xf32, #tpu.memory_space<vmem>>, vector<16xf32>,
      %mul3A_284 = arith.mulf %gather3A, %get3A_280 : vector<16xf32>
      %mul3A_285 = arith.mulf %gather3A_51, %get3A_283 : vector<16xf32>
      %add3A_286 = arith.addf %mul3A_284, %mul3A_285 : vector<16xf32>
      %swap3A_287 = arith.index_cast %scan3A_42 : i32 to index
      %swap3A_288 = arith.constant 304 : index
      %swap3A_289 = tpu.vector_load %arg8[%swap3A_287, %swap3A_288] {strides = array<i32>} : memref<64x768xf32, #tpu.memory_space<vmem>>, vector<16xf32>,
      tpu.vector_store %arg8[%swap3A_287, %swap3A_288], %add3A_286 {strides = array<i32>} : memref<64x768xf32, #tpu.memory_space<vmem>>, vector<16xf32>,
      %get3A_290 = arith.index_cast %scan3A_42 : i32 to index
      %get3A_291 = arith.constant 320 : index
      %get3A_292 = tpu.vector_load %arg8[%get3A_290, %get3A_291] {strides = array<i32>} : memref<64x768xf32, #tpu.memory_space<vmem>>, vector<16xf32>,
      %get3A_293 = arith.index_cast %scan3A_42 : i32 to index
      %get3A_294 = arith.constant 320 : index
      %get3A_295 = tpu.vector_load %arg9[%get3A_293, %get3A_294] {strides = array<i32>} : memref<64x768xf32, #tpu.memory_space<vmem>>, vector<16xf32>,
      %mul3A_296 = arith.mulf %gather3A, %get3A_292 : vector<16xf32>
      %mul3A_297 = arith.mulf %gather3A_51, %get3A_295 : vector<16xf32>
      %add3A_298 = arith.addf %mul3A_296, %mul3A_297 : vector<16xf32>
      %swap3A_299 = arith.index_cast %scan3A_42 : i32 to index
      %swap3A_300 = arith.constant 320 : index
      %swap3A_301 = tpu.vector_load %arg8[%swap3A_299, %swap3A_300] {strides = array<i32>} : memref<64x768xf32, #tpu.memory_space<vmem>>, vector<16xf32>,
      tpu.vector_store %arg8[%swap3A_299, %swap3A_300], %add3A_298 {strides = array<i32>} : memref<64x768xf32, #tpu.memory_space<vmem>>, vector<16xf32>,
      %get3A_302 = arith.index_cast %scan3A_42 : i32 to index
      %get3A_303 = arith.constant 336 : index
      %get3A_304 = tpu.vector_load %arg8[%get3A_302, %get3A_303] {strides = array<i32>} : memref<64x768xf32, #tpu.memory_space<vmem>>, vector<16xf32>,
      %get3A_305 = arith.index_cast %scan3A_42 : i32 to index
      %get3A_306 = arith.constant 336 : index
      %get3A_307 = tpu.vector_load %arg9[%get3A_305, %get3A_306] {strides = array<i32>} : memref<64x768xf32, #tpu.memory_space<vmem>>, vector<16xf32>,
      %mul3A_308 = arith.mulf %gather3A, %get3A_304 : vector<16xf32>
      %mul3A_309 = arith.mulf %gather3A_51, %get3A_307 : vector<16xf32>
      %add3A_310 = arith.addf %mul3A_308, %mul3A_309 : vector<16xf32>
      %swap3A_311 = arith.index_cast %scan3A_42 : i32 to index
      %swap3A_312 = arith.constant 336 : index
      %swap3A_313 = tpu.vector_load %arg8[%swap3A_311, %swap3A_312] {strides = array<i32>} : memref<64x768xf32, #tpu.memory_space<vmem>>, vector<16xf32>,
      tpu.vector_store %arg8[%swap3A_311, %swap3A_312], %add3A_310 {strides = array<i32>} : memref<64x768xf32, #tpu.memory_space<vmem>>, vector<16xf32>,
      %get3A_314 = arith.index_cast %scan3A_42 : i32 to index
      %get3A_315 = arith.constant 352 : index
      %get3A_316 = tpu.vector_load %arg8[%get3A_314, %get3A_315] {strides = array<i32>} : memref<64x768xf32, #tpu.memory_space<vmem>>, vector<16xf32>,
      %get3A_317 = arith.index_cast %scan3A_42 : i32 to index
      %get3A_318 = arith.constant 352 : index
      %get3A_319 = tpu.vector_load %arg9[%get3A_317, %get3A_318] {strides = array<i32>} : memref<64x768xf32, #tpu.memory_space<vmem>>, vector<16xf32>,
      %mul3A_320 = arith.mulf %gather3A, %get3A_316 : vector<16xf32>
      %mul3A_321 = arith.mulf %gather3A_51, %get3A_319 : vector<16xf32>
      %add3A_322 = arith.addf %mul3A_320, %mul3A_321 : vector<16xf32>
      %swap3A_323 = arith.index_cast %scan3A_42 : i32 to index
      %swap3A_324 = arith.constant 352 : index
      %swap3A_325 = tpu.vector_load %arg8[%swap3A_323, %swap3A_324] {strides = array<i32>} : memref<64x768xf32, #tpu.memory_space<vmem>>, vector<16xf32>,
      tpu.vector_store %arg8[%swap3A_323, %swap3A_324], %add3A_322 {strides = array<i32>} : memref<64x768xf32, #tpu.memory_space<vmem>>, vector<16xf32>,
      %get3A_326 = arith.index_cast %scan3A_42 : i32 to index
      %get3A_327 = arith.constant 368 : index
      %get3A_328 = tpu.vector_load %arg8[%get3A_326, %get3A_327] {strides = array<i32>} : memref<64x768xf32, #tpu.memory_space<vmem>>, vector<16xf32>,
      %get3A_329 = arith.index_cast %scan3A_42 : i32 to index
      %get3A_330 = arith.constant 368 : index
      %get3A_331 = tpu.vector_load %arg9[%get3A_329, %get3A_330] {strides = array<i32>} : memref<64x768xf32, #tpu.memory_space<vmem>>, vector<16xf32>,
      %mul3A_332 = arith.mulf %gather3A, %get3A_328 : vector<16xf32>
      %mul3A_333 = arith.mulf %gather3A_51, %get3A_331 : vector<16xf32>
      %add3A_334 = arith.addf %mul3A_332, %mul3A_333 : vector<16xf32>
      %swap3A_335 = arith.index_cast %scan3A_42 : i32 to index
      %swap3A_336 = arith.constant 368 : index
      %swap3A_337 = tpu.vector_load %arg8[%swap3A_335, %swap3A_336] {strides = array<i32>} : memref<64x768xf32, #tpu.memory_space<vmem>>, vector<16xf32>,
      tpu.vector_store %arg8[%swap3A_335, %swap3A_336], %add3A_334 {strides = array<i32>} : memref<64x768xf32, #tpu.memory_space<vmem>>, vector<16xf32>,
      %get3A_338 = arith.index_cast %scan3A_42 : i32 to index
      %get3A_339 = arith.constant 384 : index
      %get3A_340 = tpu.vector_load %arg8[%get3A_338, %get3A_339] {strides = array<i32>} : memref<64x768xf32, #tpu.memory_space<vmem>>, vector<16xf32>,
      %get3A_341 = arith.index_cast %scan3A_42 : i32 to index
      %get3A_342 = arith.constant 384 : index
      %get3A_343 = tpu.vector_load %arg9[%get3A_341, %get3A_342] {strides = array<i32>} : memref<64x768xf32, #tpu.memory_space<vmem>>, vector<16xf32>,
      %mul3A_344 = arith.mulf %gather3A, %get3A_340 : vector<16xf32>
      %mul3A_345 = arith.mulf %gather3A_51, %get3A_343 : vector<16xf32>
      %add3A_346 = arith.addf %mul3A_344, %mul3A_345 : vector<16xf32>
      %swap3A_347 = arith.index_cast %scan3A_42 : i32 to index
      %swap3A_348 = arith.constant 384 : index
      %swap3A_349 = tpu.vector_load %arg8[%swap3A_347, %swap3A_348] {strides = array<i32>} : memref<64x768xf32, #tpu.memory_space<vmem>>, vector<16xf32>,
      tpu.vector_store %arg8[%swap3A_347, %swap3A_348], %add3A_346 {strides = array<i32>} : memref<64x768xf32, #tpu.memory_space<vmem>>, vector<16xf32>,
      %get3A_350 = arith.index_cast %scan3A_42 : i32 to index
      %get3A_351 = arith.constant 400 : index
      %get3A_352 = tpu.vector_load %arg8[%get3A_350, %get3A_351] {strides = array<i32>} : memref<64x768xf32, #tpu.memory_space<vmem>>, vector<16xf32>,
      %get3A_353 = arith.index_cast %scan3A_42 : i32 to index
      %get3A_354 = arith.constant 400 : index
      %get3A_355 = tpu.vector_load %arg9[%get3A_353, %get3A_354] {strides = array<i32>} : memref<64x768xf32, #tpu.memory_space<vmem>>, vector<16xf32>,
      %mul3A_356 = arith.mulf %gather3A, %get3A_352 : vector<16xf32>
      %mul3A_357 = arith.mulf %gather3A_51, %get3A_355 : vector<16xf32>
      %add3A_358 = arith.addf %mul3A_356, %mul3A_357 : vector<16xf32>
      %swap3A_359 = arith.index_cast %scan3A_42 : i32 to index
      %swap3A_360 = arith.constant 400 : index
      %swap3A_361 = tpu.vector_load %arg8[%swap3A_359, %swap3A_360] {strides = array<i32>} : memref<64x768xf32, #tpu.memory_space<vmem>>, vector<16xf32>,
      tpu.vector_store %arg8[%swap3A_359, %swap3A_360], %add3A_358 {strides = array<i32>} : memref<64x768xf32, #tpu.memory_space<vmem>>, vector<16xf32>,
      %get3A_362 = arith.index_cast %scan3A_42 : i32 to index
      %get3A_363 = arith.constant 416 : index
      %get3A_364 = tpu.vector_load %arg8[%get3A_362, %get3A_363] {strides = array<i32>} : memref<64x768xf32, #tpu.memory_space<vmem>>, vector<16xf32>,
      %get3A_365 = arith.index_cast %scan3A_42 : i32 to index
      %get3A_366 = arith.constant 416 : index
      %get3A_367 = tpu.vector_load %arg9[%get3A_365, %get3A_366] {strides = array<i32>} : memref<64x768xf32, #tpu.memory_space<vmem>>, vector<16xf32>,
      %mul3A_368 = arith.mulf %gather3A, %get3A_364 : vector<16xf32>
      %mul3A_369 = arith.mulf %gather3A_51, %get3A_367 : vector<16xf32>
      %add3A_370 = arith.addf %mul3A_368, %mul3A_369 : vector<16xf32>
      %swap3A_371 = arith.index_cast %scan3A_42 : i32 to index
      %swap3A_372 = arith.constant 416 : index
      %swap3A_373 = tpu.vector_load %arg8[%swap3A_371, %swap3A_372] {strides = array<i32>} : memref<64x768xf32, #tpu.memory_space<vmem>>, vector<16xf32>,
      tpu.vector_store %arg8[%swap3A_371, %swap3A_372], %add3A_370 {strides = array<i32>} : memref<64x768xf32, #tpu.memory_space<vmem>>, vector<16xf32>,
      %get3A_374 = arith.index_cast %scan3A_42 : i32 to index
      %get3A_375 = arith.constant 432 : index
      %get3A_376 = tpu.vector_load %arg8[%get3A_374, %get3A_375] {strides = array<i32>} : memref<64x768xf32, #tpu.memory_space<vmem>>, vector<16xf32>,
      %get3A_377 = arith.index_cast %scan3A_42 : i32 to index
      %get3A_378 = arith.constant 432 : index
      %get3A_379 = tpu.vector_load %arg9[%get3A_377, %get3A_378] {strides = array<i32>} : memref<64x768xf32, #tpu.memory_space<vmem>>, vector<16xf32>,
      %mul3A_380 = arith.mulf %gather3A, %get3A_376 : vector<16xf32>
      %mul3A_381 = arith.mulf %gather3A_51, %get3A_379 : vector<16xf32>
      %add3A_382 = arith.addf %mul3A_380, %mul3A_381 : vector<16xf32>
      %swap3A_383 = arith.index_cast %scan3A_42 : i32 to index
      %swap3A_384 = arith.constant 432 : index
      %swap3A_385 = tpu.vector_load %arg8[%swap3A_383, %swap3A_384] {strides = array<i32>} : memref<64x768xf32, #tpu.memory_space<vmem>>, vector<16xf32>,
      tpu.vector_store %arg8[%swap3A_383, %swap3A_384], %add3A_382 {strides = array<i32>} : memref<64x768xf32, #tpu.memory_space<vmem>>, vector<16xf32>,
      %get3A_386 = arith.index_cast %scan3A_42 : i32 to index
      %get3A_387 = arith.constant 448 : index
      %get3A_388 = tpu.vector_load %arg8[%get3A_386, %get3A_387] {strides = array<i32>} : memref<64x768xf32, #tpu.memory_space<vmem>>, vector<16xf32>,
      %get3A_389 = arith.index_cast %scan3A_42 : i32 to index
      %get3A_390 = arith.constant 448 : index
      %get3A_391 = tpu.vector_load %arg9[%get3A_389, %get3A_390] {strides = array<i32>} : memref<64x768xf32, #tpu.memory_space<vmem>>, vector<16xf32>,
      %mul3A_392 = arith.mulf %gather3A, %get3A_388 : vector<16xf32>
      %mul3A_393 = arith.mulf %gather3A_51, %get3A_391 : vector<16xf32>
      %add3A_394 = arith.addf %mul3A_392, %mul3A_393 : vector<16xf32>
      %swap3A_395 = arith.index_cast %scan3A_42 : i32 to index
      %swap3A_396 = arith.constant 448 : index
      %swap3A_397 = tpu.vector_load %arg8[%swap3A_395, %swap3A_396] {strides = array<i32>} : memref<64x768xf32, #tpu.memory_space<vmem>>, vector<16xf32>,
      tpu.vector_store %arg8[%swap3A_395, %swap3A_396], %add3A_394 {strides = array<i32>} : memref<64x768xf32, #tpu.memory_space<vmem>>, vector<16xf32>,
      %get3A_398 = arith.index_cast %scan3A_42 : i32 to index
      %get3A_399 = arith.constant 464 : index
      %get3A_400 = tpu.vector_load %arg8[%get3A_398, %get3A_399] {strides = array<i32>} : memref<64x768xf32, #tpu.memory_space<vmem>>, vector<16xf32>,
      %get3A_401 = arith.index_cast %scan3A_42 : i32 to index
      %get3A_402 = arith.constant 464 : index
      %get3A_403 = tpu.vector_load %arg9[%get3A_401, %get3A_402] {strides = array<i32>} : memref<64x768xf32, #tpu.memory_space<vmem>>, vector<16xf32>,
      %mul3A_404 = arith.mulf %gather3A, %get3A_400 : vector<16xf32>
      %mul3A_405 = arith.mulf %gather3A_51, %get3A_403 : vector<16xf32>
      %add3A_406 = arith.addf %mul3A_404, %mul3A_405 : vector<16xf32>
      %swap3A_407 = arith.index_cast %scan3A_42 : i32 to index
      %swap3A_408 = arith.constant 464 : index
      %swap3A_409 = tpu.vector_load %arg8[%swap3A_407, %swap3A_408] {strides = array<i32>} : memref<64x768xf32, #tpu.memory_space<vmem>>, vector<16xf32>,
      tpu.vector_store %arg8[%swap3A_407, %swap3A_408], %add3A_406 {strides = array<i32>} : memref<64x768xf32, #tpu.memory_space<vmem>>, vector<16xf32>,
      %get3A_410 = arith.index_cast %scan3A_42 : i32 to index
      %get3A_411 = arith.constant 480 : index
      %get3A_412 = tpu.vector_load %arg8[%get3A_410, %get3A_411] {strides = array<i32>} : memref<64x768xf32, #tpu.memory_space<vmem>>, vector<16xf32>,
      %get3A_413 = arith.index_cast %scan3A_42 : i32 to index
      %get3A_414 = arith.constant 480 : index
      %get3A_415 = tpu.vector_load %arg9[%get3A_413, %get3A_414] {strides = array<i32>} : memref<64x768xf32, #tpu.memory_space<vmem>>, vector<16xf32>,
      %mul3A_416 = arith.mulf %gather3A, %get3A_412 : vector<16xf32>
      %mul3A_417 = arith.mulf %gather3A_51, %get3A_415 : vector<16xf32>
      %add3A_418 = arith.addf %mul3A_416, %mul3A_417 : vector<16xf32>
      %swap3A_419 = arith.index_cast %scan3A_42 : i32 to index
      %swap3A_420 = arith.constant 480 : index
      %swap3A_421 = tpu.vector_load %arg8[%swap3A_419, %swap3A_420] {strides = array<i32>} : memref<64x768xf32, #tpu.memory_space<vmem>>, vector<16xf32>,
      tpu.vector_store %arg8[%swap3A_419, %swap3A_420], %add3A_418 {strides = array<i32>} : memref<64x768xf32, #tpu.memory_space<vmem>>, vector<16xf32>,
      %get3A_422 = arith.index_cast %scan3A_42 : i32 to index
      %get3A_423 = arith.constant 496 : index
      %get3A_424 = tpu.vector_load %arg8[%get3A_422, %get3A_423] {strides = array<i32>} : memref<64x768xf32, #tpu.memory_space<vmem>>, vector<16xf32>,
      %get3A_425 = arith.index_cast %scan3A_42 : i32 to index
      %get3A_426 = arith.constant 496 : index
      %get3A_427 = tpu.vector_load %arg9[%get3A_425, %get3A_426] {strides = array<i32>} : memref<64x768xf32, #tpu.memory_space<vmem>>, vector<16xf32>,
      %mul3A_428 = arith.mulf %gather3A, %get3A_424 : vector<16xf32>
      %mul3A_429 = arith.mulf %gather3A_51, %get3A_427 : vector<16xf32>
      %add3A_430 = arith.addf %mul3A_428, %mul3A_429 : vector<16xf32>
      %swap3A_431 = arith.index_cast %scan3A_42 : i32 to index
      %swap3A_432 = arith.constant 496 : index
      %swap3A_433 = tpu.vector_load %arg8[%swap3A_431, %swap3A_432] {strides = array<i32>} : memref<64x768xf32, #tpu.memory_space<vmem>>, vector<16xf32>,
      tpu.vector_store %arg8[%swap3A_431, %swap3A_432], %add3A_430 {strides = array<i32>} : memref<64x768xf32, #tpu.memory_space<vmem>>, vector<16xf32>,
      %get3A_434 = arith.index_cast %scan3A_42 : i32 to index
      %get3A_435 = arith.constant 512 : index
      %get3A_436 = tpu.vector_load %arg8[%get3A_434, %get3A_435] {strides = array<i32>} : memref<64x768xf32, #tpu.memory_space<vmem>>, vector<16xf32>,
      %get3A_437 = arith.index_cast %scan3A_42 : i32 to index
      %get3A_438 = arith.constant 512 : index
      %get3A_439 = tpu.vector_load %arg9[%get3A_437, %get3A_438] {strides = array<i32>} : memref<64x768xf32, #tpu.memory_space<vmem>>, vector<16xf32>,
      %mul3A_440 = arith.mulf %gather3A, %get3A_436 : vector<16xf32>
      %mul3A_441 = arith.mulf %gather3A_51, %get3A_439 : vector<16xf32>
      %add3A_442 = arith.addf %mul3A_440, %mul3A_441 : vector<16xf32>
      %swap3A_443 = arith.index_cast %scan3A_42 : i32 to index
      %swap3A_444 = arith.constant 512 : index
      %swap3A_445 = tpu.vector_load %arg8[%swap3A_443, %swap3A_444] {strides = array<i32>} : memref<64x768xf32, #tpu.memory_space<vmem>>, vector<16xf32>,
      tpu.vector_store %arg8[%swap3A_443, %swap3A_444], %add3A_442 {strides = array<i32>} : memref<64x768xf32, #tpu.memory_space<vmem>>, vector<16xf32>,
      %get3A_446 = arith.index_cast %scan3A_42 : i32 to index
      %get3A_447 = arith.constant 528 : index
      %get3A_448 = tpu.vector_load %arg8[%get3A_446, %get3A_447] {strides = array<i32>} : memref<64x768xf32, #tpu.memory_space<vmem>>, vector<16xf32>,
      %get3A_449 = arith.index_cast %scan3A_42 : i32 to index
      %get3A_450 = arith.constant 528 : index
      %get3A_451 = tpu.vector_load %arg9[%get3A_449, %get3A_450] {strides = array<i32>} : memref<64x768xf32, #tpu.memory_space<vmem>>, vector<16xf32>,
      %mul3A_452 = arith.mulf %gather3A, %get3A_448 : vector<16xf32>
      %mul3A_453 = arith.mulf %gather3A_51, %get3A_451 : vector<16xf32>
      %add3A_454 = arith.addf %mul3A_452, %mul3A_453 : vector<16xf32>
      %swap3A_455 = arith.index_cast %scan3A_42 : i32 to index
      %swap3A_456 = arith.constant 528 : index
      %swap3A_457 = tpu.vector_load %arg8[%swap3A_455, %swap3A_456] {strides = array<i32>} : memref<64x768xf32, #tpu.memory_space<vmem>>, vector<16xf32>,
      tpu.vector_store %arg8[%swap3A_455, %swap3A_456], %add3A_454 {strides = array<i32>} : memref<64x768xf32, #tpu.memory_space<vmem>>, vector<16xf32>,
      %get3A_458 = arith.index_cast %scan3A_42 : i32 to index
      %get3A_459 = arith.constant 544 : index
      %get3A_460 = tpu.vector_load %arg8[%get3A_458, %get3A_459] {strides = array<i32>} : memref<64x768xf32, #tpu.memory_space<vmem>>, vector<16xf32>,
      %get3A_461 = arith.index_cast %scan3A_42 : i32 to index
      %get3A_462 = arith.constant 544 : index
      %get3A_463 = tpu.vector_load %arg9[%get3A_461, %get3A_462] {strides = array<i32>} : memref<64x768xf32, #tpu.memory_space<vmem>>, vector<16xf32>,
      %mul3A_464 = arith.mulf %gather3A, %get3A_460 : vector<16xf32>
      %mul3A_465 = arith.mulf %gather3A_51, %get3A_463 : vector<16xf32>
      %add3A_466 = arith.addf %mul3A_464, %mul3A_465 : vector<16xf32>
      %swap3A_467 = arith.index_cast %scan3A_42 : i32 to index
      %swap3A_468 = arith.constant 544 : index
      %swap3A_469 = tpu.vector_load %arg8[%swap3A_467, %swap3A_468] {strides = array<i32>} : memref<64x768xf32, #tpu.memory_space<vmem>>, vector<16xf32>,
      tpu.vector_store %arg8[%swap3A_467, %swap3A_468], %add3A_466 {strides = array<i32>} : memref<64x768xf32, #tpu.memory_space<vmem>>, vector<16xf32>,
      %get3A_470 = arith.index_cast %scan3A_42 : i32 to index
      %get3A_471 = arith.constant 560 : index
      %get3A_472 = tpu.vector_load %arg8[%get3A_470, %get3A_471] {strides = array<i32>} : memref<64x768xf32, #tpu.memory_space<vmem>>, vector<16xf32>,
      %get3A_473 = arith.index_cast %scan3A_42 : i32 to index
      %get3A_474 = arith.constant 560 : index
      %get3A_475 = tpu.vector_load %arg9[%get3A_473, %get3A_474] {strides = array<i32>} : memref<64x768xf32, #tpu.memory_space<vmem>>, vector<16xf32>,
      %mul3A_476 = arith.mulf %gather3A, %get3A_472 : vector<16xf32>
      %mul3A_477 = arith.mulf %gather3A_51, %get3A_475 : vector<16xf32>
      %add3A_478 = arith.addf %mul3A_476, %mul3A_477 : vector<16xf32>
      %swap3A_479 = arith.index_cast %scan3A_42 : i32 to index
      %swap3A_480 = arith.constant 560 : index
      %swap3A_481 = tpu.vector_load %arg8[%swap3A_479, %swap3A_480] {strides = array<i32>} : memref<64x768xf32, #tpu.memory_space<vmem>>, vector<16xf32>,
      tpu.vector_store %arg8[%swap3A_479, %swap3A_480], %add3A_478 {strides = array<i32>} : memref<64x768xf32, #tpu.memory_space<vmem>>, vector<16xf32>,
      %get3A_482 = arith.index_cast %scan3A_42 : i32 to index
      %get3A_483 = arith.constant 576 : index
      %get3A_484 = tpu.vector_load %arg8[%get3A_482, %get3A_483] {strides = array<i32>} : memref<64x768xf32, #tpu.memory_space<vmem>>, vector<16xf32>,
      %get3A_485 = arith.index_cast %scan3A_42 : i32 to index
      %get3A_486 = arith.constant 576 : index
      %get3A_487 = tpu.vector_load %arg9[%get3A_485, %get3A_486] {strides = array<i32>} : memref<64x768xf32, #tpu.memory_space<vmem>>, vector<16xf32>,
      %mul3A_488 = arith.mulf %gather3A, %get3A_484 : vector<16xf32>
      %mul3A_489 = arith.mulf %gather3A_51, %get3A_487 : vector<16xf32>
      %add3A_490 = arith.addf %mul3A_488, %mul3A_489 : vector<16xf32>
      %swap3A_491 = arith.index_cast %scan3A_42 : i32 to index
      %swap3A_492 = arith.constant 576 : index
      %swap3A_493 = tpu.vector_load %arg8[%swap3A_491, %swap3A_492] {strides = array<i32>} : memref<64x768xf32, #tpu.memory_space<vmem>>, vector<16xf32>,
      tpu.vector_store %arg8[%swap3A_491, %swap3A_492], %add3A_490 {strides = array<i32>} : memref<64x768xf32, #tpu.memory_space<vmem>>, vector<16xf32>,
      %get3A_494 = arith.index_cast %scan3A_42 : i32 to index
      %get3A_495 = arith.constant 592 : index
      %get3A_496 = tpu.vector_load %arg8[%get3A_494, %get3A_495] {strides = array<i32>} : memref<64x768xf32, #tpu.memory_space<vmem>>, vector<16xf32>,
      %get3A_497 = arith.index_cast %scan3A_42 : i32 to index
      %get3A_498 = arith.constant 592 : index
      %get3A_499 = tpu.vector_load %arg9[%get3A_497, %get3A_498] {strides = array<i32>} : memref<64x768xf32, #tpu.memory_space<vmem>>, vector<16xf32>,
      %mul3A_500 = arith.mulf %gather3A, %get3A_496 : vector<16xf32>
      %mul3A_501 = arith.mulf %gather3A_51, %get3A_499 : vector<16xf32>
      %add3A_502 = arith.addf %mul3A_500, %mul3A_501 : vector<16xf32>
      %swap3A_503 = arith.index_cast %scan3A_42 : i32 to index
      %swap3A_504 = arith.constant 592 : index
      %swap3A_505 = tpu.vector_load %arg8[%swap3A_503, %swap3A_504] {strides = array<i32>} : memref<64x768xf32, #tpu.memory_space<vmem>>, vector<16xf32>,
      tpu.vector_store %arg8[%swap3A_503, %swap3A_504], %add3A_502 {strides = array<i32>} : memref<64x768xf32, #tpu.memory_space<vmem>>, vector<16xf32>,
      %get3A_506 = arith.index_cast %scan3A_42 : i32 to index
      %get3A_507 = arith.constant 608 : index
      %get3A_508 = tpu.vector_load %arg8[%get3A_506, %get3A_507] {strides = array<i32>} : memref<64x768xf32, #tpu.memory_space<vmem>>, vector<16xf32>,
      %get3A_509 = arith.index_cast %scan3A_42 : i32 to index
      %get3A_510 = arith.constant 608 : index
      %get3A_511 = tpu.vector_load %arg9[%get3A_509, %get3A_510] {strides = array<i32>} : memref<64x768xf32, #tpu.memory_space<vmem>>, vector<16xf32>,
      %mul3A_512 = arith.mulf %gather3A, %get3A_508 : vector<16xf32>
      %mul3A_513 = arith.mulf %gather3A_51, %get3A_511 : vector<16xf32>
      %add3A_514 = arith.addf %mul3A_512, %mul3A_513 : vector<16xf32>
      %swap3A_515 = arith.index_cast %scan3A_42 : i32 to index
      %swap3A_516 = arith.constant 608 : index
      %swap3A_517 = tpu.vector_load %arg8[%swap3A_515, %swap3A_516] {strides = array<i32>} : memref<64x768xf32, #tpu.memory_space<vmem>>, vector<16xf32>,
      tpu.vector_store %arg8[%swap3A_515, %swap3A_516], %add3A_514 {strides = array<i32>} : memref<64x768xf32, #tpu.memory_space<vmem>>, vector<16xf32>,
      %get3A_518 = arith.index_cast %scan3A_42 : i32 to index
      %get3A_519 = arith.constant 624 : index
      %get3A_520 = tpu.vector_load %arg8[%get3A_518, %get3A_519] {strides = array<i32>} : memref<64x768xf32, #tpu.memory_space<vmem>>, vector<16xf32>,
      %get3A_521 = arith.index_cast %scan3A_42 : i32 to index
      %get3A_522 = arith.constant 624 : index
      %get3A_523 = tpu.vector_load %arg9[%get3A_521, %get3A_522] {strides = array<i32>} : memref<64x768xf32, #tpu.memory_space<vmem>>, vector<16xf32>,
      %mul3A_524 = arith.mulf %gather3A, %get3A_520 : vector<16xf32>
      %mul3A_525 = arith.mulf %gather3A_51, %get3A_523 : vector<16xf32>
      %add3A_526 = arith.addf %mul3A_524, %mul3A_525 : vector<16xf32>
      %swap3A_527 = arith.index_cast %scan3A_42 : i32 to index
      %swap3A_528 = arith.constant 624 : index
      %swap3A_529 = tpu.vector_load %arg8[%swap3A_527, %swap3A_528] {strides = array<i32>} : memref<64x768xf32, #tpu.memory_space<vmem>>, vector<16xf32>,
      tpu.vector_store %arg8[%swap3A_527, %swap3A_528], %add3A_526 {strides = array<i32>} : memref<64x768xf32, #tpu.memory_space<vmem>>, vector<16xf32>,
      %get3A_530 = arith.index_cast %scan3A_42 : i32 to index
      %get3A_531 = arith.constant 640 : index
      %get3A_532 = tpu.vector_load %arg8[%get3A_530, %get3A_531] {strides = array<i32>} : memref<64x768xf32, #tpu.memory_space<vmem>>, vector<16xf32>,
      %get3A_533 = arith.index_cast %scan3A_42 : i32 to index
      %get3A_534 = arith.constant 640 : index
      %get3A_535 = tpu.vector_load %arg9[%get3A_533, %get3A_534] {strides = array<i32>} : memref<64x768xf32, #tpu.memory_space<vmem>>, vector<16xf32>,
      %mul3A_536 = arith.mulf %gather3A, %get3A_532 : vector<16xf32>
      %mul3A_537 = arith.mulf %gather3A_51, %get3A_535 : vector<16xf32>
      %add3A_538 = arith.addf %mul3A_536, %mul3A_537 : vector<16xf32>
      %swap3A_539 = arith.index_cast %scan3A_42 : i32 to index
      %swap3A_540 = arith.constant 640 : index
      %swap3A_541 = tpu.vector_load %arg8[%swap3A_539, %swap3A_540] {strides = array<i32>} : memref<64x768xf32, #tpu.memory_space<vmem>>, vector<16xf32>,
      tpu.vector_store %arg8[%swap3A_539, %swap3A_540], %add3A_538 {strides = array<i32>} : memref<64x768xf32, #tpu.memory_space<vmem>>, vector<16xf32>,
      %get3A_542 = arith.index_cast %scan3A_42 : i32 to index
      %get3A_543 = arith.constant 656 : index
      %get3A_544 = tpu.vector_load %arg8[%get3A_542, %get3A_543] {strides = array<i32>} : memref<64x768xf32, #tpu.memory_space<vmem>>, vector<16xf32>,
      %get3A_545 = arith.index_cast %scan3A_42 : i32 to index
      %get3A_546 = arith.constant 656 : index
      %get3A_547 = tpu.vector_load %arg9[%get3A_545, %get3A_546] {strides = array<i32>} : memref<64x768xf32, #tpu.memory_space<vmem>>, vector<16xf32>,
      %mul3A_548 = arith.mulf %gather3A, %get3A_544 : vector<16xf32>
      %mul3A_549 = arith.mulf %gather3A_51, %get3A_547 : vector<16xf32>
      %add3A_550 = arith.addf %mul3A_548, %mul3A_549 : vector<16xf32>
      %swap3A_551 = arith.index_cast %scan3A_42 : i32 to index
      %swap3A_552 = arith.constant 656 : index
      %swap3A_553 = tpu.vector_load %arg8[%swap3A_551, %swap3A_552] {strides = array<i32>} : memref<64x768xf32, #tpu.memory_space<vmem>>, vector<16xf32>,
      tpu.vector_store %arg8[%swap3A_551, %swap3A_552], %add3A_550 {strides = array<i32>} : memref<64x768xf32, #tpu.memory_space<vmem>>, vector<16xf32>,
      %get3A_554 = arith.index_cast %scan3A_42 : i32 to index
      %get3A_555 = arith.constant 672 : index
      %get3A_556 = tpu.vector_load %arg8[%get3A_554, %get3A_555] {strides = array<i32>} : memref<64x768xf32, #tpu.memory_space<vmem>>, vector<16xf32>,
      %get3A_557 = arith.index_cast %scan3A_42 : i32 to index
      %get3A_558 = arith.constant 672 : index
      %get3A_559 = tpu.vector_load %arg9[%get3A_557, %get3A_558] {strides = array<i32>} : memref<64x768xf32, #tpu.memory_space<vmem>>, vector<16xf32>,
      %mul3A_560 = arith.mulf %gather3A, %get3A_556 : vector<16xf32>
      %mul3A_561 = arith.mulf %gather3A_51, %get3A_559 : vector<16xf32>
      %add3A_562 = arith.addf %mul3A_560, %mul3A_561 : vector<16xf32>
      %swap3A_563 = arith.index_cast %scan3A_42 : i32 to index
      %swap3A_564 = arith.constant 672 : index
      %swap3A_565 = tpu.vector_load %arg8[%swap3A_563, %swap3A_564] {strides = array<i32>} : memref<64x768xf32, #tpu.memory_space<vmem>>, vector<16xf32>,
      tpu.vector_store %arg8[%swap3A_563, %swap3A_564], %add3A_562 {strides = array<i32>} : memref<64x768xf32, #tpu.memory_space<vmem>>, vector<16xf32>,
      %get3A_566 = arith.index_cast %scan3A_42 : i32 to index
      %get3A_567 = arith.constant 688 : index
      %get3A_568 = tpu.vector_load %arg8[%get3A_566, %get3A_567] {strides = array<i32>} : memref<64x768xf32, #tpu.memory_space<vmem>>, vector<16xf32>,
      %get3A_569 = arith.index_cast %scan3A_42 : i32 to index
      %get3A_570 = arith.constant 688 : index
      %get3A_571 = tpu.vector_load %arg9[%get3A_569, %get3A_570] {strides = array<i32>} : memref<64x768xf32, #tpu.memory_space<vmem>>, vector<16xf32>,
      %mul3A_572 = arith.mulf %gather3A, %get3A_568 : vector<16xf32>
      %mul3A_573 = arith.mulf %gather3A_51, %get3A_571 : vector<16xf32>
      %add3A_574 = arith.addf %mul3A_572, %mul3A_573 : vector<16xf32>
      %swap3A_575 = arith.index_cast %scan3A_42 : i32 to index
      %swap3A_576 = arith.constant 688 : index
      %swap3A_577 = tpu.vector_load %arg8[%swap3A_575, %swap3A_576] {strides = array<i32>} : memref<64x768xf32, #tpu.memory_space<vmem>>, vector<16xf32>,
      tpu.vector_store %arg8[%swap3A_575, %swap3A_576], %add3A_574 {strides = array<i32>} : memref<64x768xf32, #tpu.memory_space<vmem>>, vector<16xf32>,
      %get3A_578 = arith.index_cast %scan3A_42 : i32 to index
      %get3A_579 = arith.constant 704 : index
      %get3A_580 = tpu.vector_load %arg8[%get3A_578, %get3A_579] {strides = array<i32>} : memref<64x768xf32, #tpu.memory_space<vmem>>, vector<16xf32>,
      %get3A_581 = arith.index_cast %scan3A_42 : i32 to index
      %get3A_582 = arith.constant 704 : index
      %get3A_583 = tpu.vector_load %arg9[%get3A_581, %get3A_582] {strides = array<i32>} : memref<64x768xf32, #tpu.memory_space<vmem>>, vector<16xf32>,
      %mul3A_584 = arith.mulf %gather3A, %get3A_580 : vector<16xf32>
      %mul3A_585 = arith.mulf %gather3A_51, %get3A_583 : vector<16xf32>
      %add3A_586 = arith.addf %mul3A_584, %mul3A_585 : vector<16xf32>
      %swap3A_587 = arith.index_cast %scan3A_42 : i32 to index
      %swap3A_588 = arith.constant 704 : index
      %swap3A_589 = tpu.vector_load %arg8[%swap3A_587, %swap3A_588] {strides = array<i32>} : memref<64x768xf32, #tpu.memory_space<vmem>>, vector<16xf32>,
      tpu.vector_store %arg8[%swap3A_587, %swap3A_588], %add3A_586 {strides = array<i32>} : memref<64x768xf32, #tpu.memory_space<vmem>>, vector<16xf32>,
      %get3A_590 = arith.index_cast %scan3A_42 : i32 to index
      %get3A_591 = arith.constant 720 : index
      %get3A_592 = tpu.vector_load %arg8[%get3A_590, %get3A_591] {strides = array<i32>} : memref<64x768xf32, #tpu.memory_space<vmem>>, vector<16xf32>,
      %get3A_593 = arith.index_cast %scan3A_42 : i32 to index
      %get3A_594 = arith.constant 720 : index
      %get3A_595 = tpu.vector_load %arg9[%get3A_593, %get3A_594] {strides = array<i32>} : memref<64x768xf32, #tpu.memory_space<vmem>>, vector<16xf32>,
      %mul3A_596 = arith.mulf %gather3A, %get3A_592 : vector<16xf32>
      %mul3A_597 = arith.mulf %gather3A_51, %get3A_595 : vector<16xf32>
      %add3A_598 = arith.addf %mul3A_596, %mul3A_597 : vector<16xf32>
      %swap3A_599 = arith.index_cast %scan3A_42 : i32 to index
      %swap3A_600 = arith.constant 720 : index
      %swap3A_601 = tpu.vector_load %arg8[%swap3A_599, %swap3A_600] {strides = array<i32>} : memref<64x768xf32, #tpu.memory_space<vmem>>, vector<16xf32>,
      tpu.vector_store %arg8[%swap3A_599, %swap3A_600], %add3A_598 {strides = array<i32>} : memref<64x768xf32, #tpu.memory_space<vmem>>, vector<16xf32>,
      %get3A_602 = arith.index_cast %scan3A_42 : i32 to index
      %get3A_603 = arith.constant 736 : index
      %get3A_604 = tpu.vector_load %arg8[%get3A_602, %get3A_603] {strides = array<i32>} : memref<64x768xf32, #tpu.memory_space<vmem>>, vector<16xf32>,
      %get3A_605 = arith.index_cast %scan3A_42 : i32 to index
      %get3A_606 = arith.constant 736 : index
      %get3A_607 = tpu.vector_load %arg9[%get3A_605, %get3A_606] {strides = array<i32>} : memref<64x768xf32, #tpu.memory_space<vmem>>, vector<16xf32>,
      %mul3A_608 = arith.mulf %gather3A, %get3A_604 : vector<16xf32>
      %mul3A_609 = arith.mulf %gather3A_51, %get3A_607 : vector<16xf32>
      %add3A_610 = arith.addf %mul3A_608, %mul3A_609 : vector<16xf32>
      %swap3A_611 = arith.index_cast %scan3A_42 : i32 to index
      %swap3A_612 = arith.constant 736 : index
      %swap3A_613 = tpu.vector_load %arg8[%swap3A_611, %swap3A_612] {strides = array<i32>} : memref<64x768xf32, #tpu.memory_space<vmem>>, vector<16xf32>,
      tpu.vector_store %arg8[%swap3A_611, %swap3A_612], %add3A_610 {strides = array<i32>} : memref<64x768xf32, #tpu.memory_space<vmem>>, vector<16xf32>,
      %get3A_614 = arith.index_cast %scan3A_42 : i32 to index
      %get3A_615 = arith.constant 752 : index
      %get3A_616 = tpu.vector_load %arg8[%get3A_614, %get3A_615] {strides = array<i32>} : memref<64x768xf32, #tpu.memory_space<vmem>>, vector<16xf32>,
      %get3A_617 = arith.index_cast %scan3A_42 : i32 to index
      %get3A_618 = arith.constant 752 : index
      %get3A_619 = tpu.vector_load %arg9[%get3A_617, %get3A_618] {strides = array<i32>} : memref<64x768xf32, #tpu.memory_space<vmem>>, vector<16xf32>,
      %mul3A_620 = arith.mulf %gather3A, %get3A_616 : vector<16xf32>
      %mul3A_621 = arith.mulf %gather3A_51, %get3A_619 : vector<16xf32>
      %add3A_622 = arith.addf %mul3A_620, %mul3A_621 : vector<16xf32>
      %swap3A_623 = arith.index_cast %scan3A_42 : i32 to index
      %swap3A_624 = arith.constant 752 : index
      %swap3A_625 = tpu.vector_load %arg8[%swap3A_623, %swap3A_624] {strides = array<i32>} : memref<64x768xf32, #tpu.memory_space<vmem>>, vector<16xf32>,
      tpu.vector_store %arg8[%swap3A_623, %swap3A_624], %add3A_622 {strides = array<i32>} : memref<64x768xf32, #tpu.memory_space<vmem>>, vector<16xf32>,
      %scan3A_626 = arith.constant 0 : i32
      scf.yield %scan3A_626 : i32
    }
    %scan3A_20 = arith.constant 64 : i32
    "tpu.region"() ({
      %run_scoped3A = tpu.sem_alloc : memref<!tpu.dma_semaphore, #tpu.memory_space<semaphore_mem>>
      %dma_start3A_42 = arith.constant 0 : i32
      %dma_start3A_43 = tpu.memref_slice %arg7[%add3A_4, %dma_start3A_42] : memref<4096x768xf32, #tpu.memory_space<hbm>> -> memref<64x768xf32, #tpu.memory_space<hbm>>
      %dma_start3A_44 = arith.constant 0 : i32
      %dma_start3A_45 = tpu.memref_slice %arg7[%add3A_4, %dma_start3A_44] : memref<4096x768xf32, #tpu.memory_space<hbm>> -> memref<64x768xf32, #tpu.memory_space<hbm>>
      tpu.enqueue_dma source(%arg8 : memref<64x768xf32, #tpu.memory_space<vmem>>) target(%dma_start3A_45 : memref<64x768xf32, #tpu.memory_space<hbm>>) target_semaphore(%run_scoped3A : memref<!tpu.dma_semaphore, #tpu.memory_space<semaphore_mem>>)
      %dma_wait3A_46 = arith.constant 0 : i32
      %dma_wait3A_47 = tpu.memref_slice %arg7[%add3A_4, %dma_wait3A_46] : memref<4096x768xf32, #tpu.memory_space<hbm>> -> memref<64x768xf32, #tpu.memory_space<hbm>>
      %dma_wait3A_48 = arith.constant 0 : i32
      %dma_wait3A_49 = tpu.memref_slice %arg7[%add3A_4, %dma_wait3A_48] : memref<4096x768xf32, #tpu.memory_space<hbm>> -> memref<64x768xf32, #tpu.memory_space<hbm>>
      tpu.wait_dma2 semaphore(%run_scoped3A : memref<!tpu.dma_semaphore, #tpu.memory_space<semaphore_mem>>) src(%arg8 : memref<64x768xf32, #tpu.memory_space<vmem>>) dst(%dma_wait3A_49 : memref<64x768xf32, #tpu.memory_space<hbm>>)
      tpu.yield
    }) : () -> ()
    %add3A_21 = arith.constant 64 : i32
    %add3A_22 = arith.addi %mul3A_2, %add3A_21 : i32
    "tpu.region"() ({
      %run_scoped3A = tpu.sem_alloc : memref<!tpu.dma_semaphore, #tpu.memory_space<semaphore_mem>>
      %dma_start3A_42 = tpu.memref_slice %arg3[%add3A_22] : memref<4096xi32, #tpu.memory_space<hbm>> -> memref<64xi32, #tpu.memory_space<hbm>>
      %dma_start3A_43 = tpu.memref_slice %arg3[%add3A_22] : memref<4096xi32, #tpu.memory_space<hbm>> -> memref<64xi32, #tpu.memory_space<hbm>>
      tpu.enqueue_dma source(%dma_start3A_43 : memref<64xi32, #tpu.memory_space<hbm>>) target(%arg10 : memref<64xi32, #tpu.memory_space<vmem>>) target_semaphore(%run_scoped3A : memref<!tpu.dma_semaphore, #tpu.memory_space<semaphore_mem>>)
      %dma_wait3A_44 = tpu.memref_slice %arg3[%add3A_22] : memref<4096xi32, #tpu.memory_space<hbm>> -> memref<64xi32, #tpu.memory_space<hbm>>
      %dma_wait3A_45 = tpu.memref_slice %arg3[%add3A_22] : memref<4096xi32, #tpu.memory_space<hbm>> -> memref<64xi32, #tpu.memory_space<hbm>>
      tpu.wait_dma2 semaphore(%run_scoped3A : memref<!tpu.dma_semaphore, #tpu.memory_space<semaphore_mem>>) src(%dma_wait3A_45 : memref<64xi32, #tpu.memory_space<hbm>>) dst(%arg10 : memref<64xi32, #tpu.memory_space<vmem>>)
      tpu.yield
    }) : () -> ()
    "tpu.region"() ({
      %run_scoped3A = tpu.sem_alloc : memref<!tpu.dma_semaphore, #tpu.memory_space<semaphore_mem>>
      %dma_start3A_42 = tpu.memref_slice %arg4[%add3A_22] : memref<4096xi32, #tpu.memory_space<hbm>> -> memref<64xi32, #tpu.memory_space<hbm>>
      %dma_start3A_43 = tpu.memref_slice %arg4[%add3A_22] : memref<4096xi32, #tpu.memory_space<hbm>> -> memref<64xi32, #tpu.memory_space<hbm>>
      tpu.enqueue_dma source(%dma_start3A_43 : memref<64xi32, #tpu.memory_space<hbm>>) target(%arg11 : memref<64xi32, #tpu.memory_space<vmem>>) target_semaphore(%run_scoped3A : memref<!tpu.dma_semaphore, #tpu.memory_space<semaphore_mem>>)
      %dma_wait3A_44 = tpu.memref_slice %arg4[%add3A_22] : memref<4096xi32, #tpu.memory_space<hbm>> -> memref<64xi32, #tpu.memory_space<hbm>>
      %dma_wait3A_45 = tpu.memref_slice %arg4[%add3A_22] : memref<4096xi32, #tpu.memory_space<hbm>> -> memref<64xi32, #tpu.memory_space<hbm>>
      tpu.wait_dma2 semaphore(%run_scoped3A : memref<!tpu.dma_semaphore, #tpu.memory_space<semaphore_mem>>) src(%dma_wait3A_45 : memref<64xi32, #tpu.memory_space<hbm>>) dst(%arg11 : memref<64xi32, #tpu.memory_space<vmem>>)
      tpu.yield
    }) : () -> ()
    %dma_start3A_23 = arith.constant 0 : i32
    %dma_start3A_24 = arith.constant 0 : i32
    %dma_start3A_25 = tpu.memref_slice %arg2[%dma_start3A_23, %dma_start3A_24] : memref<12288x768xf32, #tpu.memory_space<hbm>> -> memref<12288x768xf32, #tpu.memory_space<hbm>>
    tpu.enqueue_indirect_dma source(%dma_start3A_25 : memref<12288x768xf32, #tpu.memory_space<hbm>>) target(%arg8 : memref<64x768xf32, #tpu.memory_space<vmem>>) offsets(%arg10 : memref<64xi32, #tpu.memory_space<vmem>>) semaphore(%arg14 : memref<!tpu.dma_semaphore, #tpu.memory_space<semaphore_mem>>)
    %dma_start3A_26 = arith.constant 0 : i32
    %dma_start3A_27 = arith.constant 0 : i32
    %dma_start3A_28 = tpu.memref_slice %arg2[%dma_start3A_26, %dma_start3A_27] : memref<12288x768xf32, #tpu.memory_space<hbm>> -> memref<12288x768xf32, #tpu.memory_space<hbm>>
    tpu.enqueue_indirect_dma source(%dma_start3A_28 : memref<12288x768xf32, #tpu.memory_space<hbm>>) target(%arg9 : memref<64x768xf32, #tpu.memory_space<vmem>>) offsets(%arg11 : memref<64xi32, #tpu.memory_space<vmem>>) semaphore(%arg15 : memref<!tpu.dma_semaphore, #tpu.memory_space<semaphore_mem>>)
    %dma_wait3A_29 = arith.constant 0 : i32
    %dma_wait3A_30 = arith.constant 0 : i32
    %dma_wait3A_31 = tpu.memref_slice %arg2[%dma_wait3A_29, %dma_wait3A_30] : memref<12288x768xf32, #tpu.memory_space<hbm>> -> memref<12288x768xf32, #tpu.memory_space<hbm>>
    tpu.wait_indirect_dma semaphore(%arg14 : memref<!tpu.dma_semaphore, #tpu.memory_space<semaphore_mem>>) src(%dma_wait3A_31 : memref<12288x768xf32, #tpu.memory_space<hbm>>) dst(%arg8 : memref<64x768xf32, #tpu.memory_space<vmem>>)
    %dma_wait3A_32 = arith.constant 0 : i32
    %dma_wait3A_33 = arith.constant 0 : i32
    %dma_wait3A_34 = tpu.memref_slice %arg2[%dma_wait3A_32, %dma_wait3A_33] : memref<12288x768xf32, #tpu.memory_space<hbm>> -> memref<12288x768xf32, #tpu.memory_space<hbm>>
    tpu.wait_indirect_dma semaphore(%arg15 : memref<!tpu.dma_semaphore, #tpu.memory_space<semaphore_mem>>) src(%dma_wait3A_34 : memref<12288x768xf32, #tpu.memory_space<hbm>>) dst(%arg9 : memref<64x768xf32, #tpu.memory_space<vmem>>)
    %scan3A_35 = arith.constant 0 : i32
    %scan3A_36 = arith.constant 0 : i32
    %scan3A_37 = arith.constant 64 : i32
    %scan3A_38 = arith.addi %scan3A_36, %scan3A_37 : i32
    %scan3A_39 = arith.constant 1 : i32
    %scan3A_40 = scf.for %scan3A_42 = %scan3A_36 to %scan3A_38 step %scan3A_39 iter_args(%scan3A_43 = %scan3A_35) -> (i32)  : i32 {
      %broadcast_in_dim3A = arith.constant 64 : i32
      %broadcast_in_dim3A_44 = vector.broadcast %broadcast_in_dim3A : i32 to vector<16xi32>
      %add3A_45 = vector.broadcast %scan3A_42 : i32 to vector<16xi32>
      %add3A_46 = arith.addi %broadcast_in_dim3A_44, %add3A_45 : vector<16xi32>
      %gather3A = tpu.vector_load_idx %arg12[%add3A_46] : memref<128xf32, #tpu.memory_space<vmem>>[vector<16xi32>], vector<16xf32>,
      %broadcast_in_dim3A_47 = arith.constant 64 : i32
      %broadcast_in_dim3A_48 = vector.broadcast %broadcast_in_dim3A_47 : i32 to vector<16xi32>
      %add3A_49 = vector.broadcast %scan3A_42 : i32 to vector<16xi32>
      %add3A_50 = arith.addi %broadcast_in_dim3A_48, %add3A_49 : vector<16xi32>
      %gather3A_51 = tpu.vector_load_idx %arg13[%add3A_50] : memref<128xf32, #tpu.memory_space<vmem>>[vector<16xi32>], vector<16xf32>,
      %get3A = arith.index_cast %scan3A_42 : i32 to index
      %get3A_52 = arith.constant 0 : index
      %get3A_53 = tpu.vector_load %arg8[%get3A, %get3A_52] {strides = array<i32>} : memref<64x768xf32, #tpu.memory_space<vmem>>, vector<16xf32>,
      %get3A_54 = arith.index_cast %scan3A_42 : i32 to index
      %get3A_55 = arith.constant 0 : index
      %get3A_56 = tpu.vector_load %arg9[%get3A_54, %get3A_55] {strides = array<i32>} : memref<64x768xf32, #tpu.memory_space<vmem>>, vector<16xf32>,
      %mul3A_57 = arith.mulf %gather3A, %get3A_53 : vector<16xf32>
      %mul3A_58 = arith.mulf %gather3A_51, %get3A_56 : vector<16xf32>
      %add3A_59 = arith.addf %mul3A_57, %mul3A_58 : vector<16xf32>
      %swap3A = arith.index_cast %scan3A_42 : i32 to index
      %swap3A_60 = arith.constant 0 : index
      %swap3A_61 = tpu.vector_load %arg8[%swap3A, %swap3A_60] {strides = array<i32>} : memref<64x768xf32, #tpu.memory_space<vmem>>, vector<16xf32>,
      tpu.vector_store %arg8[%swap3A, %swap3A_60], %add3A_59 {strides = array<i32>} : memref<64x768xf32, #tpu.memory_space<vmem>>, vector<16xf32>,
      %get3A_62 = arith.index_cast %scan3A_42 : i32 to index
      %get3A_63 = arith.constant 16 : index
      %get3A_64 = tpu.vector_load %arg8[%get3A_62, %get3A_63] {strides = array<i32>} : memref<64x768xf32, #tpu.memory_space<vmem>>, vector<16xf32>,
      %get3A_65 = arith.index_cast %scan3A_42 : i32 to index
      %get3A_66 = arith.constant 16 : index
      %get3A_67 = tpu.vector_load %arg9[%get3A_65, %get3A_66] {strides = array<i32>} : memref<64x768xf32, #tpu.memory_space<vmem>>, vector<16xf32>,
      %mul3A_68 = arith.mulf %gather3A, %get3A_64 : vector<16xf32>
      %mul3A_69 = arith.mulf %gather3A_51, %get3A_67 : vector<16xf32>
      %add3A_70 = arith.addf %mul3A_68, %mul3A_69 : vector<16xf32>
      %swap3A_71 = arith.index_cast %scan3A_42 : i32 to index
      %swap3A_72 = arith.constant 16 : index
      %swap3A_73 = tpu.vector_load %arg8[%swap3A_71, %swap3A_72] {strides = array<i32>} : memref<64x768xf32, #tpu.memory_space<vmem>>, vector<16xf32>,
      tpu.vector_store %arg8[%swap3A_71, %swap3A_72], %add3A_70 {strides = array<i32>} : memref<64x768xf32, #tpu.memory_space<vmem>>, vector<16xf32>,
      %get3A_74 = arith.index_cast %scan3A_42 : i32 to index
      %get3A_75 = arith.constant 32 : index
      %get3A_76 = tpu.vector_load %arg8[%get3A_74, %get3A_75] {strides = array<i32>} : memref<64x768xf32, #tpu.memory_space<vmem>>, vector<16xf32>,
      %get3A_77 = arith.index_cast %scan3A_42 : i32 to index
      %get3A_78 = arith.constant 32 : index
      %get3A_79 = tpu.vector_load %arg9[%get3A_77, %get3A_78] {strides = array<i32>} : memref<64x768xf32, #tpu.memory_space<vmem>>, vector<16xf32>,
      %mul3A_80 = arith.mulf %gather3A, %get3A_76 : vector<16xf32>
      %mul3A_81 = arith.mulf %gather3A_51, %get3A_79 : vector<16xf32>
      %add3A_82 = arith.addf %mul3A_80, %mul3A_81 : vector<16xf32>
      %swap3A_83 = arith.index_cast %scan3A_42 : i32 to index
      %swap3A_84 = arith.constant 32 : index
      %swap3A_85 = tpu.vector_load %arg8[%swap3A_83, %swap3A_84] {strides = array<i32>} : memref<64x768xf32, #tpu.memory_space<vmem>>, vector<16xf32>,
      tpu.vector_store %arg8[%swap3A_83, %swap3A_84], %add3A_82 {strides = array<i32>} : memref<64x768xf32, #tpu.memory_space<vmem>>, vector<16xf32>,
      %get3A_86 = arith.index_cast %scan3A_42 : i32 to index
      %get3A_87 = arith.constant 48 : index
      %get3A_88 = tpu.vector_load %arg8[%get3A_86, %get3A_87] {strides = array<i32>} : memref<64x768xf32, #tpu.memory_space<vmem>>, vector<16xf32>,
      %get3A_89 = arith.index_cast %scan3A_42 : i32 to index
      %get3A_90 = arith.constant 48 : index
      %get3A_91 = tpu.vector_load %arg9[%get3A_89, %get3A_90] {strides = array<i32>} : memref<64x768xf32, #tpu.memory_space<vmem>>, vector<16xf32>,
      %mul3A_92 = arith.mulf %gather3A, %get3A_88 : vector<16xf32>
      %mul3A_93 = arith.mulf %gather3A_51, %get3A_91 : vector<16xf32>
      %add3A_94 = arith.addf %mul3A_92, %mul3A_93 : vector<16xf32>
      %swap3A_95 = arith.index_cast %scan3A_42 : i32 to index
      %swap3A_96 = arith.constant 48 : index
      %swap3A_97 = tpu.vector_load %arg8[%swap3A_95, %swap3A_96] {strides = array<i32>} : memref<64x768xf32, #tpu.memory_space<vmem>>, vector<16xf32>,
      tpu.vector_store %arg8[%swap3A_95, %swap3A_96], %add3A_94 {strides = array<i32>} : memref<64x768xf32, #tpu.memory_space<vmem>>, vector<16xf32>,
      %get3A_98 = arith.index_cast %scan3A_42 : i32 to index
      %get3A_99 = arith.constant 64 : index
      %get3A_100 = tpu.vector_load %arg8[%get3A_98, %get3A_99] {strides = array<i32>} : memref<64x768xf32, #tpu.memory_space<vmem>>, vector<16xf32>,
      %get3A_101 = arith.index_cast %scan3A_42 : i32 to index
      %get3A_102 = arith.constant 64 : index
      %get3A_103 = tpu.vector_load %arg9[%get3A_101, %get3A_102] {strides = array<i32>} : memref<64x768xf32, #tpu.memory_space<vmem>>, vector<16xf32>,
      %mul3A_104 = arith.mulf %gather3A, %get3A_100 : vector<16xf32>
      %mul3A_105 = arith.mulf %gather3A_51, %get3A_103 : vector<16xf32>
      %add3A_106 = arith.addf %mul3A_104, %mul3A_105 : vector<16xf32>
      %swap3A_107 = arith.index_cast %scan3A_42 : i32 to index
      %swap3A_108 = arith.constant 64 : index
      %swap3A_109 = tpu.vector_load %arg8[%swap3A_107, %swap3A_108] {strides = array<i32>} : memref<64x768xf32, #tpu.memory_space<vmem>>, vector<16xf32>,
      tpu.vector_store %arg8[%swap3A_107, %swap3A_108], %add3A_106 {strides = array<i32>} : memref<64x768xf32, #tpu.memory_space<vmem>>, vector<16xf32>,
      %get3A_110 = arith.index_cast %scan3A_42 : i32 to index
      %get3A_111 = arith.constant 80 : index
      %get3A_112 = tpu.vector_load %arg8[%get3A_110, %get3A_111] {strides = array<i32>} : memref<64x768xf32, #tpu.memory_space<vmem>>, vector<16xf32>,
      %get3A_113 = arith.index_cast %scan3A_42 : i32 to index
      %get3A_114 = arith.constant 80 : index
      %get3A_115 = tpu.vector_load %arg9[%get3A_113, %get3A_114] {strides = array<i32>} : memref<64x768xf32, #tpu.memory_space<vmem>>, vector<16xf32>,
      %mul3A_116 = arith.mulf %gather3A, %get3A_112 : vector<16xf32>
      %mul3A_117 = arith.mulf %gather3A_51, %get3A_115 : vector<16xf32>
      %add3A_118 = arith.addf %mul3A_116, %mul3A_117 : vector<16xf32>
      %swap3A_119 = arith.index_cast %scan3A_42 : i32 to index
      %swap3A_120 = arith.constant 80 : index
      %swap3A_121 = tpu.vector_load %arg8[%swap3A_119, %swap3A_120] {strides = array<i32>} : memref<64x768xf32, #tpu.memory_space<vmem>>, vector<16xf32>,
      tpu.vector_store %arg8[%swap3A_119, %swap3A_120], %add3A_118 {strides = array<i32>} : memref<64x768xf32, #tpu.memory_space<vmem>>, vector<16xf32>,
      %get3A_122 = arith.index_cast %scan3A_42 : i32 to index
      %get3A_123 = arith.constant 96 : index
      %get3A_124 = tpu.vector_load %arg8[%get3A_122, %get3A_123] {strides = array<i32>} : memref<64x768xf32, #tpu.memory_space<vmem>>, vector<16xf32>,
      %get3A_125 = arith.index_cast %scan3A_42 : i32 to index
      %get3A_126 = arith.constant 96 : index
      %get3A_127 = tpu.vector_load %arg9[%get3A_125, %get3A_126] {strides = array<i32>} : memref<64x768xf32, #tpu.memory_space<vmem>>, vector<16xf32>,
      %mul3A_128 = arith.mulf %gather3A, %get3A_124 : vector<16xf32>
      %mul3A_129 = arith.mulf %gather3A_51, %get3A_127 : vector<16xf32>
      %add3A_130 = arith.addf %mul3A_128, %mul3A_129 : vector<16xf32>
      %swap3A_131 = arith.index_cast %scan3A_42 : i32 to index
      %swap3A_132 = arith.constant 96 : index
      %swap3A_133 = tpu.vector_load %arg8[%swap3A_131, %swap3A_132] {strides = array<i32>} : memref<64x768xf32, #tpu.memory_space<vmem>>, vector<16xf32>,
      tpu.vector_store %arg8[%swap3A_131, %swap3A_132], %add3A_130 {strides = array<i32>} : memref<64x768xf32, #tpu.memory_space<vmem>>, vector<16xf32>,
      %get3A_134 = arith.index_cast %scan3A_42 : i32 to index
      %get3A_135 = arith.constant 112 : index
      %get3A_136 = tpu.vector_load %arg8[%get3A_134, %get3A_135] {strides = array<i32>} : memref<64x768xf32, #tpu.memory_space<vmem>>, vector<16xf32>,
      %get3A_137 = arith.index_cast %scan3A_42 : i32 to index
      %get3A_138 = arith.constant 112 : index
      %get3A_139 = tpu.vector_load %arg9[%get3A_137, %get3A_138] {strides = array<i32>} : memref<64x768xf32, #tpu.memory_space<vmem>>, vector<16xf32>,
      %mul3A_140 = arith.mulf %gather3A, %get3A_136 : vector<16xf32>
      %mul3A_141 = arith.mulf %gather3A_51, %get3A_139 : vector<16xf32>
      %add3A_142 = arith.addf %mul3A_140, %mul3A_141 : vector<16xf32>
      %swap3A_143 = arith.index_cast %scan3A_42 : i32 to index
      %swap3A_144 = arith.constant 112 : index
      %swap3A_145 = tpu.vector_load %arg8[%swap3A_143, %swap3A_144] {strides = array<i32>} : memref<64x768xf32, #tpu.memory_space<vmem>>, vector<16xf32>,
      tpu.vector_store %arg8[%swap3A_143, %swap3A_144], %add3A_142 {strides = array<i32>} : memref<64x768xf32, #tpu.memory_space<vmem>>, vector<16xf32>,
      %get3A_146 = arith.index_cast %scan3A_42 : i32 to index
      %get3A_147 = arith.constant 128 : index
      %get3A_148 = tpu.vector_load %arg8[%get3A_146, %get3A_147] {strides = array<i32>} : memref<64x768xf32, #tpu.memory_space<vmem>>, vector<16xf32>,
      %get3A_149 = arith.index_cast %scan3A_42 : i32 to index
      %get3A_150 = arith.constant 128 : index
      %get3A_151 = tpu.vector_load %arg9[%get3A_149, %get3A_150] {strides = array<i32>} : memref<64x768xf32, #tpu.memory_space<vmem>>, vector<16xf32>,
      %mul3A_152 = arith.mulf %gather3A, %get3A_148 : vector<16xf32>
      %mul3A_153 = arith.mulf %gather3A_51, %get3A_151 : vector<16xf32>
      %add3A_154 = arith.addf %mul3A_152, %mul3A_153 : vector<16xf32>
      %swap3A_155 = arith.index_cast %scan3A_42 : i32 to index
      %swap3A_156 = arith.constant 128 : index
      %swap3A_157 = tpu.vector_load %arg8[%swap3A_155, %swap3A_156] {strides = array<i32>} : memref<64x768xf32, #tpu.memory_space<vmem>>, vector<16xf32>,
      tpu.vector_store %arg8[%swap3A_155, %swap3A_156], %add3A_154 {strides = array<i32>} : memref<64x768xf32, #tpu.memory_space<vmem>>, vector<16xf32>,
      %get3A_158 = arith.index_cast %scan3A_42 : i32 to index
      %get3A_159 = arith.constant 144 : index
      %get3A_160 = tpu.vector_load %arg8[%get3A_158, %get3A_159] {strides = array<i32>} : memref<64x768xf32, #tpu.memory_space<vmem>>, vector<16xf32>,
      %get3A_161 = arith.index_cast %scan3A_42 : i32 to index
      %get3A_162 = arith.constant 144 : index
      %get3A_163 = tpu.vector_load %arg9[%get3A_161, %get3A_162] {strides = array<i32>} : memref<64x768xf32, #tpu.memory_space<vmem>>, vector<16xf32>,
      %mul3A_164 = arith.mulf %gather3A, %get3A_160 : vector<16xf32>
      %mul3A_165 = arith.mulf %gather3A_51, %get3A_163 : vector<16xf32>
      %add3A_166 = arith.addf %mul3A_164, %mul3A_165 : vector<16xf32>
      %swap3A_167 = arith.index_cast %scan3A_42 : i32 to index
      %swap3A_168 = arith.constant 144 : index
      %swap3A_169 = tpu.vector_load %arg8[%swap3A_167, %swap3A_168] {strides = array<i32>} : memref<64x768xf32, #tpu.memory_space<vmem>>, vector<16xf32>,
      tpu.vector_store %arg8[%swap3A_167, %swap3A_168], %add3A_166 {strides = array<i32>} : memref<64x768xf32, #tpu.memory_space<vmem>>, vector<16xf32>,
      %get3A_170 = arith.index_cast %scan3A_42 : i32 to index
      %get3A_171 = arith.constant 160 : index
      %get3A_172 = tpu.vector_load %arg8[%get3A_170, %get3A_171] {strides = array<i32>} : memref<64x768xf32, #tpu.memory_space<vmem>>, vector<16xf32>,
      %get3A_173 = arith.index_cast %scan3A_42 : i32 to index
      %get3A_174 = arith.constant 160 : index
      %get3A_175 = tpu.vector_load %arg9[%get3A_173, %get3A_174] {strides = array<i32>} : memref<64x768xf32, #tpu.memory_space<vmem>>, vector<16xf32>,
      %mul3A_176 = arith.mulf %gather3A, %get3A_172 : vector<16xf32>
      %mul3A_177 = arith.mulf %gather3A_51, %get3A_175 : vector<16xf32>
      %add3A_178 = arith.addf %mul3A_176, %mul3A_177 : vector<16xf32>
      %swap3A_179 = arith.index_cast %scan3A_42 : i32 to index
      %swap3A_180 = arith.constant 160 : index
      %swap3A_181 = tpu.vector_load %arg8[%swap3A_179, %swap3A_180] {strides = array<i32>} : memref<64x768xf32, #tpu.memory_space<vmem>>, vector<16xf32>,
      tpu.vector_store %arg8[%swap3A_179, %swap3A_180], %add3A_178 {strides = array<i32>} : memref<64x768xf32, #tpu.memory_space<vmem>>, vector<16xf32>,
      %get3A_182 = arith.index_cast %scan3A_42 : i32 to index
      %get3A_183 = arith.constant 176 : index
      %get3A_184 = tpu.vector_load %arg8[%get3A_182, %get3A_183] {strides = array<i32>} : memref<64x768xf32, #tpu.memory_space<vmem>>, vector<16xf32>,
      %get3A_185 = arith.index_cast %scan3A_42 : i32 to index
      %get3A_186 = arith.constant 176 : index
      %get3A_187 = tpu.vector_load %arg9[%get3A_185, %get3A_186] {strides = array<i32>} : memref<64x768xf32, #tpu.memory_space<vmem>>, vector<16xf32>,
      %mul3A_188 = arith.mulf %gather3A, %get3A_184 : vector<16xf32>
      %mul3A_189 = arith.mulf %gather3A_51, %get3A_187 : vector<16xf32>
      %add3A_190 = arith.addf %mul3A_188, %mul3A_189 : vector<16xf32>
      %swap3A_191 = arith.index_cast %scan3A_42 : i32 to index
      %swap3A_192 = arith.constant 176 : index
      %swap3A_193 = tpu.vector_load %arg8[%swap3A_191, %swap3A_192] {strides = array<i32>} : memref<64x768xf32, #tpu.memory_space<vmem>>, vector<16xf32>,
      tpu.vector_store %arg8[%swap3A_191, %swap3A_192], %add3A_190 {strides = array<i32>} : memref<64x768xf32, #tpu.memory_space<vmem>>, vector<16xf32>,
      %get3A_194 = arith.index_cast %scan3A_42 : i32 to index
      %get3A_195 = arith.constant 192 : index
      %get3A_196 = tpu.vector_load %arg8[%get3A_194, %get3A_195] {strides = array<i32>} : memref<64x768xf32, #tpu.memory_space<vmem>>, vector<16xf32>,
      %get3A_197 = arith.index_cast %scan3A_42 : i32 to index
      %get3A_198 = arith.constant 192 : index
      %get3A_199 = tpu.vector_load %arg9[%get3A_197, %get3A_198] {strides = array<i32>} : memref<64x768xf32, #tpu.memory_space<vmem>>, vector<16xf32>,
      %mul3A_200 = arith.mulf %gather3A, %get3A_196 : vector<16xf32>
      %mul3A_201 = arith.mulf %gather3A_51, %get3A_199 : vector<16xf32>
      %add3A_202 = arith.addf %mul3A_200, %mul3A_201 : vector<16xf32>
      %swap3A_203 = arith.index_cast %scan3A_42 : i32 to index
      %swap3A_204 = arith.constant 192 : index
      %swap3A_205 = tpu.vector_load %arg8[%swap3A_203, %swap3A_204] {strides = array<i32>} : memref<64x768xf32, #tpu.memory_space<vmem>>, vector<16xf32>,
      tpu.vector_store %arg8[%swap3A_203, %swap3A_204], %add3A_202 {strides = array<i32>} : memref<64x768xf32, #tpu.memory_space<vmem>>, vector<16xf32>,
      %get3A_206 = arith.index_cast %scan3A_42 : i32 to index
      %get3A_207 = arith.constant 208 : index
      %get3A_208 = tpu.vector_load %arg8[%get3A_206, %get3A_207] {strides = array<i32>} : memref<64x768xf32, #tpu.memory_space<vmem>>, vector<16xf32>,
      %get3A_209 = arith.index_cast %scan3A_42 : i32 to index
      %get3A_210 = arith.constant 208 : index
      %get3A_211 = tpu.vector_load %arg9[%get3A_209, %get3A_210] {strides = array<i32>} : memref<64x768xf32, #tpu.memory_space<vmem>>, vector<16xf32>,
      %mul3A_212 = arith.mulf %gather3A, %get3A_208 : vector<16xf32>
      %mul3A_213 = arith.mulf %gather3A_51, %get3A_211 : vector<16xf32>
      %add3A_214 = arith.addf %mul3A_212, %mul3A_213 : vector<16xf32>
      %swap3A_215 = arith.index_cast %scan3A_42 : i32 to index
      %swap3A_216 = arith.constant 208 : index
      %swap3A_217 = tpu.vector_load %arg8[%swap3A_215, %swap3A_216] {strides = array<i32>} : memref<64x768xf32, #tpu.memory_space<vmem>>, vector<16xf32>,
      tpu.vector_store %arg8[%swap3A_215, %swap3A_216], %add3A_214 {strides = array<i32>} : memref<64x768xf32, #tpu.memory_space<vmem>>, vector<16xf32>,
      %get3A_218 = arith.index_cast %scan3A_42 : i32 to index
      %get3A_219 = arith.constant 224 : index
      %get3A_220 = tpu.vector_load %arg8[%get3A_218, %get3A_219] {strides = array<i32>} : memref<64x768xf32, #tpu.memory_space<vmem>>, vector<16xf32>,
      %get3A_221 = arith.index_cast %scan3A_42 : i32 to index
      %get3A_222 = arith.constant 224 : index
      %get3A_223 = tpu.vector_load %arg9[%get3A_221, %get3A_222] {strides = array<i32>} : memref<64x768xf32, #tpu.memory_space<vmem>>, vector<16xf32>,
      %mul3A_224 = arith.mulf %gather3A, %get3A_220 : vector<16xf32>
      %mul3A_225 = arith.mulf %gather3A_51, %get3A_223 : vector<16xf32>
      %add3A_226 = arith.addf %mul3A_224, %mul3A_225 : vector<16xf32>
      %swap3A_227 = arith.index_cast %scan3A_42 : i32 to index
      %swap3A_228 = arith.constant 224 : index
      %swap3A_229 = tpu.vector_load %arg8[%swap3A_227, %swap3A_228] {strides = array<i32>} : memref<64x768xf32, #tpu.memory_space<vmem>>, vector<16xf32>,
      tpu.vector_store %arg8[%swap3A_227, %swap3A_228], %add3A_226 {strides = array<i32>} : memref<64x768xf32, #tpu.memory_space<vmem>>, vector<16xf32>,
      %get3A_230 = arith.index_cast %scan3A_42 : i32 to index
      %get3A_231 = arith.constant 240 : index
      %get3A_232 = tpu.vector_load %arg8[%get3A_230, %get3A_231] {strides = array<i32>} : memref<64x768xf32, #tpu.memory_space<vmem>>, vector<16xf32>,
      %get3A_233 = arith.index_cast %scan3A_42 : i32 to index
      %get3A_234 = arith.constant 240 : index
      %get3A_235 = tpu.vector_load %arg9[%get3A_233, %get3A_234] {strides = array<i32>} : memref<64x768xf32, #tpu.memory_space<vmem>>, vector<16xf32>,
      %mul3A_236 = arith.mulf %gather3A, %get3A_232 : vector<16xf32>
      %mul3A_237 = arith.mulf %gather3A_51, %get3A_235 : vector<16xf32>
      %add3A_238 = arith.addf %mul3A_236, %mul3A_237 : vector<16xf32>
      %swap3A_239 = arith.index_cast %scan3A_42 : i32 to index
      %swap3A_240 = arith.constant 240 : index
      %swap3A_241 = tpu.vector_load %arg8[%swap3A_239, %swap3A_240] {strides = array<i32>} : memref<64x768xf32, #tpu.memory_space<vmem>>, vector<16xf32>,
      tpu.vector_store %arg8[%swap3A_239, %swap3A_240], %add3A_238 {strides = array<i32>} : memref<64x768xf32, #tpu.memory_space<vmem>>, vector<16xf32>,
      %get3A_242 = arith.index_cast %scan3A_42 : i32 to index
      %get3A_243 = arith.constant 256 : index
      %get3A_244 = tpu.vector_load %arg8[%get3A_242, %get3A_243] {strides = array<i32>} : memref<64x768xf32, #tpu.memory_space<vmem>>, vector<16xf32>,
      %get3A_245 = arith.index_cast %scan3A_42 : i32 to index
      %get3A_246 = arith.constant 256 : index
      %get3A_247 = tpu.vector_load %arg9[%get3A_245, %get3A_246] {strides = array<i32>} : memref<64x768xf32, #tpu.memory_space<vmem>>, vector<16xf32>,
      %mul3A_248 = arith.mulf %gather3A, %get3A_244 : vector<16xf32>
      %mul3A_249 = arith.mulf %gather3A_51, %get3A_247 : vector<16xf32>
      %add3A_250 = arith.addf %mul3A_248, %mul3A_249 : vector<16xf32>
      %swap3A_251 = arith.index_cast %scan3A_42 : i32 to index
      %swap3A_252 = arith.constant 256 : index
      %swap3A_253 = tpu.vector_load %arg8[%swap3A_251, %swap3A_252] {strides = array<i32>} : memref<64x768xf32, #tpu.memory_space<vmem>>, vector<16xf32>,
      tpu.vector_store %arg8[%swap3A_251, %swap3A_252], %add3A_250 {strides = array<i32>} : memref<64x768xf32, #tpu.memory_space<vmem>>, vector<16xf32>,
      %get3A_254 = arith.index_cast %scan3A_42 : i32 to index
      %get3A_255 = arith.constant 272 : index
      %get3A_256 = tpu.vector_load %arg8[%get3A_254, %get3A_255] {strides = array<i32>} : memref<64x768xf32, #tpu.memory_space<vmem>>, vector<16xf32>,
      %get3A_257 = arith.index_cast %scan3A_42 : i32 to index
      %get3A_258 = arith.constant 272 : index
      %get3A_259 = tpu.vector_load %arg9[%get3A_257, %get3A_258] {strides = array<i32>} : memref<64x768xf32, #tpu.memory_space<vmem>>, vector<16xf32>,
      %mul3A_260 = arith.mulf %gather3A, %get3A_256 : vector<16xf32>
      %mul3A_261 = arith.mulf %gather3A_51, %get3A_259 : vector<16xf32>
      %add3A_262 = arith.addf %mul3A_260, %mul3A_261 : vector<16xf32>
      %swap3A_263 = arith.index_cast %scan3A_42 : i32 to index
      %swap3A_264 = arith.constant 272 : index
      %swap3A_265 = tpu.vector_load %arg8[%swap3A_263, %swap3A_264] {strides = array<i32>} : memref<64x768xf32, #tpu.memory_space<vmem>>, vector<16xf32>,
      tpu.vector_store %arg8[%swap3A_263, %swap3A_264], %add3A_262 {strides = array<i32>} : memref<64x768xf32, #tpu.memory_space<vmem>>, vector<16xf32>,
      %get3A_266 = arith.index_cast %scan3A_42 : i32 to index
      %get3A_267 = arith.constant 288 : index
      %get3A_268 = tpu.vector_load %arg8[%get3A_266, %get3A_267] {strides = array<i32>} : memref<64x768xf32, #tpu.memory_space<vmem>>, vector<16xf32>,
      %get3A_269 = arith.index_cast %scan3A_42 : i32 to index
      %get3A_270 = arith.constant 288 : index
      %get3A_271 = tpu.vector_load %arg9[%get3A_269, %get3A_270] {strides = array<i32>} : memref<64x768xf32, #tpu.memory_space<vmem>>, vector<16xf32>,
      %mul3A_272 = arith.mulf %gather3A, %get3A_268 : vector<16xf32>
      %mul3A_273 = arith.mulf %gather3A_51, %get3A_271 : vector<16xf32>
      %add3A_274 = arith.addf %mul3A_272, %mul3A_273 : vector<16xf32>
      %swap3A_275 = arith.index_cast %scan3A_42 : i32 to index
      %swap3A_276 = arith.constant 288 : index
      %swap3A_277 = tpu.vector_load %arg8[%swap3A_275, %swap3A_276] {strides = array<i32>} : memref<64x768xf32, #tpu.memory_space<vmem>>, vector<16xf32>,
      tpu.vector_store %arg8[%swap3A_275, %swap3A_276], %add3A_274 {strides = array<i32>} : memref<64x768xf32, #tpu.memory_space<vmem>>, vector<16xf32>,
      %get3A_278 = arith.index_cast %scan3A_42 : i32 to index
      %get3A_279 = arith.constant 304 : index
      %get3A_280 = tpu.vector_load %arg8[%get3A_278, %get3A_279] {strides = array<i32>} : memref<64x768xf32, #tpu.memory_space<vmem>>, vector<16xf32>,
      %get3A_281 = arith.index_cast %scan3A_42 : i32 to index
      %get3A_282 = arith.constant 304 : index
      %get3A_283 = tpu.vector_load %arg9[%get3A_281, %get3A_282] {strides = array<i32>} : memref<64x768xf32, #tpu.memory_space<vmem>>, vector<16xf32>,
      %mul3A_284 = arith.mulf %gather3A, %get3A_280 : vector<16xf32>
      %mul3A_285 = arith.mulf %gather3A_51, %get3A_283 : vector<16xf32>
      %add3A_286 = arith.addf %mul3A_284, %mul3A_285 : vector<16xf32>
      %swap3A_287 = arith.index_cast %scan3A_42 : i32 to index
      %swap3A_288 = arith.constant 304 : index
      %swap3A_289 = tpu.vector_load %arg8[%swap3A_287, %swap3A_288] {strides = array<i32>} : memref<64x768xf32, #tpu.memory_space<vmem>>, vector<16xf32>,
      tpu.vector_store %arg8[%swap3A_287, %swap3A_288], %add3A_286 {strides = array<i32>} : memref<64x768xf32, #tpu.memory_space<vmem>>, vector<16xf32>,
      %get3A_290 = arith.index_cast %scan3A_42 : i32 to index
      %get3A_291 = arith.constant 320 : index
      %get3A_292 = tpu.vector_load %arg8[%get3A_290, %get3A_291] {strides = array<i32>} : memref<64x768xf32, #tpu.memory_space<vmem>>, vector<16xf32>,
      %get3A_293 = arith.index_cast %scan3A_42 : i32 to index
      %get3A_294 = arith.constant 320 : index
      %get3A_295 = tpu.vector_load %arg9[%get3A_293, %get3A_294] {strides = array<i32>} : memref<64x768xf32, #tpu.memory_space<vmem>>, vector<16xf32>,
      %mul3A_296 = arith.mulf %gather3A, %get3A_292 : vector<16xf32>
      %mul3A_297 = arith.mulf %gather3A_51, %get3A_295 : vector<16xf32>
      %add3A_298 = arith.addf %mul3A_296, %mul3A_297 : vector<16xf32>
      %swap3A_299 = arith.index_cast %scan3A_42 : i32 to index
      %swap3A_300 = arith.constant 320 : index
      %swap3A_301 = tpu.vector_load %arg8[%swap3A_299, %swap3A_300] {strides = array<i32>} : memref<64x768xf32, #tpu.memory_space<vmem>>, vector<16xf32>,
      tpu.vector_store %arg8[%swap3A_299, %swap3A_300], %add3A_298 {strides = array<i32>} : memref<64x768xf32, #tpu.memory_space<vmem>>, vector<16xf32>,
      %get3A_302 = arith.index_cast %scan3A_42 : i32 to index
      %get3A_303 = arith.constant 336 : index
      %get3A_304 = tpu.vector_load %arg8[%get3A_302, %get3A_303] {strides = array<i32>} : memref<64x768xf32, #tpu.memory_space<vmem>>, vector<16xf32>,
      %get3A_305 = arith.index_cast %scan3A_42 : i32 to index
      %get3A_306 = arith.constant 336 : index
      %get3A_307 = tpu.vector_load %arg9[%get3A_305, %get3A_306] {strides = array<i32>} : memref<64x768xf32, #tpu.memory_space<vmem>>, vector<16xf32>,
      %mul3A_308 = arith.mulf %gather3A, %get3A_304 : vector<16xf32>
      %mul3A_309 = arith.mulf %gather3A_51, %get3A_307 : vector<16xf32>
      %add3A_310 = arith.addf %mul3A_308, %mul3A_309 : vector<16xf32>
      %swap3A_311 = arith.index_cast %scan3A_42 : i32 to index
      %swap3A_312 = arith.constant 336 : index
      %swap3A_313 = tpu.vector_load %arg8[%swap3A_311, %swap3A_312] {strides = array<i32>} : memref<64x768xf32, #tpu.memory_space<vmem>>, vector<16xf32>,
      tpu.vector_store %arg8[%swap3A_311, %swap3A_312], %add3A_310 {strides = array<i32>} : memref<64x768xf32, #tpu.memory_space<vmem>>, vector<16xf32>,
      %get3A_314 = arith.index_cast %scan3A_42 : i32 to index
      %get3A_315 = arith.constant 352 : index
      %get3A_316 = tpu.vector_load %arg8[%get3A_314, %get3A_315] {strides = array<i32>} : memref<64x768xf32, #tpu.memory_space<vmem>>, vector<16xf32>,
      %get3A_317 = arith.index_cast %scan3A_42 : i32 to index
      %get3A_318 = arith.constant 352 : index
      %get3A_319 = tpu.vector_load %arg9[%get3A_317, %get3A_318] {strides = array<i32>} : memref<64x768xf32, #tpu.memory_space<vmem>>, vector<16xf32>,
      %mul3A_320 = arith.mulf %gather3A, %get3A_316 : vector<16xf32>
      %mul3A_321 = arith.mulf %gather3A_51, %get3A_319 : vector<16xf32>
      %add3A_322 = arith.addf %mul3A_320, %mul3A_321 : vector<16xf32>
      %swap3A_323 = arith.index_cast %scan3A_42 : i32 to index
      %swap3A_324 = arith.constant 352 : index
      %swap3A_325 = tpu.vector_load %arg8[%swap3A_323, %swap3A_324] {strides = array<i32>} : memref<64x768xf32, #tpu.memory_space<vmem>>, vector<16xf32>,
      tpu.vector_store %arg8[%swap3A_323, %swap3A_324], %add3A_322 {strides = array<i32>} : memref<64x768xf32, #tpu.memory_space<vmem>>, vector<16xf32>,
      %get3A_326 = arith.index_cast %scan3A_42 : i32 to index
      %get3A_327 = arith.constant 368 : index
      %get3A_328 = tpu.vector_load %arg8[%get3A_326, %get3A_327] {strides = array<i32>} : memref<64x768xf32, #tpu.memory_space<vmem>>, vector<16xf32>,
      %get3A_329 = arith.index_cast %scan3A_42 : i32 to index
      %get3A_330 = arith.constant 368 : index
      %get3A_331 = tpu.vector_load %arg9[%get3A_329, %get3A_330] {strides = array<i32>} : memref<64x768xf32, #tpu.memory_space<vmem>>, vector<16xf32>,
      %mul3A_332 = arith.mulf %gather3A, %get3A_328 : vector<16xf32>
      %mul3A_333 = arith.mulf %gather3A_51, %get3A_331 : vector<16xf32>
      %add3A_334 = arith.addf %mul3A_332, %mul3A_333 : vector<16xf32>
      %swap3A_335 = arith.index_cast %scan3A_42 : i32 to index
      %swap3A_336 = arith.constant 368 : index
      %swap3A_337 = tpu.vector_load %arg8[%swap3A_335, %swap3A_336] {strides = array<i32>} : memref<64x768xf32, #tpu.memory_space<vmem>>, vector<16xf32>,
      tpu.vector_store %arg8[%swap3A_335, %swap3A_336], %add3A_334 {strides = array<i32>} : memref<64x768xf32, #tpu.memory_space<vmem>>, vector<16xf32>,
      %get3A_338 = arith.index_cast %scan3A_42 : i32 to index
      %get3A_339 = arith.constant 384 : index
      %get3A_340 = tpu.vector_load %arg8[%get3A_338, %get3A_339] {strides = array<i32>} : memref<64x768xf32, #tpu.memory_space<vmem>>, vector<16xf32>,
      %get3A_341 = arith.index_cast %scan3A_42 : i32 to index
      %get3A_342 = arith.constant 384 : index
      %get3A_343 = tpu.vector_load %arg9[%get3A_341, %get3A_342] {strides = array<i32>} : memref<64x768xf32, #tpu.memory_space<vmem>>, vector<16xf32>,
      %mul3A_344 = arith.mulf %gather3A, %get3A_340 : vector<16xf32>
      %mul3A_345 = arith.mulf %gather3A_51, %get3A_343 : vector<16xf32>
      %add3A_346 = arith.addf %mul3A_344, %mul3A_345 : vector<16xf32>
      %swap3A_347 = arith.index_cast %scan3A_42 : i32 to index
      %swap3A_348 = arith.constant 384 : index
      %swap3A_349 = tpu.vector_load %arg8[%swap3A_347, %swap3A_348] {strides = array<i32>} : memref<64x768xf32, #tpu.memory_space<vmem>>, vector<16xf32>,
      tpu.vector_store %arg8[%swap3A_347, %swap3A_348], %add3A_346 {strides = array<i32>} : memref<64x768xf32, #tpu.memory_space<vmem>>, vector<16xf32>,
      %get3A_350 = arith.index_cast %scan3A_42 : i32 to index
      %get3A_351 = arith.constant 400 : index
      %get3A_352 = tpu.vector_load %arg8[%get3A_350, %get3A_351] {strides = array<i32>} : memref<64x768xf32, #tpu.memory_space<vmem>>, vector<16xf32>,
      %get3A_353 = arith.index_cast %scan3A_42 : i32 to index
      %get3A_354 = arith.constant 400 : index
      %get3A_355 = tpu.vector_load %arg9[%get3A_353, %get3A_354] {strides = array<i32>} : memref<64x768xf32, #tpu.memory_space<vmem>>, vector<16xf32>,
      %mul3A_356 = arith.mulf %gather3A, %get3A_352 : vector<16xf32>
      %mul3A_357 = arith.mulf %gather3A_51, %get3A_355 : vector<16xf32>
      %add3A_358 = arith.addf %mul3A_356, %mul3A_357 : vector<16xf32>
      %swap3A_359 = arith.index_cast %scan3A_42 : i32 to index
      %swap3A_360 = arith.constant 400 : index
      %swap3A_361 = tpu.vector_load %arg8[%swap3A_359, %swap3A_360] {strides = array<i32>} : memref<64x768xf32, #tpu.memory_space<vmem>>, vector<16xf32>,
      tpu.vector_store %arg8[%swap3A_359, %swap3A_360], %add3A_358 {strides = array<i32>} : memref<64x768xf32, #tpu.memory_space<vmem>>, vector<16xf32>,
      %get3A_362 = arith.index_cast %scan3A_42 : i32 to index
      %get3A_363 = arith.constant 416 : index
      %get3A_364 = tpu.vector_load %arg8[%get3A_362, %get3A_363] {strides = array<i32>} : memref<64x768xf32, #tpu.memory_space<vmem>>, vector<16xf32>,
      %get3A_365 = arith.index_cast %scan3A_42 : i32 to index
      %get3A_366 = arith.constant 416 : index
      %get3A_367 = tpu.vector_load %arg9[%get3A_365, %get3A_366] {strides = array<i32>} : memref<64x768xf32, #tpu.memory_space<vmem>>, vector<16xf32>,
      %mul3A_368 = arith.mulf %gather3A, %get3A_364 : vector<16xf32>
      %mul3A_369 = arith.mulf %gather3A_51, %get3A_367 : vector<16xf32>
      %add3A_370 = arith.addf %mul3A_368, %mul3A_369 : vector<16xf32>
      %swap3A_371 = arith.index_cast %scan3A_42 : i32 to index
      %swap3A_372 = arith.constant 416 : index
      %swap3A_373 = tpu.vector_load %arg8[%swap3A_371, %swap3A_372] {strides = array<i32>} : memref<64x768xf32, #tpu.memory_space<vmem>>, vector<16xf32>,
      tpu.vector_store %arg8[%swap3A_371, %swap3A_372], %add3A_370 {strides = array<i32>} : memref<64x768xf32, #tpu.memory_space<vmem>>, vector<16xf32>,
      %get3A_374 = arith.index_cast %scan3A_42 : i32 to index
      %get3A_375 = arith.constant 432 : index
      %get3A_376 = tpu.vector_load %arg8[%get3A_374, %get3A_375] {strides = array<i32>} : memref<64x768xf32, #tpu.memory_space<vmem>>, vector<16xf32>,
      %get3A_377 = arith.index_cast %scan3A_42 : i32 to index
      %get3A_378 = arith.constant 432 : index
      %get3A_379 = tpu.vector_load %arg9[%get3A_377, %get3A_378] {strides = array<i32>} : memref<64x768xf32, #tpu.memory_space<vmem>>, vector<16xf32>,
      %mul3A_380 = arith.mulf %gather3A, %get3A_376 : vector<16xf32>
      %mul3A_381 = arith.mulf %gather3A_51, %get3A_379 : vector<16xf32>
      %add3A_382 = arith.addf %mul3A_380, %mul3A_381 : vector<16xf32>
      %swap3A_383 = arith.index_cast %scan3A_42 : i32 to index
      %swap3A_384 = arith.constant 432 : index
      %swap3A_385 = tpu.vector_load %arg8[%swap3A_383, %swap3A_384] {strides = array<i32>} : memref<64x768xf32, #tpu.memory_space<vmem>>, vector<16xf32>,
      tpu.vector_store %arg8[%swap3A_383, %swap3A_384], %add3A_382 {strides = array<i32>} : memref<64x768xf32, #tpu.memory_space<vmem>>, vector<16xf32>,
      %get3A_386 = arith.index_cast %scan3A_42 : i32 to index
      %get3A_387 = arith.constant 448 : index
      %get3A_388 = tpu.vector_load %arg8[%get3A_386, %get3A_387] {strides = array<i32>} : memref<64x768xf32, #tpu.memory_space<vmem>>, vector<16xf32>,
      %get3A_389 = arith.index_cast %scan3A_42 : i32 to index
      %get3A_390 = arith.constant 448 : index
      %get3A_391 = tpu.vector_load %arg9[%get3A_389, %get3A_390] {strides = array<i32>} : memref<64x768xf32, #tpu.memory_space<vmem>>, vector<16xf32>,
      %mul3A_392 = arith.mulf %gather3A, %get3A_388 : vector<16xf32>
      %mul3A_393 = arith.mulf %gather3A_51, %get3A_391 : vector<16xf32>
      %add3A_394 = arith.addf %mul3A_392, %mul3A_393 : vector<16xf32>
      %swap3A_395 = arith.index_cast %scan3A_42 : i32 to index
      %swap3A_396 = arith.constant 448 : index
      %swap3A_397 = tpu.vector_load %arg8[%swap3A_395, %swap3A_396] {strides = array<i32>} : memref<64x768xf32, #tpu.memory_space<vmem>>, vector<16xf32>,
      tpu.vector_store %arg8[%swap3A_395, %swap3A_396], %add3A_394 {strides = array<i32>} : memref<64x768xf32, #tpu.memory_space<vmem>>, vector<16xf32>,
      %get3A_398 = arith.index_cast %scan3A_42 : i32 to index
      %get3A_399 = arith.constant 464 : index
      %get3A_400 = tpu.vector_load %arg8[%get3A_398, %get3A_399] {strides = array<i32>} : memref<64x768xf32, #tpu.memory_space<vmem>>, vector<16xf32>,
      %get3A_401 = arith.index_cast %scan3A_42 : i32 to index
      %get3A_402 = arith.constant 464 : index
      %get3A_403 = tpu.vector_load %arg9[%get3A_401, %get3A_402] {strides = array<i32>} : memref<64x768xf32, #tpu.memory_space<vmem>>, vector<16xf32>,
      %mul3A_404 = arith.mulf %gather3A, %get3A_400 : vector<16xf32>
      %mul3A_405 = arith.mulf %gather3A_51, %get3A_403 : vector<16xf32>
      %add3A_406 = arith.addf %mul3A_404, %mul3A_405 : vector<16xf32>
      %swap3A_407 = arith.index_cast %scan3A_42 : i32 to index
      %swap3A_408 = arith.constant 464 : index
      %swap3A_409 = tpu.vector_load %arg8[%swap3A_407, %swap3A_408] {strides = array<i32>} : memref<64x768xf32, #tpu.memory_space<vmem>>, vector<16xf32>,
      tpu.vector_store %arg8[%swap3A_407, %swap3A_408], %add3A_406 {strides = array<i32>} : memref<64x768xf32, #tpu.memory_space<vmem>>, vector<16xf32>,
      %get3A_410 = arith.index_cast %scan3A_42 : i32 to index
      %get3A_411 = arith.constant 480 : index
      %get3A_412 = tpu.vector_load %arg8[%get3A_410, %get3A_411] {strides = array<i32>} : memref<64x768xf32, #tpu.memory_space<vmem>>, vector<16xf32>,
      %get3A_413 = arith.index_cast %scan3A_42 : i32 to index
      %get3A_414 = arith.constant 480 : index
      %get3A_415 = tpu.vector_load %arg9[%get3A_413, %get3A_414] {strides = array<i32>} : memref<64x768xf32, #tpu.memory_space<vmem>>, vector<16xf32>,
      %mul3A_416 = arith.mulf %gather3A, %get3A_412 : vector<16xf32>
      %mul3A_417 = arith.mulf %gather3A_51, %get3A_415 : vector<16xf32>
      %add3A_418 = arith.addf %mul3A_416, %mul3A_417 : vector<16xf32>
      %swap3A_419 = arith.index_cast %scan3A_42 : i32 to index
      %swap3A_420 = arith.constant 480 : index
      %swap3A_421 = tpu.vector_load %arg8[%swap3A_419, %swap3A_420] {strides = array<i32>} : memref<64x768xf32, #tpu.memory_space<vmem>>, vector<16xf32>,
      tpu.vector_store %arg8[%swap3A_419, %swap3A_420], %add3A_418 {strides = array<i32>} : memref<64x768xf32, #tpu.memory_space<vmem>>, vector<16xf32>,
      %get3A_422 = arith.index_cast %scan3A_42 : i32 to index
      %get3A_423 = arith.constant 496 : index
      %get3A_424 = tpu.vector_load %arg8[%get3A_422, %get3A_423] {strides = array<i32>} : memref<64x768xf32, #tpu.memory_space<vmem>>, vector<16xf32>,
      %get3A_425 = arith.index_cast %scan3A_42 : i32 to index
      %get3A_426 = arith.constant 496 : index
      %get3A_427 = tpu.vector_load %arg9[%get3A_425, %get3A_426] {strides = array<i32>} : memref<64x768xf32, #tpu.memory_space<vmem>>, vector<16xf32>,
      %mul3A_428 = arith.mulf %gather3A, %get3A_424 : vector<16xf32>
      %mul3A_429 = arith.mulf %gather3A_51, %get3A_427 : vector<16xf32>
      %add3A_430 = arith.addf %mul3A_428, %mul3A_429 : vector<16xf32>
      %swap3A_431 = arith.index_cast %scan3A_42 : i32 to index
      %swap3A_432 = arith.constant 496 : index
      %swap3A_433 = tpu.vector_load %arg8[%swap3A_431, %swap3A_432] {strides = array<i32>} : memref<64x768xf32, #tpu.memory_space<vmem>>, vector<16xf32>,
      tpu.vector_store %arg8[%swap3A_431, %swap3A_432], %add3A_430 {strides = array<i32>} : memref<64x768xf32, #tpu.memory_space<vmem>>, vector<16xf32>,
      %get3A_434 = arith.index_cast %scan3A_42 : i32 to index
      %get3A_435 = arith.constant 512 : index
      %get3A_436 = tpu.vector_load %arg8[%get3A_434, %get3A_435] {strides = array<i32>} : memref<64x768xf32, #tpu.memory_space<vmem>>, vector<16xf32>,
      %get3A_437 = arith.index_cast %scan3A_42 : i32 to index
      %get3A_438 = arith.constant 512 : index
      %get3A_439 = tpu.vector_load %arg9[%get3A_437, %get3A_438] {strides = array<i32>} : memref<64x768xf32, #tpu.memory_space<vmem>>, vector<16xf32>,
      %mul3A_440 = arith.mulf %gather3A, %get3A_436 : vector<16xf32>
      %mul3A_441 = arith.mulf %gather3A_51, %get3A_439 : vector<16xf32>
      %add3A_442 = arith.addf %mul3A_440, %mul3A_441 : vector<16xf32>
      %swap3A_443 = arith.index_cast %scan3A_42 : i32 to index
      %swap3A_444 = arith.constant 512 : index
      %swap3A_445 = tpu.vector_load %arg8[%swap3A_443, %swap3A_444] {strides = array<i32>} : memref<64x768xf32, #tpu.memory_space<vmem>>, vector<16xf32>,
      tpu.vector_store %arg8[%swap3A_443, %swap3A_444], %add3A_442 {strides = array<i32>} : memref<64x768xf32, #tpu.memory_space<vmem>>, vector<16xf32>,
      %get3A_446 = arith.index_cast %scan3A_42 : i32 to index
      %get3A_447 = arith.constant 528 : index
      %get3A_448 = tpu.vector_load %arg8[%get3A_446, %get3A_447] {strides = array<i32>} : memref<64x768xf32, #tpu.memory_space<vmem>>, vector<16xf32>,
      %get3A_449 = arith.index_cast %scan3A_42 : i32 to index
      %get3A_450 = arith.constant 528 : index
      %get3A_451 = tpu.vector_load %arg9[%get3A_449, %get3A_450] {strides = array<i32>} : memref<64x768xf32, #tpu.memory_space<vmem>>, vector<16xf32>,
      %mul3A_452 = arith.mulf %gather3A, %get3A_448 : vector<16xf32>
      %mul3A_453 = arith.mulf %gather3A_51, %get3A_451 : vector<16xf32>
      %add3A_454 = arith.addf %mul3A_452, %mul3A_453 : vector<16xf32>
      %swap3A_455 = arith.index_cast %scan3A_42 : i32 to index
      %swap3A_456 = arith.constant 528 : index
      %swap3A_457 = tpu.vector_load %arg8[%swap3A_455, %swap3A_456] {strides = array<i32>} : memref<64x768xf32, #tpu.memory_space<vmem>>, vector<16xf32>,
      tpu.vector_store %arg8[%swap3A_455, %swap3A_456], %add3A_454 {strides = array<i32>} : memref<64x768xf32, #tpu.memory_space<vmem>>, vector<16xf32>,
      %get3A_458 = arith.index_cast %scan3A_42 : i32 to index
      %get3A_459 = arith.constant 544 : index
      %get3A_460 = tpu.vector_load %arg8[%get3A_458, %get3A_459] {strides = array<i32>} : memref<64x768xf32, #tpu.memory_space<vmem>>, vector<16xf32>,
      %get3A_461 = arith.index_cast %scan3A_42 : i32 to index
      %get3A_462 = arith.constant 544 : index
      %get3A_463 = tpu.vector_load %arg9[%get3A_461, %get3A_462] {strides = array<i32>} : memref<64x768xf32, #tpu.memory_space<vmem>>, vector<16xf32>,
      %mul3A_464 = arith.mulf %gather3A, %get3A_460 : vector<16xf32>
      %mul3A_465 = arith.mulf %gather3A_51, %get3A_463 : vector<16xf32>
      %add3A_466 = arith.addf %mul3A_464, %mul3A_465 : vector<16xf32>
      %swap3A_467 = arith.index_cast %scan3A_42 : i32 to index
      %swap3A_468 = arith.constant 544 : index
      %swap3A_469 = tpu.vector_load %arg8[%swap3A_467, %swap3A_468] {strides = array<i32>} : memref<64x768xf32, #tpu.memory_space<vmem>>, vector<16xf32>,
      tpu.vector_store %arg8[%swap3A_467, %swap3A_468], %add3A_466 {strides = array<i32>} : memref<64x768xf32, #tpu.memory_space<vmem>>, vector<16xf32>,
      %get3A_470 = arith.index_cast %scan3A_42 : i32 to index
      %get3A_471 = arith.constant 560 : index
      %get3A_472 = tpu.vector_load %arg8[%get3A_470, %get3A_471] {strides = array<i32>} : memref<64x768xf32, #tpu.memory_space<vmem>>, vector<16xf32>,
      %get3A_473 = arith.index_cast %scan3A_42 : i32 to index
      %get3A_474 = arith.constant 560 : index
      %get3A_475 = tpu.vector_load %arg9[%get3A_473, %get3A_474] {strides = array<i32>} : memref<64x768xf32, #tpu.memory_space<vmem>>, vector<16xf32>,
      %mul3A_476 = arith.mulf %gather3A, %get3A_472 : vector<16xf32>
      %mul3A_477 = arith.mulf %gather3A_51, %get3A_475 : vector<16xf32>
      %add3A_478 = arith.addf %mul3A_476, %mul3A_477 : vector<16xf32>
      %swap3A_479 = arith.index_cast %scan3A_42 : i32 to index
      %swap3A_480 = arith.constant 560 : index
      %swap3A_481 = tpu.vector_load %arg8[%swap3A_479, %swap3A_480] {strides = array<i32>} : memref<64x768xf32, #tpu.memory_space<vmem>>, vector<16xf32>,
      tpu.vector_store %arg8[%swap3A_479, %swap3A_480], %add3A_478 {strides = array<i32>} : memref<64x768xf32, #tpu.memory_space<vmem>>, vector<16xf32>,
      %get3A_482 = arith.index_cast %scan3A_42 : i32 to index
      %get3A_483 = arith.constant 576 : index
      %get3A_484 = tpu.vector_load %arg8[%get3A_482, %get3A_483] {strides = array<i32>} : memref<64x768xf32, #tpu.memory_space<vmem>>, vector<16xf32>,
      %get3A_485 = arith.index_cast %scan3A_42 : i32 to index
      %get3A_486 = arith.constant 576 : index
      %get3A_487 = tpu.vector_load %arg9[%get3A_485, %get3A_486] {strides = array<i32>} : memref<64x768xf32, #tpu.memory_space<vmem>>, vector<16xf32>,
      %mul3A_488 = arith.mulf %gather3A, %get3A_484 : vector<16xf32>
      %mul3A_489 = arith.mulf %gather3A_51, %get3A_487 : vector<16xf32>
      %add3A_490 = arith.addf %mul3A_488, %mul3A_489 : vector<16xf32>
      %swap3A_491 = arith.index_cast %scan3A_42 : i32 to index
      %swap3A_492 = arith.constant 576 : index
      %swap3A_493 = tpu.vector_load %arg8[%swap3A_491, %swap3A_492] {strides = array<i32>} : memref<64x768xf32, #tpu.memory_space<vmem>>, vector<16xf32>,
      tpu.vector_store %arg8[%swap3A_491, %swap3A_492], %add3A_490 {strides = array<i32>} : memref<64x768xf32, #tpu.memory_space<vmem>>, vector<16xf32>,
      %get3A_494 = arith.index_cast %scan3A_42 : i32 to index
      %get3A_495 = arith.constant 592 : index
      %get3A_496 = tpu.vector_load %arg8[%get3A_494, %get3A_495] {strides = array<i32>} : memref<64x768xf32, #tpu.memory_space<vmem>>, vector<16xf32>,
      %get3A_497 = arith.index_cast %scan3A_42 : i32 to index
      %get3A_498 = arith.constant 592 : index
      %get3A_499 = tpu.vector_load %arg9[%get3A_497, %get3A_498] {strides = array<i32>} : memref<64x768xf32, #tpu.memory_space<vmem>>, vector<16xf32>,
      %mul3A_500 = arith.mulf %gather3A, %get3A_496 : vector<16xf32>
      %mul3A_501 = arith.mulf %gather3A_51, %get3A_499 : vector<16xf32>
      %add3A_502 = arith.addf %mul3A_500, %mul3A_501 : vector<16xf32>
      %swap3A_503 = arith.index_cast %scan3A_42 : i32 to index
      %swap3A_504 = arith.constant 592 : index
      %swap3A_505 = tpu.vector_load %arg8[%swap3A_503, %swap3A_504] {strides = array<i32>} : memref<64x768xf32, #tpu.memory_space<vmem>>, vector<16xf32>,
      tpu.vector_store %arg8[%swap3A_503, %swap3A_504], %add3A_502 {strides = array<i32>} : memref<64x768xf32, #tpu.memory_space<vmem>>, vector<16xf32>,
      %get3A_506 = arith.index_cast %scan3A_42 : i32 to index
      %get3A_507 = arith.constant 608 : index
      %get3A_508 = tpu.vector_load %arg8[%get3A_506, %get3A_507] {strides = array<i32>} : memref<64x768xf32, #tpu.memory_space<vmem>>, vector<16xf32>,
      %get3A_509 = arith.index_cast %scan3A_42 : i32 to index
      %get3A_510 = arith.constant 608 : index
      %get3A_511 = tpu.vector_load %arg9[%get3A_509, %get3A_510] {strides = array<i32>} : memref<64x768xf32, #tpu.memory_space<vmem>>, vector<16xf32>,
      %mul3A_512 = arith.mulf %gather3A, %get3A_508 : vector<16xf32>
      %mul3A_513 = arith.mulf %gather3A_51, %get3A_511 : vector<16xf32>
      %add3A_514 = arith.addf %mul3A_512, %mul3A_513 : vector<16xf32>
      %swap3A_515 = arith.index_cast %scan3A_42 : i32 to index
      %swap3A_516 = arith.constant 608 : index
      %swap3A_517 = tpu.vector_load %arg8[%swap3A_515, %swap3A_516] {strides = array<i32>} : memref<64x768xf32, #tpu.memory_space<vmem>>, vector<16xf32>,
      tpu.vector_store %arg8[%swap3A_515, %swap3A_516], %add3A_514 {strides = array<i32>} : memref<64x768xf32, #tpu.memory_space<vmem>>, vector<16xf32>,
      %get3A_518 = arith.index_cast %scan3A_42 : i32 to index
      %get3A_519 = arith.constant 624 : index
      %get3A_520 = tpu.vector_load %arg8[%get3A_518, %get3A_519] {strides = array<i32>} : memref<64x768xf32, #tpu.memory_space<vmem>>, vector<16xf32>,
      %get3A_521 = arith.index_cast %scan3A_42 : i32 to index
      %get3A_522 = arith.constant 624 : index
      %get3A_523 = tpu.vector_load %arg9[%get3A_521, %get3A_522] {strides = array<i32>} : memref<64x768xf32, #tpu.memory_space<vmem>>, vector<16xf32>,
      %mul3A_524 = arith.mulf %gather3A, %get3A_520 : vector<16xf32>
      %mul3A_525 = arith.mulf %gather3A_51, %get3A_523 : vector<16xf32>
      %add3A_526 = arith.addf %mul3A_524, %mul3A_525 : vector<16xf32>
      %swap3A_527 = arith.index_cast %scan3A_42 : i32 to index
      %swap3A_528 = arith.constant 624 : index
      %swap3A_529 = tpu.vector_load %arg8[%swap3A_527, %swap3A_528] {strides = array<i32>} : memref<64x768xf32, #tpu.memory_space<vmem>>, vector<16xf32>,
      tpu.vector_store %arg8[%swap3A_527, %swap3A_528], %add3A_526 {strides = array<i32>} : memref<64x768xf32, #tpu.memory_space<vmem>>, vector<16xf32>,
      %get3A_530 = arith.index_cast %scan3A_42 : i32 to index
      %get3A_531 = arith.constant 640 : index
      %get3A_532 = tpu.vector_load %arg8[%get3A_530, %get3A_531] {strides = array<i32>} : memref<64x768xf32, #tpu.memory_space<vmem>>, vector<16xf32>,
      %get3A_533 = arith.index_cast %scan3A_42 : i32 to index
      %get3A_534 = arith.constant 640 : index
      %get3A_535 = tpu.vector_load %arg9[%get3A_533, %get3A_534] {strides = array<i32>} : memref<64x768xf32, #tpu.memory_space<vmem>>, vector<16xf32>,
      %mul3A_536 = arith.mulf %gather3A, %get3A_532 : vector<16xf32>
      %mul3A_537 = arith.mulf %gather3A_51, %get3A_535 : vector<16xf32>
      %add3A_538 = arith.addf %mul3A_536, %mul3A_537 : vector<16xf32>
      %swap3A_539 = arith.index_cast %scan3A_42 : i32 to index
      %swap3A_540 = arith.constant 640 : index
      %swap3A_541 = tpu.vector_load %arg8[%swap3A_539, %swap3A_540] {strides = array<i32>} : memref<64x768xf32, #tpu.memory_space<vmem>>, vector<16xf32>,
      tpu.vector_store %arg8[%swap3A_539, %swap3A_540], %add3A_538 {strides = array<i32>} : memref<64x768xf32, #tpu.memory_space<vmem>>, vector<16xf32>,
      %get3A_542 = arith.index_cast %scan3A_42 : i32 to index
      %get3A_543 = arith.constant 656 : index
      %get3A_544 = tpu.vector_load %arg8[%get3A_542, %get3A_543] {strides = array<i32>} : memref<64x768xf32, #tpu.memory_space<vmem>>, vector<16xf32>,
      %get3A_545 = arith.index_cast %scan3A_42 : i32 to index
      %get3A_546 = arith.constant 656 : index
      %get3A_547 = tpu.vector_load %arg9[%get3A_545, %get3A_546] {strides = array<i32>} : memref<64x768xf32, #tpu.memory_space<vmem>>, vector<16xf32>,
      %mul3A_548 = arith.mulf %gather3A, %get3A_544 : vector<16xf32>
      %mul3A_549 = arith.mulf %gather3A_51, %get3A_547 : vector<16xf32>
      %add3A_550 = arith.addf %mul3A_548, %mul3A_549 : vector<16xf32>
      %swap3A_551 = arith.index_cast %scan3A_42 : i32 to index
      %swap3A_552 = arith.constant 656 : index
      %swap3A_553 = tpu.vector_load %arg8[%swap3A_551, %swap3A_552] {strides = array<i32>} : memref<64x768xf32, #tpu.memory_space<vmem>>, vector<16xf32>,
      tpu.vector_store %arg8[%swap3A_551, %swap3A_552], %add3A_550 {strides = array<i32>} : memref<64x768xf32, #tpu.memory_space<vmem>>, vector<16xf32>,
      %get3A_554 = arith.index_cast %scan3A_42 : i32 to index
      %get3A_555 = arith.constant 672 : index
      %get3A_556 = tpu.vector_load %arg8[%get3A_554, %get3A_555] {strides = array<i32>} : memref<64x768xf32, #tpu.memory_space<vmem>>, vector<16xf32>,
      %get3A_557 = arith.index_cast %scan3A_42 : i32 to index
      %get3A_558 = arith.constant 672 : index
      %get3A_559 = tpu.vector_load %arg9[%get3A_557, %get3A_558] {strides = array<i32>} : memref<64x768xf32, #tpu.memory_space<vmem>>, vector<16xf32>,
      %mul3A_560 = arith.mulf %gather3A, %get3A_556 : vector<16xf32>
      %mul3A_561 = arith.mulf %gather3A_51, %get3A_559 : vector<16xf32>
      %add3A_562 = arith.addf %mul3A_560, %mul3A_561 : vector<16xf32>
      %swap3A_563 = arith.index_cast %scan3A_42 : i32 to index
      %swap3A_564 = arith.constant 672 : index
      %swap3A_565 = tpu.vector_load %arg8[%swap3A_563, %swap3A_564] {strides = array<i32>} : memref<64x768xf32, #tpu.memory_space<vmem>>, vector<16xf32>,
      tpu.vector_store %arg8[%swap3A_563, %swap3A_564], %add3A_562 {strides = array<i32>} : memref<64x768xf32, #tpu.memory_space<vmem>>, vector<16xf32>,
      %get3A_566 = arith.index_cast %scan3A_42 : i32 to index
      %get3A_567 = arith.constant 688 : index
      %get3A_568 = tpu.vector_load %arg8[%get3A_566, %get3A_567] {strides = array<i32>} : memref<64x768xf32, #tpu.memory_space<vmem>>, vector<16xf32>,
      %get3A_569 = arith.index_cast %scan3A_42 : i32 to index
      %get3A_570 = arith.constant 688 : index
      %get3A_571 = tpu.vector_load %arg9[%get3A_569, %get3A_570] {strides = array<i32>} : memref<64x768xf32, #tpu.memory_space<vmem>>, vector<16xf32>,
      %mul3A_572 = arith.mulf %gather3A, %get3A_568 : vector<16xf32>
      %mul3A_573 = arith.mulf %gather3A_51, %get3A_571 : vector<16xf32>
      %add3A_574 = arith.addf %mul3A_572, %mul3A_573 : vector<16xf32>
      %swap3A_575 = arith.index_cast %scan3A_42 : i32 to index
      %swap3A_576 = arith.constant 688 : index
      %swap3A_577 = tpu.vector_load %arg8[%swap3A_575, %swap3A_576] {strides = array<i32>} : memref<64x768xf32, #tpu.memory_space<vmem>>, vector<16xf32>,
      tpu.vector_store %arg8[%swap3A_575, %swap3A_576], %add3A_574 {strides = array<i32>} : memref<64x768xf32, #tpu.memory_space<vmem>>, vector<16xf32>,
      %get3A_578 = arith.index_cast %scan3A_42 : i32 to index
      %get3A_579 = arith.constant 704 : index
      %get3A_580 = tpu.vector_load %arg8[%get3A_578, %get3A_579] {strides = array<i32>} : memref<64x768xf32, #tpu.memory_space<vmem>>, vector<16xf32>,
      %get3A_581 = arith.index_cast %scan3A_42 : i32 to index
      %get3A_582 = arith.constant 704 : index
      %get3A_583 = tpu.vector_load %arg9[%get3A_581, %get3A_582] {strides = array<i32>} : memref<64x768xf32, #tpu.memory_space<vmem>>, vector<16xf32>,
      %mul3A_584 = arith.mulf %gather3A, %get3A_580 : vector<16xf32>
      %mul3A_585 = arith.mulf %gather3A_51, %get3A_583 : vector<16xf32>
      %add3A_586 = arith.addf %mul3A_584, %mul3A_585 : vector<16xf32>
      %swap3A_587 = arith.index_cast %scan3A_42 : i32 to index
      %swap3A_588 = arith.constant 704 : index
      %swap3A_589 = tpu.vector_load %arg8[%swap3A_587, %swap3A_588] {strides = array<i32>} : memref<64x768xf32, #tpu.memory_space<vmem>>, vector<16xf32>,
      tpu.vector_store %arg8[%swap3A_587, %swap3A_588], %add3A_586 {strides = array<i32>} : memref<64x768xf32, #tpu.memory_space<vmem>>, vector<16xf32>,
      %get3A_590 = arith.index_cast %scan3A_42 : i32 to index
      %get3A_591 = arith.constant 720 : index
      %get3A_592 = tpu.vector_load %arg8[%get3A_590, %get3A_591] {strides = array<i32>} : memref<64x768xf32, #tpu.memory_space<vmem>>, vector<16xf32>,
      %get3A_593 = arith.index_cast %scan3A_42 : i32 to index
      %get3A_594 = arith.constant 720 : index
      %get3A_595 = tpu.vector_load %arg9[%get3A_593, %get3A_594] {strides = array<i32>} : memref<64x768xf32, #tpu.memory_space<vmem>>, vector<16xf32>,
      %mul3A_596 = arith.mulf %gather3A, %get3A_592 : vector<16xf32>
      %mul3A_597 = arith.mulf %gather3A_51, %get3A_595 : vector<16xf32>
      %add3A_598 = arith.addf %mul3A_596, %mul3A_597 : vector<16xf32>
      %swap3A_599 = arith.index_cast %scan3A_42 : i32 to index
      %swap3A_600 = arith.constant 720 : index
      %swap3A_601 = tpu.vector_load %arg8[%swap3A_599, %swap3A_600] {strides = array<i32>} : memref<64x768xf32, #tpu.memory_space<vmem>>, vector<16xf32>,
      tpu.vector_store %arg8[%swap3A_599, %swap3A_600], %add3A_598 {strides = array<i32>} : memref<64x768xf32, #tpu.memory_space<vmem>>, vector<16xf32>,
      %get3A_602 = arith.index_cast %scan3A_42 : i32 to index
      %get3A_603 = arith.constant 736 : index
      %get3A_604 = tpu.vector_load %arg8[%get3A_602, %get3A_603] {strides = array<i32>} : memref<64x768xf32, #tpu.memory_space<vmem>>, vector<16xf32>,
      %get3A_605 = arith.index_cast %scan3A_42 : i32 to index
      %get3A_606 = arith.constant 736 : index
      %get3A_607 = tpu.vector_load %arg9[%get3A_605, %get3A_606] {strides = array<i32>} : memref<64x768xf32, #tpu.memory_space<vmem>>, vector<16xf32>,
      %mul3A_608 = arith.mulf %gather3A, %get3A_604 : vector<16xf32>
      %mul3A_609 = arith.mulf %gather3A_51, %get3A_607 : vector<16xf32>
      %add3A_610 = arith.addf %mul3A_608, %mul3A_609 : vector<16xf32>
      %swap3A_611 = arith.index_cast %scan3A_42 : i32 to index
      %swap3A_612 = arith.constant 736 : index
      %swap3A_613 = tpu.vector_load %arg8[%swap3A_611, %swap3A_612] {strides = array<i32>} : memref<64x768xf32, #tpu.memory_space<vmem>>, vector<16xf32>,
      tpu.vector_store %arg8[%swap3A_611, %swap3A_612], %add3A_610 {strides = array<i32>} : memref<64x768xf32, #tpu.memory_space<vmem>>, vector<16xf32>,
      %get3A_614 = arith.index_cast %scan3A_42 : i32 to index
      %get3A_615 = arith.constant 752 : index
      %get3A_616 = tpu.vector_load %arg8[%get3A_614, %get3A_615] {strides = array<i32>} : memref<64x768xf32, #tpu.memory_space<vmem>>, vector<16xf32>,
      %get3A_617 = arith.index_cast %scan3A_42 : i32 to index
      %get3A_618 = arith.constant 752 : index
      %get3A_619 = tpu.vector_load %arg9[%get3A_617, %get3A_618] {strides = array<i32>} : memref<64x768xf32, #tpu.memory_space<vmem>>, vector<16xf32>,
      %mul3A_620 = arith.mulf %gather3A, %get3A_616 : vector<16xf32>
      %mul3A_621 = arith.mulf %gather3A_51, %get3A_619 : vector<16xf32>
      %add3A_622 = arith.addf %mul3A_620, %mul3A_621 : vector<16xf32>
      %swap3A_623 = arith.index_cast %scan3A_42 : i32 to index
      %swap3A_624 = arith.constant 752 : index
      %swap3A_625 = tpu.vector_load %arg8[%swap3A_623, %swap3A_624] {strides = array<i32>} : memref<64x768xf32, #tpu.memory_space<vmem>>, vector<16xf32>,
      tpu.vector_store %arg8[%swap3A_623, %swap3A_624], %add3A_622 {strides = array<i32>} : memref<64x768xf32, #tpu.memory_space<vmem>>, vector<16xf32>,
      %scan3A_626 = arith.constant 0 : i32
      scf.yield %scan3A_626 : i32
    }
    %scan3A_41 = arith.constant 64 : i32
    "tpu.region"() ({
      %run_scoped3A = tpu.sem_alloc : memref<!tpu.dma_semaphore, #tpu.memory_space<semaphore_mem>>
      %dma_start3A_42 = arith.constant 0 : i32
      %dma_start3A_43 = tpu.memref_slice %arg7[%add3A_22, %dma_start3A_42] : memref<4096x768xf32, #tpu.memory_space<hbm>> -> memref<64x768xf32, #tpu.memory_space<hbm>>
      %dma_start3A_44 = arith.constant 0 : i32
      %dma_start3A_45 = tpu.memref_slice %arg7[%add3A_22, %dma_start3A_44] : memref<4096x768xf32, #tpu.memory_space<hbm>> -> memref<64x768xf32, #tpu.memory_space<hbm>>
      tpu.enqueue_dma source(%arg8 : memref<64x768xf32, #tpu.memory_space<vmem>>) target(%dma_start3A_45 : memref<64x768xf32, #tpu.memory_space<hbm>>) target_semaphore(%run_scoped3A : memref<!tpu.dma_semaphore, #tpu.memory_space<semaphore_mem>>)
      %dma_wait3A_46 = arith.constant 0 : i32
      %dma_wait3A_47 = tpu.memref_slice %arg7[%add3A_22, %dma_wait3A_46] : memref<4096x768xf32, #tpu.memory_space<hbm>> -> memref<64x768xf32, #tpu.memory_space<hbm>>
      %dma_wait3A_48 = arith.constant 0 : i32
      %dma_wait3A_49 = tpu.memref_slice %arg7[%add3A_22, %dma_wait3A_48] : memref<4096x768xf32, #tpu.memory_space<hbm>> -> memref<64x768xf32, #tpu.memory_space<hbm>>
      tpu.wait_dma2 semaphore(%run_scoped3A : memref<!tpu.dma_semaphore, #tpu.memory_space<semaphore_mem>>) src(%arg8 : memref<64x768xf32, #tpu.memory_space<vmem>>) dst(%dma_wait3A_49 : memref<64x768xf32, #tpu.memory_space<hbm>>)
      tpu.yield
    }) : () -> ()
    return
  }
}

#map = affine_map<(d0, d1) -> (0, 0)>
#map1 = affine_map<(d0, d1) -> (0)>
module attributes {stable_mosaic.version = 14 : i64} {
  func.func @k(%arg0: i32, %arg1: i32, %arg2: memref<4096x768xf32, #tpu.memory_space<hbm>>, %arg3: memref<4096xi32, #tpu.memory_space<hbm>>, %arg4: memref<4096xi32, #tpu.memory_space<hbm>>, %arg5: memref<16xi32, #tpu.memory_space<hbm>>, %arg6: memref<12288x768xf32, #tpu.memory_space<hbm>>, %arg7: memref<4096xi32, #tpu.memory_space<hbm>>, %arg8: memref<4096xi32, #tpu.memory_space<hbm>>, %arg9: memref<128x768xf32, #tpu.memory_space<vmem>>, %arg10: memref<128xi32, #tpu.memory_space<vmem>>, %arg11: memref<128xi32, #tpu.memory_space<vmem>>, %arg12: memref<128xi32, #tpu.memory_space<vmem>>, %arg13: memref<128xi32, #tpu.memory_space<vmem>>, %arg14: memref<16xi32, #tpu.memory_space<vmem>>, %arg15: memref<!tpu.dma_semaphore, #tpu.memory_space<semaphore_mem>>, %arg16: memref<!tpu.dma_semaphore, #tpu.memory_space<semaphore_mem>>) attributes {dimension_semantics = [#tpu.dimension_semantics<core_parallel>, #tpu.dimension_semantics<subcore_parallel>], iteration_bounds = array<i64: 2, 16>, scalar_prefetch = 0 : i64, scratch_operands = 8 : i64, tpu.core_type = #tpu.core_type<sc_vector_subcore>, window_params = [{transform_indices = #map}, {transform_indices = #map1}, {transform_indices = #map1}, {transform_indices = #map1}, {transform_indices = #map}, {transform_indices = #map1}, {transform_indices = #map1}]} {
    %mul3A = arith.constant 2 : i32
    %mul3A_0 = arith.muli %arg1, %mul3A : i32
    %add3A = arith.addi %mul3A_0, %arg0 : i32
    %mul3A_1 = arith.constant 128 : i32
    %mul3A_2 = arith.muli %add3A, %mul3A_1 : i32
    "tpu.region"() ({
      %run_scoped3A = tpu.sem_alloc : memref<!tpu.dma_semaphore, #tpu.memory_space<semaphore_mem>>
      tpu.enqueue_dma source(%arg5 : memref<16xi32, #tpu.memory_space<hbm>>) target(%arg14 : memref<16xi32, #tpu.memory_space<vmem>>) target_semaphore(%run_scoped3A : memref<!tpu.dma_semaphore, #tpu.memory_space<semaphore_mem>>)
      tpu.wait_dma2 semaphore(%run_scoped3A : memref<!tpu.dma_semaphore, #tpu.memory_space<semaphore_mem>>) src(%arg5 : memref<16xi32, #tpu.memory_space<hbm>>) dst(%arg14 : memref<16xi32, #tpu.memory_space<vmem>>)
      tpu.yield
    }) : () -> ()
    "tpu.region"() ({
      %run_scoped3A = tpu.sem_alloc : memref<!tpu.dma_semaphore, #tpu.memory_space<semaphore_mem>>
      %dma_start3A_200 = tpu.memref_slice %arg3[%mul3A_2] : memref<4096xi32, #tpu.memory_space<hbm>> -> memref<128xi32, #tpu.memory_space<hbm>>
      %dma_start3A_201 = tpu.memref_slice %arg3[%mul3A_2] : memref<4096xi32, #tpu.memory_space<hbm>> -> memref<128xi32, #tpu.memory_space<hbm>>
      tpu.enqueue_dma source(%dma_start3A_201 : memref<128xi32, #tpu.memory_space<hbm>>) target(%arg10 : memref<128xi32, #tpu.memory_space<vmem>>) target_semaphore(%run_scoped3A : memref<!tpu.dma_semaphore, #tpu.memory_space<semaphore_mem>>)
      %dma_wait3A_202 = tpu.memref_slice %arg3[%mul3A_2] : memref<4096xi32, #tpu.memory_space<hbm>> -> memref<128xi32, #tpu.memory_space<hbm>>
      %dma_wait3A_203 = tpu.memref_slice %arg3[%mul3A_2] : memref<4096xi32, #tpu.memory_space<hbm>> -> memref<128xi32, #tpu.memory_space<hbm>>
      tpu.wait_dma2 semaphore(%run_scoped3A : memref<!tpu.dma_semaphore, #tpu.memory_space<semaphore_mem>>) src(%dma_wait3A_203 : memref<128xi32, #tpu.memory_space<hbm>>) dst(%arg10 : memref<128xi32, #tpu.memory_space<vmem>>)
      tpu.yield
    }) : () -> ()
    "tpu.region"() ({
      %run_scoped3A = tpu.sem_alloc : memref<!tpu.dma_semaphore, #tpu.memory_space<semaphore_mem>>
      %dma_start3A_200 = tpu.memref_slice %arg4[%mul3A_2] : memref<4096xi32, #tpu.memory_space<hbm>> -> memref<128xi32, #tpu.memory_space<hbm>>
      %dma_start3A_201 = tpu.memref_slice %arg4[%mul3A_2] : memref<4096xi32, #tpu.memory_space<hbm>> -> memref<128xi32, #tpu.memory_space<hbm>>
      tpu.enqueue_dma source(%dma_start3A_201 : memref<128xi32, #tpu.memory_space<hbm>>) target(%arg11 : memref<128xi32, #tpu.memory_space<vmem>>) target_semaphore(%run_scoped3A : memref<!tpu.dma_semaphore, #tpu.memory_space<semaphore_mem>>)
      %dma_wait3A_202 = tpu.memref_slice %arg4[%mul3A_2] : memref<4096xi32, #tpu.memory_space<hbm>> -> memref<128xi32, #tpu.memory_space<hbm>>
      %dma_wait3A_203 = tpu.memref_slice %arg4[%mul3A_2] : memref<4096xi32, #tpu.memory_space<hbm>> -> memref<128xi32, #tpu.memory_space<hbm>>
      tpu.wait_dma2 semaphore(%run_scoped3A : memref<!tpu.dma_semaphore, #tpu.memory_space<semaphore_mem>>) src(%dma_wait3A_203 : memref<128xi32, #tpu.memory_space<hbm>>) dst(%arg11 : memref<128xi32, #tpu.memory_space<vmem>>)
      tpu.yield
    }) : () -> ()
    "tpu.region"() ({
      %run_scoped3A = tpu.sem_alloc : memref<!tpu.dma_semaphore, #tpu.memory_space<semaphore_mem>>
      %dma_start3A_200 = arith.constant 0 : i32
      %dma_start3A_201 = tpu.memref_slice %arg2[%mul3A_2, %dma_start3A_200] : memref<4096x768xf32, #tpu.memory_space<hbm>> -> memref<128x768xf32, #tpu.memory_space<hbm>>
      %dma_start3A_202 = arith.constant 0 : i32
      %dma_start3A_203 = tpu.memref_slice %arg2[%mul3A_2, %dma_start3A_202] : memref<4096x768xf32, #tpu.memory_space<hbm>> -> memref<128x768xf32, #tpu.memory_space<hbm>>
      tpu.enqueue_dma source(%dma_start3A_203 : memref<128x768xf32, #tpu.memory_space<hbm>>) target(%arg9 : memref<128x768xf32, #tpu.memory_space<vmem>>) target_semaphore(%run_scoped3A : memref<!tpu.dma_semaphore, #tpu.memory_space<semaphore_mem>>)
      %dma_wait3A_204 = arith.constant 0 : i32
      %dma_wait3A_205 = tpu.memref_slice %arg2[%mul3A_2, %dma_wait3A_204] : memref<4096x768xf32, #tpu.memory_space<hbm>> -> memref<128x768xf32, #tpu.memory_space<hbm>>
      %dma_wait3A_206 = arith.constant 0 : i32
      %dma_wait3A_207 = tpu.memref_slice %arg2[%mul3A_2, %dma_wait3A_206] : memref<4096x768xf32, #tpu.memory_space<hbm>> -> memref<128x768xf32, #tpu.memory_space<hbm>>
      tpu.wait_dma2 semaphore(%run_scoped3A : memref<!tpu.dma_semaphore, #tpu.memory_space<semaphore_mem>>) src(%dma_wait3A_207 : memref<128x768xf32, #tpu.memory_space<hbm>>) dst(%arg9 : memref<128x768xf32, #tpu.memory_space<vmem>>)
      tpu.yield
    }) : () -> ()
    %get3A = arith.constant 0 : index
    %get3A_3 = tpu.vector_load %arg10[%get3A] {strides = array<i32>} : memref<128xi32, #tpu.memory_space<vmem>>, vector<16xi32>,
    %shift_right_logical3A = arith.constant 14 : i32
    %shift_right_logical3A_4 = vector.broadcast %shift_right_logical3A : i32 to vector<16xi32>
    %shift_right_logical3A_5 = arith.shrui %get3A_3, %shift_right_logical3A_4 : vector<16xi32>
    %and3A = arith.constant 16383 : i32
    %and3A_6 = vector.broadcast %and3A : i32 to vector<16xi32>
    %and3A_7 = arith.andi %get3A_3, %and3A_6 : vector<16xi32>
    %gather3A = tpu.vector_load_idx %arg14[%shift_right_logical3A_5] : memref<16xi32, #tpu.memory_space<vmem>>[vector<16xi32>], vector<16xi32>,
    %add3A_8 = arith.addi %gather3A, %and3A_7 : vector<16xi32>
    %swap3A = arith.constant 0 : index
    %swap3A_9 = tpu.vector_load %arg12[%swap3A] {strides = array<i32>} : memref<128xi32, #tpu.memory_space<vmem>>, vector<16xi32>,
    tpu.vector_store %arg12[%swap3A], %add3A_8 {strides = array<i32>} : memref<128xi32, #tpu.memory_space<vmem>>, vector<16xi32>,
    %get3A_10 = arith.constant 0 : index
    %get3A_11 = tpu.vector_load %arg11[%get3A_10] {strides = array<i32>} : memref<128xi32, #tpu.memory_space<vmem>>, vector<16xi32>,
    %shift_right_logical3A_12 = arith.constant 14 : i32
    %shift_right_logical3A_13 = vector.broadcast %shift_right_logical3A_12 : i32 to vector<16xi32>
    %shift_right_logical3A_14 = arith.shrui %get3A_11, %shift_right_logical3A_13 : vector<16xi32>
    %and3A_15 = arith.constant 16383 : i32
    %and3A_16 = vector.broadcast %and3A_15 : i32 to vector<16xi32>
    %and3A_17 = arith.andi %get3A_11, %and3A_16 : vector<16xi32>
    %gather3A_18 = tpu.vector_load_idx %arg14[%shift_right_logical3A_14] : memref<16xi32, #tpu.memory_space<vmem>>[vector<16xi32>], vector<16xi32>,
    %add3A_19 = arith.addi %gather3A_18, %and3A_17 : vector<16xi32>
    %swap3A_20 = arith.constant 0 : index
    %swap3A_21 = tpu.vector_load %arg13[%swap3A_20] {strides = array<i32>} : memref<128xi32, #tpu.memory_space<vmem>>, vector<16xi32>,
    tpu.vector_store %arg13[%swap3A_20], %add3A_19 {strides = array<i32>} : memref<128xi32, #tpu.memory_space<vmem>>, vector<16xi32>,
    %get3A_22 = arith.constant 16 : index
    %get3A_23 = tpu.vector_load %arg10[%get3A_22] {strides = array<i32>} : memref<128xi32, #tpu.memory_space<vmem>>, vector<16xi32>,
    %shift_right_logical3A_24 = arith.constant 14 : i32
    %shift_right_logical3A_25 = vector.broadcast %shift_right_logical3A_24 : i32 to vector<16xi32>
    %shift_right_logical3A_26 = arith.shrui %get3A_23, %shift_right_logical3A_25 : vector<16xi32>
    %and3A_27 = arith.constant 16383 : i32
    %and3A_28 = vector.broadcast %and3A_27 : i32 to vector<16xi32>
    %and3A_29 = arith.andi %get3A_23, %and3A_28 : vector<16xi32>
    %gather3A_30 = tpu.vector_load_idx %arg14[%shift_right_logical3A_26] : memref<16xi32, #tpu.memory_space<vmem>>[vector<16xi32>], vector<16xi32>,
    %add3A_31 = arith.addi %gather3A_30, %and3A_29 : vector<16xi32>
    %swap3A_32 = arith.constant 16 : index
    %swap3A_33 = tpu.vector_load %arg12[%swap3A_32] {strides = array<i32>} : memref<128xi32, #tpu.memory_space<vmem>>, vector<16xi32>,
    tpu.vector_store %arg12[%swap3A_32], %add3A_31 {strides = array<i32>} : memref<128xi32, #tpu.memory_space<vmem>>, vector<16xi32>,
    %get3A_34 = arith.constant 16 : index
    %get3A_35 = tpu.vector_load %arg11[%get3A_34] {strides = array<i32>} : memref<128xi32, #tpu.memory_space<vmem>>, vector<16xi32>,
    %shift_right_logical3A_36 = arith.constant 14 : i32
    %shift_right_logical3A_37 = vector.broadcast %shift_right_logical3A_36 : i32 to vector<16xi32>
    %shift_right_logical3A_38 = arith.shrui %get3A_35, %shift_right_logical3A_37 : vector<16xi32>
    %and3A_39 = arith.constant 16383 : i32
    %and3A_40 = vector.broadcast %and3A_39 : i32 to vector<16xi32>
    %and3A_41 = arith.andi %get3A_35, %and3A_40 : vector<16xi32>
    %gather3A_42 = tpu.vector_load_idx %arg14[%shift_right_logical3A_38] : memref<16xi32, #tpu.memory_space<vmem>>[vector<16xi32>], vector<16xi32>,
    %add3A_43 = arith.addi %gather3A_42, %and3A_41 : vector<16xi32>
    %swap3A_44 = arith.constant 16 : index
    %swap3A_45 = tpu.vector_load %arg13[%swap3A_44] {strides = array<i32>} : memref<128xi32, #tpu.memory_space<vmem>>, vector<16xi32>,
    tpu.vector_store %arg13[%swap3A_44], %add3A_43 {strides = array<i32>} : memref<128xi32, #tpu.memory_space<vmem>>, vector<16xi32>,
    %get3A_46 = arith.constant 32 : index
    %get3A_47 = tpu.vector_load %arg10[%get3A_46] {strides = array<i32>} : memref<128xi32, #tpu.memory_space<vmem>>, vector<16xi32>,
    %shift_right_logical3A_48 = arith.constant 14 : i32
    %shift_right_logical3A_49 = vector.broadcast %shift_right_logical3A_48 : i32 to vector<16xi32>
    %shift_right_logical3A_50 = arith.shrui %get3A_47, %shift_right_logical3A_49 : vector<16xi32>
    %and3A_51 = arith.constant 16383 : i32
    %and3A_52 = vector.broadcast %and3A_51 : i32 to vector<16xi32>
    %and3A_53 = arith.andi %get3A_47, %and3A_52 : vector<16xi32>
    %gather3A_54 = tpu.vector_load_idx %arg14[%shift_right_logical3A_50] : memref<16xi32, #tpu.memory_space<vmem>>[vector<16xi32>], vector<16xi32>,
    %add3A_55 = arith.addi %gather3A_54, %and3A_53 : vector<16xi32>
    %swap3A_56 = arith.constant 32 : index
    %swap3A_57 = tpu.vector_load %arg12[%swap3A_56] {strides = array<i32>} : memref<128xi32, #tpu.memory_space<vmem>>, vector<16xi32>,
    tpu.vector_store %arg12[%swap3A_56], %add3A_55 {strides = array<i32>} : memref<128xi32, #tpu.memory_space<vmem>>, vector<16xi32>,
    %get3A_58 = arith.constant 32 : index
    %get3A_59 = tpu.vector_load %arg11[%get3A_58] {strides = array<i32>} : memref<128xi32, #tpu.memory_space<vmem>>, vector<16xi32>,
    %shift_right_logical3A_60 = arith.constant 14 : i32
    %shift_right_logical3A_61 = vector.broadcast %shift_right_logical3A_60 : i32 to vector<16xi32>
    %shift_right_logical3A_62 = arith.shrui %get3A_59, %shift_right_logical3A_61 : vector<16xi32>
    %and3A_63 = arith.constant 16383 : i32
    %and3A_64 = vector.broadcast %and3A_63 : i32 to vector<16xi32>
    %and3A_65 = arith.andi %get3A_59, %and3A_64 : vector<16xi32>
    %gather3A_66 = tpu.vector_load_idx %arg14[%shift_right_logical3A_62] : memref<16xi32, #tpu.memory_space<vmem>>[vector<16xi32>], vector<16xi32>,
    %add3A_67 = arith.addi %gather3A_66, %and3A_65 : vector<16xi32>
    %swap3A_68 = arith.constant 32 : index
    %swap3A_69 = tpu.vector_load %arg13[%swap3A_68] {strides = array<i32>} : memref<128xi32, #tpu.memory_space<vmem>>, vector<16xi32>,
    tpu.vector_store %arg13[%swap3A_68], %add3A_67 {strides = array<i32>} : memref<128xi32, #tpu.memory_space<vmem>>, vector<16xi32>,
    %get3A_70 = arith.constant 48 : index
    %get3A_71 = tpu.vector_load %arg10[%get3A_70] {strides = array<i32>} : memref<128xi32, #tpu.memory_space<vmem>>, vector<16xi32>,
    %shift_right_logical3A_72 = arith.constant 14 : i32
    %shift_right_logical3A_73 = vector.broadcast %shift_right_logical3A_72 : i32 to vector<16xi32>
    %shift_right_logical3A_74 = arith.shrui %get3A_71, %shift_right_logical3A_73 : vector<16xi32>
    %and3A_75 = arith.constant 16383 : i32
    %and3A_76 = vector.broadcast %and3A_75 : i32 to vector<16xi32>
    %and3A_77 = arith.andi %get3A_71, %and3A_76 : vector<16xi32>
    %gather3A_78 = tpu.vector_load_idx %arg14[%shift_right_logical3A_74] : memref<16xi32, #tpu.memory_space<vmem>>[vector<16xi32>], vector<16xi32>,
    %add3A_79 = arith.addi %gather3A_78, %and3A_77 : vector<16xi32>
    %swap3A_80 = arith.constant 48 : index
    %swap3A_81 = tpu.vector_load %arg12[%swap3A_80] {strides = array<i32>} : memref<128xi32, #tpu.memory_space<vmem>>, vector<16xi32>,
    tpu.vector_store %arg12[%swap3A_80], %add3A_79 {strides = array<i32>} : memref<128xi32, #tpu.memory_space<vmem>>, vector<16xi32>,
    %get3A_82 = arith.constant 48 : index
    %get3A_83 = tpu.vector_load %arg11[%get3A_82] {strides = array<i32>} : memref<128xi32, #tpu.memory_space<vmem>>, vector<16xi32>,
    %shift_right_logical3A_84 = arith.constant 14 : i32
    %shift_right_logical3A_85 = vector.broadcast %shift_right_logical3A_84 : i32 to vector<16xi32>
    %shift_right_logical3A_86 = arith.shrui %get3A_83, %shift_right_logical3A_85 : vector<16xi32>
    %and3A_87 = arith.constant 16383 : i32
    %and3A_88 = vector.broadcast %and3A_87 : i32 to vector<16xi32>
    %and3A_89 = arith.andi %get3A_83, %and3A_88 : vector<16xi32>
    %gather3A_90 = tpu.vector_load_idx %arg14[%shift_right_logical3A_86] : memref<16xi32, #tpu.memory_space<vmem>>[vector<16xi32>], vector<16xi32>,
    %add3A_91 = arith.addi %gather3A_90, %and3A_89 : vector<16xi32>
    %swap3A_92 = arith.constant 48 : index
    %swap3A_93 = tpu.vector_load %arg13[%swap3A_92] {strides = array<i32>} : memref<128xi32, #tpu.memory_space<vmem>>, vector<16xi32>,
    tpu.vector_store %arg13[%swap3A_92], %add3A_91 {strides = array<i32>} : memref<128xi32, #tpu.memory_space<vmem>>, vector<16xi32>,
    %get3A_94 = arith.constant 64 : index
    %get3A_95 = tpu.vector_load %arg10[%get3A_94] {strides = array<i32>} : memref<128xi32, #tpu.memory_space<vmem>>, vector<16xi32>,
    %shift_right_logical3A_96 = arith.constant 14 : i32
    %shift_right_logical3A_97 = vector.broadcast %shift_right_logical3A_96 : i32 to vector<16xi32>
    %shift_right_logical3A_98 = arith.shrui %get3A_95, %shift_right_logical3A_97 : vector<16xi32>
    %and3A_99 = arith.constant 16383 : i32
    %and3A_100 = vector.broadcast %and3A_99 : i32 to vector<16xi32>
    %and3A_101 = arith.andi %get3A_95, %and3A_100 : vector<16xi32>
    %gather3A_102 = tpu.vector_load_idx %arg14[%shift_right_logical3A_98] : memref<16xi32, #tpu.memory_space<vmem>>[vector<16xi32>], vector<16xi32>,
    %add3A_103 = arith.addi %gather3A_102, %and3A_101 : vector<16xi32>
    %swap3A_104 = arith.constant 64 : index
    %swap3A_105 = tpu.vector_load %arg12[%swap3A_104] {strides = array<i32>} : memref<128xi32, #tpu.memory_space<vmem>>, vector<16xi32>,
    tpu.vector_store %arg12[%swap3A_104], %add3A_103 {strides = array<i32>} : memref<128xi32, #tpu.memory_space<vmem>>, vector<16xi32>,
    %get3A_106 = arith.constant 64 : index
    %get3A_107 = tpu.vector_load %arg11[%get3A_106] {strides = array<i32>} : memref<128xi32, #tpu.memory_space<vmem>>, vector<16xi32>,
    %shift_right_logical3A_108 = arith.constant 14 : i32
    %shift_right_logical3A_109 = vector.broadcast %shift_right_logical3A_108 : i32 to vector<16xi32>
    %shift_right_logical3A_110 = arith.shrui %get3A_107, %shift_right_logical3A_109 : vector<16xi32>
    %and3A_111 = arith.constant 16383 : i32
    %and3A_112 = vector.broadcast %and3A_111 : i32 to vector<16xi32>
    %and3A_113 = arith.andi %get3A_107, %and3A_112 : vector<16xi32>
    %gather3A_114 = tpu.vector_load_idx %arg14[%shift_right_logical3A_110] : memref<16xi32, #tpu.memory_space<vmem>>[vector<16xi32>], vector<16xi32>,
    %add3A_115 = arith.addi %gather3A_114, %and3A_113 : vector<16xi32>
    %swap3A_116 = arith.constant 64 : index
    %swap3A_117 = tpu.vector_load %arg13[%swap3A_116] {strides = array<i32>} : memref<128xi32, #tpu.memory_space<vmem>>, vector<16xi32>,
    tpu.vector_store %arg13[%swap3A_116], %add3A_115 {strides = array<i32>} : memref<128xi32, #tpu.memory_space<vmem>>, vector<16xi32>,
    %get3A_118 = arith.constant 80 : index
    %get3A_119 = tpu.vector_load %arg10[%get3A_118] {strides = array<i32>} : memref<128xi32, #tpu.memory_space<vmem>>, vector<16xi32>,
    %shift_right_logical3A_120 = arith.constant 14 : i32
    %shift_right_logical3A_121 = vector.broadcast %shift_right_logical3A_120 : i32 to vector<16xi32>
    %shift_right_logical3A_122 = arith.shrui %get3A_119, %shift_right_logical3A_121 : vector<16xi32>
    %and3A_123 = arith.constant 16383 : i32
    %and3A_124 = vector.broadcast %and3A_123 : i32 to vector<16xi32>
    %and3A_125 = arith.andi %get3A_119, %and3A_124 : vector<16xi32>
    %gather3A_126 = tpu.vector_load_idx %arg14[%shift_right_logical3A_122] : memref<16xi32, #tpu.memory_space<vmem>>[vector<16xi32>], vector<16xi32>,
    %add3A_127 = arith.addi %gather3A_126, %and3A_125 : vector<16xi32>
    %swap3A_128 = arith.constant 80 : index
    %swap3A_129 = tpu.vector_load %arg12[%swap3A_128] {strides = array<i32>} : memref<128xi32, #tpu.memory_space<vmem>>, vector<16xi32>,
    tpu.vector_store %arg12[%swap3A_128], %add3A_127 {strides = array<i32>} : memref<128xi32, #tpu.memory_space<vmem>>, vector<16xi32>,
    %get3A_130 = arith.constant 80 : index
    %get3A_131 = tpu.vector_load %arg11[%get3A_130] {strides = array<i32>} : memref<128xi32, #tpu.memory_space<vmem>>, vector<16xi32>,
    %shift_right_logical3A_132 = arith.constant 14 : i32
    %shift_right_logical3A_133 = vector.broadcast %shift_right_logical3A_132 : i32 to vector<16xi32>
    %shift_right_logical3A_134 = arith.shrui %get3A_131, %shift_right_logical3A_133 : vector<16xi32>
    %and3A_135 = arith.constant 16383 : i32
    %and3A_136 = vector.broadcast %and3A_135 : i32 to vector<16xi32>
    %and3A_137 = arith.andi %get3A_131, %and3A_136 : vector<16xi32>
    %gather3A_138 = tpu.vector_load_idx %arg14[%shift_right_logical3A_134] : memref<16xi32, #tpu.memory_space<vmem>>[vector<16xi32>], vector<16xi32>,
    %add3A_139 = arith.addi %gather3A_138, %and3A_137 : vector<16xi32>
    %swap3A_140 = arith.constant 80 : index
    %swap3A_141 = tpu.vector_load %arg13[%swap3A_140] {strides = array<i32>} : memref<128xi32, #tpu.memory_space<vmem>>, vector<16xi32>,
    tpu.vector_store %arg13[%swap3A_140], %add3A_139 {strides = array<i32>} : memref<128xi32, #tpu.memory_space<vmem>>, vector<16xi32>,
    %get3A_142 = arith.constant 96 : index
    %get3A_143 = tpu.vector_load %arg10[%get3A_142] {strides = array<i32>} : memref<128xi32, #tpu.memory_space<vmem>>, vector<16xi32>,
    %shift_right_logical3A_144 = arith.constant 14 : i32
    %shift_right_logical3A_145 = vector.broadcast %shift_right_logical3A_144 : i32 to vector<16xi32>
    %shift_right_logical3A_146 = arith.shrui %get3A_143, %shift_right_logical3A_145 : vector<16xi32>
    %and3A_147 = arith.constant 16383 : i32
    %and3A_148 = vector.broadcast %and3A_147 : i32 to vector<16xi32>
    %and3A_149 = arith.andi %get3A_143, %and3A_148 : vector<16xi32>
    %gather3A_150 = tpu.vector_load_idx %arg14[%shift_right_logical3A_146] : memref<16xi32, #tpu.memory_space<vmem>>[vector<16xi32>], vector<16xi32>,
    %add3A_151 = arith.addi %gather3A_150, %and3A_149 : vector<16xi32>
    %swap3A_152 = arith.constant 96 : index
    %swap3A_153 = tpu.vector_load %arg12[%swap3A_152] {strides = array<i32>} : memref<128xi32, #tpu.memory_space<vmem>>, vector<16xi32>,
    tpu.vector_store %arg12[%swap3A_152], %add3A_151 {strides = array<i32>} : memref<128xi32, #tpu.memory_space<vmem>>, vector<16xi32>,
    %get3A_154 = arith.constant 96 : index
    %get3A_155 = tpu.vector_load %arg11[%get3A_154] {strides = array<i32>} : memref<128xi32, #tpu.memory_space<vmem>>, vector<16xi32>,
    %shift_right_logical3A_156 = arith.constant 14 : i32
    %shift_right_logical3A_157 = vector.broadcast %shift_right_logical3A_156 : i32 to vector<16xi32>
    %shift_right_logical3A_158 = arith.shrui %get3A_155, %shift_right_logical3A_157 : vector<16xi32>
    %and3A_159 = arith.constant 16383 : i32
    %and3A_160 = vector.broadcast %and3A_159 : i32 to vector<16xi32>
    %and3A_161 = arith.andi %get3A_155, %and3A_160 : vector<16xi32>
    %gather3A_162 = tpu.vector_load_idx %arg14[%shift_right_logical3A_158] : memref<16xi32, #tpu.memory_space<vmem>>[vector<16xi32>], vector<16xi32>,
    %add3A_163 = arith.addi %gather3A_162, %and3A_161 : vector<16xi32>
    %swap3A_164 = arith.constant 96 : index
    %swap3A_165 = tpu.vector_load %arg13[%swap3A_164] {strides = array<i32>} : memref<128xi32, #tpu.memory_space<vmem>>, vector<16xi32>,
    tpu.vector_store %arg13[%swap3A_164], %add3A_163 {strides = array<i32>} : memref<128xi32, #tpu.memory_space<vmem>>, vector<16xi32>,
    %get3A_166 = arith.constant 112 : index
    %get3A_167 = tpu.vector_load %arg10[%get3A_166] {strides = array<i32>} : memref<128xi32, #tpu.memory_space<vmem>>, vector<16xi32>,
    %shift_right_logical3A_168 = arith.constant 14 : i32
    %shift_right_logical3A_169 = vector.broadcast %shift_right_logical3A_168 : i32 to vector<16xi32>
    %shift_right_logical3A_170 = arith.shrui %get3A_167, %shift_right_logical3A_169 : vector<16xi32>
    %and3A_171 = arith.constant 16383 : i32
    %and3A_172 = vector.broadcast %and3A_171 : i32 to vector<16xi32>
    %and3A_173 = arith.andi %get3A_167, %and3A_172 : vector<16xi32>
    %gather3A_174 = tpu.vector_load_idx %arg14[%shift_right_logical3A_170] : memref<16xi32, #tpu.memory_space<vmem>>[vector<16xi32>], vector<16xi32>,
    %add3A_175 = arith.addi %gather3A_174, %and3A_173 : vector<16xi32>
    %swap3A_176 = arith.constant 112 : index
    %swap3A_177 = tpu.vector_load %arg12[%swap3A_176] {strides = array<i32>} : memref<128xi32, #tpu.memory_space<vmem>>, vector<16xi32>,
    tpu.vector_store %arg12[%swap3A_176], %add3A_175 {strides = array<i32>} : memref<128xi32, #tpu.memory_space<vmem>>, vector<16xi32>,
    %get3A_178 = arith.constant 112 : index
    %get3A_179 = tpu.vector_load %arg11[%get3A_178] {strides = array<i32>} : memref<128xi32, #tpu.memory_space<vmem>>, vector<16xi32>,
    %shift_right_logical3A_180 = arith.constant 14 : i32
    %shift_right_logical3A_181 = vector.broadcast %shift_right_logical3A_180 : i32 to vector<16xi32>
    %shift_right_logical3A_182 = arith.shrui %get3A_179, %shift_right_logical3A_181 : vector<16xi32>
    %and3A_183 = arith.constant 16383 : i32
    %and3A_184 = vector.broadcast %and3A_183 : i32 to vector<16xi32>
    %and3A_185 = arith.andi %get3A_179, %and3A_184 : vector<16xi32>
    %gather3A_186 = tpu.vector_load_idx %arg14[%shift_right_logical3A_182] : memref<16xi32, #tpu.memory_space<vmem>>[vector<16xi32>], vector<16xi32>,
    %add3A_187 = arith.addi %gather3A_186, %and3A_185 : vector<16xi32>
    %swap3A_188 = arith.constant 112 : index
    %swap3A_189 = tpu.vector_load %arg13[%swap3A_188] {strides = array<i32>} : memref<128xi32, #tpu.memory_space<vmem>>, vector<16xi32>,
    tpu.vector_store %arg13[%swap3A_188], %add3A_187 {strides = array<i32>} : memref<128xi32, #tpu.memory_space<vmem>>, vector<16xi32>,
    "tpu.region"() ({
      %run_scoped3A = tpu.sem_alloc : memref<!tpu.dma_semaphore, #tpu.memory_space<semaphore_mem>>
      %dma_start3A_200 = tpu.memref_slice %arg7[%mul3A_2] : memref<4096xi32, #tpu.memory_space<hbm>> -> memref<128xi32, #tpu.memory_space<hbm>>
      %dma_start3A_201 = tpu.memref_slice %arg7[%mul3A_2] : memref<4096xi32, #tpu.memory_space<hbm>> -> memref<128xi32, #tpu.memory_space<hbm>>
      tpu.enqueue_dma source(%arg12 : memref<128xi32, #tpu.memory_space<vmem>>) target(%dma_start3A_201 : memref<128xi32, #tpu.memory_space<hbm>>) target_semaphore(%run_scoped3A : memref<!tpu.dma_semaphore, #tpu.memory_space<semaphore_mem>>)
      %dma_wait3A_202 = tpu.memref_slice %arg7[%mul3A_2] : memref<4096xi32, #tpu.memory_space<hbm>> -> memref<128xi32, #tpu.memory_space<hbm>>
      %dma_wait3A_203 = tpu.memref_slice %arg7[%mul3A_2] : memref<4096xi32, #tpu.memory_space<hbm>> -> memref<128xi32, #tpu.memory_space<hbm>>
      tpu.wait_dma2 semaphore(%run_scoped3A : memref<!tpu.dma_semaphore, #tpu.memory_space<semaphore_mem>>) src(%arg12 : memref<128xi32, #tpu.memory_space<vmem>>) dst(%dma_wait3A_203 : memref<128xi32, #tpu.memory_space<hbm>>)
      tpu.yield
    }) : () -> ()
    "tpu.region"() ({
      %run_scoped3A = tpu.sem_alloc : memref<!tpu.dma_semaphore, #tpu.memory_space<semaphore_mem>>
      %dma_start3A_200 = tpu.memref_slice %arg8[%mul3A_2] : memref<4096xi32, #tpu.memory_space<hbm>> -> memref<128xi32, #tpu.memory_space<hbm>>
      %dma_start3A_201 = tpu.memref_slice %arg8[%mul3A_2] : memref<4096xi32, #tpu.memory_space<hbm>> -> memref<128xi32, #tpu.memory_space<hbm>>
      tpu.enqueue_dma source(%arg13 : memref<128xi32, #tpu.memory_space<vmem>>) target(%dma_start3A_201 : memref<128xi32, #tpu.memory_space<hbm>>) target_semaphore(%run_scoped3A : memref<!tpu.dma_semaphore, #tpu.memory_space<semaphore_mem>>)
      %dma_wait3A_202 = tpu.memref_slice %arg8[%mul3A_2] : memref<4096xi32, #tpu.memory_space<hbm>> -> memref<128xi32, #tpu.memory_space<hbm>>
      %dma_wait3A_203 = tpu.memref_slice %arg8[%mul3A_2] : memref<4096xi32, #tpu.memory_space<hbm>> -> memref<128xi32, #tpu.memory_space<hbm>>
      tpu.wait_dma2 semaphore(%run_scoped3A : memref<!tpu.dma_semaphore, #tpu.memory_space<semaphore_mem>>) src(%arg13 : memref<128xi32, #tpu.memory_space<vmem>>) dst(%dma_wait3A_203 : memref<128xi32, #tpu.memory_space<hbm>>)
      tpu.yield
    }) : () -> ()
    %dma_start3A = arith.constant 0 : i32
    %dma_start3A_190 = arith.constant 0 : i32
    %dma_start3A_191 = tpu.memref_slice %arg6[%dma_start3A, %dma_start3A_190] : memref<12288x768xf32, #tpu.memory_space<hbm>> -> memref<12288x768xf32, #tpu.memory_space<hbm>>
    tpu.enqueue_indirect_dma source(%arg9 : memref<128x768xf32, #tpu.memory_space<vmem>>) target(%dma_start3A_191 : memref<12288x768xf32, #tpu.memory_space<hbm>>) offsets(%arg12 : memref<128xi32, #tpu.memory_space<vmem>>) semaphore(%arg15 : memref<!tpu.dma_semaphore, #tpu.memory_space<semaphore_mem>>)
    %dma_start3A_192 = arith.constant 0 : i32
    %dma_start3A_193 = arith.constant 0 : i32
    %dma_start3A_194 = tpu.memref_slice %arg6[%dma_start3A_192, %dma_start3A_193] : memref<12288x768xf32, #tpu.memory_space<hbm>> -> memref<12288x768xf32, #tpu.memory_space<hbm>>
    tpu.enqueue_indirect_dma source(%arg9 : memref<128x768xf32, #tpu.memory_space<vmem>>) target(%dma_start3A_194 : memref<12288x768xf32, #tpu.memory_space<hbm>>) offsets(%arg13 : memref<128xi32, #tpu.memory_space<vmem>>) semaphore(%arg16 : memref<!tpu.dma_semaphore, #tpu.memory_space<semaphore_mem>>)
    %dma_wait3A = arith.constant 0 : i32
    %dma_wait3A_195 = arith.constant 0 : i32
    %dma_wait3A_196 = tpu.memref_slice %arg6[%dma_wait3A, %dma_wait3A_195] : memref<12288x768xf32, #tpu.memory_space<hbm>> -> memref<12288x768xf32, #tpu.memory_space<hbm>>
    tpu.wait_indirect_dma semaphore(%arg15 : memref<!tpu.dma_semaphore, #tpu.memory_space<semaphore_mem>>) src(%arg9 : memref<128x768xf32, #tpu.memory_space<vmem>>) dst(%dma_wait3A_196 : memref<12288x768xf32, #tpu.memory_space<hbm>>)
    %dma_wait3A_197 = arith.constant 0 : i32
    %dma_wait3A_198 = arith.constant 0 : i32
    %dma_wait3A_199 = tpu.memref_slice %arg6[%dma_wait3A_197, %dma_wait3A_198] : memref<12288x768xf32, #tpu.memory_space<hbm>> -> memref<12288x768xf32, #tpu.memory_space<hbm>>
    tpu.wait_indirect_dma semaphore(%arg16 : memref<!tpu.dma_semaphore, #tpu.memory_space<semaphore_mem>>) src(%arg9 : memref<128x768xf32, #tpu.memory_space<vmem>>) dst(%dma_wait3A_199 : memref<12288x768xf32, #tpu.memory_space<hbm>>)
    return
  }
}

module attributes {stable_mosaic.version = 14 : i64} {
  func.func @_ffn_body(%arg0: i32, %arg1: memref<64xi32, #tpu.memory_space<smem>>, %arg2: memref<512x768xf32, #tpu.memory_space<vmem>>, %arg3: memref<1x768x768xf32, #tpu.memory_space<vmem>>, %arg4: memref<1x768x768xf32, #tpu.memory_space<vmem>>, %arg5: memref<512x768xf32, #tpu.memory_space<vmem>>) attributes {dimension_semantics = [#tpu.dimension_semantics<arbitrary>], iteration_bounds = array<i64: 24>, scalar_prefetch = 1 : i64, scratch_operands = 0 : i64, tpu.core_type = #tpu.core_type<tc>, window_params = [{transform_indices = @transform_0, window_bounds = array<i64: 512, 768>}, {transform_indices = @transform_1, window_bounds = array<i64: 1, 768, 768>}, {transform_indices = @transform_2, window_bounds = array<i64: 1, 768, 768>}, {transform_indices = @transform_3, window_bounds = array<i64: 512, 768>}]} {
    %get3A = arith.constant 0 : index
    %get3A_0 = arith.constant 0 : index
    %get3A_1 = vector.load %arg2[%get3A, %get3A_0] : memref<512x768xf32, #tpu.memory_space<vmem>>, vector<512x768xf32>
    %convert_element_type3A = arith.truncf %get3A_1 : vector<512x768xf32> to vector<512x768xbf16>
    %get3A_2 = arith.constant 0 : index
    %get3A_3 = arith.constant 0 : index
    %get3A_4 = arith.constant 0 : index
    %get3A_5 = vector.load %arg3[%get3A_2, %get3A_3, %get3A_4] : memref<1x768x768xf32, #tpu.memory_space<vmem>>, vector<1x768x768xf32>
    %get3A_6 = vector.shape_cast %get3A_5 : vector<1x768x768xf32> to vector<768x768xf32>
    %convert_element_type3A_7 = arith.truncf %get3A_6 : vector<768x768xf32> to vector<768x768xbf16>
    %dot_general3A = arith.constant dense<0.000000e+00> : vector<512x768xf32>
    %dot_general3A_8 = tpu.matmul %convert_element_type3A, %convert_element_type3A_7, %dot_general3A {dimension_numbers = #tpu.dot_dimension_numbers<[1], [0], [0], [1], [0, 0, 1, 1], [], []>, transpose_lhs_hint = false} : vector<512x768xbf16>, vector<768x768xbf16>, vector<512x768xf32> -> vector<512x768xf32>
    %max3A = arith.constant 0.000000e+00 : f32
    %max3A_9 = vector.broadcast %max3A : f32 to vector<512x768xf32>
    %max3A_10 = arith.maximumf %dot_general3A_8, %max3A_9 : vector<512x768xf32>
    %convert_element_type3A_11 = arith.truncf %max3A_10 : vector<512x768xf32> to vector<512x768xbf16>
    %get3A_12 = arith.constant 0 : index
    %get3A_13 = arith.constant 0 : index
    %get3A_14 = arith.constant 0 : index
    %get3A_15 = vector.load %arg4[%get3A_12, %get3A_13, %get3A_14] : memref<1x768x768xf32, #tpu.memory_space<vmem>>, vector<1x768x768xf32>
    %get3A_16 = vector.shape_cast %get3A_15 : vector<1x768x768xf32> to vector<768x768xf32>
    %convert_element_type3A_17 = arith.truncf %get3A_16 : vector<768x768xf32> to vector<768x768xbf16>
    %dot_general3A_18 = arith.constant dense<0.000000e+00> : vector<512x768xf32>
    %dot_general3A_19 = tpu.matmul %convert_element_type3A_11, %convert_element_type3A_17, %dot_general3A_18 {dimension_numbers = #tpu.dot_dimension_numbers<[1], [0], [0], [1], [0, 0, 1, 1], [], []>, transpose_lhs_hint = false} : vector<512x768xbf16>, vector<768x768xbf16>, vector<512x768xf32> -> vector<512x768xf32>
    %swap3A = arith.constant 0 : index
    %swap3A_20 = arith.constant 0 : index
    %swap3A_21 = vector.load %arg5[%swap3A, %swap3A_20] : memref<512x768xf32, #tpu.memory_space<vmem>>, vector<512x768xf32>
    tpu.vector_store %arg5[%swap3A, %swap3A_20], %dot_general3A_19 {strides = array<i32>} : memref<512x768xf32, #tpu.memory_space<vmem>>, vector<512x768xf32>,
    return
  }
  func.func @transform_0(%arg0: i32, %arg1: memref<64xi32, #tpu.memory_space<smem>>) -> (i32, i32) {
    %c0_i32 = arith.constant 0 : i32
    %c0_i32_0 = arith.constant 0 : i32
    return %arg0, %c0_i32 : i32, i32
  }
  func.func @transform_1(%arg0: i32, %arg1: memref<64xi32, #tpu.memory_space<smem>>) -> (i32, i32, i32) {
    %get3A = arith.index_cast %arg0 : i32 to index
    %get3A_0 = memref.load %arg1[%get3A] : memref<64xi32, #tpu.memory_space<smem>>
    %c0_i32 = arith.constant 0 : i32
    %c0_i32_1 = arith.constant 0 : i32
    %c0_i32_2 = arith.constant 0 : i32
    return %get3A_0, %c0_i32, %c0_i32_1 : i32, i32, i32
  }
  func.func @transform_2(%arg0: i32, %arg1: memref<64xi32, #tpu.memory_space<smem>>) -> (i32, i32, i32) {
    %get3A = arith.index_cast %arg0 : i32 to index
    %get3A_0 = memref.load %arg1[%get3A] : memref<64xi32, #tpu.memory_space<smem>>
    %c0_i32 = arith.constant 0 : i32
    %c0_i32_1 = arith.constant 0 : i32
    %c0_i32_2 = arith.constant 0 : i32
    return %get3A_0, %c0_i32, %c0_i32_1 : i32, i32, i32
  }
  func.func @transform_3(%arg0: i32, %arg1: memref<64xi32, #tpu.memory_space<smem>>) -> (i32, i32) {
    %c0_i32 = arith.constant 0 : i32
    %c0_i32_0 = arith.constant 0 : i32
    return %arg0, %c0_i32 : i32, i32
  }
}

module attributes {stable_mosaic.version = 14 : i64} {
  func.func @_router_body(%arg0: i32, %arg1: memref<2048x768xf32, #tpu.memory_space<vmem>>, %arg2: memref<8x768xf32, #tpu.memory_space<vmem>>, %arg3: memref<2048xf32, #tpu.memory_space<vmem>>, %arg4: memref<2048xf32, #tpu.memory_space<vmem>>, %arg5: memref<2048xi32, #tpu.memory_space<vmem>>, %arg6: memref<2048xi32, #tpu.memory_space<vmem>>, %arg7: memref<16xi32, #tpu.memory_space<vmem>>, %arg8: memref<64xi32, #tpu.memory_space<vmem>>, %arg9: memref<1x1xf32, #tpu.memory_space<vmem>>, %arg10: memref<1x8xf32, #tpu.memory_space<vmem>>, %arg11: memref<1x8xf32, #tpu.memory_space<vmem>>, %arg12: memref<1x8xf32, #tpu.memory_space<vmem>>, %arg13: memref<512x512xf32, #tpu.memory_space<vmem>>) attributes {dimension_semantics = [#tpu.dimension_semantics<arbitrary>], iteration_bounds = array<i64: 2>, scalar_prefetch = 0 : i64, scratch_operands = 4 : i64, tpu.core_type = #tpu.core_type<tc>, window_params = [{transform_indices = @transform_0, window_bounds = array<i64: 2048, 768>}, {pipeline_mode = #tpu.pipeline_mode<synchronous>, transform_indices = @transform_1, window_bounds = array<i64: 8, 768>}, {transform_indices = @transform_2, window_bounds = array<i64: 2048>}, {transform_indices = @transform_3, window_bounds = array<i64: 2048>}, {transform_indices = @transform_4, window_bounds = array<i64: 2048>}, {transform_indices = @transform_5, window_bounds = array<i64: 2048>}, {pipeline_mode = #tpu.pipeline_mode<synchronous>, transform_indices = @transform_6, window_bounds = array<i64: 16>}, {pipeline_mode = #tpu.pipeline_mode<synchronous>, transform_indices = @transform_7, window_bounds = array<i64: 64>}, {pipeline_mode = #tpu.pipeline_mode<synchronous>, transform_indices = @transform_8, window_bounds = array<i64: 1, 1>}]} {
    %eq3A = arith.constant 0 : i32
    %eq3A_0 = arith.cmpi eq, %arg0, %eq3A : i32
    %convert_element_type3A = arith.extui %eq3A_0 : i1 to i32
    %cond3A = arith.constant 0 : i32
    %cond3A_1 = arith.cmpi ne, %convert_element_type3A, %cond3A : i32
    scf.if %cond3A_1 {
      %broadcast_in_dim3A_187 = arith.constant 0.000000e+00 : f32
      %broadcast_in_dim3A_188 = vector.broadcast %broadcast_in_dim3A_187 : f32 to vector<1x8xf32>
      %swap3A_189 = arith.constant 0 : index
      %swap3A_190 = arith.constant 0 : index
      %swap3A_191 = vector.load %arg10[%swap3A_189, %swap3A_190] : memref<1x8xf32, #tpu.memory_space<vmem>>, vector<1x8xf32>
      tpu.vector_store %arg10[%swap3A_189, %swap3A_190], %broadcast_in_dim3A_188 {strides = array<i32>} : memref<1x8xf32, #tpu.memory_space<vmem>>, vector<1x8xf32>,
      %broadcast_in_dim3A_192 = arith.constant 0.000000e+00 : f32
      %broadcast_in_dim3A_193 = vector.broadcast %broadcast_in_dim3A_192 : f32 to vector<1x8xf32>
      %swap3A_194 = arith.constant 0 : index
      %swap3A_195 = arith.constant 0 : index
      %swap3A_196 = vector.load %arg11[%swap3A_194, %swap3A_195] : memref<1x8xf32, #tpu.memory_space<vmem>>, vector<1x8xf32>
      tpu.vector_store %arg11[%swap3A_194, %swap3A_195], %broadcast_in_dim3A_193 {strides = array<i32>} : memref<1x8xf32, #tpu.memory_space<vmem>>, vector<1x8xf32>,
      %broadcast_in_dim3A_197 = arith.constant 0.000000e+00 : f32
      %broadcast_in_dim3A_198 = vector.broadcast %broadcast_in_dim3A_197 : f32 to vector<1x8xf32>
      %swap3A_199 = arith.constant 0 : index
      %swap3A_200 = arith.constant 0 : index
      %swap3A_201 = vector.load %arg12[%swap3A_199, %swap3A_200] : memref<1x8xf32, #tpu.memory_space<vmem>>, vector<1x8xf32>
      tpu.vector_store %arg12[%swap3A_199, %swap3A_200], %broadcast_in_dim3A_198 {strides = array<i32>} : memref<1x8xf32, #tpu.memory_space<vmem>>, vector<1x8xf32>,
      %iota3A_202 = tpu.iota {dimensions = array<i32: 0>} : vector<512x512xi32>
      %iota3A_203 = tpu.iota {dimensions = array<i32: 1>} : vector<512x512xi32>
      %lt3A = arith.cmpi slt, %iota3A_203, %iota3A_202 : vector<512x512xi32>
      %convert_element_type3A_204 = arith.extui %lt3A : vector<512x512xi1> to vector<512x512xi32>
      %convert_element_type3A_205 = arith.sitofp %convert_element_type3A_204 : vector<512x512xi32> to vector<512x512xf32>
      %swap3A_206 = arith.constant 0 : index
      %swap3A_207 = arith.constant 0 : index
      %swap3A_208 = vector.load %arg13[%swap3A_206, %swap3A_207] : memref<512x512xf32, #tpu.memory_space<vmem>>, vector<512x512xf32>
      tpu.vector_store %arg13[%swap3A_206, %swap3A_207], %convert_element_type3A_205 {strides = array<i32>} : memref<512x512xf32, #tpu.memory_space<vmem>>, vector<512x512xf32>,
    } else {
    }
    %get3A = arith.constant 0 : index
    %get3A_2 = arith.constant 0 : index
    %get3A_3 = vector.load %arg1[%get3A, %get3A_2] : memref<2048x768xf32, #tpu.memory_space<vmem>>, vector<2048x768xf32>
    %get3A_4 = arith.constant 0 : index
    %get3A_5 = arith.constant 0 : index
    %get3A_6 = vector.load %arg2[%get3A_4, %get3A_5] : memref<8x768xf32, #tpu.memory_space<vmem>>, vector<8x768xf32>
    %dot_general3A = arith.constant dense<0.000000e+00> : vector<2048x8xf32>
    %dot_general3A_7 = tpu.matmul %get3A_3, %get3A_6, %dot_general3A {dimension_numbers = #tpu.dot_dimension_numbers<[1], [1], [0], [0], [0, 0, 1, 0], [], []>, transpose_lhs_hint = false} : vector<2048x768xf32>, vector<8x768xf32>, vector<2048x8xf32> -> vector<2048x8xf32>
    %reduce_max3A = arith.constant dense<0xFF800000> : vector<2048xf32>
    %reduce_max3A_8 = vector.multi_reduction <maximumf>, %dot_general3A_7, %reduce_max3A [1] : vector<2048x8xf32> to vector<2048xf32>
    %broadcast_in_dim3A = vector.shape_cast %reduce_max3A_8 : vector<2048xf32> to vector<2048x1xf32>
    %sub3A = vector.broadcast %broadcast_in_dim3A : vector<2048x1xf32> to vector<2048x8xf32>
    %sub3A_9 = arith.subf %dot_general3A_7, %sub3A : vector<2048x8xf32>
    %exp3A = math.exp %sub3A_9 : vector<2048x8xf32>
    %reduce_sum3A = arith.constant dense<0.000000e+00> : vector<2048xf32>
    %reduce_sum3A_10 = vector.multi_reduction <add>, %exp3A, %reduce_sum3A [1] : vector<2048x8xf32> to vector<2048xf32>
    %broadcast_in_dim3A_11 = vector.shape_cast %reduce_sum3A_10 : vector<2048xf32> to vector<2048x1xf32>
    %div3A = vector.broadcast %broadcast_in_dim3A_11 : vector<2048x1xf32> to vector<2048x8xf32>
    %div3A_12 = arith.divf %exp3A, %div3A : vector<2048x8xf32>
    %iota3A = tpu.iota {dimensions = array<i32: 1>} : vector<2048x8xi32>
    %reduce_max3A_13 = arith.constant dense<0xFF800000> : vector<2048xf32>
    %reduce_max3A_14 = vector.multi_reduction <maximumf>, %div3A_12, %reduce_max3A_13 [1] : vector<2048x8xf32> to vector<2048xf32>
    %broadcast_in_dim3A_15 = vector.shape_cast %reduce_max3A_14 : vector<2048xf32> to vector<2048x1xf32>
    %eq3A_16 = vector.broadcast %broadcast_in_dim3A_15 : vector<2048x1xf32> to vector<2048x8xf32>
    %eq3A_17 = arith.cmpf oeq, %div3A_12, %eq3A_16 : vector<2048x8xf32>
    %jit3A = arith.constant 8 : i32
    %broadcast_in_dim3A_18 = vector.broadcast %jit3A : i32 to vector<2048x8xi32>
    %select_n3A = arith.select %eq3A_17, %iota3A, %broadcast_in_dim3A_18 : vector<2048x8xi1>, vector<2048x8xi32>
    %reduce_min3A = arith.constant dense<2147483647> : vector<2048xi32>
    %reduce_min3A_19 = vector.multi_reduction <minsi>, %select_n3A, %reduce_min3A [1] : vector<2048x8xi32> to vector<2048xi32>
    %broadcast_in_dim3A_20 = vector.shape_cast %reduce_min3A_19 : vector<2048xi32> to vector<2048x1xi32>
    %eq3A_21 = vector.broadcast %broadcast_in_dim3A_20 : vector<2048x1xi32> to vector<2048x8xi32>
    %eq3A_22 = arith.cmpi eq, %iota3A, %eq3A_21 : vector<2048x8xi32>
    %jit3A_23 = arith.constant 0xFF800000 : f32
    %broadcast_in_dim3A_24 = vector.broadcast %jit3A_23 : f32 to vector<2048x8xf32>
    %select_n3A_25 = arith.select %eq3A_22, %broadcast_in_dim3A_24, %div3A_12 : vector<2048x8xi1>, vector<2048x8xf32>
    %reduce_max3A_26 = arith.constant dense<0xFF800000> : vector<2048xf32>
    %reduce_max3A_27 = vector.multi_reduction <maximumf>, %select_n3A_25, %reduce_max3A_26 [1] : vector<2048x8xf32> to vector<2048xf32>
    %broadcast_in_dim3A_28 = vector.shape_cast %reduce_max3A_27 : vector<2048xf32> to vector<2048x1xf32>
    %eq3A_29 = vector.broadcast %broadcast_in_dim3A_28 : vector<2048x1xf32> to vector<2048x8xf32>
    %eq3A_30 = arith.cmpf oeq, %select_n3A_25, %eq3A_29 : vector<2048x8xf32>
    %jit3A_31 = arith.constant 8 : i32
    %broadcast_in_dim3A_32 = vector.broadcast %jit3A_31 : i32 to vector<2048x8xi32>
    %select_n3A_33 = arith.select %eq3A_30, %iota3A, %broadcast_in_dim3A_32 : vector<2048x8xi1>, vector<2048x8xi32>
    %reduce_min3A_34 = arith.constant dense<2147483647> : vector<2048xi32>
    %reduce_min3A_35 = vector.multi_reduction <minsi>, %select_n3A_33, %reduce_min3A_34 [1] : vector<2048x8xi32> to vector<2048xi32>
    %broadcast_in_dim3A_36 = vector.shape_cast %reduce_min3A_35 : vector<2048xi32> to vector<2048x1xi32>
    %eq3A_37 = vector.broadcast %broadcast_in_dim3A_36 : vector<2048x1xi32> to vector<2048x8xi32>
    %eq3A_38 = arith.cmpi eq, %iota3A, %eq3A_37 : vector<2048x8xi32>
    %convert_element_type3A_39 = arith.extui %eq3A_22 : vector<2048x8xi1> to vector<2048x8xi32>
    %convert_element_type3A_40 = arith.sitofp %convert_element_type3A_39 : vector<2048x8xi32> to vector<2048x8xf32>
    %convert_element_type3A_41 = arith.extui %eq3A_38 : vector<2048x8xi1> to vector<2048x8xi32>
    %convert_element_type3A_42 = arith.sitofp %convert_element_type3A_41 : vector<2048x8xi32> to vector<2048x8xf32>
    %mul3A = arith.mulf %div3A_12, %convert_element_type3A_40 : vector<2048x8xf32>
    %reduce_sum3A_43 = arith.constant dense<0.000000e+00> : vector<2048xf32>
    %reduce_sum3A_44 = vector.multi_reduction <add>, %mul3A, %reduce_sum3A_43 [1] : vector<2048x8xf32> to vector<2048xf32>
    %broadcast_in_dim3A_45 = vector.shape_cast %reduce_sum3A_44 : vector<2048xf32> to vector<2048x1xf32>
    %mul3A_46 = arith.mulf %div3A_12, %convert_element_type3A_42 : vector<2048x8xf32>
    %reduce_sum3A_47 = arith.constant dense<0.000000e+00> : vector<2048xf32>
    %reduce_sum3A_48 = vector.multi_reduction <add>, %mul3A_46, %reduce_sum3A_47 [1] : vector<2048x8xf32> to vector<2048xf32>
    %broadcast_in_dim3A_49 = vector.shape_cast %reduce_sum3A_48 : vector<2048xf32> to vector<2048x1xf32>
    %add3A = arith.addf %broadcast_in_dim3A_45, %broadcast_in_dim3A_49 : vector<2048x1xf32>
    %div3A_50 = arith.divf %broadcast_in_dim3A_45, %add3A : vector<2048x1xf32>
    %div3A_51 = arith.divf %broadcast_in_dim3A_49, %add3A : vector<2048x1xf32>
    %get3A_52 = arith.constant 0 : index
    %get3A_53 = arith.constant 0 : index
    %get3A_54 = vector.load %arg11[%get3A_52, %get3A_53] : memref<1x8xf32, #tpu.memory_space<vmem>>, vector<1x8xf32>
    %reduce_sum3A_55 = arith.constant dense<0.000000e+00> : vector<8xf32>
    %reduce_sum3A_56 = vector.multi_reduction <add>, %convert_element_type3A_40, %reduce_sum3A_55 [0] : vector<2048x8xf32> to vector<8xf32>
    %broadcast_in_dim3A_57 = vector.shape_cast %reduce_sum3A_56 : vector<8xf32> to vector<1x8xf32>
    %add3A_58 = arith.addf %get3A_54, %broadcast_in_dim3A_57 : vector<1x8xf32>
    %swap3A = arith.constant 0 : index
    %swap3A_59 = arith.constant 0 : index
    %swap3A_60 = vector.load %arg11[%swap3A, %swap3A_59] : memref<1x8xf32, #tpu.memory_space<vmem>>, vector<1x8xf32>
    tpu.vector_store %arg11[%swap3A, %swap3A_59], %add3A_58 {strides = array<i32>} : memref<1x8xf32, #tpu.memory_space<vmem>>, vector<1x8xf32>,
    %get3A_61 = arith.constant 0 : index
    %get3A_62 = arith.constant 0 : index
    %get3A_63 = vector.load %arg12[%get3A_61, %get3A_62] : memref<1x8xf32, #tpu.memory_space<vmem>>, vector<1x8xf32>
    %reduce_sum3A_64 = arith.constant dense<0.000000e+00> : vector<8xf32>
    %reduce_sum3A_65 = vector.multi_reduction <add>, %div3A_12, %reduce_sum3A_64 [0] : vector<2048x8xf32> to vector<8xf32>
    %broadcast_in_dim3A_66 = vector.shape_cast %reduce_sum3A_65 : vector<8xf32> to vector<1x8xf32>
    %add3A_67 = arith.addf %get3A_63, %broadcast_in_dim3A_66 : vector<1x8xf32>
    %swap3A_68 = arith.constant 0 : index
    %swap3A_69 = arith.constant 0 : index
    %swap3A_70 = vector.load %arg12[%swap3A_68, %swap3A_69] : memref<1x8xf32, #tpu.memory_space<vmem>>, vector<1x8xf32>
    tpu.vector_store %arg12[%swap3A_68, %swap3A_69], %add3A_67 {strides = array<i32>} : memref<1x8xf32, #tpu.memory_space<vmem>>, vector<1x8xf32>,
    %add3A_71 = arith.addf %convert_element_type3A_40, %convert_element_type3A_42 : vector<2048x8xf32>
    %get3A_72 = arith.constant 0 : index
    %get3A_73 = arith.constant 0 : index
    %get3A_74 = vector.load %arg13[%get3A_72, %get3A_73] : memref<512x512xf32, #tpu.memory_space<vmem>>, vector<512x512xf32>
    %slice3A = vector.extract_strided_slice %add3A_71 {offsets = [0, 0], sizes = [512, 8], strides = [1, 1]} : vector<2048x8xf32> to vector<512x8xf32>
    %dot_general3A_75 = arith.constant dense<0.000000e+00> : vector<512x8xf32>
    %dot_general3A_76 = tpu.matmul %get3A_74, %slice3A, %dot_general3A_75 {dimension_numbers = #tpu.dot_dimension_numbers<[1], [0], [0], [1], [0, 0, 1, 1], [], []>, transpose_lhs_hint = false} : vector<512x512xf32>, vector<512x8xf32>, vector<512x8xf32> -> vector<512x8xf32>
    %get3A_77 = arith.constant 0 : index
    %get3A_78 = arith.constant 0 : index
    %get3A_79 = vector.load %arg10[%get3A_77, %get3A_78] : memref<1x8xf32, #tpu.memory_space<vmem>>, vector<1x8xf32>
    %add3A_80 = vector.broadcast %get3A_79 : vector<1x8xf32> to vector<512x8xf32>
    %add3A_81 = arith.addf %dot_general3A_76, %add3A_80 : vector<512x8xf32>
    %get3A_82 = arith.constant 0 : index
    %get3A_83 = arith.constant 0 : index
    %get3A_84 = vector.load %arg10[%get3A_82, %get3A_83] : memref<1x8xf32, #tpu.memory_space<vmem>>, vector<1x8xf32>
    %reduce_sum3A_85 = arith.constant dense<0.000000e+00> : vector<8xf32>
    %reduce_sum3A_86 = vector.multi_reduction <add>, %slice3A, %reduce_sum3A_85 [0] : vector<512x8xf32> to vector<8xf32>
    %broadcast_in_dim3A_87 = vector.shape_cast %reduce_sum3A_86 : vector<8xf32> to vector<1x8xf32>
    %add3A_88 = arith.addf %get3A_84, %broadcast_in_dim3A_87 : vector<1x8xf32>
    %swap3A_89 = arith.constant 0 : index
    %swap3A_90 = arith.constant 0 : index
    %swap3A_91 = vector.load %arg10[%swap3A_89, %swap3A_90] : memref<1x8xf32, #tpu.memory_space<vmem>>, vector<1x8xf32>
    tpu.vector_store %arg10[%swap3A_89, %swap3A_90], %add3A_88 {strides = array<i32>} : memref<1x8xf32, #tpu.memory_space<vmem>>, vector<1x8xf32>,
    %slice3A_92 = vector.extract_strided_slice %add3A_71 {offsets = [512, 0], sizes = [512, 8], strides = [1, 1]} : vector<2048x8xf32> to vector<512x8xf32>
    %dot_general3A_93 = arith.constant dense<0.000000e+00> : vector<512x8xf32>
    %dot_general3A_94 = tpu.matmul %get3A_74, %slice3A_92, %dot_general3A_93 {dimension_numbers = #tpu.dot_dimension_numbers<[1], [0], [0], [1], [0, 0, 1, 1], [], []>, transpose_lhs_hint = false} : vector<512x512xf32>, vector<512x8xf32>, vector<512x8xf32> -> vector<512x8xf32>
    %get3A_95 = arith.constant 0 : index
    %get3A_96 = arith.constant 0 : index
    %get3A_97 = vector.load %arg10[%get3A_95, %get3A_96] : memref<1x8xf32, #tpu.memory_space<vmem>>, vector<1x8xf32>
    %add3A_98 = vector.broadcast %get3A_97 : vector<1x8xf32> to vector<512x8xf32>
    %add3A_99 = arith.addf %dot_general3A_94, %add3A_98 : vector<512x8xf32>
    %get3A_100 = arith.constant 0 : index
    %get3A_101 = arith.constant 0 : index
    %get3A_102 = vector.load %arg10[%get3A_100, %get3A_101] : memref<1x8xf32, #tpu.memory_space<vmem>>, vector<1x8xf32>
    %reduce_sum3A_103 = arith.constant dense<0.000000e+00> : vector<8xf32>
    %reduce_sum3A_104 = vector.multi_reduction <add>, %slice3A_92, %reduce_sum3A_103 [0] : vector<512x8xf32> to vector<8xf32>
    %broadcast_in_dim3A_105 = vector.shape_cast %reduce_sum3A_104 : vector<8xf32> to vector<1x8xf32>
    %add3A_106 = arith.addf %get3A_102, %broadcast_in_dim3A_105 : vector<1x8xf32>
    %swap3A_107 = arith.constant 0 : index
    %swap3A_108 = arith.constant 0 : index
    %swap3A_109 = vector.load %arg10[%swap3A_107, %swap3A_108] : memref<1x8xf32, #tpu.memory_space<vmem>>, vector<1x8xf32>
    tpu.vector_store %arg10[%swap3A_107, %swap3A_108], %add3A_106 {strides = array<i32>} : memref<1x8xf32, #tpu.memory_space<vmem>>, vector<1x8xf32>,
    %slice3A_110 = vector.extract_strided_slice %add3A_71 {offsets = [1024, 0], sizes = [512, 8], strides = [1, 1]} : vector<2048x8xf32> to vector<512x8xf32>
    %dot_general3A_111 = arith.constant dense<0.000000e+00> : vector<512x8xf32>
    %dot_general3A_112 = tpu.matmul %get3A_74, %slice3A_110, %dot_general3A_111 {dimension_numbers = #tpu.dot_dimension_numbers<[1], [0], [0], [1], [0, 0, 1, 1], [], []>, transpose_lhs_hint = false} : vector<512x512xf32>, vector<512x8xf32>, vector<512x8xf32> -> vector<512x8xf32>
    %get3A_113 = arith.constant 0 : index
    %get3A_114 = arith.constant 0 : index
    %get3A_115 = vector.load %arg10[%get3A_113, %get3A_114] : memref<1x8xf32, #tpu.memory_space<vmem>>, vector<1x8xf32>
    %add3A_116 = vector.broadcast %get3A_115 : vector<1x8xf32> to vector<512x8xf32>
    %add3A_117 = arith.addf %dot_general3A_112, %add3A_116 : vector<512x8xf32>
    %get3A_118 = arith.constant 0 : index
    %get3A_119 = arith.constant 0 : index
    %get3A_120 = vector.load %arg10[%get3A_118, %get3A_119] : memref<1x8xf32, #tpu.memory_space<vmem>>, vector<1x8xf32>
    %reduce_sum3A_121 = arith.constant dense<0.000000e+00> : vector<8xf32>
    %reduce_sum3A_122 = vector.multi_reduction <add>, %slice3A_110, %reduce_sum3A_121 [0] : vector<512x8xf32> to vector<8xf32>
    %broadcast_in_dim3A_123 = vector.shape_cast %reduce_sum3A_122 : vector<8xf32> to vector<1x8xf32>
    %add3A_124 = arith.addf %get3A_120, %broadcast_in_dim3A_123 : vector<1x8xf32>
    %swap3A_125 = arith.constant 0 : index
    %swap3A_126 = arith.constant 0 : index
    %swap3A_127 = vector.load %arg10[%swap3A_125, %swap3A_126] : memref<1x8xf32, #tpu.memory_space<vmem>>, vector<1x8xf32>
    tpu.vector_store %arg10[%swap3A_125, %swap3A_126], %add3A_124 {strides = array<i32>} : memref<1x8xf32, #tpu.memory_space<vmem>>, vector<1x8xf32>,
    %slice3A_128 = vector.extract_strided_slice %add3A_71 {offsets = [1536, 0], sizes = [512, 8], strides = [1, 1]} : vector<2048x8xf32> to vector<512x8xf32>
    %dot_general3A_129 = arith.constant dense<0.000000e+00> : vector<512x8xf32>
    %dot_general3A_130 = tpu.matmul %get3A_74, %slice3A_128, %dot_general3A_129 {dimension_numbers = #tpu.dot_dimension_numbers<[1], [0], [0], [1], [0, 0, 1, 1], [], []>, transpose_lhs_hint = false} : vector<512x512xf32>, vector<512x8xf32>, vector<512x8xf32> -> vector<512x8xf32>
    %get3A_131 = arith.constant 0 : index
    %get3A_132 = arith.constant 0 : index
    %get3A_133 = vector.load %arg10[%get3A_131, %get3A_132] : memref<1x8xf32, #tpu.memory_space<vmem>>, vector<1x8xf32>
    %add3A_134 = vector.broadcast %get3A_133 : vector<1x8xf32> to vector<512x8xf32>
    %add3A_135 = arith.addf %dot_general3A_130, %add3A_134 : vector<512x8xf32>
    %get3A_136 = arith.constant 0 : index
    %get3A_137 = arith.constant 0 : index
    %get3A_138 = vector.load %arg10[%get3A_136, %get3A_137] : memref<1x8xf32, #tpu.memory_space<vmem>>, vector<1x8xf32>
    %reduce_sum3A_139 = arith.constant dense<0.000000e+00> : vector<8xf32>
    %reduce_sum3A_140 = vector.multi_reduction <add>, %slice3A_128, %reduce_sum3A_139 [0] : vector<512x8xf32> to vector<8xf32>
    %broadcast_in_dim3A_141 = vector.shape_cast %reduce_sum3A_140 : vector<8xf32> to vector<1x8xf32>
    %add3A_142 = arith.addf %get3A_138, %broadcast_in_dim3A_141 : vector<1x8xf32>
    %swap3A_143 = arith.constant 0 : index
    %swap3A_144 = arith.constant 0 : index
    %swap3A_145 = vector.load %arg10[%swap3A_143, %swap3A_144] : memref<1x8xf32, #tpu.memory_space<vmem>>, vector<1x8xf32>
    tpu.vector_store %arg10[%swap3A_143, %swap3A_144], %add3A_142 {strides = array<i32>} : memref<1x8xf32, #tpu.memory_space<vmem>>, vector<1x8xf32>,
    %concatenate3A = tpu.concatenate %add3A_81, %add3A_99, %add3A_117, %add3A_135 in 0 : vector<512x8xf32>, vector<512x8xf32>, vector<512x8xf32>, vector<512x8xf32> -> vector<2048x8xf32>
    %convert_element_type3A_146 = arith.sitofp %iota3A : vector<2048x8xi32> to vector<2048x8xf32>
    %mul3A_147 = arith.constant 1.638400e+04 : f32
    %mul3A_148 = vector.broadcast %mul3A_147 : f32 to vector<2048x8xf32>
    %mul3A_149 = arith.mulf %convert_element_type3A_146, %mul3A_148 : vector<2048x8xf32>
    %add3A_150 = arith.addf %mul3A_149, %concatenate3A : vector<2048x8xf32>
    %mul3A_151 = arith.mulf %add3A_150, %convert_element_type3A_40 : vector<2048x8xf32>
    %mul3A_152 = arith.constant 1.638400e+04 : f32
    %mul3A_153 = vector.broadcast %mul3A_152 : f32 to vector<2048x8xf32>
    %mul3A_154 = arith.mulf %convert_element_type3A_146, %mul3A_153 : vector<2048x8xf32>
    %add3A_155 = arith.addf %mul3A_154, %concatenate3A : vector<2048x8xf32>
    %mul3A_156 = arith.mulf %add3A_155, %convert_element_type3A_42 : vector<2048x8xf32>
    %transpose3A = tpu.transpose %mul3A_151, [1, 0] : vector<2048x8xf32> -> vector<8x2048xf32>
    %reduce_sum3A_157 = arith.constant dense<0.000000e+00> : vector<2048xf32>
    %reduce_sum3A_158 = vector.multi_reduction <add>, %transpose3A, %reduce_sum3A_157 [0] : vector<8x2048xf32> to vector<2048xf32>
    %transpose3A_159 = tpu.transpose %mul3A_156, [1, 0] : vector<2048x8xf32> -> vector<8x2048xf32>
    %reduce_sum3A_160 = arith.constant dense<0.000000e+00> : vector<2048xf32>
    %reduce_sum3A_161 = vector.multi_reduction <add>, %transpose3A_159, %reduce_sum3A_160 [0] : vector<8x2048xf32> to vector<2048xf32>
    %convert_element_type3A_162 = arith.fptosi %reduce_sum3A_158 : vector<2048xf32> to vector<2048xi32>
    %swap3A_163 = arith.constant 0 : index
    %swap3A_164 = vector.load %arg5[%swap3A_163] : memref<2048xi32, #tpu.memory_space<vmem>>, vector<2048xi32>
    tpu.vector_store %arg5[%swap3A_163], %convert_element_type3A_162 {strides = array<i32>} : memref<2048xi32, #tpu.memory_space<vmem>>, vector<2048xi32>,
    %convert_element_type3A_165 = arith.fptosi %reduce_sum3A_161 : vector<2048xf32> to vector<2048xi32>
    %swap3A_166 = arith.constant 0 : index
    %swap3A_167 = vector.load %arg6[%swap3A_166] : memref<2048xi32, #tpu.memory_space<vmem>>, vector<2048xi32>
    tpu.vector_store %arg6[%swap3A_166], %convert_element_type3A_165 {strides = array<i32>} : memref<2048xi32, #tpu.memory_space<vmem>>, vector<2048xi32>,
    %mul3A_168 = vector.broadcast %div3A_50 : vector<2048x1xf32> to vector<2048x8xf32>
    %mul3A_169 = arith.mulf %mul3A_168, %convert_element_type3A_40 : vector<2048x8xf32>
    %transpose3A_170 = tpu.transpose %mul3A_169, [1, 0] : vector<2048x8xf32> -> vector<8x2048xf32>
    %reduce_sum3A_171 = arith.constant dense<0.000000e+00> : vector<2048xf32>
    %reduce_sum3A_172 = vector.multi_reduction <add>, %transpose3A_170, %reduce_sum3A_171 [0] : vector<8x2048xf32> to vector<2048xf32>
    %swap3A_173 = arith.constant 0 : index
    %swap3A_174 = vector.load %arg3[%swap3A_173] : memref<2048xf32, #tpu.memory_space<vmem>>, vector<2048xf32>
    tpu.vector_store %arg3[%swap3A_173], %reduce_sum3A_172 {strides = array<i32>} : memref<2048xf32, #tpu.memory_space<vmem>>, vector<2048xf32>,
    %mul3A_175 = vector.broadcast %div3A_51 : vector<2048x1xf32> to vector<2048x8xf32>
    %mul3A_176 = arith.mulf %mul3A_175, %convert_element_type3A_42 : vector<2048x8xf32>
    %transpose3A_177 = tpu.transpose %mul3A_176, [1, 0] : vector<2048x8xf32> -> vector<8x2048xf32>
    %reduce_sum3A_178 = arith.constant dense<0.000000e+00> : vector<2048xf32>
    %reduce_sum3A_179 = vector.multi_reduction <add>, %transpose3A_177, %reduce_sum3A_178 [0] : vector<8x2048xf32> to vector<2048xf32>
    %swap3A_180 = arith.constant 0 : index
    %swap3A_181 = vector.load %arg4[%swap3A_180] : memref<2048xf32, #tpu.memory_space<vmem>>, vector<2048xf32>
    tpu.vector_store %arg4[%swap3A_180], %reduce_sum3A_179 {strides = array<i32>} : memref<2048xf32, #tpu.memory_space<vmem>>, vector<2048xf32>,
    %eq3A_182 = arith.constant 1 : i32
    %eq3A_183 = arith.cmpi eq, %arg0, %eq3A_182 : i32
    %convert_element_type3A_184 = arith.extui %eq3A_183 : i1 to i32
    %cond3A_185 = arith.constant 0 : i32
    %cond3A_186 = arith.cmpi ne, %convert_element_type3A_184, %cond3A_185 : i32
    scf.if %cond3A_186 {
      %get3A_187 = arith.constant 0 : index
      %get3A_188 = arith.constant 0 : index
      %get3A_189 = vector.load %arg10[%get3A_187, %get3A_188] : memref<1x8xf32, #tpu.memory_space<vmem>>, vector<1x8xf32>
      %div3A_190 = arith.constant 5.120000e+02 : f32
      %div3A_191 = vector.broadcast %div3A_190 : f32 to vector<1x8xf32>
      %div3A_192 = arith.divf %get3A_189, %div3A_191 : vector<1x8xf32>
      %ceil3A = math.ceil %div3A_192 : vector<1x8xf32>
      %mul3A_193 = arith.constant 5.120000e+02 : f32
      %mul3A_194 = vector.broadcast %mul3A_193 : f32 to vector<1x8xf32>
      %mul3A_195 = arith.mulf %ceil3A, %mul3A_194 : vector<1x8xf32>
      %iota3A_196 = tpu.iota {dimensions = array<i32: 1>} : vector<8x8xi32>
      %iota3A_197 = tpu.iota {dimensions = array<i32: 0>} : vector<8x8xi32>
      %lt3A = arith.cmpi slt, %iota3A_197, %iota3A_196 : vector<8x8xi32>
      %convert_element_type3A_198 = arith.extui %lt3A : vector<8x8xi1> to vector<8x8xi32>
      %convert_element_type3A_199 = arith.sitofp %convert_element_type3A_198 : vector<8x8xi32> to vector<8x8xf32>
      %dot_general3A_200 = arith.constant dense<0.000000e+00> : vector<1x8xf32>
      %dot_general3A_201 = tpu.matmul %mul3A_195, %convert_element_type3A_199, %dot_general3A_200 {dimension_numbers = #tpu.dot_dimension_numbers<[1], [0], [0], [1], [0, 0, 1, 1], [], []>, transpose_lhs_hint = false} : vector<1x8xf32>, vector<8x8xf32>, vector<1x8xf32> -> vector<1x8xf32>
      %broadcast_in_dim3A_202 = arith.constant 0.000000e+00 : f32
      %broadcast_in_dim3A_203 = vector.broadcast %broadcast_in_dim3A_202 : f32 to vector<1x8xf32>
      %concatenate3A_204 = tpu.concatenate %dot_general3A_201, %broadcast_in_dim3A_203 in 1 : vector<1x8xf32>, vector<1x8xf32> -> vector<1x16xf32>
      %convert_element_type3A_205 = arith.fptosi %concatenate3A_204 : vector<1x16xf32> to vector<1x16xi32>
      %reshape3A = vector.shape_cast %convert_element_type3A_205 : vector<1x16xi32> to vector<16xi32>
      %swap3A_206 = arith.constant 0 : index
      %swap3A_207 = vector.load %arg7[%swap3A_206] : memref<16xi32, #tpu.memory_space<vmem>>, vector<16xi32>
      tpu.vector_store %arg7[%swap3A_206], %reshape3A {strides = array<i32>} : memref<16xi32, #tpu.memory_space<vmem>>, vector<16xi32>,
      %div3A_208 = arith.constant 5.120000e+02 : f32
      %div3A_209 = vector.broadcast %div3A_208 : f32 to vector<1x8xf32>
      %div3A_210 = arith.divf %dot_general3A_201, %div3A_209 : vector<1x8xf32>
      %iota3A_211 = tpu.iota {dimensions = array<i32: 1>} : vector<1x64xi32>
      %convert_element_type3A_212 = arith.sitofp %iota3A_211 : vector<1x64xi32> to vector<1x64xf32>
      %broadcast_in_dim3A_213 = arith.constant 0.000000e+00 : f32
      %broadcast_in_dim3A_214 = vector.broadcast %broadcast_in_dim3A_213 : f32 to vector<1x64xf32>
      %slice3A_215 = vector.extract_strided_slice %div3A_210 {offsets = [0, 0], sizes = [1, 1], strides = [1, 1]} : vector<1x8xf32> to vector<1x1xf32>
      %ge3A = vector.broadcast %slice3A_215 : vector<1x1xf32> to vector<1x64xf32>
      %ge3A_216 = arith.cmpf oge, %convert_element_type3A_212, %ge3A : vector<1x64xf32>
      %convert_element_type3A_217 = arith.extui %ge3A_216 : vector<1x64xi1> to vector<1x64xi32>
      %convert_element_type3A_218 = arith.sitofp %convert_element_type3A_217 : vector<1x64xi32> to vector<1x64xf32>
      %add3A_219 = arith.addf %broadcast_in_dim3A_214, %convert_element_type3A_218 : vector<1x64xf32>
      %slice3A_220 = vector.extract_strided_slice %div3A_210 {offsets = [0, 1], sizes = [1, 1], strides = [1, 1]} : vector<1x8xf32> to vector<1x1xf32>
      %ge3A_221 = vector.broadcast %slice3A_220 : vector<1x1xf32> to vector<1x64xf32>
      %ge3A_222 = arith.cmpf oge, %convert_element_type3A_212, %ge3A_221 : vector<1x64xf32>
      %convert_element_type3A_223 = arith.extui %ge3A_222 : vector<1x64xi1> to vector<1x64xi32>
      %convert_element_type3A_224 = arith.sitofp %convert_element_type3A_223 : vector<1x64xi32> to vector<1x64xf32>
      %add3A_225 = arith.addf %add3A_219, %convert_element_type3A_224 : vector<1x64xf32>
      %slice3A_226 = vector.extract_strided_slice %div3A_210 {offsets = [0, 2], sizes = [1, 1], strides = [1, 1]} : vector<1x8xf32> to vector<1x1xf32>
      %ge3A_227 = vector.broadcast %slice3A_226 : vector<1x1xf32> to vector<1x64xf32>
      %ge3A_228 = arith.cmpf oge, %convert_element_type3A_212, %ge3A_227 : vector<1x64xf32>
      %convert_element_type3A_229 = arith.extui %ge3A_228 : vector<1x64xi1> to vector<1x64xi32>
      %convert_element_type3A_230 = arith.sitofp %convert_element_type3A_229 : vector<1x64xi32> to vector<1x64xf32>
      %add3A_231 = arith.addf %add3A_225, %convert_element_type3A_230 : vector<1x64xf32>
      %slice3A_232 = vector.extract_strided_slice %div3A_210 {offsets = [0, 3], sizes = [1, 1], strides = [1, 1]} : vector<1x8xf32> to vector<1x1xf32>
      %ge3A_233 = vector.broadcast %slice3A_232 : vector<1x1xf32> to vector<1x64xf32>
      %ge3A_234 = arith.cmpf oge, %convert_element_type3A_212, %ge3A_233 : vector<1x64xf32>
      %convert_element_type3A_235 = arith.extui %ge3A_234 : vector<1x64xi1> to vector<1x64xi32>
      %convert_element_type3A_236 = arith.sitofp %convert_element_type3A_235 : vector<1x64xi32> to vector<1x64xf32>
      %add3A_237 = arith.addf %add3A_231, %convert_element_type3A_236 : vector<1x64xf32>
      %slice3A_238 = vector.extract_strided_slice %div3A_210 {offsets = [0, 4], sizes = [1, 1], strides = [1, 1]} : vector<1x8xf32> to vector<1x1xf32>
      %ge3A_239 = vector.broadcast %slice3A_238 : vector<1x1xf32> to vector<1x64xf32>
      %ge3A_240 = arith.cmpf oge, %convert_element_type3A_212, %ge3A_239 : vector<1x64xf32>
      %convert_element_type3A_241 = arith.extui %ge3A_240 : vector<1x64xi1> to vector<1x64xi32>
      %convert_element_type3A_242 = arith.sitofp %convert_element_type3A_241 : vector<1x64xi32> to vector<1x64xf32>
      %add3A_243 = arith.addf %add3A_237, %convert_element_type3A_242 : vector<1x64xf32>
      %slice3A_244 = vector.extract_strided_slice %div3A_210 {offsets = [0, 5], sizes = [1, 1], strides = [1, 1]} : vector<1x8xf32> to vector<1x1xf32>
      %ge3A_245 = vector.broadcast %slice3A_244 : vector<1x1xf32> to vector<1x64xf32>
      %ge3A_246 = arith.cmpf oge, %convert_element_type3A_212, %ge3A_245 : vector<1x64xf32>
      %convert_element_type3A_247 = arith.extui %ge3A_246 : vector<1x64xi1> to vector<1x64xi32>
      %convert_element_type3A_248 = arith.sitofp %convert_element_type3A_247 : vector<1x64xi32> to vector<1x64xf32>
      %add3A_249 = arith.addf %add3A_243, %convert_element_type3A_248 : vector<1x64xf32>
      %slice3A_250 = vector.extract_strided_slice %div3A_210 {offsets = [0, 6], sizes = [1, 1], strides = [1, 1]} : vector<1x8xf32> to vector<1x1xf32>
      %ge3A_251 = vector.broadcast %slice3A_250 : vector<1x1xf32> to vector<1x64xf32>
      %ge3A_252 = arith.cmpf oge, %convert_element_type3A_212, %ge3A_251 : vector<1x64xf32>
      %convert_element_type3A_253 = arith.extui %ge3A_252 : vector<1x64xi1> to vector<1x64xi32>
      %convert_element_type3A_254 = arith.sitofp %convert_element_type3A_253 : vector<1x64xi32> to vector<1x64xf32>
      %add3A_255 = arith.addf %add3A_249, %convert_element_type3A_254 : vector<1x64xf32>
      %slice3A_256 = vector.extract_strided_slice %div3A_210 {offsets = [0, 7], sizes = [1, 1], strides = [1, 1]} : vector<1x8xf32> to vector<1x1xf32>
      %ge3A_257 = vector.broadcast %slice3A_256 : vector<1x1xf32> to vector<1x64xf32>
      %ge3A_258 = arith.cmpf oge, %convert_element_type3A_212, %ge3A_257 : vector<1x64xf32>
      %convert_element_type3A_259 = arith.extui %ge3A_258 : vector<1x64xi1> to vector<1x64xi32>
      %convert_element_type3A_260 = arith.sitofp %convert_element_type3A_259 : vector<1x64xi32> to vector<1x64xf32>
      %add3A_261 = arith.addf %add3A_255, %convert_element_type3A_260 : vector<1x64xf32>
      %sub3A_262 = arith.constant 1.000000e+00 : f32
      %sub3A_263 = vector.broadcast %sub3A_262 : f32 to vector<1x64xf32>
      %sub3A_264 = arith.subf %add3A_261, %sub3A_263 : vector<1x64xf32>
      %convert_element_type3A_265 = arith.fptosi %sub3A_264 : vector<1x64xf32> to vector<1x64xi32>
      %reshape3A_266 = vector.shape_cast %convert_element_type3A_265 : vector<1x64xi32> to vector<64xi32>
      %swap3A_267 = arith.constant 0 : index
      %swap3A_268 = vector.load %arg8[%swap3A_267] : memref<64xi32, #tpu.memory_space<vmem>>, vector<64xi32>
      tpu.vector_store %arg8[%swap3A_267], %reshape3A_266 {strides = array<i32>} : memref<64xi32, #tpu.memory_space<vmem>>, vector<64xi32>,
      %get3A_269 = arith.constant 0 : index
      %get3A_270 = arith.constant 0 : index
      %get3A_271 = vector.load %arg11[%get3A_269, %get3A_270] : memref<1x8xf32, #tpu.memory_space<vmem>>, vector<1x8xf32>
      %get3A_272 = vector.shape_cast %get3A_271 : vector<1x8xf32> to vector<8xf32>
      %div3A_273 = arith.constant 4.096000e+03 : f32
      %div3A_274 = vector.broadcast %div3A_273 : f32 to vector<8xf32>
      %div3A_275 = arith.divf %get3A_272, %div3A_274 : vector<8xf32>
      %get3A_276 = arith.constant 0 : index
      %get3A_277 = arith.constant 0 : index
      %get3A_278 = vector.load %arg12[%get3A_276, %get3A_277] : memref<1x8xf32, #tpu.memory_space<vmem>>, vector<1x8xf32>
      %get3A_279 = vector.shape_cast %get3A_278 : vector<1x8xf32> to vector<8xf32>
      %div3A_280 = arith.constant 4.096000e+03 : f32
      %div3A_281 = vector.broadcast %div3A_280 : f32 to vector<8xf32>
      %div3A_282 = arith.divf %get3A_279, %div3A_281 : vector<8xf32>
      %mul3A_283 = arith.mulf %div3A_275, %div3A_282 : vector<8xf32>
      %reduce_sum3A_284 = vector.shape_cast %mul3A_283 : vector<8xf32> to vector<1x8xf32>
      %reduce_sum3A_285 = arith.constant dense<0.000000e+00> : vector<1xf32>
      %reduce_sum3A_286 = vector.multi_reduction <add>, %reduce_sum3A_284, %reduce_sum3A_285 [1] : vector<1x8xf32> to vector<1xf32>
      %reduce_sum3A_287 = vector.shape_cast %reduce_sum3A_286 : vector<1xf32> to vector<1x1xf32>
      %reduce_sum3A_288 = vector.extract %reduce_sum3A_287[0, 0] : f32 from vector<1x1xf32>
      %mul3A_289 = arith.constant 8.000000e-02 : f32
      %mul3A_290 = arith.mulf %mul3A_289, %reduce_sum3A_288 : f32
      %reshape3A_291 = vector.broadcast %mul3A_290 : f32 to vector<1x1xf32>
      %swap3A_292 = arith.constant 0 : index
      %swap3A_293 = arith.constant 0 : index
      %swap3A_294 = vector.load %arg9[%swap3A_292, %swap3A_293] : memref<1x1xf32, #tpu.memory_space<vmem>>, vector<1x1xf32>
      tpu.vector_store %arg9[%swap3A_292, %swap3A_293], %reshape3A_291 {strides = array<i32>} : memref<1x1xf32, #tpu.memory_space<vmem>>, vector<1x1xf32>,
    } else {
    }
    return
  }
  func.func @transform_0(%arg0: i32) -> (i32, i32) {
    %c0_i32 = arith.constant 0 : i32
    %c0_i32_0 = arith.constant 0 : i32
    return %arg0, %c0_i32 : i32, i32
  }
  func.func @transform_1(%arg0: i32) -> (i32, i32) {
    %c0_i32 = arith.constant 0 : i32
    %c0_i32_0 = arith.constant 0 : i32
    %c0_i32_1 = arith.constant 0 : i32
    return %c0_i32, %c0_i32_0 : i32, i32
  }
  func.func @transform_2(%arg0: i32) -> i32 {
    %c0_i32 = arith.constant 0 : i32
    return %arg0 : i32
  }
  func.func @transform_3(%arg0: i32) -> i32 {
    %c0_i32 = arith.constant 0 : i32
    return %arg0 : i32
  }
  func.func @transform_4(%arg0: i32) -> i32 {
    %c0_i32 = arith.constant 0 : i32
    return %arg0 : i32
  }
  func.func @transform_5(%arg0: i32) -> i32 {
    %c0_i32 = arith.constant 0 : i32
    return %arg0 : i32
  }
  func.func @transform_6(%arg0: i32) -> i32 {
    %c0_i32 = arith.constant 0 : i32
    %c0_i32_0 = arith.constant 0 : i32
    return %c0_i32 : i32
  }
  func.func @transform_7(%arg0: i32) -> i32 {
    %c0_i32 = arith.constant 0 : i32
    %c0_i32_0 = arith.constant 0 : i32
    return %c0_i32 : i32
  }
  func.func @transform_8(%arg0: i32) -> (i32, i32) {
    %c0_i32 = arith.constant 0 : i32
    %c0_i32_0 = arith.constant 0 : i32
    %c0_i32_1 = arith.constant 0 : i32
    return %c0_i32, %c0_i32_0 : i32, i32
  }
}

</mosaic_0001>

<sc_bundles>
// kernel: kernel.6.cloned.1.call-start
scs
__scs_entry_jumppad:
0x0: {  	(pc) =	sbr.rel $0x88, $3  }
0x1: {  	(tag) =	ssettag $0x0;
	lr =	simm.s32 $0x1  }
0x2: {  	[smem:$0x3F9D] =	sst lr;
	_ =	strace $0xD0000000  }
0x3: {  	_ = 	snop  }
0x4: {  	_ = 	snop  }
0x5: {  	_ = 	snop  }
0x6: {  	_ = 	snop  }
0x7: {  	_ = 	snop  }
__scs_overlays_trampoline_lowered:
0x8: {  	[smem:$0x3FAC] =	sst s0  }
0x9: {  	[smem:$0x3FAD] =	sst s1  }
0xa: {  	[smem:$0x3FAE] =	sst s2  }
0xb: {  	[smem:$0x3FAF] =	sst s3  }
0xc: {  	[smem:$0x3FB0] =	sst s4  }
0xd: {  	[smem:$0x3FB1] =	sst s5  }
0xe: {  	[smem:$0x3FB2] =	sst s6  }
0xf: {  	[smem:$0x3FB3] =	sst s7  }
0x10: {  	[smem:$0x3FB4] =	sst s8  }
0x11: {  	[smem:$0x3FB5] =	sst s9;
	s0 =	simm.s32 @!p0 $0x0  }
0x12: {  	s1 =	sld [smem:$0x3F9B];
	s0 =	simm.s32 @p0 $0x1  }
0x13: {  	[smem:$0x3FB6] =	sst s0;
	s0 =	simm.s32 @!p1 $0x0  }
0x14: {  	s2 =	sld [smem:$0x3F9A];
	s0 =	simm.s32 @p1 $0x1  }
0x15: {  	[smem:$0x3FB7] =	sst s0;
	s0 =	simm.s32 @!p2 $0x0  }
0x16: {  	s3 =	sld [smem:$0x3FDB];
	s0 =	simm.s32 @p2 $0x1  }
0x17: {  	s4 =	simm.s32 $0x1BF5;
	[smem:$0x3FB9] =	sst s0  }
0x18: {  	s0 =	sld [smem:$0x3F9C];
	_ =	swait.ge [sflag:s4], $0x0  }
0x19: {  	s7 =	sld [smem:$0x3F9D]  }
0x1a: {  	s8 =	sadd.s32 $0xFFFFE003, lr  }
0x1b: {  	s9 =	sadd.s32 $0xFFFFFEF7, lr;
	s5 =	simm.s32 $0xFFFFFFFF;
	p2 =	slt.u32 s8, $0xFFFFF086  }
0x1c: {  	p1 =	slt.u32 s9, $0xF7A;
	s5 =	simm.s32 @!p2 $0x0  }
0x1d: {  	s5 =	simm.s32 @p1 $0x1;
	p0 =	seq.s32 s7, s2  }
0x1e: {  	s7 =	smul.u32 @!p0 $0xF7A, s2;
	p2 =	seq.s32 @!p0 s5, $0x0  }
0x1f: {  	s9 =	smul.u32 $0xF7A, s1;
	s8 =	simm.s32 @!p0 $0x1BF5;
	p2 =	por !p2, p0  }
0x20: {  	[sflag:s8] =	ssyncset.s32 @!p0 $0xFFFFF086;
	s6 =	sadd.s32 @!p0 s3, s7;
	s7 =	simm.s32 @!p0 $0x108  }
0x21: {  	s3 =	sadd.s32 s3, s9;
	s6 =	sadd.s32 @!p0 $0x88, s6;
	s7 =	simm.s32 @p2 $0x1082  }
0x22: {  	[simem:s7], [sflag:s8] =	dma.local @!p0 [hbm:s6], $0xF7A  }
0x23: {  	s9 =	sor.u32 $0xD0000000, s2;
	s6 =	simm.s32 $0x108;
	_ =	swait.ge @!p0 [sflag:s8], $0x0  }
0x24: {  	s3 =	sadd.s32 $0x88, s3;
	s6 =	simm.s32 @!p1 $0x1082;
	[sflag:s4] =	ssyncset.s32 $0xFFFFF086  }
0x25: {  	[simem:s6], [sflag:s4] =	dma.local [hbm:s3], $0xF7A  }
0x26: {  	[smem:$0x3F9D] =	sst s1;
	(tag) =	ssettag s2;
	_ =	strace s9  }
0x27: {  	s1 =	sld [smem:$0x3FAD]  }
0x28: {  	s2 =	sld [smem:$0x3FAE]  }
0x29: {  	s4 =	sld [smem:$0x3FB0]  }
0x2a: {  	p0 =	seq.s32 s5, $0x0;
	s5 =	sld [smem:$0x3FB1]  }
0x2b: {  	s6 =	sld [smem:$0x3FB2]  }
0x2c: {  	s7 =	sld [smem:$0x3FB3]  }
0x2d: {  	s3 =	simm.s32 $0x108;
	s8 =	sld [smem:$0x3FB4]  }
0x2e: {  	s3 =	simm.s32 @!p0 $0x1082;
	s9 =	sld [smem:$0x3FB5]  }
0x2f: {  	lr =	sadd.s32 s0, s3;
	s0 =	sld [smem:$0x3FAC]  }
0x30: {  	s3 =	sld [smem:$0x3FAF]  }
0x31: {  	[smem:$0x3FB8] =	sst s10  }
0x32: {  	s10 =	sld [smem:$0x3FB6];
	_ =	sdelay $0x3  }
0x33: {  	p0 =	seq.s32 s10, $0x1;
	s10 =	sld [smem:$0x3FB8];
	_ =	sdelay $0x3  }
0x34: {  	[smem:$0x3FB8] =	sst s10  }
0x35: {  	s10 =	sld [smem:$0x3FB7];
	_ =	sdelay $0x3  }
0x36: {  	p1 =	seq.s32 s10, $0x1;
	s10 =	sld [smem:$0x3FB8];
	_ =	sdelay $0x3  }
0x37: {  	[smem:$0x3FB8] =	sst s10  }
0x38: {  	s10 =	sld [smem:$0x3FB9]  }
0x39: {  	_ = 	snop;
	(pc) =	sbr.ind lr, $3  }
0x3a: {  	_ = 	snop  }
0x3b: {  	_ = 	snop  }
0x3c: {  	p2 =	seq.s32 s10, $0x1;
	s10 =	sld [smem:$0x3FB8]  }
0x3d: {  	_ =	shalt  }
0x3e: {  	_ =	shalt  }
0x3f: {  	_ =	shalt  }
0x40: {  	_ =	shalt  }
0x41: {  	_ =	shalt  }
0x42: {  	_ =	shalt  }
0x43: {  	_ =	shalt  }
0x44: {  	_ =	shalt  }
0x45: {  	_ =	shalt  }
0x46: {  	_ =	shalt  }
0x47: {  	_ =	shalt  }
0x48: {  	_ =	shalt  }
0x49: {  	_ =	shalt  }
0x4a: {  	_ =	shalt  }
0x4b: {  	_ =	shalt  }
0x4c: {  	_ =	shalt  }
0x4d: {  	_ =	shalt  }
0x4e: {  	_ =	shalt  }
0x4f: {  	_ =	shalt  }
0x50: {  	_ =	shalt  }
0x51: {  	_ =	shalt  }
0x52: {  	_ =	shalt  }
0x53: {  	_ =	shalt  }
0x54: {  	_ =	shalt  }
0x55: {  	_ =	shalt  }
0x56: {  	_ =	shalt  }
0x57: {  	_ =	shalt  }
0x58: {  	_ =	shalt  }
0x59: {  	_ =	shalt  }
0x5a: {  	_ =	shalt  }
0x5b: {  	_ =	shalt  }
0x5c: {  	_ =	shalt  }
0x5d: {  	_ =	shalt  }
0x5e: {  	_ =	shalt  }
0x5f: {  	_ =	shalt  }
0x60: {  	_ =	shalt  }
0x61: {  	_ =	shalt  }
0x62: {  	_ =	shalt  }
0x63: {  	_ =	shalt  }
0x64: {  	_ =	shalt  }
0x65: {  	_ =	shalt  }
0x66: {  	_ =	shalt  }
0x67: {  	_ =	shalt  }
0x68: {  	_ =	shalt  }
0x69: {  	_ =	shalt  }
0x6a: {  	_ =	shalt  }
0x6b: {  	_ =	shalt  }
0x6c: {  	_ =	shalt  }
0x6d: {  	_ =	shalt  }
0x6e: {  	_ =	shalt  }
0x6f: {  	_ =	shalt  }
0x70: {  	_ =	shalt  }
0x71: {  	_ =	shalt  }
0x72: {  	_ =	shalt  }
0x73: {  	_ =	shalt  }
0x74: {  	_ =	shalt  }
0x75: {  	_ =	shalt  }
0x76: {  	_ =	shalt  }
0x77: {  	_ =	shalt  }
0x78: {  	_ =	shalt  }
0x79: {  	_ =	shalt  }
0x7a: {  	_ =	shalt  }
0x7b: {  	_ =	shalt  }
0x7c: {  	_ =	shalt  }
0x7d: {  	_ =	shalt  }
0x7e: {  	_ =	shalt  }
0x7f: {  	_ =	shalt  }
0x80: {  	_ =	shalt  }
0x81: {  	_ =	shalt  }
0x82: {  	_ =	shalt  }
0x83: {  	_ =	shalt  }
0x84: {  	_ =	shalt  }
0x85: {  	_ =	shalt  }
0x86: {  	_ =	shalt  }
0x87: {  	_ =	shalt  }
.Lfunc_end0:
.L_simem_size_0:
called_computation_lowered:
.L_overlay_start_0:
0x88: {  	s2 =	sld [smem:$0x3FD9]  }
0x89: {  	s3 =	sld [smem:$0x3FFE];
	_ =	sdelay $0x1  }
0x8a: {  	s1 =	srdreg.scid  }
0x8b: {  	s0 =	sand.u32 $0x1, s1  }
0x8c: {  	s14 =	sshll.u32 s0, $0xA;
	s2 =	sadd.s32 s3, s2  }
0x8d: {  	s2 =	sadd.s32 s2, s14  }
0x8e: {  	[smem:$0x3FC4] =	sst s2  }
0x8f: {  	_ = 	snop  }
0x90: {  	s2 =	sld [smem:$0x3FD0];
	_ =	sdelay $0x2  }
0x91: {  	s4 =	simm.s32 $0xA;
	s5 =	simm.s32 $0x10;
	s15 =	sld [smem:$0x3FC9]  }
0x92: {  	[smem:s5], [sflag:s4] =	dma.local [hbm:s2], $0x1  }
0x93: {  	_ =	swait.eq [sflag:s4], $0x1  }
0x94: {  	[sflag:s4] =	ssyncset.done $0x0  }
0x95: {  	[sflag:s4] =	ssyncadd.s32 $0xFFFFFFFF  }
0x96: {  	s16 =	sld [smem:$0x10];
	(tm) =	ssettm $0x1  }
0x97: {  	s17 =	sld [smem:$0x3FFB];
	_ =	sdelay $0x3  }
0x98: {  	_ =	strace s17  }
0x99: {  	s4 =	sld [smem:$0x3FFC];
	_ =	sdelay $0x3  }
0x9a: {  	_ =	strace s4  }
0x9b: {  	s4 =	sld [smem:$0x3FFD];
	_ =	sdelay $0x3  }
0x9c: {  	_ =	strace s4  }
0x9d: {  	_ =	strace $0x8FFFFFFF  }
0x9e: {  	s18 =	sld [smem:$0x3FDB];
	_ =	sdelay $0x1  }
0x9f: {  	s19 =	simm.s32 $_scs_section_size  }
0xa0: {  	s6 =	simm.s32 $_size__tile_overlayer_lowered;
	s7 =	simm.s32 $_tile_overlayer_lowered  }
0xa1: {  	s22 =	simm.s32 $0x1BFF;
	s21 =	sshll.u32 s7, $0x1;
	s4 =	sadd.s32 s19, s18  }
0xa2: {  	s8 =	simm.s32 $0x0;
	s20 =	sshll.u32 s6, $0x1;
	s6 =	sadd.s32 s21, s4  }
0xa3: {  	[timem:s8], [sflag:s22] =	dma.local [hbm:s6], s20  }
0xa4: {  	_ =	swait.ge [sflag:s22], s20  }
0xa5: {  	s5 =	ssub.s32 $0x0, s20;
	[sflag:s22] =	ssyncset.done $0x0  }
0xa6: {  	[sflag:s22] =	ssyncadd.s32 s5;
	_ =	sdelay $0x1  }
0xa7: {  	s23 =	simm.s32 $0x1B8B  }
0xa8: {  	_ =	swait.ge [sflag:s23], $0x1  }
0xa9: {  	[sflag:s23] =	ssyncset.done $0x0  }
0xaa: {  	s25 =	simm.s32 $0x1B8E;
	s24 =	sld [smem:$0x3FFE];
	[sflag:s23] =	ssyncadd.s32 $0xFFFFFFFF  }
0xab: {  	s26 =	simm.s32 $execute0_lowered;
	[smem:$0x3FD2] =	sst s25  }
0xac: {  	s6 =	sshll.u32 s26, $0x1;
	_ =	strace $0x80000046;
	[dreg:$0x1] =	wrdreg $0xFFFFFFFF  }
0xad: {  	s28 =	simm.s32 $_size_execute0_lowered;
	s4 =	sadd.s32 s4, s6;
	[dreg:$0x0] =	wrdreg $0x0  }
0xae: {  	s6 =	sshll.u32 s28, $0x1;
	[dreg:$0x2] =	wrdreg s4  }
0xaf: {  	[dreg:$0x3] =	wrdreg s6  }
0xb0: {  	[dreg:$0x4] =	wrdreg $0xC0  }
0xb1: {  	_ =	task [dreg:s8], $0x5FFFF  }
0xb2: {  	[dreg:$0x1] =	wrdreg $0xFFFFFFFF  }
0xb3: {  	[dreg:$0x0] =	wrdreg $0x60  }
0xb4: {  	[dreg:$0x2] =	wrdreg s15  }
0xb5: {  	[dreg:$0x3] =	wrdreg s16  }
0xb6: {  	[dreg:$0x4] =	wrdreg s24  }
0xb7: {  	[dreg:$0x5] =	wrdreg $0x9  }
0xb8: {  	_ =	task.clear_ibuf [dreg:s8], $0x6FFFF;
	_ =	strace $0x90000046  }
0xb9: {  	s29 =	simm.s32 $0x9;
	_ =	strace $0x80000048  }
0xba: {  	_ =	swait.ge [sflag:s29], $0x1  }
0xbb: {  	[sflag:s29] =	ssyncadd.s32 $0xFFFFFFFF  }
0xbc: {  	_ =	strace $0x90000048  }
0xbd: {  	_ =	sfence  }
0xbe: {  	s30 =	sld [smem:$0x0];
	_ =	sdelay $0x2  }
0xbf: {  	s31 =	sshll.u32 s1, $0xD;
	s1 =	sshrl.u32 s1, $0x2  }
0xc0: {  	s3 =	sand.u32 $0x4000, s31;
	s1 =	sadd.s32 s1, s30  }
0xc1: {  	s0 =	sor.u32 s3, s0;
	s1 =	sshll.u32 s1, $0x11  }
0xc2: {  	s0 =	sor.u32 s1, s0  }
0xc3: {  	s0 =	sadd.s32 $0x8F2B, s0  }
0xc4: {  	[sflag:s0] =	ssyncadd.remote.s32 $0x1  }
0xc5: {  	_ =	sfence.sel $0xFFFF  }
0xc6: {  	[dreg:$0x0] =	wrdreg $0xFFFFFFFF;
	(pc) =	sbr.abs _section_cstart, $3  }
0xc7: {  	[dreg:$0x1] =	wrdreg $0xFFFFFFFF  }
0xc8: {  	_ =	task.clear_ibuf [dreg:s8], $0x2FFFF;
	_ =	strace $0x9FFFFFFF  }
0xc9: {  	(tm) =	ssettm $0x7FFFFFFF  }
tec
execute0_lowered:
.L_overlay_start_1:
0x0: {  	(tag) =	ssettag $0x1  }
0x1: {  	s0 =	rddreg [dreg:$0x0]  }
0x2: {  	s1 =	rddreg [dreg:$0x1]  }
0x3: {  	s5 =	rddreg [dreg:$0x2];
	s2 =	simm.s32 $0x0  }
0x4: {  	s3 =	srdreg.scid;
	s6 =	stileid.u32;
	s23 =	simm.s32 $0x18000  }
0x5: {  	s24 =	simm.s32 $0x18080;
	s25 =	simm.s32 $0x18100;
	s26 =	simm.s32 $0x18180  }
0x6: {  	s8 =	simm.s32 $0x3;
	s12 =	simm.s32 $0x1800;
	s13 =	simm.s32 $0x2000  }
0x7: {  	s14 =	simm.s32 $0x2800;
	s15 =	simm.s32 $0x3000;
	s16 =	simm.s32 $0x3800  }
0x8: {  	s28 =	simm.s32 $0x9000;
	[smem:$0x7FF] =	sst s2;
	s17 =	sadd.s32 $0x3600, s5  }
0x9: {  	s29 =	simm.s32 $0x9800;
	_ =	strace $0x80000047;
	[dreg:$0x4] =	wrdreg s17  }
0xa: {  	s30 =	simm.s32 $0xA000;
	s31 =	simm.s32 $0xA800;
	[dreg:$0xa] =	wrdreg s23  }
0xb: {  	s9 =	simm.s32 $0xC000;
	s4 =	sand.u32 $0x1, s3;
	[dreg:$0xb] =	wrdreg s24  }
0xc: {  	s6 =	sshll.u32 s6, $0x5;
	s3 =	sadd.s32 $0x3800, s5;
	[dreg:$0xc] =	wrdreg s25  }
0xd: {  	s7 =	sshll.u32 s4, $0x4;
	s4 =	ssub.s32 $0x2, s4;
	[dreg:$0xd] =	wrdreg s26  }
0xe: {  	s17 =	simm.s32 $0x4000;
	s23 =	simm.s32 $0x7000;
	s24 =	simm.s32 $0x7800  }
0xf: {  	s25 =	simm.s32 $0x8000;
	s26 =	simm.s32 $0x8800;
	s18 =	sor.u32 s7, s6  }
0x10: {  	s20 =	sshrl.u32 s4, $0x1;
	s6 =	sadd.s32 s18, s5;
	s1 =	sadd.s32 s1, s18  }
0x11: {  	s7 =	smul.u32 $0x300, s18;
	s18 =	simm.s32 $0x4800;
	[dreg:$0x5] =	wrdreg s1  }
0x12: {  	s19 =	sadd.s32 $0x3400, s6;
	s21 =	sadd.s32 $0x123800, s6;
	s1 =	ssub.s32 s4, s20  }
0x13: {  	s22 =	sadd.s32 $0x123A00, s6;
	s4 =	sadd.s32 $0x3900, s5;
	[dreg:$0x6] =	wrdreg s19  }
0x14: {  	s5 =	sadd.s32 $0x3A00, s5;
	s20 =	simm.s32 $0x5800;
	[dreg:$0x8] =	wrdreg s21  }
0x15: {  	v2 =	vlaneseq.u32;
	s0 =	sadd.s32 s0, s7;
	[dreg:$0x9] =	wrdreg s22;
	s6 =	smax.u32 s1, $0x1  }
0x16: {  	vm0 =	vmmov $0xffff;
	v1 =	vshrl.u32 v2, $0x3;
	s7 =	simm.s32 $0x18200;
	s19 =	simm.s32 $0x5000;
	s21 =	simm.s32 $0x6000  }
0x17: {  	v0 =	vand.u32 $0x7, v2;
	v2 =	vor.u32 $0x8, v2;
	v1 =	vmul.u32 $0x8, v1;
	s22 =	simm.s32 $0x6800;
	s1 =	simm.s32 $0xB800;
	[dreg:$0x7] =	wrdreg s0  }
.LBB2_1:
0x18: {  	s10 =	rddreg [dreg:$0x4]  }
0x19: {  	[tilespmem:s7], [sflag:$0x3] =	stream.linear.gather [hbm4b:s10+s2], $0x80, $0x38;
	[tilespmem:$0x18280] =	vst v63  }
0x1a: {  	_ =	swait.ge [sflag:s8], $0x80  }
0x1b: {  	s0 =	rddreg [dreg:$0x5];
	[sflag:s8] =	ssyncset.done $0x0  }
0x1c: {  	s11 =	rddreg [dreg:$0xa];
	[sflag:s8] =	ssyncadd.s32 $0xFFFFFF80  }
0x1d: {  	[tilespmem:s11], [sflag:$0x3] =	stream.linear.gather [hbm4b:s0+s2], $0x80, $0x38;
	[tilespmem:$0x18280] =	vst v63  }
0x1e: {  	_ =	swait.ge [sflag:s8], $0x80  }
0x1f: {  	s11 =	rddreg [dreg:$0x6];
	[sflag:s8] =	ssyncset.done $0x0  }
0x20: {  	s0 =	rddreg [dreg:$0xb];
	[sflag:s8] =	ssyncadd.s32 $0xFFFFFF80  }
0x21: {  	[tilespmem:s0], [sflag:$0x3] =	stream.linear.gather [hbm4b:s11+s2], $0x80, $0x38;
	[tilespmem:$0x18280] =	vst v63  }
0x22: {  	_ =	swait.ge [sflag:s8], $0x80  }
0x23: {  	[sflag:s8] =	ssyncset.done $0x0  }
0x24: {  	s0 =	rddreg [dreg:$0x7];
	[sflag:s8] =	ssyncadd.s32 $0xFFFFFF80  }
0x25: {  	[tilespmem:s2], [sflag:$0x3] =	stream.linear.gather [hbm4b:s0+s2], $0x18000, $0x38;
	[tilespmem:$0x18280] =	vst v63  }
0x26: {  	_ =	swait.ge [sflag:s8], $0x18000  }
0x27: {  	[sflag:s8] =	ssyncset.done $0x0  }
0x28: {  	[sflag:s8] =	ssyncadd.s32 $0xFFFE8000  }
0x29: {  	v3 =	vld [tilespmem:$0x18000];
	_ =	sdelay $0x4  }
0x2a: {  	v4 =	vshrl.u32 v3, $0xE;
	_ =	sdelay $0x1  }
0x2b: {  	v5 =	vld [tilespmem:$0x18080];
	_ =	sdelay $0x2  }
0x2c: {  	v4 =	vld.idx.msk [tilespmem:v4+s7+$0x0], $0xffff;
	_ =	sdelay $0x1  }
0x2d: {  	v6 =	vshrl.u32 v5, $0xE;
	_ =	sdelay $0x1  }
0x2e: {  	v7 =	vld [tilespmem:$0x18010];
	v3 =	vand.u32 $0x3FFF, v3  }
0x2f: {  	v3 =	vadd.s32 v3, v4  }
0x30: {  	[tilespmem:$0x18100] =	vst v3  }
0x31: {  	v3 =	vld.idx.msk [tilespmem:v6+s7+$0x0], $0xffff;
	_ =	sdelay $0x1  }
0x32: {  	v62 =	vshrl.u32 v7, $0xE;
	_ =	sdelay $0x1  }
0x33: {  	v63 =	vld [tilespmem:$0x18090];
	v5 =	vand.u32 $0x3FFF, v5  }
0x34: {  	v3 =	vadd.s32 v5, v3  }
0x35: {  	[tilespmem:$0x18180] =	vst v3  }
0x36: {  	v3 =	vld.idx.msk [tilespmem:v62+s7+$0x0], $0xffff;
	_ =	sdelay $0x1  }
0x37: {  	v9 =	vshrl.u32 v63, $0xE;
	_ =	sdelay $0x1  }
0x38: {  	v11 =	vld [tilespmem:$0x18020];
	v10 =	vand.u32 $0x3FFF, v7  }
0x39: {  	v3 =	vadd.s32 v10, v3  }
0x3a: {  	[tilespmem:$0x18110] =	vst v3  }
0x3b: {  	v3 =	vld.idx.msk [tilespmem:v9+s7+$0x0], $0xffff;
	_ =	sdelay $0x1  }
0x3c: {  	v12 =	vshrl.u32 v11, $0xE;
	_ =	sdelay $0x1  }
0x3d: {  	v14 =	vld [tilespmem:$0x180A0];
	v13 =	vand.u32 $0x3FFF, v63  }
0x3e: {  	v3 =	vadd.s32 v13, v3  }
0x3f: {  	[tilespmem:$0x18190] =	vst v3  }
0x40: {  	v3 =	vld.idx.msk [tilespmem:v12+s7+$0x0], $0xffff;
	_ =	sdelay $0x1  }
0x41: {  	v15 =	vshrl.u32 v14, $0xE;
	_ =	sdelay $0x1  }
0x42: {  	v17 =	vld [tilespmem:$0x18030];
	v16 =	vand.u32 $0x3FFF, v11  }
0x43: {  	v3 =	vadd.s32 v16, v3  }
0x44: {  	[tilespmem:$0x18120] =	vst v3  }
0x45: {  	v3 =	vld.idx.msk [tilespmem:v15+s7+$0x0], $0xffff;
	_ =	sdelay $0x1  }
0x46: {  	v18 =	vshrl.u32 v17, $0xE;
	_ =	sdelay $0x1  }
0x47: {  	v20 =	vld [tilespmem:$0x180B0];
	v19 =	vand.u32 $0x3FFF, v14  }
0x48: {  	v3 =	vadd.s32 v19, v3  }
0x49: {  	[tilespmem:$0x181A0] =	vst v3  }
0x4a: {  	v3 =	vld.idx.msk [tilespmem:v18+s7+$0x0], $0xffff;
	_ =	sdelay $0x1  }
0x4b: {  	v21 =	vshrl.u32 v20, $0xE;
	_ =	sdelay $0x1  }
0x4c: {  	v23 =	vld [tilespmem:$0x18040];
	v22 =	vand.u32 $0x3FFF, v17  }
0x4d: {  	v3 =	vadd.s32 v22, v3  }
0x4e: {  	[tilespmem:$0x18130] =	vst v3  }
0x4f: {  	v3 =	vld.idx.msk [tilespmem:v21+s7+$0x0], $0xffff;
	_ =	sdelay $0x1  }
0x50: {  	v24 =	vshrl.u32 v23, $0xE;
	_ =	sdelay $0x1  }
0x51: {  	v26 =	vld [tilespmem:$0x180C0];
	v25 =	vand.u32 $0x3FFF, v20  }
0x52: {  	v3 =	vadd.s32 v25, v3  }
0x53: {  	[tilespmem:$0x181B0] =	vst v3  }
0x54: {  	v3 =	vld.idx.msk [tilespmem:v24+s7+$0x0], $0xffff;
	_ =	sdelay $0x1  }
0x55: {  	v27 =	vshrl.u32 v26, $0xE;
	_ =	sdelay $0x1  }
0x56: {  	v29 =	vld [tilespmem:$0x18050];
	v28 =	vand.u32 $0x3FFF, v23  }
0x57: {  	v3 =	vadd.s32 v28, v3  }
0x58: {  	[tilespmem:$0x18140] =	vst v3  }
0x59: {  	v3 =	vld.idx.msk [tilespmem:v27+s7+$0x0], $0xffff;
	_ =	sdelay $0x1  }
0x5a: {  	v30 =	vshrl.u32 v29, $0xE;
	_ =	sdelay $0x1  }
0x5b: {  	v32 =	vld [tilespmem:$0x180D0];
	v31 =	vand.u32 $0x3FFF, v26  }
0x5c: {  	v3 =	vadd.s32 v31, v3  }
0x5d: {  	[tilespmem:$0x181C0] =	vst v3  }
0x5e: {  	v3 =	vld.idx.msk [tilespmem:v30+s7+$0x0], $0xffff;
	_ =	sdelay $0x1  }
0x5f: {  	v33 =	vshrl.u32 v32, $0xE;
	_ =	sdelay $0x1  }
0x60: {  	v35 =	vld [tilespmem:$0x18060];
	v34 =	vand.u32 $0x3FFF, v29  }
0x61: {  	v3 =	vadd.s32 v34, v3  }
0x62: {  	[tilespmem:$0x18150] =	vst v3  }
0x63: {  	v3 =	vld.idx.msk [tilespmem:v33+s7+$0x0], $0xffff;
	_ =	sdelay $0x1  }
0x64: {  	v36 =	vshrl.u32 v35, $0xE;
	_ =	sdelay $0x1  }
0x65: {  	v38 =	vld [tilespmem:$0x180E0];
	v37 =	vand.u32 $0x3FFF, v32  }
0x66: {  	v3 =	vadd.s32 v37, v3  }
0x67: {  	[tilespmem:$0x181D0] =	vst v3  }
0x68: {  	v3 =	vld.idx.msk [tilespmem:v36+s7+$0x0], $0xffff;
	_ =	sdelay $0x1  }
0x69: {  	v39 =	vshrl.u32 v38, $0xE;
	_ =	sdelay $0x1  }
0x6a: {  	v41 =	vld [tilespmem:$0x18070];
	v40 =	vand.u32 $0x3FFF, v35  }
0x6b: {  	v3 =	vadd.s32 v40, v3  }
0x6c: {  	[tilespmem:$0x18160] =	vst v3  }
0x6d: {  	v3 =	vld.idx.msk [tilespmem:v39+s7+$0x0], $0xffff;
	_ =	sdelay $0x1  }
0x6e: {  	v42 =	vshrl.u32 v41, $0xE;
	_ =	sdelay $0x1  }
0x6f: {  	v44 =	vld [tilespmem:$0x180F0];
	v43 =	vand.u32 $0x3FFF, v38  }
0x70: {  	v3 =	vadd.s32 v43, v3  }
0x71: {  	[tilespmem:$0x181E0] =	vst v3  }
0x72: {  	v3 =	vld.idx.msk [tilespmem:v42+s7+$0x0], $0xffff;
	_ =	sdelay $0x1  }
0x73: {  	v45 =	vshrl.u32 v44, $0xE;
	_ =	sdelay $0x1  }
0x74: {  	v46 =	vand.u32 $0x3FFF, v41  }
0x75: {  	v3 =	vadd.s32 v46, v3  }
0x76: {  	[tilespmem:$0x18170] =	vst v3  }
0x77: {  	v3 =	vld.idx.msk [tilespmem:v45+s7+$0x0], $0xffff;
	_ =	sdelay $0x3  }
0x78: {  	v47 =	vand.u32 $0x3FFF, v44  }
0x79: {  	s11 =	rddreg [dreg:$0x8];
	v3 =	vadd.s32 v47, v3  }
0x7a: {  	s0 =	rddreg [dreg:$0xc];
	[tilespmem:$0x181F0] =	vst v3  }
0x7b: {  	[hbm4b:s11+s2] =	stream.linear.scatter [tilespmem:s0], [sflag:$0x3], $0x80, $0x38;
	[tilespmem:$0x18280] =	vst v63  }
0x7c: {  	_ =	swait.ge [sflag:s8], $0x80  }
0x7d: {  	s11 =	rddreg [dreg:$0x9];
	[sflag:s8] =	ssyncset.done $0x0  }
0x7e: {  	s0 =	rddreg [dreg:$0xd];
	[sflag:s8] =	ssyncadd.s32 $0xFFFFFF80  }
0x7f: {  	[hbm4b:s11+s2] =	stream.linear.scatter [tilespmem:s0], [sflag:$0x3], $0x80, $0x38;
	[tilespmem:$0x18280] =	vst v63  }
0x80: {  	_ =	swait.ge [sflag:s8], $0x80  }
0x81: {  	[sflag:s8] =	ssyncset.done $0x0  }
0x82: {  	[sflag:s8] =	ssyncadd.s32 $0xFFFFFF80  }
0x83: {  	v3 =	vld [tilespmem:$0x18100];
	_ =	sdelay $0x4  }
0x84: {  	v48 =	vshrl.u32 v3, $0x3  }
0x85: {  	v4 =	vmul.u32 $0x30, v48  }
0x86: {  	v3 =	vand.u32 $0x7, v3  }
0x87: {  	v3 =	vor.u32 v3, v4  }
0x88: {  	v4 =	vperm.xlane v3, v0;
	_ =	sdelay $0x1  }
0x89: {  	v4 =	vadd.s32 v1, v4;
	_ =	sdelay $0x3  }
0x8a: {  	v3 =	vperm.xlane v3, v2  }
0x8b: {  	[hbm4b:s3+s2] =	stream.indirect_vreg.scatter [tilespmem:s2], [sflag:$0x1], $0x80, v4, vm0, $0xb8;
	[tilespmem:$0x18280] =	vst v63  }
0x8c: {  	s10 =	simm.s32 $0x800;
	v3 =	vadd.s32 v1, v3  }
0x8d: {  	[hbm4b:s4+s2] =	stream.indirect_vreg.scatter [tilespmem:s10], [sflag:$0x1], $0x80, v4, vm0, $0xb8;
	[tilespmem:$0x18280] =	vst v63  }
0x8e: {  	s11 =	simm.s32 $0x1000  }
0x8f: {  	[hbm4b:s5+s2] =	stream.indirect_vreg.scatter [tilespmem:s11], [sflag:$0x1], $0x80, v4, vm0, $0xb8;
	[tilespmem:$0x18280] =	vst v63  }
0x90: {  	_ = 	snop  }
0x91: {  	[hbm4b:s3+s2] =	stream.indirect_vreg.scatter [tilespmem:s12], [sflag:$0x1], $0x80, v3, vm0, $0xb8;
	[tilespmem:$0x18280] =	vst v63  }
0x92: {  	_ = 	snop  }
0x93: {  	[hbm4b:s4+s2] =	stream.indirect_vreg.scatter [tilespmem:s13], [sflag:$0x1], $0x80, v3, vm0, $0xb8;
	[tilespmem:$0x18280] =	vst v63  }
0x94: {  	_ = 	snop  }
0x95: {  	[hbm4b:s5+s2] =	stream.indirect_vreg.scatter [tilespmem:s14], [sflag:$0x1], $0x80, v3, vm0, $0xb8;
	[tilespmem:$0x18280] =	vst v63  }
0x96: {  	v3 =	vld [tilespmem:$0x18110];
	_ =	sdelay $0x4  }
0x97: {  	v49 =	vshrl.u32 v3, $0x3  }
0x98: {  	v4 =	vmul.u32 $0x30, v49  }
0x99: {  	v3 =	vand.u32 $0x7, v3  }
0x9a: {  	v3 =	vor.u32 v3, v4  }
0x9b: {  	v4 =	vperm.xlane v3, v0;
	_ =	sdelay $0x1  }
0x9c: {  	v4 =	vadd.s32 v1, v4;
	_ =	sdelay $0x3  }
0x9d: {  	v3 =	vperm.xlane v3, v2  }
0x9e: {  	[hbm4b:s3+s2] =	stream.indirect_vreg.scatter [tilespmem:s15], [sflag:$0x1], $0x80, v4, vm0, $0xb8;
	[tilespmem:$0x18280] =	vst v63  }
0x9f: {  	v3 =	vadd.s32 v1, v3  }
0xa0: {  	[hbm4b:s4+s2] =	stream.indirect_vreg.scatter [tilespmem:s16], [sflag:$0x1], $0x80, v4, vm0, $0xb8;
	[tilespmem:$0x18280] =	vst v63  }
0xa1: {  	_ = 	snop  }
0xa2: {  	[hbm4b:s5+s2] =	stream.indirect_vreg.scatter [tilespmem:s17], [sflag:$0x1], $0x80, v4, vm0, $0xb8;
	[tilespmem:$0x18280] =	vst v63  }
0xa3: {  	_ = 	snop  }
0xa4: {  	[hbm4b:s3+s2] =	stream.indirect_vreg.scatter [tilespmem:s18], [sflag:$0x1], $0x80, v3, vm0, $0xb8;
	[tilespmem:$0x18280] =	vst v63  }
0xa5: {  	_ = 	snop  }
0xa6: {  	[hbm4b:s4+s2] =	stream.indirect_vreg.scatter [tilespmem:s19], [sflag:$0x1], $0x80, v3, vm0, $0xb8;
	[tilespmem:$0x18280] =	vst v63  }
0xa7: {  	_ = 	snop  }
0xa8: {  	[hbm4b:s5+s2] =	stream.indirect_vreg.scatter [tilespmem:s20], [sflag:$0x1], $0x80, v3, vm0, $0xb8;
	[tilespmem:$0x18280] =	vst v63  }
0xa9: {  	v3 =	vld [tilespmem:$0x18120];
	_ =	sdelay $0x4  }
0xaa: {  	v50 =	vshrl.u32 v3, $0x3  }
0xab: {  	v4 =	vmul.u32 $0x30, v50  }
0xac: {  	v3 =	vand.u32 $0x7, v3  }
0xad: {  	v3 =	vor.u32 v3, v4  }
0xae: {  	v4 =	vperm.xlane v3, v0;
	_ =	sdelay $0x1  }
0xaf: {  	v4 =	vadd.s32 v1, v4;
	_ =	sdelay $0x3  }
0xb0: {  	v3 =	vperm.xlane v3, v2  }
0xb1: {  	[hbm4b:s3+s2] =	stream.indirect_vreg.scatter [tilespmem:s21], [sflag:$0x1], $0x80, v4, vm0, $0xb8;
	[tilespmem:$0x18280] =	vst v63  }
0xb2: {  	v3 =	vadd.s32 v1, v3  }
0xb3: {  	[hbm4b:s4+s2] =	stream.indirect_vreg.scatter [tilespmem:s22], [sflag:$0x1], $0x80, v4, vm0, $0xb8;
	[tilespmem:$0x18280] =	vst v63  }
0xb4: {  	_ = 	snop  }
0xb5: {  	[hbm4b:s5+s2] =	stream.indirect_vreg.scatter [tilespmem:s23], [sflag:$0x1], $0x80, v4, vm0, $0xb8;
	[tilespmem:$0x18280] =	vst v63  }
0xb6: {  	_ = 	snop  }
0xb7: {  	[hbm4b:s3+s2] =	stream.indirect_vreg.scatter [tilespmem:s24], [sflag:$0x1], $0x80, v3, vm0, $0xb8;
	[tilespmem:$0x18280] =	vst v63  }
0xb8: {  	_ = 	snop  }
0xb9: {  	[hbm4b:s4+s2] =	stream.indirect_vreg.scatter [tilespmem:s25], [sflag:$0x1], $0x80, v3, vm0, $0xb8;
	[tilespmem:$0x18280] =	vst v63  }
0xba: {  	_ = 	snop  }
0xbb: {  	[hbm4b:s5+s2] =	stream.indirect_vreg.scatter [tilespmem:s26], [sflag:$0x1], $0x80, v3, vm0, $0xb8;
	[tilespmem:$0x18280] =	vst v63  }
0xbc: {  	v3 =	vld [tilespmem:$0x18130];
	_ =	sdelay $0x4  }
0xbd: {  	v51 =	vshrl.u32 v3, $0x3  }
0xbe: {  	v4 =	vmul.u32 $0x30, v51  }
0xbf: {  	v3 =	vand.u32 $0x7, v3  }
0xc0: {  	v3 =	vor.u32 v3, v4  }
0xc1: {  	v4 =	vperm.xlane v3, v0;
	_ =	sdelay $0x1  }
0xc2: {  	v4 =	vadd.s32 v1, v4;
	_ =	sdelay $0x3  }
0xc3: {  	v3 =	vperm.xlane v3, v2  }
0xc4: {  	[hbm4b:s3+s2] =	stream.indirect_vreg.scatter [tilespmem:s28], [sflag:$0x1], $0x80, v4, vm0, $0xb8;
	[tilespmem:$0x18280] =	vst v63  }
0xc5: {  	v3 =	vadd.s32 v1, v3  }
0xc6: {  	[hbm4b:s4+s2] =	stream.indirect_vreg.scatter [tilespmem:s29], [sflag:$0x1], $0x80, v4, vm0, $0xb8;
	[tilespmem:$0x18280] =	vst v63  }
0xc7: {  	_ = 	snop  }
0xc8: {  	[hbm4b:s5+s2] =	stream.indirect_vreg.scatter [tilespmem:s30], [sflag:$0x1], $0x80, v4, vm0, $0xb8;
	[tilespmem:$0x18280] =	vst v63  }
0xc9: {  	_ = 	snop  }
0xca: {  	[hbm4b:s3+s2] =	stream.indirect_vreg.scatter [tilespmem:s31], [sflag:$0x1], $0x80, v3, vm0, $0xb8;
	[tilespmem:$0x18280] =	vst v63  }
0xcb: {  	s0 =	simm.s32 $0xB000  }
0xcc: {  	[hbm4b:s4+s2] =	stream.indirect_vreg.scatter [tilespmem:s0], [sflag:$0x1], $0x80, v3, vm0, $0xb8;
	[tilespmem:$0x18280] =	vst v63  }
0xcd: {  	_ = 	snop  }
0xce: {  	[hbm4b:s5+s2] =	stream.indirect_vreg.scatter [tilespmem:s1], [sflag:$0x1], $0x80, v3, vm0, $0xb8;
	[tilespmem:$0x18280] =	vst v63  }
0xcf: {  	v3 =	vld [tilespmem:$0x18140];
	_ =	sdelay $0x4  }
0xd0: {  	v52 =	vshrl.u32 v3, $0x3  }
0xd1: {  	v4 =	vmul.u32 $0x30, v52  }
0xd2: {  	v3 =	vand.u32 $0x7, v3  }
0xd3: {  	v3 =	vor.u32 v3, v4  }
0xd4: {  	v4 =	vperm.xlane v3, v0;
	_ =	sdelay $0x1  }
0xd5: {  	v4 =	vadd.s32 v1, v4;
	_ =	sdelay $0x3  }
0xd6: {  	v3 =	vperm.xlane v3, v2  }
0xd7: {  	[hbm4b:s3+s2] =	stream.indirect_vreg.scatter [tilespmem:s9], [sflag:$0x1], $0x80, v4, vm0, $0xb8;
	[tilespmem:$0x18280] =	vst v63  }
0xd8: {  	s0 =	simm.s32 $0xC800;
	v3 =	vadd.s32 v1, v3  }
0xd9: {  	[hbm4b:s4+s2] =	stream.indirect_vreg.scatter [tilespmem:s0], [sflag:$0x1], $0x80, v4, vm0, $0xb8;
	[tilespmem:$0x18280] =	vst v63  }
0xda: {  	s0 =	simm.s32 $0xD000  }
0xdb: {  	[hbm4b:s5+s2] =	stream.indirect_vreg.scatter [tilespmem:s0], [sflag:$0x1], $0x80, v4, vm0, $0xb8;
	[tilespmem:$0x18280] =	vst v63  }
0xdc: {  	s0 =	simm.s32 $0xD800  }
0xdd: {  	[hbm4b:s3+s2] =	stream.indirect_vreg.scatter [tilespmem:s0], [sflag:$0x1], $0x80, v3, vm0, $0xb8;
	[tilespmem:$0x18280] =	vst v63  }
0xde: {  	s0 =	simm.s32 $0xE000  }
0xdf: {  	[hbm4b:s4+s2] =	stream.indirect_vreg.scatter [tilespmem:s0], [sflag:$0x1], $0x80, v3, vm0, $0xb8;
	[tilespmem:$0x18280] =	vst v63  }
0xe0: {  	s0 =	simm.s32 $0xE800  }
0xe1: {  	[hbm4b:s5+s2] =	stream.indirect_vreg.scatter [tilespmem:s0], [sflag:$0x1], $0x80, v3, vm0, $0xb8;
	[tilespmem:$0x18280] =	vst v63  }
0xe2: {  	v3 =	vld [tilespmem:$0x18150];
	_ =	sdelay $0x4  }
0xe3: {  	v53 =	vshrl.u32 v3, $0x3  }
0xe4: {  	v4 =	vmul.u32 $0x30, v53  }
0xe5: {  	v3 =	vand.u32 $0x7, v3  }
0xe6: {  	v3 =	vor.u32 v3, v4  }
0xe7: {  	v4 =	vperm.xlane v3, v0;
	_ =	sdelay $0x1  }
0xe8: {  	v4 =	vadd.s32 v1, v4;
	_ =	sdelay $0x3  }
0xe9: {  	s0 =	simm.s32 $0xF000;
	v3 =	vperm.xlane v3, v2  }
0xea: {  	[hbm4b:s3+s2] =	stream.indirect_vreg.scatter [tilespmem:s0], [sflag:$0x1], $0x80, v4, vm0, $0xb8;
	[tilespmem:$0x18280] =	vst v63  }
0xeb: {  	v3 =	vadd.s32 v1, v3;
	s0 =	simm.s32 $0xF800  }
0xec: {  	[hbm4b:s4+s2] =	stream.indirect_vreg.scatter [tilespmem:s0], [sflag:$0x1], $0x80, v4, vm0, $0xb8;
	[tilespmem:$0x18280] =	vst v63  }
0xed: {  	s0 =	simm.s32 $0x10000  }
0xee: {  	[hbm4b:s5+s2] =	stream.indirect_vreg.scatter [tilespmem:s0], [sflag:$0x1], $0x80, v4, vm0, $0xb8;
	[tilespmem:$0x18280] =	vst v63  }
0xef: {  	s0 =	simm.s32 $0x10800  }
0xf0: {  	[hbm4b:s3+s2] =	stream.indirect_vreg.scatter [tilespmem:s0], [sflag:$0x1], $0x80, v3, vm0, $0xb8;
	[tilespmem:$0x18280] =	vst v63  }
0xf1: {  	s0 =	simm.s32 $0x11000  }
0xf2: {  	[hbm4b:s4+s2] =	stream.indirect_vreg.scatter [tilespmem:s0], [sflag:$0x1], $0x80, v3, vm0, $0xb8;
	[tilespmem:$0x18280] =	vst v63  }
0xf3: {  	s0 =	simm.s32 $0x11800  }
0xf4: {  	[hbm4b:s5+s2] =	stream.indirect_vreg.scatter [tilespmem:s0], [sflag:$0x1], $0x80, v3, vm0, $0xb8;
	[tilespmem:$0x18280] =	vst v63  }
0xf5: {  	v3 =	vld [tilespmem:$0x18160];
	_ =	sdelay $0x4  }
0xf6: {  	v54 =	vshrl.u32 v3, $0x3  }
0xf7: {  	v4 =	vmul.u32 $0x30, v54  }
0xf8: {  	v3 =	vand.u32 $0x7, v3  }
0xf9: {  	v3 =	vor.u32 v3, v4  }
0xfa: {  	v4 =	vperm.xlane v3, v0;
	_ =	sdelay $0x1  }
0xfb: {  	v4 =	vadd.s32 v1, v4;
	_ =	sdelay $0x3  }
0xfc: {  	s0 =	simm.s32 $0x12000;
	v3 =	vperm.xlane v3, v2  }
0xfd: {  	[hbm4b:s3+s2] =	stream.indirect_vreg.scatter [tilespmem:s0], [sflag:$0x1], $0x80, v4, vm0, $0xb8;
	[tilespmem:$0x18280] =	vst v63  }
0xfe: {  	v3 =	vadd.s32 v1, v3;
	s0 =	simm.s32 $0x12800  }
0xff: {  	[hbm4b:s4+s2] =	stream.indirect_vreg.scatter [tilespmem:s0], [sflag:$0x1], $0x80, v4, vm0, $0xb8;
	[tilespmem:$0x18280] =	vst v63  }
0x100: {  	s0 =	simm.s32 $0x13000  }
0x101: {  	[hbm4b:s5+s2] =	stream.indirect_vreg.scatter [tilespmem:s0], [sflag:$0x1], $0x80, v4, vm0, $0xb8;
	[tilespmem:$0x18280] =	vst v63  }
0x102: {  	s0 =	simm.s32 $0x13800  }
0x103: {  	[hbm4b:s3+s2] =	stream.indirect_vreg.scatter [tilespmem:s0], [sflag:$0x1], $0x80, v3, vm0, $0xb8;
	[tilespmem:$0x18280] =	vst v63  }
0x104: {  	s0 =	simm.s32 $0x14000  }
0x105: {  	[hbm4b:s4+s2] =	stream.indirect_vreg.scatter [tilespmem:s0], [sflag:$0x1], $0x80, v3, vm0, $0xb8;
	[tilespmem:$0x18280] =	vst v63  }
0x106: {  	s0 =	simm.s32 $0x14800  }
0x107: {  	[hbm4b:s5+s2] =	stream.indirect_vreg.scatter [tilespmem:s0], [sflag:$0x1], $0x80, v3, vm0, $0xb8;
	[tilespmem:$0x18280] =	vst v63  }
0x108: {  	v3 =	vld [tilespmem:$0x18170];
	_ =	sdelay $0x4  }
0x109: {  	v55 =	vshrl.u32 v3, $0x3  }
0x10a: {  	v4 =	vmul.u32 $0x30, v55  }
0x10b: {  	v3 =	vand.u32 $0x7, v3  }
0x10c: {  	v3 =	vor.u32 v3, v4  }
0x10d: {  	v4 =	vperm.xlane v3, v0;
	_ =	sdelay $0x1  }
0x10e: {  	v4 =	vadd.s32 v1, v4;
	_ =	sdelay $0x3  }
0x10f: {  	s0 =	simm.s32 $0x15000;
	v3 =	vperm.xlane v3, v2  }
0x110: {  	[hbm4b:s3+s2] =	stream.indirect_vreg.scatter [tilespmem:s0], [sflag:$0x1], $0x80, v4, vm0, $0xb8;
	[tilespmem:$0x18280] =	vst v63  }
0x111: {  	v3 =	vadd.s32 v1, v3;
	s0 =	simm.s32 $0x15800  }
0x112: {  	[hbm4b:s4+s2] =	stream.indirect_vreg.scatter [tilespmem:s0], [sflag:$0x1], $0x80, v4, vm0, $0xb8;
	[tilespmem:$0x18280] =	vst v63  }
0x113: {  	s0 =	simm.s32 $0x16000  }
0x114: {  	[hbm4b:s5+s2] =	stream.indirect_vreg.scatter [tilespmem:s0], [sflag:$0x1], $0x80, v4, vm0, $0xb8;
	[tilespmem:$0x18280] =	vst v63  }
0x115: {  	s0 =	simm.s32 $0x16800  }
0x116: {  	[hbm4b:s3+s2] =	stream.indirect_vreg.scatter [tilespmem:s0], [sflag:$0x1], $0x80, v3, vm0, $0xb8;
	[tilespmem:$0x18280] =	vst v63  }
0x117: {  	s0 =	simm.s32 $0x17000  }
0x118: {  	[hbm4b:s4+s2] =	stream.indirect_vreg.scatter [tilespmem:s0], [sflag:$0x1], $0x80, v3, vm0, $0xb8;
	[tilespmem:$0x18280] =	vst v63  }
0x119: {  	s0 =	simm.s32 $0x17800  }
0x11a: {  	[hbm4b:s5+s2] =	stream.indirect_vreg.scatter [tilespmem:s0], [sflag:$0x1], $0x80, v3, vm0, $0xb8;
	[tilespmem:$0x18280] =	vst v63  }
0x11b: {  	v3 =	vld [tilespmem:$0x18180];
	_ =	sdelay $0x4  }
0x11c: {  	v56 =	vshrl.u32 v3, $0x3  }
0x11d: {  	v4 =	vmul.u32 $0x30, v56  }
0x11e: {  	v3 =	vand.u32 $0x7, v3  }
0x11f: {  	v3 =	vor.u32 v3, v4  }
0x120: {  	v4 =	vperm.xlane v3, v0;
	_ =	sdelay $0x1  }
0x121: {  	v4 =	vadd.s32 v1, v4;
	_ =	sdelay $0x3  }
0x122: {  	v3 =	vperm.xlane v3, v2  }
0x123: {  	[hbm4b:s3+s2] =	stream.indirect_vreg.scatter [tilespmem:s2], [sflag:$0x2], $0x80, v4, vm0, $0xb8;
	[tilespmem:$0x18280] =	vst v63  }
0x124: {  	v3 =	vadd.s32 v1, v3  }
0x125: {  	[hbm4b:s4+s2] =	stream.indirect_vreg.scatter [tilespmem:s10], [sflag:$0x2], $0x80, v4, vm0, $0xb8;
	[tilespmem:$0x18280] =	vst v63  }
0x126: {  	_ = 	snop  }
0x127: {  	[hbm4b:s5+s2] =	stream.indirect_vreg.scatter [tilespmem:s11], [sflag:$0x2], $0x80, v4, vm0, $0xb8;
	[tilespmem:$0x18280] =	vst v63  }
0x128: {  	_ = 	snop  }
0x129: {  	[hbm4b:s3+s2] =	stream.indirect_vreg.scatter [tilespmem:s12], [sflag:$0x2], $0x80, v3, vm0, $0xb8;
	[tilespmem:$0x18280] =	vst v63  }
0x12a: {  	_ = 	snop  }
0x12b: {  	[hbm4b:s4+s2] =	stream.indirect_vreg.scatter [tilespmem:s13], [sflag:$0x2], $0x80, v3, vm0, $0xb8;
	[tilespmem:$0x18280] =	vst v63  }
0x12c: {  	_ = 	snop  }
0x12d: {  	[hbm4b:s5+s2] =	stream.indirect_vreg.scatter [tilespmem:s14], [sflag:$0x2], $0x80, v3, vm0, $0xb8;
	[tilespmem:$0x18280] =	vst v63  }
0x12e: {  	v3 =	vld [tilespmem:$0x18190];
	_ =	sdelay $0x4  }
0x12f: {  	v57 =	vshrl.u32 v3, $0x3  }
0x130: {  	v4 =	vmul.u32 $0x30, v57  }
0x131: {  	v3 =	vand.u32 $0x7, v3  }
0x132: {  	v3 =	vor.u32 v3, v4  }
0x133: {  	v4 =	vperm.xlane v3, v0;
	_ =	sdelay $0x1  }
0x134: {  	v4 =	vadd.s32 v1, v4;
	_ =	sdelay $0x3  }
0x135: {  	v3 =	vperm.xlane v3, v2  }
0x136: {  	[hbm4b:s3+s2] =	stream.indirect_vreg.scatter [tilespmem:s15], [sflag:$0x2], $0x80, v4, vm0, $0xb8;
	[tilespmem:$0x18280] =	vst v63  }
0x137: {  	v3 =	vadd.s32 v1, v3  }
0x138: {  	[hbm4b:s4+s2] =	stream.indirect_vreg.scatter [tilespmem:s16], [sflag:$0x2], $0x80, v4, vm0, $0xb8;
	[tilespmem:$0x18280] =	vst v63  }
0x139: {  	_ = 	snop  }
0x13a: {  	[hbm4b:s5+s2] =	stream.indirect_vreg.scatter [tilespmem:s17], [sflag:$0x2], $0x80, v4, vm0, $0xb8;
	[tilespmem:$0x18280] =	vst v63  }
0x13b: {  	_ = 	snop  }
0x13c: {  	[hbm4b:s3+s2] =	stream.indirect_vreg.scatter [tilespmem:s18], [sflag:$0x2], $0x80, v3, vm0, $0xb8;
	[tilespmem:$0x18280] =	vst v63  }
0x13d: {  	_ = 	snop  }
0x13e: {  	[hbm4b:s4+s2] =	stream.indirect_vreg.scatter [tilespmem:s19], [sflag:$0x2], $0x80, v3, vm0, $0xb8;
	[tilespmem:$0x18280] =	vst v63  }
0x13f: {  	_ = 	snop  }
0x140: {  	[hbm4b:s5+s2] =	stream.indirect_vreg.scatter [tilespmem:s20], [sflag:$0x2], $0x80, v3, vm0, $0xb8;
	[tilespmem:$0x18280] =	vst v63  }
0x141: {  	v3 =	vld [tilespmem:$0x181A0];
	_ =	sdelay $0x4  }
0x142: {  	v58 =	vshrl.u32 v3, $0x3  }
0x143: {  	v4 =	vmul.u32 $0x30, v58  }
0x144: {  	v3 =	vand.u32 $0x7, v3  }
0x145: {  	v3 =	vor.u32 v3, v4  }
0x146: {  	v4 =	vperm.xlane v3, v0;
	_ =	sdelay $0x1  }
0x147: {  	v4 =	vadd.s32 v1, v4;
	_ =	sdelay $0x3  }
0x148: {  	v3 =	vperm.xlane v3, v2  }
0x149: {  	[hbm4b:s3+s2] =	stream.indirect_vreg.scatter [tilespmem:s21], [sflag:$0x2], $0x80, v4, vm0, $0xb8;
	[tilespmem:$0x18280] =	vst v63  }
0x14a: {  	v3 =	vadd.s32 v1, v3  }
0x14b: {  	[hbm4b:s4+s2] =	stream.indirect_vreg.scatter [tilespmem:s22], [sflag:$0x2], $0x80, v4, vm0, $0xb8;
	[tilespmem:$0x18280] =	vst v63  }
0x14c: {  	_ = 	snop  }
0x14d: {  	[hbm4b:s5+s2] =	stream.indirect_vreg.scatter [tilespmem:s23], [sflag:$0x2], $0x80, v4, vm0, $0xb8;
	[tilespmem:$0x18280] =	vst v63  }
0x14e: {  	_ = 	snop  }
0x14f: {  	[hbm4b:s3+s2] =	stream.indirect_vreg.scatter [tilespmem:s24], [sflag:$0x2], $0x80, v3, vm0, $0xb8;
	[tilespmem:$0x18280] =	vst v63  }
0x150: {  	_ = 	snop  }
0x151: {  	[hbm4b:s4+s2] =	stream.indirect_vreg.scatter [tilespmem:s25], [sflag:$0x2], $0x80, v3, vm0, $0xb8;
	[tilespmem:$0x18280] =	vst v63  }
0x152: {  	_ = 	snop  }
0x153: {  	[hbm4b:s5+s2] =	stream.indirect_vreg.scatter [tilespmem:s26], [sflag:$0x2], $0x80, v3, vm0, $0xb8;
	[tilespmem:$0x18280] =	vst v63  }
0x154: {  	v3 =	vld [tilespmem:$0x181B0];
	_ =	sdelay $0x4  }
0x155: {  	v59 =	vshrl.u32 v3, $0x3  }
0x156: {  	v4 =	vmul.u32 $0x30, v59  }
0x157: {  	v3 =	vand.u32 $0x7, v3  }
0x158: {  	v3 =	vor.u32 v3, v4  }
0x159: {  	v4 =	vperm.xlane v3, v0;
	_ =	sdelay $0x1  }
0x15a: {  	v4 =	vadd.s32 v1, v4;
	_ =	sdelay $0x3  }
0x15b: {  	v3 =	vperm.xlane v3, v2  }
0x15c: {  	[hbm4b:s3+s2] =	stream.indirect_vreg.scatter [tilespmem:s28], [sflag:$0x2], $0x80, v4, vm0, $0xb8;
	[tilespmem:$0x18280] =	vst v63  }
0x15d: {  	v3 =	vadd.s32 v1, v3  }
0x15e: {  	[hbm4b:s4+s2] =	stream.indirect_vreg.scatter [tilespmem:s29], [sflag:$0x2], $0x80, v4, vm0, $0xb8;
	[tilespmem:$0x18280] =	vst v63  }
0x15f: {  	_ = 	snop  }
0x160: {  	[hbm4b:s5+s2] =	stream.indirect_vreg.scatter [tilespmem:s30], [sflag:$0x2], $0x80, v4, vm0, $0xb8;
	[tilespmem:$0x18280] =	vst v63  }
0x161: {  	_ = 	snop  }
0x162: {  	[hbm4b:s3+s2] =	stream.indirect_vreg.scatter [tilespmem:s31], [sflag:$0x2], $0x80, v3, vm0, $0xb8;
	[tilespmem:$0x18280] =	vst v63  }
0x163: {  	s10 =	simm.s32 $0xB000  }
0x164: {  	[hbm4b:s4+s2] =	stream.indirect_vreg.scatter [tilespmem:s10], [sflag:$0x2], $0x80, v3, vm0, $0xb8;
	[tilespmem:$0x18280] =	vst v63  }
0x165: {  	_ = 	snop  }
0x166: {  	[hbm4b:s5+s2] =	stream.indirect_vreg.scatter [tilespmem:s1], [sflag:$0x2], $0x80, v3, vm0, $0xb8;
	[tilespmem:$0x18280] =	vst v63  }
0x167: {  	v3 =	vld [tilespmem:$0x181C0];
	_ =	sdelay $0x4  }
0x168: {  	v60 =	vshrl.u32 v3, $0x3  }
0x169: {  	v4 =	vmul.u32 $0x30, v60  }
0x16a: {  	v3 =	vand.u32 $0x7, v3  }
0x16b: {  	v3 =	vor.u32 v3, v4  }
0x16c: {  	v4 =	vperm.xlane v3, v0;
	_ =	sdelay $0x1  }
0x16d: {  	v4 =	vadd.s32 v1, v4;
	_ =	sdelay $0x3  }
0x16e: {  	v3 =	vperm.xlane v3, v2  }
0x16f: {  	[hbm4b:s3+s2] =	stream.indirect_vreg.scatter [tilespmem:s9], [sflag:$0x2], $0x80, v4, vm0, $0xb8;
	[tilespmem:$0x18280] =	vst v63  }
0x170: {  	s11 =	simm.s32 $0xC800;
	v3 =	vadd.s32 v1, v3  }
0x171: {  	[hbm4b:s4+s2] =	stream.indirect_vreg.scatter [tilespmem:s11], [sflag:$0x2], $0x80, v4, vm0, $0xb8;
	[tilespmem:$0x18280] =	vst v63  }
0x172: {  	s10 =	simm.s32 $0xD000  }
0x173: {  	[hbm4b:s5+s2] =	stream.indirect_vreg.scatter [tilespmem:s10], [sflag:$0x2], $0x80, v4, vm0, $0xb8;
	[tilespmem:$0x18280] =	vst v63  }
0x174: {  	s11 =	simm.s32 $0xD800  }
0x175: {  	[hbm4b:s3+s2] =	stream.indirect_vreg.scatter [tilespmem:s11], [sflag:$0x2], $0x80, v3, vm0, $0xb8;
	[tilespmem:$0x18280] =	vst v63  }
0x176: {  	s10 =	simm.s32 $0xE000  }
0x177: {  	[hbm4b:s4+s2] =	stream.indirect_vreg.scatter [tilespmem:s10], [sflag:$0x2], $0x80, v3, vm0, $0xb8;
	[tilespmem:$0x18280] =	vst v63  }
0x178: {  	s11 =	simm.s32 $0xE800  }
0x179: {  	[hbm4b:s5+s2] =	stream.indirect_vreg.scatter [tilespmem:s11], [sflag:$0x2], $0x80, v3, vm0, $0xb8;
	[tilespmem:$0x18280] =	vst v63  }
0x17a: {  	v3 =	vld [tilespmem:$0x181D0];
	_ =	sdelay $0x4  }
0x17b: {  	v61 =	vshrl.u32 v3, $0x3  }
0x17c: {  	v4 =	vmul.u32 $0x30, v61  }
0x17d: {  	v3 =	vand.u32 $0x7, v3  }
0x17e: {  	v3 =	vor.u32 v3, v4  }
0x17f: {  	v4 =	vperm.xlane v3, v0;
	_ =	sdelay $0x1  }
0x180: {  	v4 =	vadd.s32 v1, v4;
	_ =	sdelay $0x3  }
0x181: {  	s10 =	simm.s32 $0xF000;
	v3 =	vperm.xlane v3, v2  }
0x182: {  	[hbm4b:s3+s2] =	stream.indirect_vreg.scatter [tilespmem:s10], [sflag:$0x2], $0x80, v4, vm0, $0xb8;
	[tilespmem:$0x18280] =	vst v63  }
0x183: {  	s11 =	simm.s32 $0xF800;
	v3 =	vadd.s32 v1, v3  }
0x184: {  	[hbm4b:s4+s2] =	stream.indirect_vreg.scatter [tilespmem:s11], [sflag:$0x2], $0x80, v4, vm0, $0xb8;
	[tilespmem:$0x18280] =	vst v63  }
0x185: {  	s10 =	simm.s32 $0x10000  }
0x186: {  	[hbm4b:s5+s2] =	stream.indirect_vreg.scatter [tilespmem:s10], [sflag:$0x2], $0x80, v4, vm0, $0xb8;
	[tilespmem:$0x18280] =	vst v63  }
0x187: {  	s11 =	simm.s32 $0x10800  }
0x188: {  	[hbm4b:s3+s2] =	stream.indirect_vreg.scatter [tilespmem:s11], [sflag:$0x2], $0x80, v3, vm0, $0xb8;
	[tilespmem:$0x18280] =	vst v63  }
0x189: {  	s10 =	simm.s32 $0x11000  }
0x18a: {  	[hbm4b:s4+s2] =	stream.indirect_vreg.scatter [tilespmem:s10], [sflag:$0x2], $0x80, v3, vm0, $0xb8;
	[tilespmem:$0x18280] =	vst v63  }
0x18b: {  	s11 =	simm.s32 $0x11800  }
0x18c: {  	[hbm4b:s5+s2] =	stream.indirect_vreg.scatter [tilespmem:s11], [sflag:$0x2], $0x80, v3, vm0, $0xb8;
	[tilespmem:$0x18280] =	vst v63  }
0x18d: {  	v3 =	vld [tilespmem:$0x181E0];
	_ =	sdelay $0x4  }
0x18e: {  	v62 =	vshrl.u32 v3, $0x3  }
0x18f: {  	v4 =	vmul.u32 $0x30, v62  }
0x190: {  	v3 =	vand.u32 $0x7, v3  }
0x191: {  	v3 =	vor.u32 v3, v4  }
0x192: {  	v4 =	vperm.xlane v3, v0;
	_ =	sdelay $0x1  }
0x193: {  	v4 =	vadd.s32 v1, v4;
	_ =	sdelay $0x3  }
0x194: {  	s10 =	simm.s32 $0x12000;
	v3 =	vperm.xlane v3, v2  }
0x195: {  	[hbm4b:s3+s2] =	stream.indirect_vreg.scatter [tilespmem:s10], [sflag:$0x2], $0x80, v4, vm0, $0xb8;
	[tilespmem:$0x18280] =	vst v63  }
0x196: {  	s11 =	simm.s32 $0x12800;
	v3 =	vadd.s32 v1, v3  }
0x197: {  	[hbm4b:s4+s2] =	stream.indirect_vreg.scatter [tilespmem:s11], [sflag:$0x2], $0x80, v4, vm0, $0xb8;
	[tilespmem:$0x18280] =	vst v63  }
0x198: {  	s10 =	simm.s32 $0x13000  }
0x199: {  	[hbm4b:s5+s2] =	stream.indirect_vreg.scatter [tilespmem:s10], [sflag:$0x2], $0x80, v4, vm0, $0xb8;
	[tilespmem:$0x18280] =	vst v63  }
0x19a: {  	s11 =	simm.s32 $0x13800  }
0x19b: {  	[hbm4b:s3+s2] =	stream.indirect_vreg.scatter [tilespmem:s11], [sflag:$0x2], $0x80, v3, vm0, $0xb8;
	[tilespmem:$0x18280] =	vst v63  }
0x19c: {  	s10 =	simm.s32 $0x14000  }
0x19d: {  	[hbm4b:s4+s2] =	stream.indirect_vreg.scatter [tilespmem:s10], [sflag:$0x2], $0x80, v3, vm0, $0xb8;
	[tilespmem:$0x18280] =	vst v63  }
0x19e: {  	s11 =	simm.s32 $0x14800  }
0x19f: {  	[hbm4b:s5+s2] =	stream.indirect_vreg.scatter [tilespmem:s11], [sflag:$0x2], $0x80, v3, vm0, $0xb8;
	[tilespmem:$0x18280] =	vst v63  }
0x1a0: {  	v3 =	vld [tilespmem:$0x181F0];
	_ =	sdelay $0x4  }
0x1a1: {  	v63 =	vshrl.u32 v3, $0x3  }
0x1a2: {  	v4 =	vmul.u32 $0x30, v63  }
0x1a3: {  	v3 =	vand.u32 $0x7, v3  }
0x1a4: {  	v3 =	vor.u32 v3, v4  }
0x1a5: {  	v4 =	vperm.xlane v3, v0;
	_ =	sdelay $0x1  }
0x1a6: {  	v4 =	vadd.s32 v1, v4;
	_ =	sdelay $0x3  }
0x1a7: {  	s10 =	simm.s32 $0x15000;
	v3 =	vperm.xlane v3, v2  }
0x1a8: {  	[hbm4b:s3+s2] =	stream.indirect_vreg.scatter [tilespmem:s10], [sflag:$0x2], $0x80, v4, vm0, $0xb8;
	[tilespmem:$0x18280] =	vst v63  }
0x1a9: {  	s11 =	simm.s32 $0x15800;
	v3 =	vadd.s32 v1, v3  }
0x1aa: {  	[hbm4b:s4+s2] =	stream.indirect_vreg.scatter [tilespmem:s11], [sflag:$0x2], $0x80, v4, vm0, $0xb8;
	[tilespmem:$0x18280] =	vst v63  }
0x1ab: {  	s10 =	simm.s32 $0x16000  }
0x1ac: {  	[hbm4b:s5+s2] =	stream.indirect_vreg.scatter [tilespmem:s10], [sflag:$0x2], $0x80, v4, vm0, $0xb8;
	[tilespmem:$0x18280] =	vst v63  }
0x1ad: {  	s11 =	simm.s32 $0x16800  }
0x1ae: {  	[hbm4b:s3+s2] =	stream.indirect_vreg.scatter [tilespmem:s11], [sflag:$0x2], $0x80, v3, vm0, $0xb8;
	[tilespmem:$0x18280] =	vst v63  }
0x1af: {  	s10 =	simm.s32 $0x17000  }
0x1b0: {  	[hbm4b:s4+s2] =	stream.indirect_vreg.scatter [tilespmem:s10], [sflag:$0x2], $0x80, v3, vm0, $0xb8;
	[tilespmem:$0x18280] =	vst v63  }
0x1b1: {  	s11 =	simm.s32 $0x17800;
	s10 =	simm.s32 $0x1  }
0x1b2: {  	[hbm4b:s5+s2] =	stream.indirect_vreg.scatter [tilespmem:s11], [sflag:$0x2], $0x80, v3, vm0, $0xb8;
	[tilespmem:$0x18280] =	vst v63  }
0x1b3: {  	p0 =	sne.s32 s6, $0x1;
	_ =	swait.ge [sflag:s10], $0x18000  }
.Ltmp0:
0x1b4: {  	[sflag:s10] =	ssyncset.done $0x0;
	(pc) =	sbr.rel @p0 .LBB2_1-.Ltmp0, $4  }
0x1b5: {  	s11 =	simm.s32 $0x2;
	[sflag:s10] =	ssyncadd.s32 $0xFFFE8000  }
0x1b6: {  	_ =	swait.ge [sflag:s11], $0x18000  }
0x1b7: {  	[sflag:s11] =	ssyncset.done $0x0  }
0x1b8: {  	s6 =	sadd.s32 $0xFFFFFFFF, s6;
	[sflag:s11] =	ssyncadd.s32 $0xFFFE8000  }
0x1b9: {  	_ =	sfence.sel $0x180000  }
0x1ba: {  	[bflag:$0x0] =	sbarrier.arrive $0xFFFF  }
0x1bb: {  	_ =	strace $0x90000047  }
0x1bc: {  	s0 =	stileid.u32;
	[bflag:$0x2] =	sbarrier.arrive $0xFFFF  }
0x1bd: {  	p0 =	sne.s32 s0, $0x0;
	s0 =	rddreg [dreg:$0x3]  }
0x1be: {  	s0 =	sadd.s32 @!p0 $0x100000, s0  }
0x1bf: {  	[sflag:s0] =	ssyncadd.tile.s32 @!p0 $0x1;
	_ =	shalt  }
.Lfunc_end2:
_tile_overlayer_lowered:
.L_overlay_start_2:
0x1c0: {  	(tag) =	ssettag $0x2  }
0x1c1: {  	s0 =	rddreg [dreg:$0x0];
	s2 =	stileid.u32  }
0x1c2: {  	s1 =	rddreg [dreg:$0x1];
	p0 =	sne.s32 s2, $0x0  }
0x1c3: {  	s3 =	rddreg [dreg:$0x2];
	[bflag:$0x3] =	sbarrier.arrive $0xFFFF;
	s2 =	simm.s32 @!p0 $0x1C03  }
0x1c4: {  	[timem:s3], [sflag:s2] =	dma.local @!p0 [hbm:s0], s1  }
0x1c5: {  	s0 =	simm.s32 @!p0 $0x3  }
0x1c6: {  	_ =	swait.ge @!p0 [sflag:s0], s1  }
0x1c7: {  	s1 =	ssub.s32 @!p0 $0x0, s1;
	[sflag:s0] =	ssyncset.done @!p0 $0x0  }
0x1c8: {  	[sflag:s0] =	ssyncadd.s32 @!p0 s1  }
0x1c9: {  	[bflag:$0x3] =	sbarrier.arrive $0xFFFF  }
0x1ca: {  	_ =	shalt  }

// kernel: kernel.9.cloned.1.call-start
scs
__scs_entry_jumppad:
0x0: {  	(pc) =	sbr.rel $0x88, $3  }
0x1: {  	(tag) =	ssettag $0x0;
	lr =	simm.s32 $0x1  }
0x2: {  	[smem:$0x3F9D] =	sst lr;
	_ =	strace $0xD0000000  }
0x3: {  	_ = 	snop  }
0x4: {  	_ = 	snop  }
0x5: {  	_ = 	snop  }
0x6: {  	_ = 	snop  }
0x7: {  	_ = 	snop  }
__scs_overlays_trampoline_lowered:
0x8: {  	[smem:$0x3FAC] =	sst s0  }
0x9: {  	[smem:$0x3FAD] =	sst s1  }
0xa: {  	[smem:$0x3FAE] =	sst s2  }
0xb: {  	[smem:$0x3FAF] =	sst s3  }
0xc: {  	[smem:$0x3FB0] =	sst s4  }
0xd: {  	[smem:$0x3FB1] =	sst s5  }
0xe: {  	[smem:$0x3FB2] =	sst s6  }
0xf: {  	[smem:$0x3FB3] =	sst s7  }
0x10: {  	[smem:$0x3FB4] =	sst s8  }
0x11: {  	[smem:$0x3FB5] =	sst s9;
	s0 =	simm.s32 @!p0 $0x0  }
0x12: {  	s1 =	sld [smem:$0x3F9B];
	s0 =	simm.s32 @p0 $0x1  }
0x13: {  	[smem:$0x3FB6] =	sst s0;
	s0 =	simm.s32 @!p1 $0x0  }
0x14: {  	s2 =	sld [smem:$0x3F9A];
	s0 =	simm.s32 @p1 $0x1  }
0x15: {  	[smem:$0x3FB7] =	sst s0;
	s0 =	simm.s32 @!p2 $0x0  }
0x16: {  	s3 =	sld [smem:$0x3FDB];
	s0 =	simm.s32 @p2 $0x1  }
0x17: {  	s4 =	simm.s32 $0x1BF5;
	[smem:$0x3FB9] =	sst s0  }
0x18: {  	s0 =	sld [smem:$0x3F9C];
	_ =	swait.ge [sflag:s4], $0x0  }
0x19: {  	s7 =	sld [smem:$0x3F9D]  }
0x1a: {  	s8 =	sadd.s32 $0xFFFFE003, lr  }
0x1b: {  	s9 =	sadd.s32 $0xFFFFFEF7, lr;
	s5 =	simm.s32 $0xFFFFFFFF;
	p2 =	slt.u32 s8, $0xFFFFF086  }
0x1c: {  	p1 =	slt.u32 s9, $0xF7A;
	s5 =	simm.s32 @!p2 $0x0  }
0x1d: {  	s5 =	simm.s32 @p1 $0x1;
	p0 =	seq.s32 s7, s2  }
0x1e: {  	s7 =	smul.u32 @!p0 $0xF7A, s2;
	p2 =	seq.s32 @!p0 s5, $0x0  }
0x1f: {  	s9 =	smul.u32 $0xF7A, s1;
	s8 =	simm.s32 @!p0 $0x1BF5;
	p2 =	por !p2, p0  }
0x20: {  	[sflag:s8] =	ssyncset.s32 @!p0 $0xFFFFF086;
	s6 =	sadd.s32 @!p0 s3, s7;
	s7 =	simm.s32 @!p0 $0x108  }
0x21: {  	s3 =	sadd.s32 s3, s9;
	s6 =	sadd.s32 @!p0 $0x88, s6;
	s7 =	simm.s32 @p2 $0x1082  }
0x22: {  	[simem:s7], [sflag:s8] =	dma.local @!p0 [hbm:s6], $0xF7A  }
0x23: {  	s9 =	sor.u32 $0xD0000000, s2;
	s6 =	simm.s32 $0x108;
	_ =	swait.ge @!p0 [sflag:s8], $0x0  }
0x24: {  	s3 =	sadd.s32 $0x88, s3;
	s6 =	simm.s32 @!p1 $0x1082;
	[sflag:s4] =	ssyncset.s32 $0xFFFFF086  }
0x25: {  	[simem:s6], [sflag:s4] =	dma.local [hbm:s3], $0xF7A  }
0x26: {  	[smem:$0x3F9D] =	sst s1;
	(tag) =	ssettag s2;
	_ =	strace s9  }
0x27: {  	s1 =	sld [smem:$0x3FAD]  }
0x28: {  	s2 =	sld [smem:$0x3FAE]  }
0x29: {  	s4 =	sld [smem:$0x3FB0]  }
0x2a: {  	p0 =	seq.s32 s5, $0x0;
	s5 =	sld [smem:$0x3FB1]  }
0x2b: {  	s6 =	sld [smem:$0x3FB2]  }
0x2c: {  	s7 =	sld [smem:$0x3FB3]  }
0x2d: {  	s3 =	simm.s32 $0x108;
	s8 =	sld [smem:$0x3FB4]  }
0x2e: {  	s3 =	simm.s32 @!p0 $0x1082;
	s9 =	sld [smem:$0x3FB5]  }
0x2f: {  	lr =	sadd.s32 s0, s3;
	s0 =	sld [smem:$0x3FAC]  }
0x30: {  	s3 =	sld [smem:$0x3FAF]  }
0x31: {  	[smem:$0x3FB8] =	sst s10  }
0x32: {  	s10 =	sld [smem:$0x3FB6];
	_ =	sdelay $0x3  }
0x33: {  	p0 =	seq.s32 s10, $0x1;
	s10 =	sld [smem:$0x3FB8];
	_ =	sdelay $0x3  }
0x34: {  	[smem:$0x3FB8] =	sst s10  }
0x35: {  	s10 =	sld [smem:$0x3FB7];
	_ =	sdelay $0x3  }
0x36: {  	p1 =	seq.s32 s10, $0x1;
	s10 =	sld [smem:$0x3FB8];
	_ =	sdelay $0x3  }
0x37: {  	[smem:$0x3FB8] =	sst s10  }
0x38: {  	s10 =	sld [smem:$0x3FB9]  }
0x39: {  	_ = 	snop;
	(pc) =	sbr.ind lr, $3  }
0x3a: {  	_ = 	snop  }
0x3b: {  	_ = 	snop  }
0x3c: {  	p2 =	seq.s32 s10, $0x1;
	s10 =	sld [smem:$0x3FB8]  }
0x3d: {  	_ =	shalt  }
0x3e: {  	_ =	shalt  }
0x3f: {  	_ =	shalt  }
0x40: {  	_ =	shalt  }
0x41: {  	_ =	shalt  }
0x42: {  	_ =	shalt  }
0x43: {  	_ =	shalt  }
0x44: {  	_ =	shalt  }
0x45: {  	_ =	shalt  }
0x46: {  	_ =	shalt  }
0x47: {  	_ =	shalt  }
0x48: {  	_ =	shalt  }
0x49: {  	_ =	shalt  }
0x4a: {  	_ =	shalt  }
0x4b: {  	_ =	shalt  }
0x4c: {  	_ =	shalt  }
0x4d: {  	_ =	shalt  }
0x4e: {  	_ =	shalt  }
0x4f: {  	_ =	shalt  }
0x50: {  	_ =	shalt  }
0x51: {  	_ =	shalt  }
0x52: {  	_ =	shalt  }
0x53: {  	_ =	shalt  }
0x54: {  	_ =	shalt  }
0x55: {  	_ =	shalt  }
0x56: {  	_ =	shalt  }
0x57: {  	_ =	shalt  }
0x58: {  	_ =	shalt  }
0x59: {  	_ =	shalt  }
0x5a: {  	_ =	shalt  }
0x5b: {  	_ =	shalt  }
0x5c: {  	_ =	shalt  }
0x5d: {  	_ =	shalt  }
0x5e: {  	_ =	shalt  }
0x5f: {  	_ =	shalt  }
0x60: {  	_ =	shalt  }
0x61: {  	_ =	shalt  }
0x62: {  	_ =	shalt  }
0x63: {  	_ =	shalt  }
0x64: {  	_ =	shalt  }
0x65: {  	_ =	shalt  }
0x66: {  	_ =	shalt  }
0x67: {  	_ =	shalt  }
0x68: {  	_ =	shalt  }
0x69: {  	_ =	shalt  }
0x6a: {  	_ =	shalt  }
0x6b: {  	_ =	shalt  }
0x6c: {  	_ =	shalt  }
0x6d: {  	_ =	shalt  }
0x6e: {  	_ =	shalt  }
0x6f: {  	_ =	shalt  }
0x70: {  	_ =	shalt  }
0x71: {  	_ =	shalt  }
0x72: {  	_ =	shalt  }
0x73: {  	_ =	shalt  }
0x74: {  	_ =	shalt  }
0x75: {  	_ =	shalt  }
0x76: {  	_ =	shalt  }
0x77: {  	_ =	shalt  }
0x78: {  	_ =	shalt  }
0x79: {  	_ =	shalt  }
0x7a: {  	_ =	shalt  }
0x7b: {  	_ =	shalt  }
0x7c: {  	_ =	shalt  }
0x7d: {  	_ =	shalt  }
0x7e: {  	_ =	shalt  }
0x7f: {  	_ =	shalt  }
0x80: {  	_ =	shalt  }
0x81: {  	_ =	shalt  }
0x82: {  	_ =	shalt  }
0x83: {  	_ =	shalt  }
0x84: {  	_ =	shalt  }
0x85: {  	_ =	shalt  }
0x86: {  	_ =	shalt  }
0x87: {  	_ =	shalt  }
.Lfunc_end0:
.L_simem_size_0:
called_computation.1_lowered:
.L_overlay_start_0:
0x88: {  	s2 =	sld [smem:$0x3FD9]  }
0x89: {  	s3 =	sld [smem:$0x3FFE];
	_ =	sdelay $0x1  }
0x8a: {  	s1 =	srdreg.scid  }
0x8b: {  	s0 =	sand.u32 $0x1, s1  }
0x8c: {  	s14 =	sshll.u32 s0, $0xA;
	s2 =	sadd.s32 s3, s2  }
0x8d: {  	s2 =	sadd.s32 s2, s14  }
0x8e: {  	[smem:$0x3FC4] =	sst s2  }
0x8f: {  	_ = 	snop  }
0x90: {  	s2 =	sld [smem:$0x3FD0];
	_ =	sdelay $0x2  }
0x91: {  	s15 =	simm.s32 $0xA;
	s4 =	simm.s32 $0x10  }
0x92: {  	[smem:s4], [sflag:s15] =	dma.local [hbm:s2], $0x1  }
0x93: {  	_ =	swait.eq [sflag:s15], $0x1  }
0x94: {  	[sflag:s15] =	ssyncset.done $0x0  }
0x95: {  	[sflag:s15] =	ssyncadd.s32 $0xFFFFFFFF  }
0x96: {  	s16 =	sld [smem:$0x10];
	(tm) =	ssettm $0x1  }
0x97: {  	s17 =	sld [smem:$0x3FFB];
	_ =	sdelay $0x3  }
0x98: {  	_ =	strace s17  }
0x99: {  	s3 =	sld [smem:$0x3FFC];
	_ =	sdelay $0x3  }
0x9a: {  	_ =	strace s3  }
0x9b: {  	s3 =	sld [smem:$0x3FFD];
	_ =	sdelay $0x3  }
0x9c: {  	_ =	strace s3  }
0x9d: {  	_ =	strace $0x8FFFFFFF  }
0x9e: {  	s18 =	sld [smem:$0x3FDB];
	_ =	sdelay $0x1  }
0x9f: {  	s19 =	simm.s32 $_scs_section_size  }
0xa0: {  	s5 =	simm.s32 $_size__tile_overlayer_lowered;
	s6 =	simm.s32 $_tile_overlayer_lowered  }
0xa1: {  	s22 =	simm.s32 $0x1BFF;
	s21 =	sshll.u32 s6, $0x1;
	s3 =	sadd.s32 s19, s18  }
0xa2: {  	s7 =	simm.s32 $0x0;
	s20 =	sshll.u32 s5, $0x1;
	s5 =	sadd.s32 s21, s3  }
0xa3: {  	[timem:s7], [sflag:s22] =	dma.local [hbm:s5], s20  }
0xa4: {  	_ =	swait.ge [sflag:s22], s20  }
0xa5: {  	s4 =	ssub.s32 $0x0, s20;
	[sflag:s22] =	ssyncset.done $0x0  }
0xa6: {  	[sflag:s22] =	ssyncadd.s32 s4;
	_ =	sdelay $0x1  }
0xa7: {  	s23 =	simm.s32 $0x1B8B  }
0xa8: {  	_ =	swait.ge [sflag:s23], $0x1  }
0xa9: {  	[sflag:s23] =	ssyncset.done $0x0  }
0xaa: {  	s25 =	simm.s32 $0x1B8E;
	s24 =	sld [smem:$0x3FFE];
	[sflag:s23] =	ssyncadd.s32 $0xFFFFFFFF  }
0xab: {  	s26 =	simm.s32 $execute0_lowered;
	[smem:$0x3FD2] =	sst s25  }
0xac: {  	s5 =	sshll.u32 s26, $0x1;
	_ =	strace $0x80000049;
	[dreg:$0x1] =	wrdreg $0xFFFFFFFF  }
0xad: {  	s28 =	simm.s32 $_size_execute0_lowered;
	s3 =	sadd.s32 s3, s5;
	[dreg:$0x0] =	wrdreg $0x0  }
0xae: {  	s5 =	sshll.u32 s28, $0x1;
	[dreg:$0x2] =	wrdreg s3  }
0xaf: {  	[dreg:$0x3] =	wrdreg s5  }
0xb0: {  	[dreg:$0x4] =	wrdreg $0xC0  }
0xb1: {  	_ =	task [dreg:s7], $0x5FFFF  }
0xb2: {  	[dreg:$0x1] =	wrdreg $0xFFFFFFFF  }
0xb3: {  	[dreg:$0x0] =	wrdreg $0x60  }
0xb4: {  	[dreg:$0x2] =	wrdreg s24  }
0xb5: {  	[dreg:$0x3] =	wrdreg s16  }
0xb6: {  	[dreg:$0x4] =	wrdreg $0x9  }
0xb7: {  	_ =	task.clear_ibuf [dreg:s7], $0x5FFFF;
	_ =	strace $0x90000049  }
0xb8: {  	s29 =	simm.s32 $0x9;
	_ =	strace $0x8000004B  }
0xb9: {  	_ =	swait.ge [sflag:s29], $0x1  }
0xba: {  	[sflag:s29] =	ssyncadd.s32 $0xFFFFFFFF  }
0xbb: {  	_ =	strace $0x9000004B  }
0xbc: {  	_ =	sfence  }
0xbd: {  	s30 =	sld [smem:$0x0];
	_ =	sdelay $0x2  }
0xbe: {  	s31 =	sshll.u32 s1, $0xD;
	s1 =	sshrl.u32 s1, $0x2  }
0xbf: {  	s3 =	sand.u32 $0x4000, s31;
	s1 =	sadd.s32 s1, s30  }
0xc0: {  	s0 =	sor.u32 s3, s0;
	s1 =	sshll.u32 s1, $0x11  }
0xc1: {  	s0 =	sor.u32 s1, s0  }
0xc2: {  	s0 =	sadd.s32 $0x8F2B, s0  }
0xc3: {  	[sflag:s0] =	ssyncadd.remote.s32 $0x1  }
0xc4: {  	_ =	sfence.sel $0xFFFF  }
0xc5: {  	[dreg:$0x0] =	wrdreg $0xFFFFFFFF;
	(pc) =	sbr.abs _section_cstart, $3  }
0xc6: {  	[dreg:$0x1] =	wrdreg $0xFFFFFFFF  }
0xc7: {  	_ =	task.clear_ibuf [dreg:s7], $0x2FFFF;
	_ =	strace $0x9FFFFFFF  }
0xc8: {  	(tm) =	ssettm $0x7FFFFFFF  }
0xc9: {  	_ =	shalt  }
tec
execute0_lowered:
.L_overlay_start_1:
0x0: {  	(tag) =	ssettag $0x1  }
0x1: {  	s0 =	rddreg [dreg:$0x0]  }
0x2: {  	s2 =	rddreg [dreg:$0x1];
	s1 =	simm.s32 $0x0  }
0x3: {  	s4 =	srdreg.scid;
	s5 =	stileid.u32;
	s15 =	simm.s32 $0x18100  }
0x4: {  	s16 =	simm.s32 $0x3;
	s17 =	simm.s32 $0x18180;
	s12 =	simm.s32 $0x15000  }
0x5: {  	s13 =	simm.s32 $0x16000;
	s14 =	simm.s32 $0x17000;
	s28 =	simm.s32 $0x17800  }
0x6: {  	s29 =	simm.s32 $0x1;
	s30 =	simm.s32 $0x0;
	[smem:$0x7FF] =	sst s1  }
0x7: {  	s3 =	sadd.s32 $0x123C00, s0;
	s4 =	sand.u32 $0x1, s4;
	s5 =	sshll.u32 s5, $0x5  }
0x8: {  	s8 =	sadd.s32 $0x123800, s0;
	s10 =	sadd.s32 $0x123A00, s0;
	s6 =	sshll.u32 s4, $0x4  }
0x9: {  	s9 =	sadd.s32 $0x123E00, s0;
	s4 =	ssub.s32 $0x2, s4;
	s5 =	sor.u32 s6, s5  }
0xa: {  	_ =	strace $0x8000004A;
	s18 =	sshrl.u32 s4, $0x1;
	s7 =	sadd.s32 s5, s0  }
0xb: {  	s4 =	ssub.s32 s4, s18;
	s21 =	sadd.s32 s8, s5;
	s22 =	smul.u32 $0x300, s5  }
0xc: {  	s11 =	sor.u32 $0x8, s5;
	s5 =	sadd.s32 s10, s5;
	s18 =	simm.s32 $0x10000  }
0xd: {  	s19 =	sadd.s32 $0x3000, s7;
	s20 =	sadd.s32 $0x3200, s7;
	[dreg:$0x5] =	wrdreg s21  }
0xe: {  	s7 =	sadd.s32 $0x123D00, s0;
	[dreg:$0x6] =	wrdreg s5;
	s23 =	smul.u32 $0x300, s11  }
0xf: {  	s25 =	sadd.s32 s8, s11;
	s26 =	sadd.s32 s10, s11;
	[dreg:$0x3] =	wrdreg s19  }
0x10: {  	s31 =	smax.u32 s4, $0x1;
	s8 =	simm.s32 $0x11000;
	[dreg:$0x4] =	wrdreg s20  }
0x11: {  	s21 =	simm.s32 $0x12000;
	s10 =	simm.s32 $0x13000;
	[dreg:$0x8] =	wrdreg s25  }
0x12: {  	s11 =	simm.s32 $0x14000;
	s4 =	simm.s32 $0x2;
	[dreg:$0x9] =	wrdreg s26  }
0x13: {  	s24 =	sadd.s32 s2, s22;
	[dreg:$0xb] =	wrdreg s31;
	s19 =	simm.s32 $0x10800  }
0x14: {  	v2 =	vlaneseq.u32;
	s20 =	simm.s32 $0x11800;
	s22 =	simm.s32 $0x12800;
	s25 =	simm.s32 $0x15800  }
0x15: {  	vm0 =	vmmov $0xffff;
	v1 =	vshrl.u32 v2, $0x3;
	s26 =	simm.s32 $0x16800;
	[dreg:$0x7] =	wrdreg s24;
	s0 =	sadd.s32 s2, s23  }
0x16: {  	v0 =	vand.u32 $0x7, v2;
	v2 =	vor.u32 $0x8, v2;
	v1 =	vmul.u32 $0x8, v1;
	s23 =	simm.s32 $0x13800;
	s24 =	simm.s32 $0x14800;
	[dreg:$0xa] =	wrdreg s0  }
.LBB2_1:
0x17: {  	s0 =	rddreg [dreg:$0x3]  }
0x18: {  	[tilespmem:s15], [sflag:$0x3] =	stream.linear.gather [hbm4b:s0+s1], $0x80, $0x38;
	[tilespmem:$0x18200] =	vst v63  }
0x19: {  	_ =	swait.ge [sflag:s16], $0x80  }
0x1a: {  	[sflag:s16] =	ssyncset.done $0x0  }
0x1b: {  	s5 =	rddreg [dreg:$0x4];
	[sflag:s16] =	ssyncadd.s32 $0xFFFFFF80  }
0x1c: {  	[tilespmem:s17], [sflag:$0x3] =	stream.linear.gather [hbm4b:s5+s1], $0x80, $0x38;
	[tilespmem:$0x18200] =	vst v63  }
0x1d: {  	_ =	swait.ge [sflag:s16], $0x80  }
0x1e: {  	[sflag:s16] =	ssyncset.done $0x0  }
0x1f: {  	s2 =	simm.s32 $0x18000;
	s6 =	rddreg [dreg:$0x5];
	[sflag:s16] =	ssyncadd.s32 $0xFFFFFF80  }
0x20: {  	[tilespmem:s2], [sflag:$0x3] =	stream.linear.gather [hbm4b:s6+s1], $0x40, $0x38;
	[tilespmem:$0x18200] =	vst v63  }
0x21: {  	_ =	swait.ge [sflag:s16], $0x40  }
0x22: {  	[sflag:s16] =	ssyncset.done $0x0  }
0x23: {  	s5 =	simm.s32 $0x18080;
	s2 =	rddreg [dreg:$0x6];
	[sflag:s16] =	ssyncadd.s32 $0xFFFFFFC0  }
0x24: {  	[tilespmem:s5], [sflag:$0x3] =	stream.linear.gather [hbm4b:s2+s1], $0x40, $0x38;
	[tilespmem:$0x18200] =	vst v63  }
0x25: {  	_ =	swait.ge [sflag:s16], $0x40  }
0x26: {  	[sflag:s16] =	ssyncset.done $0x0  }
0x27: {  	[sflag:s16] =	ssyncadd.s32 $0xFFFFFFC0  }
0x28: {  	v3 =	vld [tilespmem:$0x18000];
	_ =	sdelay $0x4  }
0x29: {  	v4 =	vshrl.u32 v3, $0x3  }
0x2a: {  	v4 =	vmul.u32 $0x30, v4  }
0x2b: {  	v3 =	vand.u32 $0x7, v3  }
0x2c: {  	v3 =	vor.u32 v3, v4  }
0x2d: {  	v4 =	vperm.xlane v3, v0;
	_ =	sdelay $0x1  }
0x2e: {  	v4 =	vadd.s32 v1, v4;
	_ =	sdelay $0x3  }
0x2f: {  	v3 =	vperm.xlane v3, v2  }
0x30: {  	[tilespmem:s1], [sflag:$0x1] =	stream.indirect_vreg.gather [hbm4b:s3+s1], $0x80, v4, vm0, $0xb8;
	[tilespmem:$0x18200] =	vst v63  }
0x31: {  	s6 =	simm.s32 $0x800;
	v3 =	vadd.s32 v1, v3  }
0x32: {  	[tilespmem:s6], [sflag:$0x1] =	stream.indirect_vreg.gather [hbm4b:s7+s1], $0x80, v4, vm0, $0xb8;
	[tilespmem:$0x18200] =	vst v63  }
0x33: {  	s2 =	simm.s32 $0x1000  }
0x34: {  	[tilespmem:s2], [sflag:$0x1] =	stream.indirect_vreg.gather [hbm4b:s9+s1], $0x80, v4, vm0, $0xb8;
	[tilespmem:$0x18200] =	vst v63  }
0x35: {  	s5 =	simm.s32 $0x1800  }
0x36: {  	[tilespmem:s5], [sflag:$0x1] =	stream.indirect_vreg.gather [hbm4b:s3+s1], $0x80, v3, vm0, $0xb8;
	[tilespmem:$0x18200] =	vst v63  }
0x37: {  	s6 =	simm.s32 $0x2000  }
0x38: {  	[tilespmem:s6], [sflag:$0x1] =	stream.indirect_vreg.gather [hbm4b:s7+s1], $0x80, v3, vm0, $0xb8;
	[tilespmem:$0x18200] =	vst v63  }
0x39: {  	s2 =	simm.s32 $0x2800  }
0x3a: {  	[tilespmem:s2], [sflag:$0x1] =	stream.indirect_vreg.gather [hbm4b:s9+s1], $0x80, v3, vm0, $0xb8;
	[tilespmem:$0x18200] =	vst v63  }
0x3b: {  	v3 =	vld [tilespmem:$0x18010];
	_ =	sdelay $0x4  }
0x3c: {  	v4 =	vshrl.u32 v3, $0x3  }
0x3d: {  	v4 =	vmul.u32 $0x30, v4  }
0x3e: {  	v3 =	vand.u32 $0x7, v3  }
0x3f: {  	v3 =	vor.u32 v3, v4  }
0x40: {  	v4 =	vperm.xlane v3, v0;
	_ =	sdelay $0x1  }
0x41: {  	v4 =	vadd.s32 v1, v4;
	_ =	sdelay $0x3  }
0x42: {  	s5 =	simm.s32 $0x3000;
	v3 =	vperm.xlane v3, v2  }
0x43: {  	[tilespmem:s5], [sflag:$0x1] =	stream.indirect_vreg.gather [hbm4b:s3+s1], $0x80, v4, vm0, $0xb8;
	[tilespmem:$0x18200] =	vst v63  }
0x44: {  	s6 =	simm.s32 $0x3800;
	v3 =	vadd.s32 v1, v3  }
0x45: {  	[tilespmem:s6], [sflag:$0x1] =	stream.indirect_vreg.gather [hbm4b:s7+s1], $0x80, v4, vm0, $0xb8;
	[tilespmem:$0x18200] =	vst v63  }
0x46: {  	s2 =	simm.s32 $0x4000  }
0x47: {  	[tilespmem:s2], [sflag:$0x1] =	stream.indirect_vreg.gather [hbm4b:s9+s1], $0x80, v4, vm0, $0xb8;
	[tilespmem:$0x18200] =	vst v63  }
0x48: {  	s5 =	simm.s32 $0x4800  }
0x49: {  	[tilespmem:s5], [sflag:$0x1] =	stream.indirect_vreg.gather [hbm4b:s3+s1], $0x80, v3, vm0, $0xb8;
	[tilespmem:$0x18200] =	vst v63  }
0x4a: {  	s6 =	simm.s32 $0x5000  }
0x4b: {  	[tilespmem:s6], [sflag:$0x1] =	stream.indirect_vreg.gather [hbm4b:s7+s1], $0x80, v3, vm0, $0xb8;
	[tilespmem:$0x18200] =	vst v63  }
0x4c: {  	s2 =	simm.s32 $0x5800  }
0x4d: {  	[tilespmem:s2], [sflag:$0x1] =	stream.indirect_vreg.gather [hbm4b:s9+s1], $0x80, v3, vm0, $0xb8;
	[tilespmem:$0x18200] =	vst v63  }
0x4e: {  	v3 =	vld [tilespmem:$0x18020];
	_ =	sdelay $0x4  }
0x4f: {  	v4 =	vshrl.u32 v3, $0x3  }
0x50: {  	v4 =	vmul.u32 $0x30, v4  }
0x51: {  	v3 =	vand.u32 $0x7, v3  }
0x52: {  	v3 =	vor.u32 v3, v4  }
0x53: {  	v4 =	vperm.xlane v3, v0;
	_ =	sdelay $0x1  }
0x54: {  	v4 =	vadd.s32 v1, v4;
	_ =	sdelay $0x3  }
0x55: {  	s5 =	simm.s32 $0x6000;
	v3 =	vperm.xlane v3, v2  }
0x56: {  	[tilespmem:s5], [sflag:$0x1] =	stream.indirect_vreg.gather [hbm4b:s3+s1], $0x80, v4, vm0, $0xb8;
	[tilespmem:$0x18200] =	vst v63  }
0x57: {  	s6 =	simm.s32 $0x6800;
	v3 =	vadd.s32 v1, v3  }
0x58: {  	[tilespmem:s6], [sflag:$0x1] =	stream.indirect_vreg.gather [hbm4b:s7+s1], $0x80, v4, vm0, $0xb8;
	[tilespmem:$0x18200] =	vst v63  }
0x59: {  	s2 =	simm.s32 $0x7000  }
0x5a: {  	[tilespmem:s2], [sflag:$0x1] =	stream.indirect_vreg.gather [hbm4b:s9+s1], $0x80, v4, vm0, $0xb8;
	[tilespmem:$0x18200] =	vst v63  }
0x5b: {  	s5 =	simm.s32 $0x7800  }
0x5c: {  	[tilespmem:s5], [sflag:$0x1] =	stream.indirect_vreg.gather [hbm4b:s3+s1], $0x80, v3, vm0, $0xb8;
	[tilespmem:$0x18200] =	vst v63  }
0x5d: {  	s6 =	simm.s32 $0x8000  }
0x5e: {  	[tilespmem:s6], [sflag:$0x1] =	stream.indirect_vreg.gather [hbm4b:s7+s1], $0x80, v3, vm0, $0xb8;
	[tilespmem:$0x18200] =	vst v63  }
0x5f: {  	s2 =	simm.s32 $0x8800  }
0x60: {  	[tilespmem:s2], [sflag:$0x1] =	stream.indirect_vreg.gather [hbm4b:s9+s1], $0x80, v3, vm0, $0xb8;
	[tilespmem:$0x18200] =	vst v63  }
0x61: {  	v3 =	vld [tilespmem:$0x18030];
	_ =	sdelay $0x4  }
0x62: {  	v4 =	vshrl.u32 v3, $0x3  }
0x63: {  	v4 =	vmul.u32 $0x30, v4  }
0x64: {  	v3 =	vand.u32 $0x7, v3  }
0x65: {  	v3 =	vor.u32 v3, v4  }
0x66: {  	v4 =	vperm.xlane v3, v0;
	_ =	sdelay $0x1  }
0x67: {  	v4 =	vadd.s32 v1, v4;
	_ =	sdelay $0x3  }
0x68: {  	s5 =	simm.s32 $0x9000;
	v3 =	vperm.xlane v3, v2  }
0x69: {  	[tilespmem:s5], [sflag:$0x1] =	stream.indirect_vreg.gather [hbm4b:s3+s1], $0x80, v4, vm0, $0xb8;
	[tilespmem:$0x18200] =	vst v63  }
0x6a: {  	s6 =	simm.s32 $0x9800;
	v3 =	vadd.s32 v1, v3  }
0x6b: {  	[tilespmem:s6], [sflag:$0x1] =	stream.indirect_vreg.gather [hbm4b:s7+s1], $0x80, v4, vm0, $0xb8;
	[tilespmem:$0x18200] =	vst v63  }
0x6c: {  	s2 =	simm.s32 $0xA000  }
0x6d: {  	[tilespmem:s2], [sflag:$0x1] =	stream.indirect_vreg.gather [hbm4b:s9+s1], $0x80, v4, vm0, $0xb8;
	[tilespmem:$0x18200] =	vst v63  }
0x6e: {  	s5 =	simm.s32 $0xA800  }
0x6f: {  	[tilespmem:s5], [sflag:$0x1] =	stream.indirect_vreg.gather [hbm4b:s3+s1], $0x80, v3, vm0, $0xb8;
	[tilespmem:$0x18200] =	vst v63  }
0x70: {  	s6 =	simm.s32 $0xB000  }
0x71: {  	[tilespmem:s6], [sflag:$0x1] =	stream.indirect_vreg.gather [hbm4b:s7+s1], $0x80, v3, vm0, $0xb8;
	[tilespmem:$0x18200] =	vst v63  }
0x72: {  	s2 =	simm.s32 $0xB800  }
0x73: {  	[tilespmem:s2], [sflag:$0x1] =	stream.indirect_vreg.gather [hbm4b:s9+s1], $0x80, v3, vm0, $0xb8;
	[tilespmem:$0x18200] =	vst v63  }
0x74: {  	v3 =	vld [tilespmem:$0x18080];
	_ =	sdelay $0x4  }
0x75: {  	v4 =	vshrl.u32 v3, $0x3  }
0x76: {  	v4 =	vmul.u32 $0x30, v4  }
0x77: {  	v3 =	vand.u32 $0x7, v3  }
0x78: {  	v3 =	vor.u32 v3, v4  }
0x79: {  	v4 =	vperm.xlane v3, v0;
	_ =	sdelay $0x1  }
0x7a: {  	v4 =	vadd.s32 v1, v4;
	_ =	sdelay $0x3  }
0x7b: {  	s5 =	simm.s32 $0xC000;
	v3 =	vperm.xlane v3, v2  }
0x7c: {  	[tilespmem:s5], [sflag:$0x2] =	stream.indirect_vreg.gather [hbm4b:s3+s1], $0x80, v4, vm0, $0xb8;
	[tilespmem:$0x18200] =	vst v63  }
0x7d: {  	s6 =	simm.s32 $0xC800;
	v3 =	vadd.s32 v1, v3  }
0x7e: {  	[tilespmem:s6], [sflag:$0x2] =	stream.indirect_vreg.gather [hbm4b:s7+s1], $0x80, v4, vm0, $0xb8;
	[tilespmem:$0x18200] =	vst v63  }
0x7f: {  	s2 =	simm.s32 $0xD000  }
0x80: {  	[tilespmem:s2], [sflag:$0x2] =	stream.indirect_vreg.gather [hbm4b:s9+s1], $0x80, v4, vm0, $0xb8;
	[tilespmem:$0x18200] =	vst v63  }
0x81: {  	s5 =	simm.s32 $0xD800  }
0x82: {  	[tilespmem:s5], [sflag:$0x2] =	stream.indirect_vreg.gather [hbm4b:s3+s1], $0x80, v3, vm0, $0xb8;
	[tilespmem:$0x18200] =	vst v63  }
0x83: {  	s6 =	simm.s32 $0xE000  }
0x84: {  	[tilespmem:s6], [sflag:$0x2] =	stream.indirect_vreg.gather [hbm4b:s7+s1], $0x80, v3, vm0, $0xb8;
	[tilespmem:$0x18200] =	vst v63  }
0x85: {  	s2 =	simm.s32 $0xE800  }
0x86: {  	[tilespmem:s2], [sflag:$0x2] =	stream.indirect_vreg.gather [hbm4b:s9+s1], $0x80, v3, vm0, $0xb8;
	[tilespmem:$0x18200] =	vst v63  }
0x87: {  	v3 =	vld [tilespmem:$0x18090];
	_ =	sdelay $0x4  }
0x88: {  	v4 =	vshrl.u32 v3, $0x3  }
0x89: {  	v4 =	vmul.u32 $0x30, v4  }
0x8a: {  	v3 =	vand.u32 $0x7, v3  }
0x8b: {  	v3 =	vor.u32 v3, v4  }
0x8c: {  	v4 =	vperm.xlane v3, v0;
	_ =	sdelay $0x1  }
0x8d: {  	v4 =	vadd.s32 v1, v4;
	_ =	sdelay $0x3  }
0x8e: {  	s5 =	simm.s32 $0xF000;
	v3 =	vperm.xlane v3, v2  }
0x8f: {  	[tilespmem:s5], [sflag:$0x2] =	stream.indirect_vreg.gather [hbm4b:s3+s1], $0x80, v4, vm0, $0xb8;
	[tilespmem:$0x18200] =	vst v63  }
0x90: {  	s6 =	simm.s32 $0xF800;
	v3 =	vadd.s32 v1, v3  }
0x91: {  	[tilespmem:s6], [sflag:$0x2] =	stream.indirect_vreg.gather [hbm4b:s7+s1], $0x80, v4, vm0, $0xb8;
	[tilespmem:$0x18200] =	vst v63  }
0x92: {  	_ = 	snop  }
0x93: {  	[tilespmem:s18], [sflag:$0x2] =	stream.indirect_vreg.gather [hbm4b:s9+s1], $0x80, v4, vm0, $0xb8;
	[tilespmem:$0x18200] =	vst v63  }
0x94: {  	_ = 	snop  }
0x95: {  	[tilespmem:s19], [sflag:$0x2] =	stream.indirect_vreg.gather [hbm4b:s3+s1], $0x80, v3, vm0, $0xb8;
	[tilespmem:$0x18200] =	vst v63  }
0x96: {  	_ = 	snop  }
0x97: {  	[tilespmem:s8], [sflag:$0x2] =	stream.indirect_vreg.gather [hbm4b:s7+s1], $0x80, v3, vm0, $0xb8;
	[tilespmem:$0x18200] =	vst v63  }
0x98: {  	_ = 	snop  }
0x99: {  	[tilespmem:s20], [sflag:$0x2] =	stream.indirect_vreg.gather [hbm4b:s9+s1], $0x80, v3, vm0, $0xb8;
	[tilespmem:$0x18200] =	vst v63  }
0x9a: {  	v3 =	vld [tilespmem:$0x180A0];
	_ =	sdelay $0x4  }
0x9b: {  	v4 =	vshrl.u32 v3, $0x3  }
0x9c: {  	v4 =	vmul.u32 $0x30, v4  }
0x9d: {  	v3 =	vand.u32 $0x7, v3  }
0x9e: {  	v3 =	vor.u32 v3, v4  }
0x9f: {  	v4 =	vperm.xlane v3, v0;
	_ =	sdelay $0x1  }
0xa0: {  	v4 =	vadd.s32 v1, v4;
	_ =	sdelay $0x3  }
0xa1: {  	v3 =	vperm.xlane v3, v2  }
0xa2: {  	[tilespmem:s21], [sflag:$0x2] =	stream.indirect_vreg.gather [hbm4b:s3+s1], $0x80, v4, vm0, $0xb8;
	[tilespmem:$0x18200] =	vst v63  }
0xa3: {  	v3 =	vadd.s32 v1, v3  }
0xa4: {  	[tilespmem:s22], [sflag:$0x2] =	stream.indirect_vreg.gather [hbm4b:s7+s1], $0x80, v4, vm0, $0xb8;
	[tilespmem:$0x18200] =	vst v63  }
0xa5: {  	_ = 	snop  }
0xa6: {  	[tilespmem:s10], [sflag:$0x2] =	stream.indirect_vreg.gather [hbm4b:s9+s1], $0x80, v4, vm0, $0xb8;
	[tilespmem:$0x18200] =	vst v63  }
0xa7: {  	_ = 	snop  }
0xa8: {  	[tilespmem:s23], [sflag:$0x2] =	stream.indirect_vreg.gather [hbm4b:s3+s1], $0x80, v3, vm0, $0xb8;
	[tilespmem:$0x18200] =	vst v63  }
0xa9: {  	_ = 	snop  }
0xaa: {  	[tilespmem:s11], [sflag:$0x2] =	stream.indirect_vreg.gather [hbm4b:s7+s1], $0x80, v3, vm0, $0xb8;
	[tilespmem:$0x18200] =	vst v63  }
0xab: {  	_ = 	snop  }
0xac: {  	[tilespmem:s24], [sflag:$0x2] =	stream.indirect_vreg.gather [hbm4b:s9+s1], $0x80, v3, vm0, $0xb8;
	[tilespmem:$0x18200] =	vst v63  }
0xad: {  	v3 =	vld [tilespmem:$0x180B0];
	_ =	sdelay $0x4  }
0xae: {  	v4 =	vshrl.u32 v3, $0x3  }
0xaf: {  	v4 =	vmul.u32 $0x30, v4  }
0xb0: {  	v3 =	vand.u32 $0x7, v3  }
0xb1: {  	v3 =	vor.u32 v3, v4  }
0xb2: {  	v4 =	vperm.xlane v3, v0;
	_ =	sdelay $0x1  }
0xb3: {  	v4 =	vadd.s32 v1, v4;
	_ =	sdelay $0x3  }
0xb4: {  	v3 =	vperm.xlane v3, v2  }
0xb5: {  	[tilespmem:s12], [sflag:$0x2] =	stream.indirect_vreg.gather [hbm4b:s3+s1], $0x80, v4, vm0, $0xb8;
	[tilespmem:$0x18200] =	vst v63  }
0xb6: {  	v3 =	vadd.s32 v1, v3  }
0xb7: {  	[tilespmem:s25], [sflag:$0x2] =	stream.indirect_vreg.gather [hbm4b:s7+s1], $0x80, v4, vm0, $0xb8;
	[tilespmem:$0x18200] =	vst v63  }
0xb8: {  	_ = 	snop  }
0xb9: {  	[tilespmem:s13], [sflag:$0x2] =	stream.indirect_vreg.gather [hbm4b:s9+s1], $0x80, v4, vm0, $0xb8;
	[tilespmem:$0x18200] =	vst v63  }
0xba: {  	_ = 	snop  }
0xbb: {  	[tilespmem:s26], [sflag:$0x2] =	stream.indirect_vreg.gather [hbm4b:s3+s1], $0x80, v3, vm0, $0xb8;
	[tilespmem:$0x18200] =	vst v63  }
0xbc: {  	_ = 	snop  }
0xbd: {  	[tilespmem:s14], [sflag:$0x2] =	stream.indirect_vreg.gather [hbm4b:s7+s1], $0x80, v3, vm0, $0xb8;
	[tilespmem:$0x18200] =	vst v63  }
0xbe: {  	_ = 	snop  }
0xbf: {  	[tilespmem:s28], [sflag:$0x2] =	stream.indirect_vreg.gather [hbm4b:s9+s1], $0x80, v3, vm0, $0xb8;
	[tilespmem:$0x18200] =	vst v63  }
0xc0: {  	_ =	swait.ge [sflag:s29], $0xC000  }
0xc1: {  	[sflag:s29] =	ssyncset.done $0x0  }
0xc2: {  	s5 =	simm.s32 $0x0;
	[sflag:s29] =	ssyncadd.s32 $0xFFFF4000  }
0xc3: {  	s5 =	smul.u32 $0x1800, s5;
	_ =	swait.ge [sflag:s4], $0xC000  }
0xc4: {  	s6 =	sand.u32 $0x380, s1;
	[sflag:s4] =	ssyncset.done $0x0  }
0xc5: {  	s5 =	sor.u32 s6, s5;
	[sflag:s4] =	ssyncadd.s32 $0xFFFF4000  }
0xc6: {  	v4 =	vld [tilespmem:s5+$0x10]  }
0xc7: {  	v3 =	vld [tilespmem:s5+$0xC010]  }
0xc8: {  	v6 =	vld [tilespmem:s5+$0x20]  }
0xc9: {  	v5 =	vld [tilespmem:s5+$0xC020]  }
0xca: {  	v8 =	vld [tilespmem:s5+$0x30]  }
0xcb: {  	v7 =	vld [tilespmem:s5+$0xC030]  }
0xcc: {  	v10 =	vld [tilespmem:s5+$0x40]  }
0xcd: {  	v9 =	vld [tilespmem:s5+$0xC040]  }
0xce: {  	v12 =	vld [tilespmem:s5+$0x50]  }
0xcf: {  	v11 =	vld [tilespmem:s5+$0xC050]  }
0xd0: {  	v13 =	vld [tilespmem:s5+$0x60]  }
0xd1: {  	v14 =	vld [tilespmem:s5+$0x70]  }
0xd2: {  	v15 =	vld [tilespmem:s5+$0x400]  }
0xd3: {  	v16 =	vld [tilespmem:s5+$0x410]  }
0xd4: {  	v17 =	vld [tilespmem:s5+$0x420]  }
0xd5: {  	v18 =	vld [tilespmem:s5+$0x430]  }
0xd6: {  	v19 =	vld [tilespmem:s5+$0x440]  }
0xd7: {  	v20 =	vld [tilespmem:s5+$0x450]  }
0xd8: {  	v21 =	vld [tilespmem:s5+$0x460]  }
0xd9: {  	v22 =	vld [tilespmem:s5+$0x470]  }
0xda: {  	v23 =	vld [tilespmem:s5+$0x800]  }
0xdb: {  	v24 =	vld [tilespmem:s5+$0x810]  }
0xdc: {  	v25 =	vld [tilespmem:s5+$0x820]  }
0xdd: {  	v26 =	vld [tilespmem:s5+$0x830]  }
0xde: {  	v27 =	vld [tilespmem:s5+$0x840]  }
0xdf: {  	v28 =	vld [tilespmem:s5+$0x850]  }
0xe0: {  	v29 =	vld [tilespmem:s5+$0x860]  }
0xe1: {  	v30 =	vld [tilespmem:s5+$0x870]  }
0xe2: {  	v32 =	vld [tilespmem:s5+$0xC00]  }
0xe3: {  	v34 =	vld [tilespmem:s5+$0xC10]  }
0xe4: {  	v35 =	vld [tilespmem:s5+$0xC20]  }
0xe5: {  	v36 =	vld [tilespmem:s5+$0xC30]  }
0xe6: {  	v37 =	vld [tilespmem:s5+$0xC40]  }
0xe7: {  	v38 =	vld [tilespmem:s5+$0xC50]  }
0xe8: {  	v39 =	vld [tilespmem:s5+$0xC60]  }
0xe9: {  	v40 =	vld [tilespmem:s5+$0xC70]  }
0xea: {  	v41 =	vld [tilespmem:s5+$0x1000]  }
0xeb: {  	v42 =	vld [tilespmem:s5+$0x1010]  }
0xec: {  	v43 =	vld [tilespmem:s5+$0x1020]  }
0xed: {  	v44 =	vld [tilespmem:s5+$0x1030]  }
0xee: {  	v45 =	vld [tilespmem:s5+$0x1040]  }
0xef: {  	v46 =	vld [tilespmem:s5+$0x1050]  }
0xf0: {  	v47 =	vld [tilespmem:s5+$0x1060]  }
0xf1: {  	v50 =	vmov s1;
	v48 =	vld [tilespmem:s5+$0x1400]  }
0xf2: {  	s31 =	simm.s32 $0x0;
	s6 =	simm.s32 $0x1;
	v49 =	vld [tilespmem:s5+$0x1410]  }
.LBB2_2:
0xf3: {  	p0 =	sne.s32 s6, $0x3F;
	v51 =	vld [tilespmem:s5+$0xD410]  }
0xf4: {  	v52 =	vld [tilespmem:s5+$0xD430]  }
0xf5: {  	v53 =	vld [tilespmem:s5+$0x1420]  }
0xf6: {  	v33 =	vld.idx.msk [tilespmem:v50+s15+$0x0], $0xffff  }
0xf7: {  	v31 =	vld.idx.msk [tilespmem:v50+s17+$0x0], $0xffff  }
0xf8: {  	v50 =	vld [tilespmem:s5+$0x1430]  }
0xf9: {  	v54 =	vld [tilespmem:s5+$0xD420]  }
0xfa: {  	v55 =	vld [tilespmem:s5+$0xD400]  }
0xfb: {  	v56 =	vld [tilespmem:s5+$0x1070]  }
0xfc: {  	v49 =	vmul.f32 v49, v33;
	v53 =	vmul.f32 v53, v33;
	v57 =	vld [tilespmem:s5+$0xD070]  }
0xfd: {  	v52 =	vmul.f32 v52, v31;
	v58 =	vld [tilespmem:s5+$0xD060];
	v50 =	vmul.f32 v50, v33  }
0xfe: {  	v51 =	vmul.f32 v51, v31;
	v59 =	vld [tilespmem:s5+$0xD050];
	v54 =	vmul.f32 v54, v31  }
0xff: {  	v48 =	vmul.f32 v48, v33;
	v60 =	vld [tilespmem:s5+$0xD040];
	v55 =	vmul.f32 v55, v31;
	v50 =	vadd.f32 v52, v50  }
0x100: {  	v49 =	vadd.f32 v51, v49;
	v52 =	vld [tilespmem:s5+$0xD030];
	v56 =	vmul.f32 v56, v33;
	v51 =	vadd.f32 v54, v53  }
0x101: {  	v47 =	vmul.f32 v47, v33;
	v53 =	vld [tilespmem:s5+$0xD020];
	v54 =	vmul.f32 v57, v31;
	v48 =	vadd.f32 v55, v48;
	[tilespmem:s5+$0x1430] =	vst v50  }
0x102: {  	v46 =	vmul.f32 v46, v33;
	v50 =	vld [tilespmem:s5+$0xD010];
	v55 =	vmul.f32 v58, v31;
	[tilespmem:s5+$0x1420] =	vst v51  }
0x103: {  	v45 =	vmul.f32 v45, v33;
	v51 =	vld [tilespmem:s5+$0xD000];
	v57 =	vmul.f32 v59, v31;
	v54 =	vadd.f32 v54, v56;
	[tilespmem:s5+$0x1410] =	vst v49  }
0x104: {  	v44 =	vmul.f32 v44, v33;
	v49 =	vld [tilespmem:s5+$0xCC70];
	v56 =	vmul.f32 v60, v31;
	v47 =	vadd.f32 v55, v47;
	[tilespmem:s5+$0x1400] =	vst v48  }
0x105: {  	v43 =	vmul.f32 v43, v33;
	v48 =	vld [tilespmem:s5+$0xCC60];
	v52 =	vmul.f32 v52, v31;
	v46 =	vadd.f32 v57, v46;
	[tilespmem:s5+$0x1070] =	vst v54  }
0x106: {  	v42 =	vmul.f32 v42, v33;
	v54 =	vld [tilespmem:s5+$0xCC50];
	v53 =	vmul.f32 v53, v31;
	v45 =	vadd.f32 v56, v45;
	[tilespmem:s5+$0x1060] =	vst v47  }
0x107: {  	v41 =	vmul.f32 v41, v33;
	v47 =	vld [tilespmem:s5+$0xCC40];
	v50 =	vmul.f32 v50, v31;
	v44 =	vadd.f32 v52, v44;
	[tilespmem:s5+$0x1050] =	vst v46  }
0x108: {  	v40 =	vmul.f32 v40, v33;
	v46 =	vld [tilespmem:s5+$0xCC30];
	v51 =	vmul.f32 v51, v31;
	v43 =	vadd.f32 v53, v43;
	[tilespmem:s5+$0x1040] =	vst v45  }
0x109: {  	v39 =	vmul.f32 v39, v33;
	v45 =	vld [tilespmem:s5+$0xCC20];
	v49 =	vmul.f32 v49, v31;
	v42 =	vadd.f32 v50, v42;
	[tilespmem:s5+$0x1030] =	vst v44  }
0x10a: {  	v38 =	vmul.f32 v38, v33;
	v44 =	vld [tilespmem:s5+$0xCC10];
	v48 =	vmul.f32 v48, v31;
	v41 =	vadd.f32 v51, v41;
	[tilespmem:s5+$0x1020] =	vst v43  }
0x10b: {  	v37 =	vmul.f32 v37, v33;
	v43 =	vld [tilespmem:s5+$0xCC00];
	v50 =	vmul.f32 v54, v31;
	v40 =	vadd.f32 v49, v40;
	[tilespmem:s5+$0x1010] =	vst v42  }
0x10c: {  	v36 =	vmul.f32 v36, v33;
	v42 =	vld [tilespmem:s5+$0xC870];
	v47 =	vmul.f32 v47, v31;
	v39 =	vadd.f32 v48, v39;
	[tilespmem:s5+$0x1000] =	vst v41  }
0x10d: {  	v35 =	vmul.f32 v35, v33;
	v41 =	vld [tilespmem:s5+$0xC860];
	v46 =	vmul.f32 v46, v31;
	v38 =	vadd.f32 v50, v38;
	[tilespmem:s5+$0xC70] =	vst v40  }
0x10e: {  	v34 =	vmul.f32 v34, v33;
	v40 =	vld [tilespmem:s5+$0xC850];
	v45 =	vmul.f32 v45, v31;
	v37 =	vadd.f32 v47, v37;
	[tilespmem:s5+$0xC60] =	vst v39  }
0x10f: {  	v32 =	vmul.f32 v32, v33;
	v39 =	vld [tilespmem:s5+$0xC840];
	v44 =	vmul.f32 v44, v31;
	v36 =	vadd.f32 v46, v36;
	[tilespmem:s5+$0xC50] =	vst v38  }
0x110: {  	v30 =	vmul.f32 v30, v33;
	v38 =	vld [tilespmem:s5+$0xC830];
	v43 =	vmul.f32 v43, v31;
	v35 =	vadd.f32 v45, v35;
	[tilespmem:s5+$0xC40] =	vst v37  }
0x111: {  	v29 =	vmul.f32 v29, v33;
	v37 =	vld [tilespmem:s5+$0xC820];
	v42 =	vmul.f32 v42, v31;
	v34 =	vadd.f32 v44, v34;
	[tilespmem:s5+$0xC30] =	vst v36  }
0x112: {  	v28 =	vmul.f32 v28, v33;
	v36 =	vld [tilespmem:s5+$0xC810];
	v41 =	vmul.f32 v41, v31;
	v32 =	vadd.f32 v43, v32;
	[tilespmem:s5+$0xC20] =	vst v35  }
0x113: {  	v27 =	vmul.f32 v27, v33;
	v35 =	vld [tilespmem:s5+$0xC800];
	v40 =	vmul.f32 v40, v31;
	v30 =	vadd.f32 v42, v30;
	[tilespmem:s5+$0xC10] =	vst v34  }
0x114: {  	v26 =	vmul.f32 v26, v33;
	v34 =	vld [tilespmem:s5+$0xC470];
	v39 =	vmul.f32 v39, v31;
	v29 =	vadd.f32 v41, v29;
	[tilespmem:s5+$0xC00] =	vst v32  }
0x115: {  	v25 =	vmul.f32 v25, v33;
	v32 =	vld [tilespmem:s5+$0xC460];
	v38 =	vmul.f32 v38, v31;
	v28 =	vadd.f32 v40, v28;
	[tilespmem:s5+$0x870] =	vst v30  }
0x116: {  	v24 =	vmul.f32 v24, v33;
	v30 =	vld [tilespmem:s5+$0xC450];
	v37 =	vmul.f32 v37, v31;
	v27 =	vadd.f32 v39, v27;
	[tilespmem:s5+$0x860] =	vst v29  }
0x117: {  	v23 =	vmul.f32 v23, v33;
	v29 =	vld [tilespmem:s5+$0xC440];
	v36 =	vmul.f32 v36, v31;
	v26 =	vadd.f32 v38, v26;
	[tilespmem:s5+$0x850] =	vst v28  }
0x118: {  	v22 =	vmul.f32 v22, v33;
	v28 =	vld [tilespmem:s5+$0xC430];
	v35 =	vmul.f32 v35, v31;
	v25 =	vadd.f32 v37, v25;
	[tilespmem:s5+$0x840] =	vst v27  }
0x119: {  	v21 =	vmul.f32 v21, v33;
	v27 =	vld [tilespmem:s5+$0xC420];
	v34 =	vmul.f32 v34, v31;
	v24 =	vadd.f32 v36, v24;
	[tilespmem:s5+$0x830] =	vst v26  }
0x11a: {  	v20 =	vmul.f32 v20, v33;
	v26 =	vld [tilespmem:s5+$0xC410];
	v32 =	vmul.f32 v32, v31;
	v23 =	vadd.f32 v35, v23;
	[tilespmem:s5+$0x820] =	vst v25  }
0x11b: {  	v19 =	vmul.f32 v19, v33;
	v25 =	vld [tilespmem:s5+$0xC400];
	v30 =	vmul.f32 v30, v31;
	v22 =	vadd.f32 v34, v22;
	[tilespmem:s5+$0x810] =	vst v24  }
0x11c: {  	v18 =	vmul.f32 v18, v33;
	v24 =	vld [tilespmem:s5+$0xC070];
	v29 =	vmul.f32 v29, v31;
	v21 =	vadd.f32 v32, v21;
	[tilespmem:s5+$0x800] =	vst v23  }
0x11d: {  	v17 =	vmul.f32 v17, v33;
	v23 =	vld [tilespmem:s5+$0xC060];
	v28 =	vmul.f32 v28, v31;
	v20 =	vadd.f32 v30, v20;
	[tilespmem:s5+$0x470] =	vst v22  }
0x11e: {  	v16 =	vmul.f32 v16, v33;
	v22 =	vmul.f32 v27, v31;
	v19 =	vadd.f32 v29, v19;
	[tilespmem:s5+$0x460] =	vst v21;
	v21 =	vld [tilespmem:s5+$0xD440]  }
0x11f: {  	v15 =	vmul.f32 v15, v33;
	v26 =	vmul.f32 v26, v31;
	v18 =	vadd.f32 v28, v18;
	[tilespmem:s5+$0x450] =	vst v20;
	v20 =	vld [tilespmem:s5+$0xD450]  }
0x120: {  	v14 =	vmul.f32 v14, v33;
	v25 =	vmul.f32 v25, v31;
	v17 =	vadd.f32 v22, v17;
	[tilespmem:s5+$0x440] =	vst v19;
	v19 =	vld [tilespmem:s5+$0xD460]  }
0x121: {  	v13 =	vmul.f32 v13, v33;
	v22 =	vmul.f32 v24, v31;
	v16 =	vadd.f32 v26, v16;
	[tilespmem:s5+$0x430] =	vst v18;
	v18 =	vld [tilespmem:s5+$0xD470]  }
0x122: {  	v12 =	vmul.f32 v12, v33;
	v23 =	vmul.f32 v23, v31;
	v15 =	vadd.f32 v25, v15;
	[tilespmem:s5+$0x420] =	vst v17;
	v17 =	vld [tilespmem:s5+$0x1440]  }
0x123: {  	v10 =	vmul.f32 v10, v33;
	v11 =	vmul.f32 v11, v31;
	v14 =	vadd.f32 v22, v14;
	[tilespmem:s5+$0x410] =	vst v16;
	v16 =	vld [tilespmem:s5+$0x1450]  }
0x124: {  	v8 =	vmul.f32 v8, v33;
	v9 =	vmul.f32 v9, v31;
	v13 =	vadd.f32 v23, v13;
	[tilespmem:s5+$0x400] =	vst v15;
	v15 =	vld [tilespmem:s5+$0x1460]  }
0x125: {  	v6 =	vmul.f32 v6, v33;
	v7 =	vmul.f32 v7, v31;
	v11 =	vadd.f32 v11, v12;
	[tilespmem:s5+$0x70] =	vst v14;
	v12 =	vld [tilespmem:s5+$0x1470]  }
0x126: {  	v4 =	vmul.f32 v4, v33;
	v5 =	vmul.f32 v5, v31;
	v9 =	vadd.f32 v9, v10;
	v14 =	vld [tilespmem:s5+$0x0];
	[tilespmem:s5+$0x60] =	vst v13  }
0x127: {  	v3 =	vmul.f32 v3, v31;
	v7 =	vadd.f32 v7, v8;
	v10 =	vld [tilespmem:s5+$0xC000];
	[tilespmem:s5+$0x50] =	vst v11;
	v8 =	vmul.f32 v17, v33  }
0x128: {  	s0 =	sshrl.u32 s6, $0x3;
	v5 =	vadd.f32 v5, v6;
	v6 =	vmul.f32 v21, v31;
	[tilespmem:s5+$0x40] =	vst v9;
	v9 =	vmul.f32 v16, v33  }
0x129: {  	s31 =	sadd.s32 $0x80, s31;
	s0 =	smul.u32 $0x1800, s0;
	v3 =	vadd.f32 v3, v4;
	v4 =	vmul.f32 v20, v31;
	[tilespmem:s5+$0x30] =	vst v7;
	v7 =	vmul.f32 v15, v33  }
0x12a: {  	s2 =	sand.u32 $0x380, s31;
	[tilespmem:s5+$0x20] =	vst v5;
	v5 =	vadd.f32 v6, v8;
	v6 =	vmul.f32 v19, v31;
	v8 =	vmul.f32 v12, v33  }
0x12b: {  	s0 =	sor.u32 s2, s0;
	v9 =	vadd.f32 v4, v9;
	v12 =	vmul.f32 v18, v31;
	v11 =	vmul.f32 v14, v33;
	[tilespmem:s5+$0x10] =	vst v3  }
0x12c: {  	v4 =	vld [tilespmem:s0+$0x10];
	v10 =	vmul.f32 v10, v31;
	[tilespmem:s5+$0x1440] =	vst v5;
	v5 =	vadd.f32 v6, v7  }
0x12d: {  	v7 =	vadd.f32 v12, v8;
	v3 =	vld [tilespmem:s0+$0xC010];
	[tilespmem:s5+$0x1450] =	vst v9  }
0x12e: {  	v6 =	vld [tilespmem:s0+$0x20];
	v9 =	vadd.f32 v10, v11;
	[tilespmem:s5+$0x1460] =	vst v5  }
0x12f: {  	v5 =	vld [tilespmem:s0+$0xC020];
	[tilespmem:s5+$0x1470] =	vst v7  }
0x130: {  	v8 =	vld [tilespmem:s0+$0x30];
	[tilespmem:s5+$0x0] =	vst v9;
	s5 =	smov.u32 s0  }
0x131: {  	v7 =	vld [tilespmem:s5+$0xC030]  }
0x132: {  	v10 =	vld [tilespmem:s5+$0x40]  }
0x133: {  	v9 =	vld [tilespmem:s5+$0xC040]  }
0x134: {  	v12 =	vld [tilespmem:s5+$0x50]  }
0x135: {  	v11 =	vld [tilespmem:s5+$0xC050]  }
0x136: {  	v13 =	vld [tilespmem:s5+$0x60]  }
0x137: {  	v14 =	vld [tilespmem:s5+$0x70]  }
0x138: {  	v15 =	vld [tilespmem:s5+$0x400]  }
0x139: {  	v16 =	vld [tilespmem:s5+$0x410]  }
0x13a: {  	v17 =	vld [tilespmem:s5+$0x420]  }
0x13b: {  	v18 =	vld [tilespmem:s5+$0x430]  }
0x13c: {  	v19 =	vld [tilespmem:s5+$0x440]  }
0x13d: {  	v20 =	vld [tilespmem:s5+$0x450]  }
0x13e: {  	v21 =	vld [tilespmem:s5+$0x460]  }
0x13f: {  	v22 =	vld [tilespmem:s5+$0x470]  }
0x140: {  	v23 =	vld [tilespmem:s5+$0x800]  }
0x141: {  	v24 =	vld [tilespmem:s5+$0x810]  }
0x142: {  	v25 =	vld [tilespmem:s5+$0x820]  }
0x143: {  	v26 =	vld [tilespmem:s5+$0x830]  }
0x144: {  	v27 =	vld [tilespmem:s5+$0x840]  }
0x145: {  	v28 =	vld [tilespmem:s5+$0x850]  }
0x146: {  	v29 =	vld [tilespmem:s5+$0x860]  }
0x147: {  	v30 =	vld [tilespmem:s5+$0x870]  }
0x148: {  	v32 =	vld [tilespmem:s5+$0xC00]  }
0x149: {  	v34 =	vld [tilespmem:s5+$0xC10]  }
0x14a: {  	v35 =	vld [tilespmem:s5+$0xC20]  }
0x14b: {  	v36 =	vld [tilespmem:s5+$0xC30]  }
0x14c: {  	v37 =	vld [tilespmem:s5+$0xC40]  }
0x14d: {  	v38 =	vld [tilespmem:s5+$0xC50]  }
0x14e: {  	v39 =	vld [tilespmem:s5+$0xC60]  }
0x14f: {  	v40 =	vld [tilespmem:s5+$0xC70]  }
0x150: {  	v41 =	vld [tilespmem:s5+$0x1000]  }
0x151: {  	v42 =	vld [tilespmem:s5+$0x1010]  }
0x152: {  	v43 =	vld [tilespmem:s5+$0x1020]  }
0x153: {  	v44 =	vld [tilespmem:s5+$0x1030]  }
.Ltmp0:
0x154: {  	v45 =	vld [tilespmem:s5+$0x1040];
	(pc) =	sbr.rel @p0 .LBB2_2-.Ltmp0, $4  }
0x155: {  	v46 =	vld [tilespmem:s5+$0x1050]  }
0x156: {  	v47 =	vld [tilespmem:s5+$0x1060]  }
0x157: {  	v50 =	vmov s6;
	v48 =	vld [tilespmem:s5+$0x1400]  }
0x158: {  	s6 =	sadd.s32 $0x1, s6;
	v49 =	vld [tilespmem:s5+$0x1410]  }
0x159: {  	_ = 	snop  }
0x15a: {  	v51 =	vld [tilespmem:s5+$0xD410]  }
0x15b: {  	v52 =	vld [tilespmem:s5+$0xD430]  }
0x15c: {  	v53 =	vld [tilespmem:s5+$0x1420]  }
0x15d: {  	v31 =	vld.idx.msk [tilespmem:v50+s15+$0x0], $0xffff  }
0x15e: {  	v61 =	vld [tilespmem:s5+$0x1430]  }
0x15f: {  	v33 =	vld.idx.msk [tilespmem:v50+s17+$0x0], $0xffff  }
0x160: {  	v54 =	vld [tilespmem:s5+$0xD420]  }
0x161: {  	v55 =	vld [tilespmem:s5+$0xD400]  }
0x162: {  	v56 =	vld [tilespmem:s5+$0x1070]  }
0x163: {  	v57 =	vld [tilespmem:s5+$0xD070];
	v50 =	vmul.f32 v61, v31  }
0x164: {  	v58 =	vld [tilespmem:s5+$0xD060];
	v52 =	vmul.f32 v52, v33;
	v53 =	vmul.f32 v53, v31  }
0x165: {  	v54 =	vmul.f32 v54, v33;
	v49 =	vmul.f32 v49, v31  }
0x166: {  	v51 =	vmul.f32 v51, v33;
	v48 =	vmul.f32 v48, v31  }
0x167: {  	v59 =	vld [tilespmem:s5+$0xD050];
	v62 =	vmul.f32 v55, v33;
	v63 =	vmul.f32 v56, v31  }
0x168: {  	v60 =	vld [tilespmem:s5+$0xD040];
	v57 =	vmul.f32 v57, v33;
	v47 =	vmul.f32 v47, v31;
	v50 =	vadd.f32 v52, v50  }
0x169: {  	v61 =	vld [tilespmem:s5+$0xD020];
	v58 =	vmul.f32 v58, v33;
	v46 =	vmul.f32 v46, v31;
	v53 =	vadd.f32 v54, v53  }
0x16a: {  	v45 =	vmul.f32 v45, v31;
	v44 =	vmul.f32 v44, v31;
	v52 =	vld [tilespmem:s5+$0xD030];
	v49 =	vadd.f32 v51, v49;
	[tilespmem:s5+$0x1430] =	vst v50  }
0x16b: {  	v12 =	vmul.f32 v12, v31;
	v11 =	vmul.f32 v11, v33;
	v51 =	vld [tilespmem:s5+$0xD000];
	v48 =	vadd.f32 v62, v48;
	[tilespmem:s5+$0x1420] =	vst v53  }
0x16c: {  	v43 =	vmul.f32 v43, v31;
	v42 =	vmul.f32 v42, v31;
	v47 =	vadd.f32 v58, v47;
	v58 =	vld [tilespmem:s5+$0xCC30];
	[tilespmem:s5+$0x1410] =	vst v49  }
0x16d: {  	v41 =	vmul.f32 v41, v31;
	v62 =	vmul.f32 v59, v33;
	v11 =	vadd.f32 v11, v12;
	v50 =	vld [tilespmem:s5+$0xD010];
	[tilespmem:s5+$0x1400] =	vst v48  }
0x16e: {  	v40 =	vmul.f32 v40, v31;
	v49 =	vld [tilespmem:s5+$0xCC70];
	v53 =	vadd.f32 v57, v63;
	v63 =	vmul.f32 v60, v33;
	[tilespmem:s5+$0x1060] =	vst v47  }
0x16f: {  	v39 =	vmul.f32 v39, v31;
	v48 =	vld [tilespmem:s5+$0xCC60];
	v46 =	vadd.f32 v62, v46;
	[tilespmem:s5+$0x50] =	vst v11;
	v52 =	vmul.f32 v52, v33  }
0x170: {  	v38 =	vmul.f32 v38, v31;
	v57 =	vld [tilespmem:s5+$0xCC40];
	[tilespmem:s5+$0x1070] =	vst v53;
	v45 =	vadd.f32 v63, v45;
	v51 =	vmul.f32 v51, v33  }
0x171: {  	v36 =	vmul.f32 v36, v31;
	v60 =	vld [tilespmem:s5+$0xCC20];
	[tilespmem:s5+$0x1050] =	vst v46;
	v46 =	vmul.f32 v58, v33;
	v44 =	vadd.f32 v52, v44  }
0x172: {  	v37 =	vmul.f32 v37, v31;
	v53 =	vld [tilespmem:s5+$0xCC50];
	[tilespmem:s5+$0x1040] =	vst v45;
	v50 =	vmul.f32 v50, v33;
	v41 =	vadd.f32 v51, v41  }
0x173: {  	v59 =	vmul.f32 v61, v33;
	v61 =	vld [tilespmem:s5+$0xCC10];
	v49 =	vmul.f32 v49, v33;
	v36 =	vadd.f32 v46, v36;
	[tilespmem:s5+$0x1030] =	vst v44  }
0x174: {  	v35 =	vmul.f32 v35, v31;
	v58 =	vld [tilespmem:s5+$0xC810];
	v48 =	vmul.f32 v48, v33;
	v42 =	vadd.f32 v50, v42;
	[tilespmem:s5+$0x1000] =	vst v41  }
0x175: {  	v34 =	vmul.f32 v34, v31;
	v63 =	vld [tilespmem:s5+$0xC870];
	v47 =	vmul.f32 v57, v33;
	v40 =	vadd.f32 v49, v40;
	[tilespmem:s5+$0xC30] =	vst v36  }
0x176: {  	v30 =	vmul.f32 v30, v31;
	v54 =	vld [tilespmem:s5+$0xC850];
	v45 =	vmul.f32 v60, v33;
	v39 =	vadd.f32 v48, v39;
	[tilespmem:s5+$0x1010] =	vst v42  }
0x177: {  	v29 =	vmul.f32 v29, v31;
	v52 =	vld [tilespmem:s5+$0xC860];
	v53 =	vmul.f32 v53, v33;
	v37 =	vadd.f32 v47, v37;
	[tilespmem:s5+$0xC70] =	vst v40  }
0x178: {  	v55 =	vld [tilespmem:s5+$0xC840];
	v24 =	vmul.f32 v24, v31;
	v44 =	vmul.f32 v61, v33;
	v35 =	vadd.f32 v45, v35;
	[tilespmem:s5+$0xC60] =	vst v39  }
0x179: {  	v43 =	vadd.f32 v59, v43;
	v59 =	vld [tilespmem:s5+$0xC800];
	v36 =	vmul.f32 v58, v33;
	v38 =	vadd.f32 v53, v38;
	[tilespmem:s5+$0xC40] =	vst v37  }
0x17a: {  	v28 =	vmul.f32 v28, v31;
	v57 =	vld [tilespmem:s5+$0xC820];
	v34 =	vadd.f32 v44, v34;
	[tilespmem:s5+$0xC20] =	vst v35;
	v42 =	vmul.f32 v63, v33  }
0x17b: {  	v56 =	vld [tilespmem:s5+$0xC830];
	v27 =	vmul.f32 v27, v31;
	v40 =	vmul.f32 v54, v33;
	v24 =	vadd.f32 v36, v24;
	[tilespmem:s5+$0xC50] =	vst v38  }
0x17c: {  	v26 =	vmul.f32 v26, v31;
	v60 =	vld [tilespmem:s5+$0xC470];
	v41 =	vmul.f32 v52, v33;
	[tilespmem:s5+$0xC10] =	vst v34;
	v30 =	vadd.f32 v42, v30  }
0x17d: {  	v25 =	vmul.f32 v25, v31;
	v62 =	vld [tilespmem:s5+$0xCC00];
	v39 =	vmul.f32 v55, v33;
	v28 =	vadd.f32 v40, v28;
	[tilespmem:s5+$0x810] =	vst v24  }
0x17e: {  	v23 =	vmul.f32 v23, v31;
	v61 =	vld [tilespmem:s5+$0xC460];
	v35 =	vmul.f32 v59, v33;
	v29 =	vadd.f32 v41, v29;
	[tilespmem:s5+$0x870] =	vst v30  }
0x17f: {  	v22 =	vmul.f32 v22, v31;
	v37 =	vmul.f32 v57, v33;
	v27 =	vadd.f32 v39, v27;
	v30 =	vld [tilespmem:s5+$0xC450];
	[tilespmem:s5+$0x850] =	vst v28  }
0x180: {  	v10 =	vmul.f32 v10, v31;
	v38 =	vmul.f32 v56, v33;
	v23 =	vadd.f32 v35, v23;
	[tilespmem:s5+$0x860] =	vst v29;
	v29 =	vld [tilespmem:s5+$0xC440]  }
0x181: {  	v9 =	vmul.f32 v9, v33;
	v34 =	vmul.f32 v60, v33;
	v25 =	vadd.f32 v37, v25;
	v28 =	vld [tilespmem:s5+$0xC430];
	[tilespmem:s5+$0x840] =	vst v27  }
0x182: {  	v21 =	vmul.f32 v21, v31;
	v20 =	vmul.f32 v20, v31;
	v26 =	vadd.f32 v38, v26;
	v27 =	vld [tilespmem:s5+$0xC420];
	[tilespmem:s5+$0x800] =	vst v23  }
0x183: {  	v9 =	vadd.f32 v9, v10;
	v10 =	vld [tilespmem:s5+$0xC000];
	v24 =	vmul.f32 v61, v33;
	v22 =	vadd.f32 v34, v22;
	[tilespmem:s5+$0x820] =	vst v25  }
0x184: {  	v19 =	vmul.f32 v19, v31;
	[tilespmem:s5+$0x830] =	vst v26;
	v26 =	vld [tilespmem:s5+$0xC410];
	v23 =	vmul.f32 v30, v33  }
0x185: {  	v18 =	vmul.f32 v18, v31;
	v25 =	vld [tilespmem:s5+$0xC400];
	v21 =	vadd.f32 v24, v21;
	[tilespmem:s5+$0x470] =	vst v22;
	v22 =	vmul.f32 v29, v33  }
0x186: {  	[tilespmem:s5+$0x1020] =	vst v43;
	v43 =	vmul.f32 v62, v33;
	v62 =	vld [tilespmem:s5+$0xC070];
	v20 =	vadd.f32 v23, v20;
	v23 =	vmul.f32 v28, v33  }
0x187: {  	v17 =	vmul.f32 v17, v31;
	v24 =	vld [tilespmem:s5+$0xC060];
	[tilespmem:s5+$0x460] =	vst v21;
	v19 =	vadd.f32 v22, v19;
	v22 =	vmul.f32 v27, v33  }
0x188: {  	v21 =	vld [tilespmem:s5+$0xD440];
	[tilespmem:s5+$0x450] =	vst v20;
	v18 =	vadd.f32 v23, v18  }
0x189: {  	v16 =	vmul.f32 v16, v31;
	v20 =	vld [tilespmem:s5+$0xD450];
	v23 =	vmul.f32 v26, v33;
	[tilespmem:s5+$0x440] =	vst v19;
	v17 =	vadd.f32 v22, v17  }
0x18a: {  	v15 =	vmul.f32 v15, v31;
	v19 =	vld [tilespmem:s5+$0xD460];
	[tilespmem:s5+$0x430] =	vst v18;
	v18 =	vmul.f32 v25, v33  }
0x18b: {  	v14 =	vmul.f32 v14, v31;
	v22 =	vld [tilespmem:s5+$0xD470];
	v16 =	vadd.f32 v23, v16;
	[tilespmem:s5+$0x420] =	vst v17;
	v17 =	vmul.f32 v62, v33  }
0x18c: {  	v8 =	vmul.f32 v8, v31;
	v7 =	vmul.f32 v7, v33;
	[tilespmem:s5+$0x40] =	vst v9;
	v15 =	vadd.f32 v18, v15;
	v18 =	vld [tilespmem:s5+$0x1440]  }
0x18d: {  	v6 =	vmul.f32 v6, v31;
	v5 =	vmul.f32 v5, v33;
	[tilespmem:s5+$0x410] =	vst v16;
	v16 =	vld [tilespmem:s5+$0x1450];
	v14 =	vadd.f32 v17, v14  }
0x18e: {  	v4 =	vmul.f32 v4, v31;
	v3 =	vmul.f32 v3, v33;
	v7 =	vadd.f32 v7, v8;
	[tilespmem:s5+$0x400] =	vst v15;
	v15 =	vld [tilespmem:s5+$0x1460]  }
0x18f: {  	v32 =	vmul.f32 v32, v31;
	v5 =	vadd.f32 v5, v6;
	[tilespmem:s5+$0x70] =	vst v14;
	v14 =	vld [tilespmem:s5+$0x1470]  }
0x190: {  	v13 =	vmul.f32 v13, v31;
	v12 =	vld [tilespmem:s5+$0x0];
	v3 =	vadd.f32 v3, v4;
	[tilespmem:s5+$0x30] =	vst v7;
	v23 =	vmul.f32 v24, v33  }
0x191: {  	[tilespmem:s5+$0x20] =	vst v5;
	v32 =	vadd.f32 v43, v32;
	v6 =	vmul.f32 v21, v33;
	v8 =	vmul.f32 v18, v31  }
0x192: {  	[tilespmem:s5+$0x10] =	vst v3;
	v13 =	vadd.f32 v23, v13;
	v4 =	vmul.f32 v20, v33;
	v9 =	vmul.f32 v16, v31  }
0x193: {  	[tilespmem:s5+$0xC00] =	vst v32;
	v7 =	vmul.f32 v15, v31;
	v5 =	vadd.f32 v6, v8;
	v6 =	vmul.f32 v19, v33  }
0x194: {  	[tilespmem:s5+$0x60] =	vst v13;
	v3 =	vadd.f32 v4, v9;
	v4 =	vmul.f32 v22, v33;
	v8 =	vmul.f32 v14, v31  }
0x195: {  	v10 =	vmul.f32 v10, v33;
	v9 =	vmul.f32 v12, v31;
	[tilespmem:s5+$0x1440] =	vst v5;
	v5 =	vadd.f32 v6, v7  }
0x196: {  	[tilespmem:s5+$0x1450] =	vst v3;
	v3 =	vadd.f32 v4, v8  }
0x197: {  	v4 =	vadd.f32 v10, v9;
	[tilespmem:s5+$0x1460] =	vst v5  }
0x198: {  	[tilespmem:s5+$0x1470] =	vst v3  }
0x199: {  	s31 =	simm.s32 $0x0;
	s0 =	rddreg [dreg:$0x7];
	[tilespmem:s5+$0x0] =	vst v4  }
0x19a: {  	[hbm4b:s0+s31] =	stream.linear.scatter [tilespmem:s31], [sflag:$0x3], $0xC000, $0x38;
	[tilespmem:$0x18200] =	vst v63  }
0x19b: {  	_ =	swait.ge [sflag:s16], $0xC000  }
0x19c: {  	[sflag:s16] =	ssyncset.done $0x0  }
0x19d: {  	s2 =	simm.s32 $0x18000;
	s6 =	rddreg [dreg:$0x8];
	[sflag:s16] =	ssyncadd.s32 $0xFFFF4000  }
0x19e: {  	[tilespmem:s2], [sflag:$0x3] =	stream.linear.gather [hbm4b:s6+s31], $0x40, $0x38;
	[tilespmem:$0x18200] =	vst v63  }
0x19f: {  	_ =	swait.ge [sflag:s16], $0x40  }
0x1a0: {  	[sflag:s16] =	ssyncset.done $0x0  }
0x1a1: {  	s6 =	simm.s32 $0x18080;
	s5 =	rddreg [dreg:$0x9];
	[sflag:s16] =	ssyncadd.s32 $0xFFFFFFC0  }
0x1a2: {  	[tilespmem:s6], [sflag:$0x3] =	stream.linear.gather [hbm4b:s5+s31], $0x40, $0x38;
	[tilespmem:$0x18200] =	vst v63  }
0x1a3: {  	_ =	swait.ge [sflag:s16], $0x40  }
0x1a4: {  	[sflag:s16] =	ssyncset.done $0x0  }
0x1a5: {  	[sflag:s16] =	ssyncadd.s32 $0xFFFFFFC0  }
0x1a6: {  	v3 =	vld [tilespmem:$0x18000];
	_ =	sdelay $0x4  }
0x1a7: {  	v4 =	vshrl.u32 v3, $0x3  }
0x1a8: {  	v4 =	vmul.u32 $0x30, v4  }
0x1a9: {  	v3 =	vand.u32 $0x7, v3  }
0x1aa: {  	v3 =	vor.u32 v3, v4  }
0x1ab: {  	v4 =	vperm.xlane v3, v0;
	_ =	sdelay $0x1  }
0x1ac: {  	v4 =	vadd.s32 v1, v4;
	_ =	sdelay $0x3  }
0x1ad: {  	v3 =	vperm.xlane v3, v2  }
0x1ae: {  	[tilespmem:s31], [sflag:$0x1] =	stream.indirect_vreg.gather [hbm4b:s3+s31], $0x80, v4, vm0, $0xb8;
	[tilespmem:$0x18200] =	vst v63  }
0x1af: {  	s2 =	simm.s32 $0x800;
	v3 =	vadd.s32 v1, v3  }
0x1b0: {  	[tilespmem:s2], [sflag:$0x1] =	stream.indirect_vreg.gather [hbm4b:s7+s31], $0x80, v4, vm0, $0xb8;
	[tilespmem:$0x18200] =	vst v63  }
0x1b1: {  	s5 =	simm.s32 $0x1000  }
0x1b2: {  	[tilespmem:s5], [sflag:$0x1] =	stream.indirect_vreg.gather [hbm4b:s9+s31], $0x80, v4, vm0, $0xb8;
	[tilespmem:$0x18200] =	vst v63  }
0x1b3: {  	s6 =	simm.s32 $0x1800  }
0x1b4: {  	[tilespmem:s6], [sflag:$0x1] =	stream.indirect_vreg.gather [hbm4b:s3+s31], $0x80, v3, vm0, $0xb8;
	[tilespmem:$0x18200] =	vst v63  }
0x1b5: {  	s2 =	simm.s32 $0x2000  }
0x1b6: {  	[tilespmem:s2], [sflag:$0x1] =	stream.indirect_vreg.gather [hbm4b:s7+s31], $0x80, v3, vm0, $0xb8;
	[tilespmem:$0x18200] =	vst v63  }
0x1b7: {  	s5 =	simm.s32 $0x2800  }
0x1b8: {  	[tilespmem:s5], [sflag:$0x1] =	stream.indirect_vreg.gather [hbm4b:s9+s31], $0x80, v3, vm0, $0xb8;
	[tilespmem:$0x18200] =	vst v63  }
0x1b9: {  	v3 =	vld [tilespmem:$0x18010];
	_ =	sdelay $0x4  }
0x1ba: {  	v4 =	vshrl.u32 v3, $0x3  }
0x1bb: {  	v4 =	vmul.u32 $0x30, v4  }
0x1bc: {  	v3 =	vand.u32 $0x7, v3  }
0x1bd: {  	v3 =	vor.u32 v3, v4  }
0x1be: {  	v4 =	vperm.xlane v3, v0;
	_ =	sdelay $0x1  }
0x1bf: {  	v4 =	vadd.s32 v1, v4;
	_ =	sdelay $0x3  }
0x1c0: {  	s6 =	simm.s32 $0x3000;
	v3 =	vperm.xlane v3, v2  }
0x1c1: {  	[tilespmem:s6], [sflag:$0x1] =	stream.indirect_vreg.gather [hbm4b:s3+s31], $0x80, v4, vm0, $0xb8;
	[tilespmem:$0x18200] =	vst v63  }
0x1c2: {  	s2 =	simm.s32 $0x3800;
	v3 =	vadd.s32 v1, v3  }
0x1c3: {  	[tilespmem:s2], [sflag:$0x1] =	stream.indirect_vreg.gather [hbm4b:s7+s31], $0x80, v4, vm0, $0xb8;
	[tilespmem:$0x18200] =	vst v63  }
0x1c4: {  	s5 =	simm.s32 $0x4000  }
0x1c5: {  	[tilespmem:s5], [sflag:$0x1] =	stream.indirect_vreg.gather [hbm4b:s9+s31], $0x80, v4, vm0, $0xb8;
	[tilespmem:$0x18200] =	vst v63  }
0x1c6: {  	s6 =	simm.s32 $0x4800  }
0x1c7: {  	[tilespmem:s6], [sflag:$0x1] =	stream.indirect_vreg.gather [hbm4b:s3+s31], $0x80, v3, vm0, $0xb8;
	[tilespmem:$0x18200] =	vst v63  }
0x1c8: {  	s2 =	simm.s32 $0x5000  }
0x1c9: {  	[tilespmem:s2], [sflag:$0x1] =	stream.indirect_vreg.gather [hbm4b:s7+s31], $0x80, v3, vm0, $0xb8;
	[tilespmem:$0x18200] =	vst v63  }
0x1ca: {  	s5 =	simm.s32 $0x5800  }
0x1cb: {  	[tilespmem:s5], [sflag:$0x1] =	stream.indirect_vreg.gather [hbm4b:s9+s31], $0x80, v3, vm0, $0xb8;
	[tilespmem:$0x18200] =	vst v63  }
0x1cc: {  	v3 =	vld [tilespmem:$0x18020];
	_ =	sdelay $0x4  }
0x1cd: {  	v4 =	vshrl.u32 v3, $0x3  }
0x1ce: {  	v4 =	vmul.u32 $0x30, v4  }
0x1cf: {  	v3 =	vand.u32 $0x7, v3  }
0x1d0: {  	v3 =	vor.u32 v3, v4  }
0x1d1: {  	v4 =	vperm.xlane v3, v0;
	_ =	sdelay $0x1  }
0x1d2: {  	v4 =	vadd.s32 v1, v4;
	_ =	sdelay $0x3  }
0x1d3: {  	s6 =	simm.s32 $0x6000;
	v3 =	vperm.xlane v3, v2  }
0x1d4: {  	[tilespmem:s6], [sflag:$0x1] =	stream.indirect_vreg.gather [hbm4b:s3+s31], $0x80, v4, vm0, $0xb8;
	[tilespmem:$0x18200] =	vst v63  }
0x1d5: {  	s2 =	simm.s32 $0x6800;
	v3 =	vadd.s32 v1, v3  }
0x1d6: {  	[tilespmem:s2], [sflag:$0x1] =	stream.indirect_vreg.gather [hbm4b:s7+s31], $0x80, v4, vm0, $0xb8;
	[tilespmem:$0x18200] =	vst v63  }
0x1d7: {  	s5 =	simm.s32 $0x7000  }
0x1d8: {  	[tilespmem:s5], [sflag:$0x1] =	stream.indirect_vreg.gather [hbm4b:s9+s31], $0x80, v4, vm0, $0xb8;
	[tilespmem:$0x18200] =	vst v63  }
0x1d9: {  	s6 =	simm.s32 $0x7800  }
0x1da: {  	[tilespmem:s6], [sflag:$0x1] =	stream.indirect_vreg.gather [hbm4b:s3+s31], $0x80, v3, vm0, $0xb8;
	[tilespmem:$0x18200] =	vst v63  }
0x1db: {  	s2 =	simm.s32 $0x8000  }
0x1dc: {  	[tilespmem:s2], [sflag:$0x1] =	stream.indirect_vreg.gather [hbm4b:s7+s31], $0x80, v3, vm0, $0xb8;
	[tilespmem:$0x18200] =	vst v63  }
0x1dd: {  	s5 =	simm.s32 $0x8800  }
0x1de: {  	[tilespmem:s5], [sflag:$0x1] =	stream.indirect_vreg.gather [hbm4b:s9+s31], $0x80, v3, vm0, $0xb8;
	[tilespmem:$0x18200] =	vst v63  }
0x1df: {  	v3 =	vld [tilespmem:$0x18030];
	_ =	sdelay $0x4  }
0x1e0: {  	v4 =	vshrl.u32 v3, $0x3  }
0x1e1: {  	v4 =	vmul.u32 $0x30, v4  }
0x1e2: {  	v3 =	vand.u32 $0x7, v3  }
0x1e3: {  	v3 =	vor.u32 v3, v4  }
0x1e4: {  	v4 =	vperm.xlane v3, v0;
	_ =	sdelay $0x1  }
0x1e5: {  	v4 =	vadd.s32 v1, v4;
	_ =	sdelay $0x3  }
0x1e6: {  	s6 =	simm.s32 $0x9000;
	v3 =	vperm.xlane v3, v2  }
0x1e7: {  	[tilespmem:s6], [sflag:$0x1] =	stream.indirect_vreg.gather [hbm4b:s3+s31], $0x80, v4, vm0, $0xb8;
	[tilespmem:$0x18200] =	vst v63  }
0x1e8: {  	s2 =	simm.s32 $0x9800;
	v3 =	vadd.s32 v1, v3  }
0x1e9: {  	[tilespmem:s2], [sflag:$0x1] =	stream.indirect_vreg.gather [hbm4b:s7+s31], $0x80, v4, vm0, $0xb8;
	[tilespmem:$0x18200] =	vst v63  }
0x1ea: {  	s5 =	simm.s32 $0xA000  }
0x1eb: {  	[tilespmem:s5], [sflag:$0x1] =	stream.indirect_vreg.gather [hbm4b:s9+s31], $0x80, v4, vm0, $0xb8;
	[tilespmem:$0x18200] =	vst v63  }
0x1ec: {  	s6 =	simm.s32 $0xA800  }
0x1ed: {  	[tilespmem:s6], [sflag:$0x1] =	stream.indirect_vreg.gather [hbm4b:s3+s31], $0x80, v3, vm0, $0xb8;
	[tilespmem:$0x18200] =	vst v63  }
0x1ee: {  	s2 =	simm.s32 $0xB000  }
0x1ef: {  	[tilespmem:s2], [sflag:$0x1] =	stream.indirect_vreg.gather [hbm4b:s7+s31], $0x80, v3, vm0, $0xb8;
	[tilespmem:$0x18200] =	vst v63  }
0x1f0: {  	s5 =	simm.s32 $0xB800  }
0x1f1: {  	[tilespmem:s5], [sflag:$0x1] =	stream.indirect_vreg.gather [hbm4b:s9+s31], $0x80, v3, vm0, $0xb8;
	[tilespmem:$0x18200] =	vst v63  }
0x1f2: {  	v3 =	vld [tilespmem:$0x18080];
	_ =	sdelay $0x4  }
0x1f3: {  	v4 =	vshrl.u32 v3, $0x3  }
0x1f4: {  	v4 =	vmul.u32 $0x30, v4  }
0x1f5: {  	v3 =	vand.u32 $0x7, v3  }
0x1f6: {  	v3 =	vor.u32 v3, v4  }
0x1f7: {  	v4 =	vperm.xlane v3, v0;
	_ =	sdelay $0x1  }
0x1f8: {  	v4 =	vadd.s32 v1, v4;
	_ =	sdelay $0x3  }
0x1f9: {  	s6 =	simm.s32 $0xC000;
	v3 =	vperm.xlane v3, v2  }
0x1fa: {  	[tilespmem:s6], [sflag:$0x2] =	stream.indirect_vreg.gather [hbm4b:s3+s31], $0x80, v4, vm0, $0xb8;
	[tilespmem:$0x18200] =	vst v63  }
0x1fb: {  	s2 =	simm.s32 $0xC800;
	v3 =	vadd.s32 v1, v3  }
0x1fc: {  	[tilespmem:s2], [sflag:$0x2] =	stream.indirect_vreg.gather [hbm4b:s7+s31], $0x80, v4, vm0, $0xb8;
	[tilespmem:$0x18200] =	vst v63  }
0x1fd: {  	s5 =	simm.s32 $0xD000  }
0x1fe: {  	[tilespmem:s5], [sflag:$0x2] =	stream.indirect_vreg.gather [hbm4b:s9+s31], $0x80, v4, vm0, $0xb8;
	[tilespmem:$0x18200] =	vst v63  }
0x1ff: {  	s6 =	simm.s32 $0xD800  }
0x200: {  	[tilespmem:s6], [sflag:$0x2] =	stream.indirect_vreg.gather [hbm4b:s3+s31], $0x80, v3, vm0, $0xb8;
	[tilespmem:$0x18200] =	vst v63  }
0x201: {  	s2 =	simm.s32 $0xE000  }
0x202: {  	[tilespmem:s2], [sflag:$0x2] =	stream.indirect_vreg.gather [hbm4b:s7+s31], $0x80, v3, vm0, $0xb8;
	[tilespmem:$0x18200] =	vst v63  }
0x203: {  	s5 =	simm.s32 $0xE800  }
0x204: {  	[tilespmem:s5], [sflag:$0x2] =	stream.indirect_vreg.gather [hbm4b:s9+s31], $0x80, v3, vm0, $0xb8;
	[tilespmem:$0x18200] =	vst v63  }
0x205: {  	v3 =	vld [tilespmem:$0x18090];
	_ =	sdelay $0x4  }
0x206: {  	v4 =	vshrl.u32 v3, $0x3  }
0x207: {  	v4 =	vmul.u32 $0x30, v4  }
0x208: {  	v3 =	vand.u32 $0x7, v3  }
0x209: {  	v3 =	vor.u32 v3, v4  }
0x20a: {  	v4 =	vperm.xlane v3, v0;
	_ =	sdelay $0x1  }
0x20b: {  	v4 =	vadd.s32 v1, v4;
	_ =	sdelay $0x3  }
0x20c: {  	s6 =	simm.s32 $0xF000;
	v3 =	vperm.xlane v3, v2  }
0x20d: {  	[tilespmem:s6], [sflag:$0x2] =	stream.indirect_vreg.gather [hbm4b:s3+s31], $0x80, v4, vm0, $0xb8;
	[tilespmem:$0x18200] =	vst v63  }
0x20e: {  	s2 =	simm.s32 $0xF800;
	v3 =	vadd.s32 v1, v3  }
0x20f: {  	[tilespmem:s2], [sflag:$0x2] =	stream.indirect_vreg.gather [hbm4b:s7+s31], $0x80, v4, vm0, $0xb8;
	[tilespmem:$0x18200] =	vst v63  }
0x210: {  	_ = 	snop  }
0x211: {  	[tilespmem:s18], [sflag:$0x2] =	stream.indirect_vreg.gather [hbm4b:s9+s31], $0x80, v4, vm0, $0xb8;
	[tilespmem:$0x18200] =	vst v63  }
0x212: {  	_ = 	snop  }
0x213: {  	[tilespmem:s19], [sflag:$0x2] =	stream.indirect_vreg.gather [hbm4b:s3+s31], $0x80, v3, vm0, $0xb8;
	[tilespmem:$0x18200] =	vst v63  }
0x214: {  	_ = 	snop  }
0x215: {  	[tilespmem:s8], [sflag:$0x2] =	stream.indirect_vreg.gather [hbm4b:s7+s31], $0x80, v3, vm0, $0xb8;
	[tilespmem:$0x18200] =	vst v63  }
0x216: {  	_ = 	snop  }
0x217: {  	[tilespmem:s20], [sflag:$0x2] =	stream.indirect_vreg.gather [hbm4b:s9+s31], $0x80, v3, vm0, $0xb8;
	[tilespmem:$0x18200] =	vst v63  }
0x218: {  	v3 =	vld [tilespmem:$0x180A0];
	_ =	sdelay $0x4  }
0x219: {  	v4 =	vshrl.u32 v3, $0x3  }
0x21a: {  	v4 =	vmul.u32 $0x30, v4  }
0x21b: {  	v3 =	vand.u32 $0x7, v3  }
0x21c: {  	v3 =	vor.u32 v3, v4  }
0x21d: {  	v4 =	vperm.xlane v3, v0;
	_ =	sdelay $0x1  }
0x21e: {  	v4 =	vadd.s32 v1, v4;
	_ =	sdelay $0x3  }
0x21f: {  	v3 =	vperm.xlane v3, v2  }
0x220: {  	[tilespmem:s21], [sflag:$0x2] =	stream.indirect_vreg.gather [hbm4b:s3+s31], $0x80, v4, vm0, $0xb8;
	[tilespmem:$0x18200] =	vst v63  }
0x221: {  	v3 =	vadd.s32 v1, v3  }
0x222: {  	[tilespmem:s22], [sflag:$0x2] =	stream.indirect_vreg.gather [hbm4b:s7+s31], $0x80, v4, vm0, $0xb8;
	[tilespmem:$0x18200] =	vst v63  }
0x223: {  	_ = 	snop  }
0x224: {  	[tilespmem:s10], [sflag:$0x2] =	stream.indirect_vreg.gather [hbm4b:s9+s31], $0x80, v4, vm0, $0xb8;
	[tilespmem:$0x18200] =	vst v63  }
0x225: {  	_ = 	snop  }
0x226: {  	[tilespmem:s23], [sflag:$0x2] =	stream.indirect_vreg.gather [hbm4b:s3+s31], $0x80, v3, vm0, $0xb8;
	[tilespmem:$0x18200] =	vst v63  }
0x227: {  	_ = 	snop  }
0x228: {  	[tilespmem:s11], [sflag:$0x2] =	stream.indirect_vreg.gather [hbm4b:s7+s31], $0x80, v3, vm0, $0xb8;
	[tilespmem:$0x18200] =	vst v63  }
0x229: {  	_ = 	snop  }
0x22a: {  	[tilespmem:s24], [sflag:$0x2] =	stream.indirect_vreg.gather [hbm4b:s9+s31], $0x80, v3, vm0, $0xb8;
	[tilespmem:$0x18200] =	vst v63  }
0x22b: {  	v3 =	vld [tilespmem:$0x180B0];
	_ =	sdelay $0x4  }
0x22c: {  	v4 =	vshrl.u32 v3, $0x3  }
0x22d: {  	v4 =	vmul.u32 $0x30, v4  }
0x22e: {  	v3 =	vand.u32 $0x7, v3  }
0x22f: {  	v3 =	vor.u32 v3, v4  }
0x230: {  	v4 =	vperm.xlane v3, v0;
	_ =	sdelay $0x1  }
0x231: {  	v4 =	vadd.s32 v1, v4;
	_ =	sdelay $0x3  }
0x232: {  	v3 =	vperm.xlane v3, v2  }
0x233: {  	[tilespmem:s12], [sflag:$0x2] =	stream.indirect_vreg.gather [hbm4b:s3+s31], $0x80, v4, vm0, $0xb8;
	[tilespmem:$0x18200] =	vst v63  }
0x234: {  	v3 =	vadd.s32 v1, v3  }
0x235: {  	[tilespmem:s25], [sflag:$0x2] =	stream.indirect_vreg.gather [hbm4b:s7+s31], $0x80, v4, vm0, $0xb8;
	[tilespmem:$0x18200] =	vst v63  }
0x236: {  	_ = 	snop  }
0x237: {  	[tilespmem:s13], [sflag:$0x2] =	stream.indirect_vreg.gather [hbm4b:s9+s31], $0x80, v4, vm0, $0xb8;
	[tilespmem:$0x18200] =	vst v63  }
0x238: {  	_ = 	snop  }
0x239: {  	[tilespmem:s26], [sflag:$0x2] =	stream.indirect_vreg.gather [hbm4b:s3+s31], $0x80, v3, vm0, $0xb8;
	[tilespmem:$0x18200] =	vst v63  }
0x23a: {  	_ = 	snop  }
0x23b: {  	[tilespmem:s14], [sflag:$0x2] =	stream.indirect_vreg.gather [hbm4b:s7+s31], $0x80, v3, vm0, $0xb8;
	[tilespmem:$0x18200] =	vst v63  }
0x23c: {  	_ = 	snop  }
0x23d: {  	[tilespmem:s28], [sflag:$0x2] =	stream.indirect_vreg.gather [hbm4b:s9+s31], $0x80, v3, vm0, $0xb8;
	[tilespmem:$0x18200] =	vst v63  }
0x23e: {  	_ =	swait.ge [sflag:s29], $0xC000  }
0x23f: {  	[sflag:s29] =	ssyncset.done $0x0  }
0x240: {  	s5 =	simm.s32 $0x0;
	[sflag:s29] =	ssyncadd.s32 $0xFFFF4000  }
0x241: {  	s0 =	smul.u32 $0x1800, s5;
	_ =	swait.ge [sflag:s4], $0xC000  }
0x242: {  	s6 =	sand.u32 $0x380, s31;
	[sflag:s4] =	ssyncset.done $0x0  }
0x243: {  	s5 =	sor.u32 s6, s0;
	[sflag:s4] =	ssyncadd.s32 $0xFFFF4000  }
0x244: {  	v4 =	vld [tilespmem:s5+$0x10]  }
0x245: {  	v3 =	vld [tilespmem:s5+$0xC010]  }
0x246: {  	v6 =	vld [tilespmem:s5+$0x20]  }
0x247: {  	v5 =	vld [tilespmem:s5+$0xC020]  }
0x248: {  	v8 =	vld [tilespmem:s5+$0x30]  }
0x249: {  	v7 =	vld [tilespmem:s5+$0xC030]  }
0x24a: {  	v10 =	vld [tilespmem:s5+$0x40]  }
0x24b: {  	v9 =	vld [tilespmem:s5+$0xC040]  }
0x24c: {  	v12 =	vld [tilespmem:s5+$0x50]  }
0x24d: {  	v11 =	vld [tilespmem:s5+$0xC050]  }
0x24e: {  	v13 =	vld [tilespmem:s5+$0x60]  }
0x24f: {  	v14 =	vld [tilespmem:s5+$0x70]  }
0x250: {  	v15 =	vld [tilespmem:s5+$0x400]  }
0x251: {  	v16 =	vld [tilespmem:s5+$0x410]  }
0x252: {  	v17 =	vld [tilespmem:s5+$0x420]  }
0x253: {  	v18 =	vld [tilespmem:s5+$0x430]  }
0x254: {  	v19 =	vld [tilespmem:s5+$0x440]  }
0x255: {  	v20 =	vld [tilespmem:s5+$0x450]  }
0x256: {  	v21 =	vld [tilespmem:s5+$0x460]  }
0x257: {  	v22 =	vld [tilespmem:s5+$0x470]  }
0x258: {  	v23 =	vld [tilespmem:s5+$0x800]  }
0x259: {  	v24 =	vld [tilespmem:s5+$0x810]  }
0x25a: {  	v25 =	vld [tilespmem:s5+$0x820]  }
0x25b: {  	v26 =	vld [tilespmem:s5+$0x830]  }
0x25c: {  	v27 =	vld [tilespmem:s5+$0x840]  }
0x25d: {  	v28 =	vld [tilespmem:s5+$0x850]  }
0x25e: {  	v29 =	vld [tilespmem:s5+$0x860]  }
0x25f: {  	v30 =	vld [tilespmem:s5+$0x870]  }
0x260: {  	v31 =	vld [tilespmem:s5+$0xC00]  }
0x261: {  	v34 =	vld [tilespmem:s5+$0xC10]  }
0x262: {  	v35 =	vld [tilespmem:s5+$0xC20]  }
0x263: {  	v36 =	vld [tilespmem:s5+$0xC30]  }
0x264: {  	v37 =	vld [tilespmem:s5+$0xC40]  }
0x265: {  	v38 =	vld [tilespmem:s5+$0xC50]  }
0x266: {  	v39 =	vld [tilespmem:s5+$0xC60]  }
0x267: {  	v40 =	vld [tilespmem:s5+$0xC70]  }
0x268: {  	v41 =	vld [tilespmem:s5+$0x1000]  }
0x269: {  	v42 =	vld [tilespmem:s5+$0x1010]  }
0x26a: {  	v43 =	vld [tilespmem:s5+$0x1020]  }
0x26b: {  	v44 =	vld [tilespmem:s5+$0x1030]  }
0x26c: {  	v63 =	vmov s31;
	v45 =	vld [tilespmem:s5+$0x1040]  }
0x26d: {  	v32 =	vadd.s32 $0x40, v63;
	s6 =	simm.s32 $0x1;
	v46 =	vld [tilespmem:s5+$0x1050]  }
.LBB2_4:
0x26e: {  	p0 =	sne.s32 s6, $0x3F;
	v32 =	vbroadcast v32, $0x0;
	v47 =	vld [tilespmem:s5+$0x1060]  }
0x26f: {  	v48 =	vld [tilespmem:s5+$0x1400]  }
0x270: {  	v49 =	vld [tilespmem:s5+$0x1410]  }
0x271: {  	v50 =	vld [tilespmem:s5+$0xD410]  }
0x272: {  	v51 =	vld [tilespmem:s5+$0xD430]  }
0x273: {  	v52 =	vld [tilespmem:s5+$0x1420]  }
0x274: {  	v33 =	vld.idx.msk [tilespmem:v32+s15+$0x0], $0xffff  }
0x275: {  	v32 =	vld.idx.msk [tilespmem:v32+s17+$0x0], $0xffff  }
0x276: {  	v53 =	vld [tilespmem:s5+$0x1430]  }
0x277: {  	v54 =	vld [tilespmem:s5+$0xD420]  }
0x278: {  	v55 =	vld [tilespmem:s5+$0xD400]  }
0x279: {  	v56 =	vld [tilespmem:s5+$0x1070]  }
0x27a: {  	v49 =	vmul.f32 v49, v33;
	v52 =	vmul.f32 v52, v33;
	v57 =	vld [tilespmem:s5+$0xD070]  }
0x27b: {  	v51 =	vmul.f32 v51, v32;
	v58 =	vld [tilespmem:s5+$0xD060];
	v53 =	vmul.f32 v53, v33  }
0x27c: {  	v50 =	vmul.f32 v50, v32;
	v59 =	vld [tilespmem:s5+$0xD050];
	v54 =	vmul.f32 v54, v32  }
0x27d: {  	v48 =	vmul.f32 v48, v33;
	v60 =	vld [tilespmem:s5+$0xD040];
	v55 =	vmul.f32 v55, v32;
	v51 =	vadd.f32 v51, v53  }
0x27e: {  	v49 =	vadd.f32 v50, v49;
	v53 =	vld [tilespmem:s5+$0xD030];
	v56 =	vmul.f32 v56, v33;
	v50 =	vadd.f32 v54, v52  }
0x27f: {  	v47 =	vmul.f32 v47, v33;
	v52 =	vld [tilespmem:s5+$0xD020];
	v54 =	vmul.f32 v57, v32;
	v48 =	vadd.f32 v55, v48;
	[tilespmem:s5+$0x1430] =	vst v51  }
0x280: {  	v46 =	vmul.f32 v46, v33;
	v51 =	vld [tilespmem:s5+$0xD010];
	v55 =	vmul.f32 v58, v32;
	[tilespmem:s5+$0x1420] =	vst v50  }
0x281: {  	v45 =	vmul.f32 v45, v33;
	v50 =	vld [tilespmem:s5+$0xD000];
	v57 =	vmul.f32 v59, v32;
	v54 =	vadd.f32 v54, v56;
	[tilespmem:s5+$0x1410] =	vst v49  }
0x282: {  	v44 =	vmul.f32 v44, v33;
	v49 =	vld [tilespmem:s5+$0xCC70];
	v56 =	vmul.f32 v60, v32;
	v47 =	vadd.f32 v55, v47;
	[tilespmem:s5+$0x1400] =	vst v48  }
0x283: {  	v43 =	vmul.f32 v43, v33;
	v48 =	vld [tilespmem:s5+$0xCC60];
	v53 =	vmul.f32 v53, v32;
	v46 =	vadd.f32 v57, v46;
	[tilespmem:s5+$0x1070] =	vst v54  }
0x284: {  	v42 =	vmul.f32 v42, v33;
	v54 =	vld [tilespmem:s5+$0xCC50];
	v52 =	vmul.f32 v52, v32;
	v45 =	vadd.f32 v56, v45;
	[tilespmem:s5+$0x1060] =	vst v47  }
0x285: {  	v41 =	vmul.f32 v41, v33;
	v47 =	vld [tilespmem:s5+$0xCC40];
	v51 =	vmul.f32 v51, v32;
	v44 =	vadd.f32 v53, v44;
	[tilespmem:s5+$0x1050] =	vst v46  }
0x286: {  	v40 =	vmul.f32 v40, v33;
	v46 =	vld [tilespmem:s5+$0xCC30];
	v50 =	vmul.f32 v50, v32;
	v43 =	vadd.f32 v52, v43;
	[tilespmem:s5+$0x1040] =	vst v45  }
0x287: {  	v39 =	vmul.f32 v39, v33;
	v45 =	vld [tilespmem:s5+$0xCC20];
	v49 =	vmul.f32 v49, v32;
	v42 =	vadd.f32 v51, v42;
	[tilespmem:s5+$0x1030] =	vst v44  }
0x288: {  	v38 =	vmul.f32 v38, v33;
	v44 =	vld [tilespmem:s5+$0xCC10];
	v48 =	vmul.f32 v48, v32;
	v41 =	vadd.f32 v50, v41;
	[tilespmem:s5+$0x1020] =	vst v43  }
0x289: {  	v37 =	vmul.f32 v37, v33;
	v43 =	vld [tilespmem:s5+$0xCC00];
	v50 =	vmul.f32 v54, v32;
	v40 =	vadd.f32 v49, v40;
	[tilespmem:s5+$0x1010] =	vst v42  }
0x28a: {  	v36 =	vmul.f32 v36, v33;
	v42 =	vld [tilespmem:s5+$0xC870];
	v47 =	vmul.f32 v47, v32;
	v39 =	vadd.f32 v48, v39;
	[tilespmem:s5+$0x1000] =	vst v41  }
0x28b: {  	v35 =	vmul.f32 v35, v33;
	v41 =	vld [tilespmem:s5+$0xC860];
	v46 =	vmul.f32 v46, v32;
	v38 =	vadd.f32 v50, v38;
	[tilespmem:s5+$0xC70] =	vst v40  }
0x28c: {  	v34 =	vmul.f32 v34, v33;
	v40 =	vld [tilespmem:s5+$0xC850];
	v45 =	vmul.f32 v45, v32;
	v37 =	vadd.f32 v47, v37;
	[tilespmem:s5+$0xC60] =	vst v39  }
0x28d: {  	v31 =	vmul.f32 v31, v33;
	v39 =	vld [tilespmem:s5+$0xC840];
	v44 =	vmul.f32 v44, v32;
	v36 =	vadd.f32 v46, v36;
	[tilespmem:s5+$0xC50] =	vst v38  }
0x28e: {  	v30 =	vmul.f32 v30, v33;
	v38 =	vld [tilespmem:s5+$0xC830];
	v43 =	vmul.f32 v43, v32;
	v35 =	vadd.f32 v45, v35;
	[tilespmem:s5+$0xC40] =	vst v37  }
0x28f: {  	v29 =	vmul.f32 v29, v33;
	v37 =	vld [tilespmem:s5+$0xC820];
	v42 =	vmul.f32 v42, v32;
	v34 =	vadd.f32 v44, v34;
	[tilespmem:s5+$0xC30] =	vst v36  }
0x290: {  	v28 =	vmul.f32 v28, v33;
	v36 =	vld [tilespmem:s5+$0xC810];
	v41 =	vmul.f32 v41, v32;
	v31 =	vadd.f32 v43, v31;
	[tilespmem:s5+$0xC20] =	vst v35  }
0x291: {  	v27 =	vmul.f32 v27, v33;
	v35 =	vld [tilespmem:s5+$0xC800];
	v40 =	vmul.f32 v40, v32;
	v30 =	vadd.f32 v42, v30;
	[tilespmem:s5+$0xC10] =	vst v34  }
0x292: {  	v26 =	vmul.f32 v26, v33;
	v34 =	vld [tilespmem:s5+$0xC470];
	v39 =	vmul.f32 v39, v32;
	v29 =	vadd.f32 v41, v29;
	[tilespmem:s5+$0xC00] =	vst v31  }
0x293: {  	v25 =	vmul.f32 v25, v33;
	v31 =	vld [tilespmem:s5+$0xC460];
	v38 =	vmul.f32 v38, v32;
	v28 =	vadd.f32 v40, v28;
	[tilespmem:s5+$0x870] =	vst v30  }
0x294: {  	v24 =	vmul.f32 v24, v33;
	v30 =	vld [tilespmem:s5+$0xC450];
	v37 =	vmul.f32 v37, v32;
	v27 =	vadd.f32 v39, v27;
	[tilespmem:s5+$0x860] =	vst v29  }
0x295: {  	v23 =	vmul.f32 v23, v33;
	v29 =	vld [tilespmem:s5+$0xC440];
	v36 =	vmul.f32 v36, v32;
	v26 =	vadd.f32 v38, v26;
	[tilespmem:s5+$0x850] =	vst v28  }
0x296: {  	v22 =	vmul.f32 v22, v33;
	v28 =	vld [tilespmem:s5+$0xC430];
	v35 =	vmul.f32 v35, v32;
	v25 =	vadd.f32 v37, v25;
	[tilespmem:s5+$0x840] =	vst v27  }
0x297: {  	v21 =	vmul.f32 v21, v33;
	v27 =	vld [tilespmem:s5+$0xC420];
	v34 =	vmul.f32 v34, v32;
	v24 =	vadd.f32 v36, v24;
	[tilespmem:s5+$0x830] =	vst v26  }
0x298: {  	v20 =	vmul.f32 v20, v33;
	v26 =	vld [tilespmem:s5+$0xC410];
	v31 =	vmul.f32 v31, v32;
	v23 =	vadd.f32 v35, v23;
	[tilespmem:s5+$0x820] =	vst v25  }
0x299: {  	v19 =	vmul.f32 v19, v33;
	v25 =	vld [tilespmem:s5+$0xC400];
	v30 =	vmul.f32 v30, v32;
	v22 =	vadd.f32 v34, v22;
	[tilespmem:s5+$0x810] =	vst v24  }
0x29a: {  	v18 =	vmul.f32 v18, v33;
	v24 =	vld [tilespmem:s5+$0xC070];
	v29 =	vmul.f32 v29, v32;
	v21 =	vadd.f32 v31, v21;
	[tilespmem:s5+$0x800] =	vst v23  }
0x29b: {  	v17 =	vmul.f32 v17, v33;
	v23 =	vld [tilespmem:s5+$0xC060];
	v28 =	vmul.f32 v28, v32;
	v20 =	vadd.f32 v30, v20;
	[tilespmem:s5+$0x470] =	vst v22  }
0x29c: {  	v16 =	vmul.f32 v16, v33;
	v22 =	vmul.f32 v27, v32;
	v19 =	vadd.f32 v29, v19;
	[tilespmem:s5+$0x460] =	vst v21;
	v21 =	vld [tilespmem:s5+$0xD440]  }
0x29d: {  	v15 =	vmul.f32 v15, v33;
	v26 =	vmul.f32 v26, v32;
	v18 =	vadd.f32 v28, v18;
	[tilespmem:s5+$0x450] =	vst v20;
	v20 =	vld [tilespmem:s5+$0xD450]  }
0x29e: {  	v14 =	vmul.f32 v14, v33;
	v25 =	vmul.f32 v25, v32;
	v17 =	vadd.f32 v22, v17;
	[tilespmem:s5+$0x440] =	vst v19;
	v19 =	vld [tilespmem:s5+$0xD460]  }
0x29f: {  	v13 =	vmul.f32 v13, v33;
	v22 =	vmul.f32 v24, v32;
	v16 =	vadd.f32 v26, v16;
	[tilespmem:s5+$0x430] =	vst v18;
	v18 =	vld [tilespmem:s5+$0xD470]  }
0x2a0: {  	v12 =	vmul.f32 v12, v33;
	v23 =	vmul.f32 v23, v32;
	v15 =	vadd.f32 v25, v15;
	[tilespmem:s5+$0x420] =	vst v17;
	v17 =	vld [tilespmem:s5+$0x1440]  }
0x2a1: {  	v10 =	vmul.f32 v10, v33;
	v11 =	vmul.f32 v11, v32;
	v14 =	vadd.f32 v22, v14;
	[tilespmem:s5+$0x410] =	vst v16;
	v16 =	vld [tilespmem:s5+$0x1450]  }
0x2a2: {  	v8 =	vmul.f32 v8, v33;
	v9 =	vmul.f32 v9, v32;
	v13 =	vadd.f32 v23, v13;
	[tilespmem:s5+$0x400] =	vst v15;
	v15 =	vld [tilespmem:s5+$0x1460]  }
0x2a3: {  	v6 =	vmul.f32 v6, v33;
	v7 =	vmul.f32 v7, v32;
	v11 =	vadd.f32 v11, v12;
	[tilespmem:s5+$0x70] =	vst v14;
	v12 =	vld [tilespmem:s5+$0x1470]  }
0x2a4: {  	v4 =	vmul.f32 v4, v33;
	v5 =	vmul.f32 v5, v32;
	v9 =	vadd.f32 v9, v10;
	v14 =	vld [tilespmem:s5+$0x0];
	[tilespmem:s5+$0x60] =	vst v13  }
0x2a5: {  	v3 =	vmul.f32 v3, v32;
	v7 =	vadd.f32 v7, v8;
	v10 =	vld [tilespmem:s5+$0xC000];
	[tilespmem:s5+$0x50] =	vst v11;
	v8 =	vmul.f32 v17, v33  }
0x2a6: {  	s0 =	sshrl.u32 s6, $0x3;
	v5 =	vadd.f32 v5, v6;
	v6 =	vmul.f32 v21, v32;
	[tilespmem:s5+$0x40] =	vst v9;
	v9 =	vmul.f32 v16, v33  }
0x2a7: {  	s31 =	sadd.s32 $0x80, s31;
	s0 =	smul.u32 $0x1800, s0;
	v3 =	vadd.f32 v3, v4;
	v4 =	vmul.f32 v20, v32;
	[tilespmem:s5+$0x30] =	vst v7;
	v7 =	vmul.f32 v15, v33  }
0x2a8: {  	s2 =	sand.u32 $0x380, s31;
	[tilespmem:s5+$0x20] =	vst v5;
	v5 =	vadd.f32 v6, v8;
	v6 =	vmul.f32 v19, v32;
	v8 =	vmul.f32 v12, v33  }
0x2a9: {  	s0 =	sor.u32 s2, s0;
	v9 =	vadd.f32 v4, v9;
	v12 =	vmul.f32 v18, v32;
	v11 =	vmul.f32 v14, v33;
	[tilespmem:s5+$0x10] =	vst v3  }
0x2aa: {  	v4 =	vld [tilespmem:s0+$0x10];
	v10 =	vmul.f32 v10, v32;
	[tilespmem:s5+$0x1440] =	vst v5;
	v5 =	vadd.f32 v6, v7  }
0x2ab: {  	v7 =	vadd.f32 v12, v8;
	v3 =	vld [tilespmem:s0+$0xC010];
	[tilespmem:s5+$0x1450] =	vst v9  }
0x2ac: {  	v6 =	vld [tilespmem:s0+$0x20];
	v9 =	vadd.f32 v10, v11;
	[tilespmem:s5+$0x1460] =	vst v5  }
0x2ad: {  	v5 =	vld [tilespmem:s0+$0xC020];
	[tilespmem:s5+$0x1470] =	vst v7  }
0x2ae: {  	v8 =	vld [tilespmem:s0+$0x30];
	[tilespmem:s5+$0x0] =	vst v9;
	s5 =	smov.u32 s0  }
0x2af: {  	v7 =	vld [tilespmem:s5+$0xC030]  }
0x2b0: {  	v10 =	vld [tilespmem:s5+$0x40]  }
0x2b1: {  	v9 =	vld [tilespmem:s5+$0xC040]  }
0x2b2: {  	v12 =	vld [tilespmem:s5+$0x50]  }
0x2b3: {  	v11 =	vld [tilespmem:s5+$0xC050]  }
0x2b4: {  	v13 =	vld [tilespmem:s5+$0x60]  }
0x2b5: {  	v14 =	vld [tilespmem:s5+$0x70]  }
0x2b6: {  	v15 =	vld [tilespmem:s5+$0x400]  }
0x2b7: {  	v16 =	vld [tilespmem:s5+$0x410]  }
0x2b8: {  	v17 =	vld [tilespmem:s5+$0x420]  }
0x2b9: {  	v18 =	vld [tilespmem:s5+$0x430]  }
0x2ba: {  	v19 =	vld [tilespmem:s5+$0x440]  }
0x2bb: {  	v20 =	vld [tilespmem:s5+$0x450]  }
0x2bc: {  	v21 =	vld [tilespmem:s5+$0x460]  }
0x2bd: {  	v22 =	vld [tilespmem:s5+$0x470]  }
0x2be: {  	v23 =	vld [tilespmem:s5+$0x800]  }
0x2bf: {  	v24 =	vld [tilespmem:s5+$0x810]  }
0x2c0: {  	v25 =	vld [tilespmem:s5+$0x820]  }
0x2c1: {  	v26 =	vld [tilespmem:s5+$0x830]  }
0x2c2: {  	v27 =	vld [tilespmem:s5+$0x840]  }
0x2c3: {  	v28 =	vld [tilespmem:s5+$0x850]  }
0x2c4: {  	v29 =	vld [tilespmem:s5+$0x860]  }
0x2c5: {  	v30 =	vld [tilespmem:s5+$0x870]  }
0x2c6: {  	v31 =	vld [tilespmem:s5+$0xC00]  }
0x2c7: {  	v34 =	vld [tilespmem:s5+$0xC10]  }
0x2c8: {  	v35 =	vld [tilespmem:s5+$0xC20]  }
0x2c9: {  	v36 =	vld [tilespmem:s5+$0xC30]  }
0x2ca: {  	v37 =	vld [tilespmem:s5+$0xC40]  }
0x2cb: {  	v38 =	vld [tilespmem:s5+$0xC50]  }
0x2cc: {  	v39 =	vld [tilespmem:s5+$0xC60]  }
0x2cd: {  	v40 =	vld [tilespmem:s5+$0xC70]  }
0x2ce: {  	v41 =	vld [tilespmem:s5+$0x1000]  }
.Ltmp1:
0x2cf: {  	v42 =	vld [tilespmem:s5+$0x1010];
	(pc) =	sbr.rel @p0 .LBB2_4-.Ltmp1, $4  }
0x2d0: {  	v43 =	vld [tilespmem:s5+$0x1020]  }
0x2d1: {  	v44 =	vld [tilespmem:s5+$0x1030]  }
0x2d2: {  	v32 =	vmov s6;
	v45 =	vld [tilespmem:s5+$0x1040]  }
0x2d3: {  	s6 =	sadd.s32 $0x1, s6;
	v32 =	vadd.s32 $0x40, v32;
	v46 =	vld [tilespmem:s5+$0x1050]  }
0x2d4: {  	v33 =	vbroadcast v32, $0x0;
	v47 =	vld [tilespmem:s5+$0x1060]  }
0x2d5: {  	v48 =	vld [tilespmem:s5+$0x1400]  }
0x2d6: {  	v49 =	vld [tilespmem:s5+$0x1410]  }
0x2d7: {  	v51 =	vld [tilespmem:s5+$0xD430]  }
0x2d8: {  	v52 =	vld [tilespmem:s5+$0x1420]  }
0x2d9: {  	v53 =	vld [tilespmem:s5+$0x1430]  }
0x2da: {  	v32 =	vld.idx.msk [tilespmem:v33+s15+$0x0], $0xffff  }
0x2db: {  	v33 =	vld.idx.msk [tilespmem:v33+s17+$0x0], $0xffff  }
0x2dc: {  	v54 =	vld [tilespmem:s5+$0xD420]  }
0x2dd: {  	v50 =	vld [tilespmem:s5+$0xD410]  }
0x2de: {  	v55 =	vld [tilespmem:s5+$0xD400]  }
0x2df: {  	v56 =	vld [tilespmem:s5+$0x1070]  }
0x2e0: {  	v58 =	vld [tilespmem:s5+$0xD060];
	v53 =	vmul.f32 v53, v32;
	v51 =	vmul.f32 v51, v33  }
0x2e1: {  	v57 =	vld [tilespmem:s5+$0xD070];
	v52 =	vmul.f32 v52, v32;
	v54 =	vmul.f32 v54, v33  }
0x2e2: {  	v59 =	vld [tilespmem:s5+$0xD050];
	v49 =	vmul.f32 v49, v32;
	v50 =	vmul.f32 v50, v33  }
0x2e3: {  	v60 =	vld [tilespmem:s5+$0xD040];
	v48 =	vmul.f32 v48, v32;
	v62 =	vmul.f32 v55, v33;
	v51 =	vadd.f32 v51, v53  }
0x2e4: {  	v61 =	vld [tilespmem:s5+$0xD020];
	v63 =	vmul.f32 v56, v32;
	v47 =	vmul.f32 v47, v32;
	v52 =	vadd.f32 v54, v52  }
0x2e5: {  	v58 =	vmul.f32 v58, v33;
	v55 =	vld [tilespmem:s5+$0xC460];
	v12 =	vmul.f32 v12, v32;
	v49 =	vadd.f32 v50, v49;
	[tilespmem:s5+$0x1430] =	vst v51  }
0x2e6: {  	v56 =	vld [tilespmem:s5+$0xC450];
	v11 =	vmul.f32 v11, v33;
	v10 =	vmul.f32 v10, v32;
	v48 =	vadd.f32 v62, v48;
	[tilespmem:s5+$0x1420] =	vst v52  }
0x2e7: {  	v9 =	vmul.f32 v9, v33;
	v8 =	vmul.f32 v8, v32;
	v53 =	vld [tilespmem:s5+$0xD030];
	v47 =	vadd.f32 v58, v47;
	[tilespmem:s5+$0x1410] =	vst v49  }
0x2e8: {  	v7 =	vmul.f32 v7, v33;
	v6 =	vmul.f32 v6, v32;
	v50 =	vld [tilespmem:s5+$0xD000];
	v11 =	vadd.f32 v11, v12;
	[tilespmem:s5+$0x1400] =	vst v48  }
0x2e9: {  	v5 =	vmul.f32 v5, v33;
	v4 =	vmul.f32 v4, v32;
	v58 =	vld [tilespmem:s5+$0xCC20];
	v9 =	vadd.f32 v9, v10;
	[tilespmem:s5+$0x1060] =	vst v47  }
0x2ea: {  	v3 =	vmul.f32 v3, v33;
	v62 =	vmul.f32 v59, v33;
	v59 =	vld [tilespmem:s5+$0xCC10];
	v7 =	vadd.f32 v7, v8;
	[tilespmem:s5+$0x50] =	vst v11  }
0x2eb: {  	v57 =	vmul.f32 v57, v33;
	v54 =	vld [tilespmem:s5+$0xC470];
	v5 =	vadd.f32 v5, v6;
	[tilespmem:s5+$0x40] =	vst v9  }
0x2ec: {  	v46 =	vmul.f32 v46, v32;
	v3 =	vadd.f32 v3, v4;
	v51 =	vld [tilespmem:s5+$0xD010];
	[tilespmem:s5+$0x30] =	vst v7  }
0x2ed: {  	v45 =	vmul.f32 v45, v32;
	v49 =	vld [tilespmem:s5+$0xCC70];
	v52 =	vadd.f32 v57, v63;
	v63 =	vmul.f32 v60, v33;
	[tilespmem:s5+$0x20] =	vst v5  }
0x2ee: {  	v43 =	vmul.f32 v43, v32;
	v48 =	vld [tilespmem:s5+$0xCC60];
	v46 =	vadd.f32 v62, v46;
	v57 =	vmul.f32 v61, v33;
	[tilespmem:s5+$0x10] =	vst v3  }
0x2ef: {  	v44 =	vmul.f32 v44, v32;
	v47 =	vld [tilespmem:s5+$0xCC40];
	[tilespmem:s5+$0x1070] =	vst v52;
	v45 =	vadd.f32 v63, v45;
	v53 =	vmul.f32 v53, v33  }
0x2f0: {  	v41 =	vmul.f32 v41, v32;
	v60 =	vld [tilespmem:s5+$0xCC00];
	[tilespmem:s5+$0x1050] =	vst v46;
	v43 =	vadd.f32 v57, v43;
	v50 =	vmul.f32 v50, v33  }
0x2f1: {  	v35 =	vmul.f32 v35, v32;
	v61 =	vld [tilespmem:s5+$0xC870];
	[tilespmem:s5+$0x1040] =	vst v45;
	v45 =	vmul.f32 v58, v33;
	v44 =	vadd.f32 v53, v44  }
0x2f2: {  	v42 =	vmul.f32 v42, v32;
	v52 =	vld [tilespmem:s5+$0xCC50];
	[tilespmem:s5+$0x1020] =	vst v43;
	v51 =	vmul.f32 v51, v33;
	v41 =	vadd.f32 v50, v41  }
0x2f3: {  	v40 =	vmul.f32 v40, v32;
	v46 =	vld [tilespmem:s5+$0xCC30];
	v49 =	vmul.f32 v49, v33;
	v35 =	vadd.f32 v45, v35;
	[tilespmem:s5+$0x1030] =	vst v44  }
0x2f4: {  	v39 =	vmul.f32 v39, v32;
	v62 =	vld [tilespmem:s5+$0xC860];
	v48 =	vmul.f32 v48, v33;
	v42 =	vadd.f32 v51, v42;
	[tilespmem:s5+$0x1000] =	vst v41  }
0x2f5: {  	v37 =	vmul.f32 v37, v32;
	v57 =	vld [tilespmem:s5+$0xC440];
	v47 =	vmul.f32 v47, v33;
	v40 =	vadd.f32 v49, v40;
	[tilespmem:s5+$0xC20] =	vst v35  }
0x2f6: {  	v31 =	vmul.f32 v31, v32;
	v58 =	vld [tilespmem:s5+$0xC430];
	v43 =	vmul.f32 v60, v33;
	v39 =	vadd.f32 v48, v39;
	[tilespmem:s5+$0x1010] =	vst v42  }
0x2f7: {  	v38 =	vmul.f32 v38, v32;
	v50 =	vld [tilespmem:s5+$0xC830];
	v63 =	vmul.f32 v52, v33;
	v37 =	vadd.f32 v47, v37;
	[tilespmem:s5+$0xC70] =	vst v40  }
0x2f8: {  	v36 =	vmul.f32 v36, v32;
	v53 =	vld [tilespmem:s5+$0xC800];
	v46 =	vmul.f32 v46, v33;
	v31 =	vadd.f32 v43, v31;
	[tilespmem:s5+$0xC60] =	vst v39  }
0x2f9: {  	v34 =	vmul.f32 v34, v32;
	v60 =	vld [tilespmem:s5+$0xC410];
	v44 =	vmul.f32 v59, v33;
	v38 =	vadd.f32 v63, v38;
	[tilespmem:s5+$0xC40] =	vst v37  }
0x2fa: {  	v29 =	vmul.f32 v29, v32;
	v45 =	vld [tilespmem:s5+$0x1440];
	v41 =	vmul.f32 v62, v33;
	v36 =	vadd.f32 v46, v36;
	[tilespmem:s5+$0xC00] =	vst v31  }
0x2fb: {  	v21 =	vmul.f32 v21, v32;
	v48 =	vld [tilespmem:s5+$0xC850];
	v62 =	vmul.f32 v55, v33;
	v34 =	vadd.f32 v44, v34;
	[tilespmem:s5+$0xC50] =	vst v38  }
0x2fc: {  	v30 =	vmul.f32 v30, v32;
	v49 =	vld [tilespmem:s5+$0xC840];
	v42 =	vmul.f32 v61, v33;
	v29 =	vadd.f32 v41, v29;
	[tilespmem:s5+$0xC30] =	vst v36  }
0x2fd: {  	v23 =	vmul.f32 v23, v32;
	v51 =	vld [tilespmem:s5+$0xC820];
	v21 =	vadd.f32 v62, v21;
	v35 =	vmul.f32 v53, v33;
	[tilespmem:s5+$0xC10] =	vst v34  }
0x2fe: {  	v16 =	vmul.f32 v16, v32;
	v52 =	vld [tilespmem:s5+$0xC810];
	v41 =	vmul.f32 v60, v33;
	v30 =	vadd.f32 v42, v30;
	[tilespmem:s5+$0x860] =	vst v29  }
0x2ff: {  	v26 =	vmul.f32 v26, v32;
	v59 =	vld [tilespmem:s5+$0xC420];
	v38 =	vmul.f32 v50, v33;
	[tilespmem:s5+$0x460] =	vst v21;
	v23 =	vadd.f32 v35, v23  }
0x300: {  	v22 =	vmul.f32 v22, v32;
	v43 =	vld [tilespmem:s5+$0xD470];
	v34 =	vmul.f32 v54, v33;
	v16 =	vadd.f32 v41, v16;
	[tilespmem:s5+$0x870] =	vst v30  }
0x301: {  	v28 =	vmul.f32 v28, v32;
	v61 =	vld [tilespmem:s5+$0xC400];
	v40 =	vmul.f32 v48, v33;
	v26 =	vadd.f32 v38, v26;
	[tilespmem:s5+$0x800] =	vst v23  }
0x302: {  	v27 =	vmul.f32 v27, v32;
	v63 =	vld [tilespmem:s5+$0xC070];
	v39 =	vmul.f32 v49, v33;
	v22 =	vadd.f32 v34, v22;
	[tilespmem:s5+$0x410] =	vst v16  }
0x303: {  	v25 =	vmul.f32 v25, v32;
	v46 =	vld [tilespmem:s5+$0x1450];
	v37 =	vmul.f32 v51, v33;
	v28 =	vadd.f32 v40, v28;
	[tilespmem:s5+$0x830] =	vst v26  }
0x304: {  	v24 =	vmul.f32 v24, v32;
	v50 =	vld [tilespmem:s5+$0xC000];
	v36 =	vmul.f32 v52, v33;
	v27 =	vadd.f32 v39, v27;
	[tilespmem:s5+$0x470] =	vst v22  }
0x305: {  	v19 =	vmul.f32 v19, v32;
	v35 =	vmul.f32 v57, v33;
	v48 =	vld [tilespmem:s5+$0x1460];
	v25 =	vadd.f32 v37, v25;
	[tilespmem:s5+$0x850] =	vst v28  }
0x306: {  	v20 =	vmul.f32 v20, v32;
	v51 =	vld [tilespmem:s5+$0x0];
	v30 =	vmul.f32 v56, v33;
	v24 =	vadd.f32 v36, v24;
	[tilespmem:s5+$0x840] =	vst v27  }
0x307: {  	v18 =	vmul.f32 v18, v32;
	v34 =	vld [tilespmem:s5+$0xC060];
	v37 =	vmul.f32 v58, v33;
	v19 =	vadd.f32 v35, v19;
	[tilespmem:s5+$0x820] =	vst v25  }
0x308: {  	v17 =	vmul.f32 v17, v32;
	v38 =	vld [tilespmem:s5+$0xD450];
	v39 =	vmul.f32 v59, v33;
	v20 =	vadd.f32 v30, v20;
	[tilespmem:s5+$0x810] =	vst v24  }
0x309: {  	v15 =	vmul.f32 v15, v32;
	v36 =	vld [tilespmem:s5+$0xD440];
	v42 =	vmul.f32 v61, v33;
	v18 =	vadd.f32 v37, v18;
	[tilespmem:s5+$0x440] =	vst v19  }
0x30a: {  	v14 =	vmul.f32 v14, v32;
	v40 =	vld [tilespmem:s5+$0xD460];
	v44 =	vmul.f32 v63, v33;
	v17 =	vadd.f32 v39, v17;
	[tilespmem:s5+$0x450] =	vst v20  }
0x30b: {  	v49 =	vld [tilespmem:s5+$0x1470];
	v15 =	vadd.f32 v42, v15;
	v10 =	vmul.f32 v50, v33;
	v61 =	vmul.f32 v51, v32;
	[tilespmem:s5+$0x430] =	vst v18  }
0x30c: {  	v13 =	vmul.f32 v13, v32;
	v14 =	vadd.f32 v44, v14;
	[tilespmem:s5+$0x420] =	vst v17;
	v47 =	vmul.f32 v34, v33  }
0x30d: {  	v54 =	vmul.f32 v46, v32;
	[tilespmem:s5+$0x400] =	vst v15;
	v55 =	vmul.f32 v38, v33;
	v63 =	vadd.f32 v10, v61  }
0x30e: {  	v52 =	vmul.f32 v45, v32;
	[tilespmem:s5+$0x70] =	vst v14;
	v53 =	vmul.f32 v36, v33;
	v13 =	vadd.f32 v47, v13  }
0x30f: {  	v56 =	vmul.f32 v48, v32;
	v58 =	vmul.f32 v40, v33;
	v3 =	vadd.f32 v55, v54;
	[tilespmem:s5+$0x0] =	vst v63  }
0x310: {  	v60 =	vmul.f32 v43, v33;
	v59 =	vmul.f32 v49, v32;
	v57 =	vadd.f32 v53, v52;
	[tilespmem:s5+$0x60] =	vst v13  }
0x311: {  	v62 =	vadd.f32 v58, v56;
	[tilespmem:s5+$0x1450] =	vst v3  }
0x312: {  	v3 =	vadd.f32 v60, v59;
	[tilespmem:s5+$0x1440] =	vst v57  }
0x313: {  	[tilespmem:s5+$0x1460] =	vst v62  }
0x314: {  	s0 =	rddreg [dreg:$0xa];
	[tilespmem:s5+$0x1470] =	vst v3  }
0x315: {  	[hbm4b:s0+s1] =	stream.linear.scatter [tilespmem:s1], [sflag:$0x3], $0xC000, $0x38;
	[tilespmem:$0x18200] =	vst v63  }
0x316: {  	_ =	swait.ge [sflag:s16], $0xC000  }
0x317: {  	s30 =	sadd.s32 $0x1, s30;
	s31 =	rddreg [dreg:$0xb]  }
0x318: {  	p0 =	sne.s32 s30, s31  }
.Ltmp2:
0x319: {  	_ = 	snop;
	(pc) =	sbr.rel @p0 .LBB2_1-.Ltmp2, $3  }
0x31a: {  	_ =	sdelay $0x1  }
0x31b: {  	[sflag:s16] =	ssyncset.done $0x0  }
0x31c: {  	[sflag:s16] =	ssyncadd.s32 $0xFFFF4000  }
0x31d: {  	_ =	sfence.sel $0x180000  }
0x31e: {  	[bflag:$0x0] =	sbarrier.arrive $0xFFFF  }
0x31f: {  	_ =	strace $0x9000004A  }
0x320: {  	s0 =	stileid.u32;
	[bflag:$0x2] =	sbarrier.arrive $0xFFFF  }
0x321: {  	p0 =	sne.s32 s0, $0x0;
	s0 =	rddreg [dreg:$0x2]  }
0x322: {  	s0 =	sadd.s32 @!p0 $0x100000, s0  }
0x323: {  	[sflag:s0] =	ssyncadd.tile.s32 @!p0 $0x1;
	_ =	shalt  }
.Lfunc_end2:
_tile_overlayer_lowered:
.L_overlay_start_2:
0x324: {  	(tag) =	ssettag $0x2  }
0x325: {  	s0 =	rddreg [dreg:$0x0];
	s2 =	stileid.u32  }
0x326: {  	s1 =	rddreg [dreg:$0x1];
	p0 =	sne.s32 s2, $0x0  }
0x327: {  	s3 =	rddreg [dreg:$0x2];
	[bflag:$0x3] =	sbarrier.arrive $0xFFFF;
	s2 =	simm.s32 @!p0 $0x1C03  }
0x328: {  	[timem:s3], [sflag:s2] =	dma.local @!p0 [hbm:s0], s1  }
0x329: {  	s0 =	simm.s32 @!p0 $0x3  }
0x32a: {  	_ =	swait.ge @!p0 [sflag:s0], s1  }
0x32b: {  	s1 =	ssub.s32 @!p0 $0x0, s1;
	[sflag:s0] =	ssyncset.done @!p0 $0x0  }
0x32c: {  	[sflag:s0] =	ssyncadd.s32 @!p0 s1  }
0x32d: {  	[bflag:$0x3] =	sbarrier.arrive $0xFFFF  }
0x32e: {  	_ =	shalt  }

</sc_bundles>
